<compile_context>
chip_gen: v7x
topology: tpu7x:2x2x1
jax: 0.10.2.dev20260603
libtpu: 0.0.44.dev20260713+nightly
codegen_flags: <defaults>
</compile_context>

<pallas_src>
import functools

import jax
import jax.numpy as jnp
from jax import lax
from jax.experimental import pallas as pl
from jax.experimental.pallas import tpu as pltpu
from jax.experimental.pallas import tpu_sc as plsc

_NC, _NS = 2, 16
_WROWS = 24
_TROWS = 24
_NB = 3
_L = 16


def _ring(nrows, pos_in, x_in, x_out, compute, n_batches):
    pos_in().start()
    for k in range(_NB):
        x_in(k, k).start()
    pos_in().wait()

    def body(b, carry):
        slot = lax.rem(b, _NB)
        x_in(b, slot).wait()

        @pl.when(b >= _NB)
        def _():
            x_out(b - _NB, slot).wait()

        compute(slot, nrows)

        x_out(b, slot).start()

        @pl.when(b + _NB < n_batches)
        def _():
            x_in(b + _NB, slot).start()

        return carry

    lax.fori_loop(0, n_batches, body, jnp.int32(0))

    for b in range(n_batches - _NB, n_batches):
        x_out(b, b % _NB).wait()


_F = 16


def _sc_body(x_hbm, pos_hbm, o_hbm, posb, xb, ob, idxb, psem, xsem, osem):
    B = _F
    S, D = x_hbm.shape[1], x_hbm.shape[2]
    n_full = S // _WROWS
    tail_start = S - _TROWS
    wid = lax.axis_index("s") * _NC + lax.axis_index("c")

    def compute(slot, nrows):
        @plsc.parallel_loop(0, nrows, 1, unroll=2)
        def _(r):
            for j in range(D // _L):
                ob[slot, r, pl.ds(j * _L, _L)] = (
                    xb[slot, r, pl.ds(j * _L, _L)] + posb[r, pl.ds(j * _L, _L)])

    @pl.when(wid < n_full)
    def _():
        start = pl.multiple_of(wid * _WROWS, 8)

        def pos_in():
            return pltpu.make_async_copy(
                pos_hbm.at[pl.ds(start, _WROWS)],
                posb.at[pl.ds(0, _WROWS)], psem)

        def x_in(b, slot):
            return pltpu.make_async_copy(
                x_hbm.at[b, pl.ds(start, _WROWS)],
                xb.at[slot, pl.ds(0, _WROWS)], xsem.at[slot])

        def x_out(b, slot):
            return pltpu.make_async_copy(
                ob.at[slot, pl.ds(0, _WROWS)],
                o_hbm.at[b, pl.ds(start, _WROWS)], osem.at[slot])

        _ring(_WROWS, pos_in, x_in, x_out, compute, B)

    @pl.when(wid == n_full)
    def _():
        iota = lax.iota(jnp.int32, _L)
        idxb[pl.ds(0, _L)] = tail_start + iota
        idxb[pl.ds(_TROWS - _L, _L)] = tail_start + (_TROWS - _L) + iota

        def pos_in():
            return pltpu.make_async_copy(pos_hbm.at[idxb], posb, psem)

        def x_in(b, slot):
            return pltpu.make_async_copy(
                x_hbm.at[b].at[idxb], xb.at[slot], xsem.at[slot])

        def x_out(b, slot):
            return pltpu.make_async_copy(
                ob.at[slot], o_hbm.at[b].at[idxb], osem.at[slot])

        _ring(_TROWS, pos_in, x_in, x_out, compute, B)


def _tc_body(x_ref, pos_ref, o_ref):
    s = o_ref.shape[1]
    o_ref[...] = x_ref[...] + pos_ref[:s][None, :, :]


def kernel(x, pos_table):
    B, S, D = x.shape
    run = functools.partial(
        pl.kernel,
        out_type=jax.ShapeDtypeStruct((_F, S, D), x.dtype),
        mesh=plsc.VectorSubcoreMesh(core_axis_name="c", subcore_axis_name="s"),
        scratch_types=[
            pltpu.VMEM((_TROWS, D), x.dtype),
            pltpu.VMEM((_NB, _TROWS, D), x.dtype),
            pltpu.VMEM((_NB, _TROWS, D), x.dtype),
            pltpu.VMEM((_TROWS,), jnp.int32),
            pltpu.SemaphoreType.DMA,
            pltpu.SemaphoreType.DMA((_NB,)),
            pltpu.SemaphoreType.DMA((_NB,)),
        ],
    )(_sc_body)
    sc_out = run(x, pos_table)

    bblk = 4
    tc_out = pl.pallas_call(
        _tc_body,
        grid=((B - _F) // bblk,),
        in_specs=[
            pl.BlockSpec((bblk, S, D), lambda i: (_F // bblk + i, 0, 0)),
            pl.BlockSpec(pos_table.shape, lambda i: (0, 0)),
        ],
        out_specs=pl.BlockSpec((bblk, S, D), lambda i: (_F // bblk + i, 0, 0)),
        out_shape=jax.ShapeDtypeStruct((B, S, D), x.dtype),
        compiler_params=pltpu.CompilerParams(
            dimension_semantics=("arbitrary",),
        ),
    )(x, pos_table)
    return lax.dynamic_update_slice(tc_out, sc_out, (0, 0, 0))

# --- scband reference (transcript-rebuilt; emitter-appended) ---
"""Pipeline reference for scband-positional-embedding-51951924412473 (READ-ONLY COPY).

The authoritative reference and input builder live on the scoring server;
editing this copy changes nothing except your own understanding.
"""

import jax, jax.numpy as jnp
import numpy as np

IMG_SIZE = 384
PATCH_SIZE = 16
LATENT_DIM = 768
CONTEXT_LEN = 576
NUM_PATCHES = (IMG_SIZE // PATCH_SIZE) ** 2  # 576
SEQ = NUM_PATCHES - 1  # 575, matches torch.arange(0, num_patches - 1)
BATCH = 64


def setup_inputs(seed: int = 0) -> dict:
    key = jax.random.key(seed)
    k_x, k_tab = jax.random.split(key)
    x = jax.random.normal(k_x, (BATCH, SEQ, LATENT_DIM), dtype=jnp.float32)
    # learned positional embedding table, sized per nn.Embedding(context_len, latent_dim)
    pos_table = jax.random.normal(k_tab, (CONTEXT_LEN, LATENT_DIM), dtype=jnp.float32)
    return {"x": x, "pos_table": pos_table}


def reference(x, pos_table):
    # pos = self.positions(torch.arange(0, self.num_patches - 1))[None, :, :]
    idx = jnp.arange(0, NUM_PATCHES - 1, dtype=jnp.int32)
    pos = jnp.take(pos_table, idx, axis=0)[None, :, :]
    return x + pos

if __name__ == "__main__":
    import jax
    _d = setup_inputs()
    print(jax.jit(kernel)(*tuple(_d.values())))

</pallas_src>

<mosaic_0001>
#map = affine_map<(d0, d1) -> (0, 0, 0)>
#map1 = affine_map<(d0, d1) -> (0, 0)>
module attributes {stable_mosaic.version = 14 : i64} {
  func.func @_sc_body(%arg0: i32, %arg1: i32, %arg2: memref<64x575x768xf32, #tpu.memory_space<hbm>>, %arg3: memref<576x768xf32, #tpu.memory_space<hbm>>, %arg4: memref<16x575x768xf32, #tpu.memory_space<hbm>>, %arg5: memref<24x768xf32, #tpu.memory_space<vmem>>, %arg6: memref<3x24x768xf32, #tpu.memory_space<vmem>>, %arg7: memref<3x24x768xf32, #tpu.memory_space<vmem>>, %arg8: memref<24xi32, #tpu.memory_space<vmem>>, %arg9: memref<!tpu.dma_semaphore, #tpu.memory_space<semaphore_mem>>, %arg10: memref<3x!tpu.dma_semaphore, #tpu.memory_space<semaphore_mem>>, %arg11: memref<3x!tpu.dma_semaphore, #tpu.memory_space<semaphore_mem>>) attributes {dimension_semantics = [#tpu.dimension_semantics<core_parallel>, #tpu.dimension_semantics<subcore_parallel>], iteration_bounds = array<i64: 2, 16>, scalar_prefetch = 0 : i64, scratch_operands = 7 : i64, tpu.core_type = #tpu.core_type<sc_vector_subcore>, window_params = [{transform_indices = #map}, {transform_indices = #map1}, {transform_indices = #map}]} {
    %mul3A = arith.constant 2 : i32
    %mul3A_0 = arith.muli %arg1, %mul3A : i32
    %add3A = arith.addi %mul3A_0, %arg0 : i32
    %lt3A = arith.constant 23 : i32
    %lt3A_1 = arith.cmpi slt, %add3A, %lt3A : i32
    %convert_element_type3A = arith.extui %lt3A_1 : i1 to i32
    %cond3A = arith.constant 0 : i32
    %cond3A_2 = arith.cmpi ne, %convert_element_type3A, %cond3A : i32
    scf.if %cond3A_2 {
      %mul3A_7 = arith.constant 24 : i32
      %mul3A_8 = arith.muli %add3A, %mul3A_7 : i32
      %multiple_of3A = tpu.assume_multiple %mul3A_8, 8 : i32
      %dma_start3A = arith.constant 0 : i32
      %dma_start3A_9 = arith.constant 0 : i32
      %dma_start3A_10 = tpu.memref_slice %arg5[%dma_start3A, %dma_start3A_9] : memref<24x768xf32, #tpu.memory_space<vmem>> -> memref<24x768xf32, #tpu.memory_space<vmem>>
      %dma_start3A_11 = arith.constant 0 : i32
      %dma_start3A_12 = tpu.memref_slice %arg3[%multiple_of3A, %dma_start3A_11] : memref<576x768xf32, #tpu.memory_space<hbm>> -> memref<24x768xf32, #tpu.memory_space<hbm>>
      %dma_start3A_13 = arith.constant 0 : i32
      %dma_start3A_14 = arith.constant 0 : i32
      %dma_start3A_15 = tpu.memref_slice %arg5[%dma_start3A_13, %dma_start3A_14] : memref<24x768xf32, #tpu.memory_space<vmem>> -> memref<24x768xf32, #tpu.memory_space<vmem>>
      %dma_start3A_16 = arith.constant 0 : i32
      %dma_start3A_17 = tpu.memref_slice %arg3[%multiple_of3A, %dma_start3A_16] : memref<576x768xf32, #tpu.memory_space<hbm>> -> memref<24x768xf32, #tpu.memory_space<hbm>>
      tpu.enqueue_dma source(%dma_start3A_17 : memref<24x768xf32, #tpu.memory_space<hbm>>) target(%dma_start3A_15 : memref<24x768xf32, #tpu.memory_space<vmem>>) target_semaphore(%arg9 : memref<!tpu.dma_semaphore, #tpu.memory_space<semaphore_mem>>)
      %dma_start3A_18 = arith.constant 0 : i32
      %dma_start3A_19 = arith.constant 0 : i32
      %dma_start3A_20 = arith.constant 0 : i32
      %dma_start3A_21 = arith.constant 0 : i32
      %dma_start3A_22 = arith.constant 0 : i32
      %dma_start3A_23 = tpu.memref_slice %arg6[%dma_start3A_19, %dma_start3A_21, %dma_start3A_22] : memref<3x24x768xf32, #tpu.memory_space<vmem>> -> memref<1x24x768xf32, #tpu.memory_space<vmem>>
      %dma_start3A_24 = tpu.memref_squeeze %dma_start3A_23 : memref<1x24x768xf32, #tpu.memory_space<vmem>> -> memref<24x768xf32, #tpu.memory_space<vmem>>
      %dma_start3A_25 = arith.constant 0 : i32
      %dma_start3A_26 = tpu.memref_slice %arg2[%dma_start3A_18, %multiple_of3A, %dma_start3A_25] : memref<64x575x768xf32, #tpu.memory_space<hbm>> -> memref<1x24x768xf32, #tpu.memory_space<hbm>>
      %dma_start3A_27 = tpu.memref_squeeze %dma_start3A_26 : memref<1x24x768xf32, #tpu.memory_space<hbm>> -> memref<24x768xf32, #tpu.memory_space<hbm>>
      %dma_start3A_28 = tpu.memref_slice %arg10[%dma_start3A_20] : memref<3x!tpu.dma_semaphore, #tpu.memory_space<semaphore_mem>> -> memref<1x!tpu.dma_semaphore, #tpu.memory_space<semaphore_mem>>
      %dma_start3A_29 = tpu.memref_squeeze %dma_start3A_28 : memref<1x!tpu.dma_semaphore, #tpu.memory_space<semaphore_mem>> -> memref<!tpu.dma_semaphore, #tpu.memory_space<semaphore_mem>>
      %dma_start3A_30 = arith.constant 0 : i32
      %dma_start3A_31 = arith.constant 0 : i32
      %dma_start3A_32 = tpu.memref_slice %arg6[%dma_start3A_19, %dma_start3A_30, %dma_start3A_31] : memref<3x24x768xf32, #tpu.memory_space<vmem>> -> memref<1x24x768xf32, #tpu.memory_space<vmem>>
      %dma_start3A_33 = tpu.memref_squeeze %dma_start3A_32 : memref<1x24x768xf32, #tpu.memory_space<vmem>> -> memref<24x768xf32, #tpu.memory_space<vmem>>
      %dma_start3A_34 = arith.constant 0 : i32
      %dma_start3A_35 = tpu.memref_slice %arg2[%dma_start3A_18, %multiple_of3A, %dma_start3A_34] : memref<64x575x768xf32, #tpu.memory_space<hbm>> -> memref<1x24x768xf32, #tpu.memory_space<hbm>>
      %dma_start3A_36 = tpu.memref_squeeze %dma_start3A_35 : memref<1x24x768xf32, #tpu.memory_space<hbm>> -> memref<24x768xf32, #tpu.memory_space<hbm>>
      tpu.enqueue_dma source(%dma_start3A_36 : memref<24x768xf32, #tpu.memory_space<hbm>>) target(%dma_start3A_33 : memref<24x768xf32, #tpu.memory_space<vmem>>) target_semaphore(%dma_start3A_29 : memref<!tpu.dma_semaphore, #tpu.memory_space<semaphore_mem>>)
      %dma_start3A_37 = arith.constant 1 : i32
      %dma_start3A_38 = arith.constant 1 : i32
      %dma_start3A_39 = arith.constant 1 : i32
      %dma_start3A_40 = arith.constant 0 : i32
      %dma_start3A_41 = arith.constant 0 : i32
      %dma_start3A_42 = tpu.memref_slice %arg6[%dma_start3A_38, %dma_start3A_40, %dma_start3A_41] : memref<3x24x768xf32, #tpu.memory_space<vmem>> -> memref<1x24x768xf32, #tpu.memory_space<vmem>>
      %dma_start3A_43 = tpu.memref_squeeze %dma_start3A_42 : memref<1x24x768xf32, #tpu.memory_space<vmem>> -> memref<24x768xf32, #tpu.memory_space<vmem>>
      %dma_start3A_44 = arith.constant 0 : i32
      %dma_start3A_45 = tpu.memref_slice %arg2[%dma_start3A_37, %multiple_of3A, %dma_start3A_44] : memref<64x575x768xf32, #tpu.memory_space<hbm>> -> memref<1x24x768xf32, #tpu.memory_space<hbm>>
      %dma_start3A_46 = tpu.memref_squeeze %dma_start3A_45 : memref<1x24x768xf32, #tpu.memory_space<hbm>> -> memref<24x768xf32, #tpu.memory_space<hbm>>
      %dma_start3A_47 = tpu.memref_slice %arg10[%dma_start3A_39] : memref<3x!tpu.dma_semaphore, #tpu.memory_space<semaphore_mem>> -> memref<1x!tpu.dma_semaphore, #tpu.memory_space<semaphore_mem>>
      %dma_start3A_48 = tpu.memref_squeeze %dma_start3A_47 : memref<1x!tpu.dma_semaphore, #tpu.memory_space<semaphore_mem>> -> memref<!tpu.dma_semaphore, #tpu.memory_space<semaphore_mem>>
      %dma_start3A_49 = arith.constant 0 : i32
      %dma_start3A_50 = arith.constant 0 : i32
      %dma_start3A_51 = tpu.memref_slice %arg6[%dma_start3A_38, %dma_start3A_49, %dma_start3A_50] : memref<3x24x768xf32, #tpu.memory_space<vmem>> -> memref<1x24x768xf32, #tpu.memory_space<vmem>>
      %dma_start3A_52 = tpu.memref_squeeze %dma_start3A_51 : memref<1x24x768xf32, #tpu.memory_space<vmem>> -> memref<24x768xf32, #tpu.memory_space<vmem>>
      %dma_start3A_53 = arith.constant 0 : i32
      %dma_start3A_54 = tpu.memref_slice %arg2[%dma_start3A_37, %multiple_of3A, %dma_start3A_53] : memref<64x575x768xf32, #tpu.memory_space<hbm>> -> memref<1x24x768xf32, #tpu.memory_space<hbm>>
      %dma_start3A_55 = tpu.memref_squeeze %dma_start3A_54 : memref<1x24x768xf32, #tpu.memory_space<hbm>> -> memref<24x768xf32, #tpu.memory_space<hbm>>
      tpu.enqueue_dma source(%dma_start3A_55 : memref<24x768xf32, #tpu.memory_space<hbm>>) target(%dma_start3A_52 : memref<24x768xf32, #tpu.memory_space<vmem>>) target_semaphore(%dma_start3A_48 : memref<!tpu.dma_semaphore, #tpu.memory_space<semaphore_mem>>)
      %dma_start3A_56 = arith.constant 2 : i32
      %dma_start3A_57 = arith.constant 2 : i32
      %dma_start3A_58 = arith.constant 2 : i32
      %dma_start3A_59 = arith.constant 0 : i32
      %dma_start3A_60 = arith.constant 0 : i32
      %dma_start3A_61 = tpu.memref_slice %arg6[%dma_start3A_57, %dma_start3A_59, %dma_start3A_60] : memref<3x24x768xf32, #tpu.memory_space<vmem>> -> memref<1x24x768xf32, #tpu.memory_space<vmem>>
      %dma_start3A_62 = tpu.memref_squeeze %dma_start3A_61 : memref<1x24x768xf32, #tpu.memory_space<vmem>> -> memref<24x768xf32, #tpu.memory_space<vmem>>
      %dma_start3A_63 = arith.constant 0 : i32
      %dma_start3A_64 = tpu.memref_slice %arg2[%dma_start3A_56, %multiple_of3A, %dma_start3A_63] : memref<64x575x768xf32, #tpu.memory_space<hbm>> -> memref<1x24x768xf32, #tpu.memory_space<hbm>>
      %dma_start3A_65 = tpu.memref_squeeze %dma_start3A_64 : memref<1x24x768xf32, #tpu.memory_space<hbm>> -> memref<24x768xf32, #tpu.memory_space<hbm>>
      %dma_start3A_66 = tpu.memref_slice %arg10[%dma_start3A_58] : memref<3x!tpu.dma_semaphore, #tpu.memory_space<semaphore_mem>> -> memref<1x!tpu.dma_semaphore, #tpu.memory_space<semaphore_mem>>
      %dma_start3A_67 = tpu.memref_squeeze %dma_start3A_66 : memref<1x!tpu.dma_semaphore, #tpu.memory_space<semaphore_mem>> -> memref<!tpu.dma_semaphore, #tpu.memory_space<semaphore_mem>>
      %dma_start3A_68 = arith.constant 0 : i32
      %dma_start3A_69 = arith.constant 0 : i32
      %dma_start3A_70 = tpu.memref_slice %arg6[%dma_start3A_57, %dma_start3A_68, %dma_start3A_69] : memref<3x24x768xf32, #tpu.memory_space<vmem>> -> memref<1x24x768xf32, #tpu.memory_space<vmem>>
      %dma_start3A_71 = tpu.memref_squeeze %dma_start3A_70 : memref<1x24x768xf32, #tpu.memory_space<vmem>> -> memref<24x768xf32, #tpu.memory_space<vmem>>
      %dma_start3A_72 = arith.constant 0 : i32
      %dma_start3A_73 = tpu.memref_slice %arg2[%dma_start3A_56, %multiple_of3A, %dma_start3A_72] : memref<64x575x768xf32, #tpu.memory_space<hbm>> -> memref<1x24x768xf32, #tpu.memory_space<hbm>>
      %dma_start3A_74 = tpu.memref_squeeze %dma_start3A_73 : memref<1x24x768xf32, #tpu.memory_space<hbm>> -> memref<24x768xf32, #tpu.memory_space<hbm>>
      tpu.enqueue_dma source(%dma_start3A_74 : memref<24x768xf32, #tpu.memory_space<hbm>>) target(%dma_start3A_71 : memref<24x768xf32, #tpu.memory_space<vmem>>) target_semaphore(%dma_start3A_67 : memref<!tpu.dma_semaphore, #tpu.memory_space<semaphore_mem>>)
      %dma_wait3A = arith.constant 0 : i32
      %dma_wait3A_75 = arith.constant 0 : i32
      %dma_wait3A_76 = tpu.memref_slice %arg5[%dma_wait3A, %dma_wait3A_75] : memref<24x768xf32, #tpu.memory_space<vmem>> -> memref<24x768xf32, #tpu.memory_space<vmem>>
      %dma_wait3A_77 = arith.constant 0 : i32
      %dma_wait3A_78 = tpu.memref_slice %arg3[%multiple_of3A, %dma_wait3A_77] : memref<576x768xf32, #tpu.memory_space<hbm>> -> memref<24x768xf32, #tpu.memory_space<hbm>>
      %dma_wait3A_79 = arith.constant 0 : i32
      %dma_wait3A_80 = arith.constant 0 : i32
      %dma_wait3A_81 = tpu.memref_slice %arg5[%dma_wait3A_79, %dma_wait3A_80] : memref<24x768xf32, #tpu.memory_space<vmem>> -> memref<24x768xf32, #tpu.memory_space<vmem>>
      %dma_wait3A_82 = arith.constant 0 : i32
      %dma_wait3A_83 = tpu.memref_slice %arg3[%multiple_of3A, %dma_wait3A_82] : memref<576x768xf32, #tpu.memory_space<hbm>> -> memref<24x768xf32, #tpu.memory_space<hbm>>
      tpu.wait_dma2 semaphore(%arg9 : memref<!tpu.dma_semaphore, #tpu.memory_space<semaphore_mem>>) src(%dma_wait3A_83 : memref<24x768xf32, #tpu.memory_space<hbm>>) dst(%dma_wait3A_81 : memref<24x768xf32, #tpu.memory_space<vmem>>)
      %scan3A = arith.constant 0 : i32
      %scan3A_84 = arith.constant 0 : i32
      %scan3A_85 = arith.constant 16 : i32
      %scan3A_86 = arith.addi %scan3A_84, %scan3A_85 : i32
      %scan3A_87 = arith.constant 1 : i32
      scf.for %scan3A_146 = %scan3A_84 to %scan3A_86 step %scan3A_87  : i32 {
        %rem3A = arith.constant 3 : i32
        %rem3A_147 = arith.remsi %scan3A_146, %rem3A : i32
        %dma_wait3A_148 = arith.constant 0 : i32
        %dma_wait3A_149 = arith.constant 0 : i32
        %dma_wait3A_150 = tpu.memref_slice %arg6[%rem3A_147, %dma_wait3A_148, %dma_wait3A_149] : memref<3x24x768xf32, #tpu.memory_space<vmem>> -> memref<1x24x768xf32, #tpu.memory_space<vmem>>
        %dma_wait3A_151 = tpu.memref_squeeze %dma_wait3A_150 : memref<1x24x768xf32, #tpu.memory_space<vmem>> -> memref<24x768xf32, #tpu.memory_space<vmem>>
        %dma_wait3A_152 = arith.constant 0 : i32
        %dma_wait3A_153 = tpu.memref_slice %arg2[%scan3A_146, %multiple_of3A, %dma_wait3A_152] : memref<64x575x768xf32, #tpu.memory_space<hbm>> -> memref<1x24x768xf32, #tpu.memory_space<hbm>>
        %dma_wait3A_154 = tpu.memref_squeeze %dma_wait3A_153 : memref<1x24x768xf32, #tpu.memory_space<hbm>> -> memref<24x768xf32, #tpu.memory_space<hbm>>
        %dma_wait3A_155 = tpu.memref_slice %arg10[%rem3A_147] : memref<3x!tpu.dma_semaphore, #tpu.memory_space<semaphore_mem>> -> memref<1x!tpu.dma_semaphore, #tpu.memory_space<semaphore_mem>>
        %dma_wait3A_156 = tpu.memref_squeeze %dma_wait3A_155 : memref<1x!tpu.dma_semaphore, #tpu.memory_space<semaphore_mem>> -> memref<!tpu.dma_semaphore, #tpu.memory_space<semaphore_mem>>
        %dma_wait3A_157 = arith.constant 0 : i32
        %dma_wait3A_158 = arith.constant 0 : i32
        %dma_wait3A_159 = tpu.memref_slice %arg6[%rem3A_147, %dma_wait3A_157, %dma_wait3A_158] : memref<3x24x768xf32, #tpu.memory_space<vmem>> -> memref<1x24x768xf32, #tpu.memory_space<vmem>>
        %dma_wait3A_160 = tpu.memref_squeeze %dma_wait3A_159 : memref<1x24x768xf32, #tpu.memory_space<vmem>> -> memref<24x768xf32, #tpu.memory_space<vmem>>
        %dma_wait3A_161 = arith.constant 0 : i32
        %dma_wait3A_162 = tpu.memref_slice %arg2[%scan3A_146, %multiple_of3A, %dma_wait3A_161] : memref<64x575x768xf32, #tpu.memory_space<hbm>> -> memref<1x24x768xf32, #tpu.memory_space<hbm>>
        %dma_wait3A_163 = tpu.memref_squeeze %dma_wait3A_162 : memref<1x24x768xf32, #tpu.memory_space<hbm>> -> memref<24x768xf32, #tpu.memory_space<hbm>>
        tpu.wait_dma2 semaphore(%dma_wait3A_156 : memref<!tpu.dma_semaphore, #tpu.memory_space<semaphore_mem>>) src(%dma_wait3A_163 : memref<24x768xf32, #tpu.memory_space<hbm>>) dst(%dma_wait3A_160 : memref<24x768xf32, #tpu.memory_space<vmem>>)
        %ge3A = arith.constant 3 : i32
        %ge3A_164 = arith.cmpi sge, %scan3A_146, %ge3A : i32
        %convert_element_type3A_165 = arith.extui %ge3A_164 : i1 to i32
        %cond3A_166 = arith.constant 0 : i32
        %cond3A_167 = arith.cmpi ne, %convert_element_type3A_165, %cond3A_166 : i32
        scf.if %cond3A_167 {
          %sub3A = arith.constant 3 : i32
          %sub3A_193 = arith.subi %scan3A_146, %sub3A : i32
          %dma_wait3A_194 = arith.constant 0 : i32
          %dma_wait3A_195 = arith.constant 0 : i32
          %dma_wait3A_196 = tpu.memref_slice %arg7[%rem3A_147, %dma_wait3A_194, %dma_wait3A_195] : memref<3x24x768xf32, #tpu.memory_space<vmem>> -> memref<1x24x768xf32, #tpu.memory_space<vmem>>
          %dma_wait3A_197 = tpu.memref_squeeze %dma_wait3A_196 : memref<1x24x768xf32, #tpu.memory_space<vmem>> -> memref<24x768xf32, #tpu.memory_space<vmem>>
          %dma_wait3A_198 = arith.constant 0 : i32
          %dma_wait3A_199 = tpu.memref_slice %arg4[%sub3A_193, %multiple_of3A, %dma_wait3A_198] : memref<16x575x768xf32, #tpu.memory_space<hbm>> -> memref<1x24x768xf32, #tpu.memory_space<hbm>>
          %dma_wait3A_200 = tpu.memref_squeeze %dma_wait3A_199 : memref<1x24x768xf32, #tpu.memory_space<hbm>> -> memref<24x768xf32, #tpu.memory_space<hbm>>
          %dma_wait3A_201 = tpu.memref_slice %arg11[%rem3A_147] : memref<3x!tpu.dma_semaphore, #tpu.memory_space<semaphore_mem>> -> memref<1x!tpu.dma_semaphore, #tpu.memory_space<semaphore_mem>>
          %dma_wait3A_202 = tpu.memref_squeeze %dma_wait3A_201 : memref<1x!tpu.dma_semaphore, #tpu.memory_space<semaphore_mem>> -> memref<!tpu.dma_semaphore, #tpu.memory_space<semaphore_mem>>
          %dma_wait3A_203 = arith.constant 0 : i32
          %dma_wait3A_204 = tpu.memref_slice %arg4[%sub3A_193, %multiple_of3A, %dma_wait3A_203] : memref<16x575x768xf32, #tpu.memory_space<hbm>> -> memref<1x24x768xf32, #tpu.memory_space<hbm>>
          %dma_wait3A_205 = tpu.memref_squeeze %dma_wait3A_204 : memref<1x24x768xf32, #tpu.memory_space<hbm>> -> memref<24x768xf32, #tpu.memory_space<hbm>>
          %dma_wait3A_206 = arith.constant 0 : i32
          %dma_wait3A_207 = arith.constant 0 : i32
          %dma_wait3A_208 = tpu.memref_slice %arg7[%rem3A_147, %dma_wait3A_206, %dma_wait3A_207] : memref<3x24x768xf32, #tpu.memory_space<vmem>> -> memref<1x24x768xf32, #tpu.memory_space<vmem>>
          %dma_wait3A_209 = tpu.memref_squeeze %dma_wait3A_208 : memref<1x24x768xf32, #tpu.memory_space<vmem>> -> memref<24x768xf32, #tpu.memory_space<vmem>>
          tpu.wait_dma2 semaphore(%dma_wait3A_202 : memref<!tpu.dma_semaphore, #tpu.memory_space<semaphore_mem>>) src(%dma_wait3A_209 : memref<24x768xf32, #tpu.memory_space<vmem>>) dst(%dma_wait3A_205 : memref<24x768xf32, #tpu.memory_space<hbm>>)
        } else {
        }
        %parallel_loop3A = arith.constant 0 : i32
        %parallel_loop3A_168 = arith.constant 24 : i32
        %parallel_loop3A_169 = arith.constant 1 : i32
        scf.for %parallel_loop3A_193 = %parallel_loop3A to %parallel_loop3A_168 step %parallel_loop3A_169  : i32 {
          %parallel_loop3A_194 = arith.index_cast %rem3A_147 : i32 to index
          %parallel_loop3A_195 = arith.index_cast %parallel_loop3A_193 : i32 to index
          %parallel_loop3A_196 = arith.constant 0 : index
          %parallel_loop3A_197 = tpu.vector_load %arg6[%parallel_loop3A_194, %parallel_loop3A_195, %parallel_loop3A_196] {strides = array<i32>} : memref<3x24x768xf32, #tpu.memory_space<vmem>>, vector<1x1x16xf32>,
          %parallel_loop3A_198 = vector.shape_cast %parallel_loop3A_197 : vector<1x1x16xf32> to vector<16xf32>
          %parallel_loop3A_199 = arith.index_cast %parallel_loop3A_193 : i32 to index
          %parallel_loop3A_200 = arith.constant 0 : index
          %parallel_loop3A_201 = tpu.vector_load %arg5[%parallel_loop3A_199, %parallel_loop3A_200] {strides = array<i32>} : memref<24x768xf32, #tpu.memory_space<vmem>>, vector<1x16xf32>,
          %parallel_loop3A_202 = vector.shape_cast %parallel_loop3A_201 : vector<1x16xf32> to vector<16xf32>
          %parallel_loop3A_203 = arith.addf %parallel_loop3A_198, %parallel_loop3A_202 : vector<16xf32>
          %parallel_loop3A_204 = arith.index_cast %rem3A_147 : i32 to index
          %parallel_loop3A_205 = arith.index_cast %parallel_loop3A_193 : i32 to index
          %parallel_loop3A_206 = arith.constant 0 : index
          %parallel_loop3A_207 = tpu.vector_load %arg7[%parallel_loop3A_204, %parallel_loop3A_205, %parallel_loop3A_206] {strides = array<i32>} : memref<3x24x768xf32, #tpu.memory_space<vmem>>, vector<1x1x16xf32>,
          %parallel_loop3A_208 = vector.shape_cast %parallel_loop3A_207 : vector<1x1x16xf32> to vector<16xf32>
          %parallel_loop3A_209 = vector.shape_cast %parallel_loop3A_203 : vector<16xf32> to vector<1x1x16xf32>
          tpu.vector_store %arg7[%parallel_loop3A_204, %parallel_loop3A_205, %parallel_loop3A_206], %parallel_loop3A_209 {strides = array<i32>} : memref<3x24x768xf32, #tpu.memory_space<vmem>>, vector<1x1x16xf32>,
          %parallel_loop3A_210 = arith.index_cast %rem3A_147 : i32 to index
          %parallel_loop3A_211 = arith.index_cast %parallel_loop3A_193 : i32 to index
          %parallel_loop3A_212 = arith.constant 16 : index
          %parallel_loop3A_213 = tpu.vector_load %arg6[%parallel_loop3A_210, %parallel_loop3A_211, %parallel_loop3A_212] {strides = array<i32>} : memref<3x24x768xf32, #tpu.memory_space<vmem>>, vector<1x1x16xf32>,
          %parallel_loop3A_214 = vector.shape_cast %parallel_loop3A_213 : vector<1x1x16xf32> to vector<16xf32>
          %parallel_loop3A_215 = arith.index_cast %parallel_loop3A_193 : i32 to index
          %parallel_loop3A_216 = arith.constant 16 : index
          %parallel_loop3A_217 = tpu.vector_load %arg5[%parallel_loop3A_215, %parallel_loop3A_216] {strides = array<i32>} : memref<24x768xf32, #tpu.memory_space<vmem>>, vector<1x16xf32>,
          %parallel_loop3A_218 = vector.shape_cast %parallel_loop3A_217 : vector<1x16xf32> to vector<16xf32>
          %parallel_loop3A_219 = arith.addf %parallel_loop3A_214, %parallel_loop3A_218 : vector<16xf32>
          %parallel_loop3A_220 = arith.index_cast %rem3A_147 : i32 to index
          %parallel_loop3A_221 = arith.index_cast %parallel_loop3A_193 : i32 to index
          %parallel_loop3A_222 = arith.constant 16 : index
          %parallel_loop3A_223 = tpu.vector_load %arg7[%parallel_loop3A_220, %parallel_loop3A_221, %parallel_loop3A_222] {strides = array<i32>} : memref<3x24x768xf32, #tpu.memory_space<vmem>>, vector<1x1x16xf32>,
          %parallel_loop3A_224 = vector.shape_cast %parallel_loop3A_223 : vector<1x1x16xf32> to vector<16xf32>
          %parallel_loop3A_225 = vector.shape_cast %parallel_loop3A_219 : vector<16xf32> to vector<1x1x16xf32>
          tpu.vector_store %arg7[%parallel_loop3A_220, %parallel_loop3A_221, %parallel_loop3A_222], %parallel_loop3A_225 {strides = array<i32>} : memref<3x24x768xf32, #tpu.memory_space<vmem>>, vector<1x1x16xf32>,
          %parallel_loop3A_226 = arith.index_cast %rem3A_147 : i32 to index
          %parallel_loop3A_227 = arith.index_cast %parallel_loop3A_193 : i32 to index
          %parallel_loop3A_228 = arith.constant 32 : index
          %parallel_loop3A_229 = tpu.vector_load %arg6[%parallel_loop3A_226, %parallel_loop3A_227, %parallel_loop3A_228] {strides = array<i32>} : memref<3x24x768xf32, #tpu.memory_space<vmem>>, vector<1x1x16xf32>,
          %parallel_loop3A_230 = vector.shape_cast %parallel_loop3A_229 : vector<1x1x16xf32> to vector<16xf32>
          %parallel_loop3A_231 = arith.index_cast %parallel_loop3A_193 : i32 to index
          %parallel_loop3A_232 = arith.constant 32 : index
          %parallel_loop3A_233 = tpu.vector_load %arg5[%parallel_loop3A_231, %parallel_loop3A_232] {strides = array<i32>} : memref<24x768xf32, #tpu.memory_space<vmem>>, vector<1x16xf32>,
          %parallel_loop3A_234 = vector.shape_cast %parallel_loop3A_233 : vector<1x16xf32> to vector<16xf32>
          %parallel_loop3A_235 = arith.addf %parallel_loop3A_230, %parallel_loop3A_234 : vector<16xf32>
          %parallel_loop3A_236 = arith.index_cast %rem3A_147 : i32 to index
          %parallel_loop3A_237 = arith.index_cast %parallel_loop3A_193 : i32 to index
          %parallel_loop3A_238 = arith.constant 32 : index
          %parallel_loop3A_239 = tpu.vector_load %arg7[%parallel_loop3A_236, %parallel_loop3A_237, %parallel_loop3A_238] {strides = array<i32>} : memref<3x24x768xf32, #tpu.memory_space<vmem>>, vector<1x1x16xf32>,
          %parallel_loop3A_240 = vector.shape_cast %parallel_loop3A_239 : vector<1x1x16xf32> to vector<16xf32>
          %parallel_loop3A_241 = vector.shape_cast %parallel_loop3A_235 : vector<16xf32> to vector<1x1x16xf32>
          tpu.vector_store %arg7[%parallel_loop3A_236, %parallel_loop3A_237, %parallel_loop3A_238], %parallel_loop3A_241 {strides = array<i32>} : memref<3x24x768xf32, #tpu.memory_space<vmem>>, vector<1x1x16xf32>,
          %parallel_loop3A_242 = arith.index_cast %rem3A_147 : i32 to index
          %parallel_loop3A_243 = arith.index_cast %parallel_loop3A_193 : i32 to index
          %parallel_loop3A_244 = arith.constant 48 : index
          %parallel_loop3A_245 = tpu.vector_load %arg6[%parallel_loop3A_242, %parallel_loop3A_243, %parallel_loop3A_244] {strides = array<i32>} : memref<3x24x768xf32, #tpu.memory_space<vmem>>, vector<1x1x16xf32>,
          %parallel_loop3A_246 = vector.shape_cast %parallel_loop3A_245 : vector<1x1x16xf32> to vector<16xf32>
          %parallel_loop3A_247 = arith.index_cast %parallel_loop3A_193 : i32 to index
          %parallel_loop3A_248 = arith.constant 48 : index
          %parallel_loop3A_249 = tpu.vector_load %arg5[%parallel_loop3A_247, %parallel_loop3A_248] {strides = array<i32>} : memref<24x768xf32, #tpu.memory_space<vmem>>, vector<1x16xf32>,
          %parallel_loop3A_250 = vector.shape_cast %parallel_loop3A_249 : vector<1x16xf32> to vector<16xf32>
          %parallel_loop3A_251 = arith.addf %parallel_loop3A_246, %parallel_loop3A_250 : vector<16xf32>
          %parallel_loop3A_252 = arith.index_cast %rem3A_147 : i32 to index
          %parallel_loop3A_253 = arith.index_cast %parallel_loop3A_193 : i32 to index
          %parallel_loop3A_254 = arith.constant 48 : index
          %parallel_loop3A_255 = tpu.vector_load %arg7[%parallel_loop3A_252, %parallel_loop3A_253, %parallel_loop3A_254] {strides = array<i32>} : memref<3x24x768xf32, #tpu.memory_space<vmem>>, vector<1x1x16xf32>,
          %parallel_loop3A_256 = vector.shape_cast %parallel_loop3A_255 : vector<1x1x16xf32> to vector<16xf32>
          %parallel_loop3A_257 = vector.shape_cast %parallel_loop3A_251 : vector<16xf32> to vector<1x1x16xf32>
          tpu.vector_store %arg7[%parallel_loop3A_252, %parallel_loop3A_253, %parallel_loop3A_254], %parallel_loop3A_257 {strides = array<i32>} : memref<3x24x768xf32, #tpu.memory_space<vmem>>, vector<1x1x16xf32>,
          %parallel_loop3A_258 = arith.index_cast %rem3A_147 : i32 to index
          %parallel_loop3A_259 = arith.index_cast %parallel_loop3A_193 : i32 to index
          %parallel_loop3A_260 = arith.constant 64 : index
          %parallel_loop3A_261 = tpu.vector_load %arg6[%parallel_loop3A_258, %parallel_loop3A_259, %parallel_loop3A_260] {strides = array<i32>} : memref<3x24x768xf32, #tpu.memory_space<vmem>>, vector<1x1x16xf32>,
          %parallel_loop3A_262 = vector.shape_cast %parallel_loop3A_261 : vector<1x1x16xf32> to vector<16xf32>
          %parallel_loop3A_263 = arith.index_cast %parallel_loop3A_193 : i32 to index
          %parallel_loop3A_264 = arith.constant 64 : index
          %parallel_loop3A_265 = tpu.vector_load %arg5[%parallel_loop3A_263, %parallel_loop3A_264] {strides = array<i32>} : memref<24x768xf32, #tpu.memory_space<vmem>>, vector<1x16xf32>,
          %parallel_loop3A_266 = vector.shape_cast %parallel_loop3A_265 : vector<1x16xf32> to vector<16xf32>
          %parallel_loop3A_267 = arith.addf %parallel_loop3A_262, %parallel_loop3A_266 : vector<16xf32>
          %parallel_loop3A_268 = arith.index_cast %rem3A_147 : i32 to index
          %parallel_loop3A_269 = arith.index_cast %parallel_loop3A_193 : i32 to index
          %parallel_loop3A_270 = arith.constant 64 : index
          %parallel_loop3A_271 = tpu.vector_load %arg7[%parallel_loop3A_268, %parallel_loop3A_269, %parallel_loop3A_270] {strides = array<i32>} : memref<3x24x768xf32, #tpu.memory_space<vmem>>, vector<1x1x16xf32>,
          %parallel_loop3A_272 = vector.shape_cast %parallel_loop3A_271 : vector<1x1x16xf32> to vector<16xf32>
          %parallel_loop3A_273 = vector.shape_cast %parallel_loop3A_267 : vector<16xf32> to vector<1x1x16xf32>
          tpu.vector_store %arg7[%parallel_loop3A_268, %parallel_loop3A_269, %parallel_loop3A_270], %parallel_loop3A_273 {strides = array<i32>} : memref<3x24x768xf32, #tpu.memory_space<vmem>>, vector<1x1x16xf32>,
          %parallel_loop3A_274 = arith.index_cast %rem3A_147 : i32 to index
          %parallel_loop3A_275 = arith.index_cast %parallel_loop3A_193 : i32 to index
          %parallel_loop3A_276 = arith.constant 80 : index
          %parallel_loop3A_277 = tpu.vector_load %arg6[%parallel_loop3A_274, %parallel_loop3A_275, %parallel_loop3A_276] {strides = array<i32>} : memref<3x24x768xf32, #tpu.memory_space<vmem>>, vector<1x1x16xf32>,
          %parallel_loop3A_278 = vector.shape_cast %parallel_loop3A_277 : vector<1x1x16xf32> to vector<16xf32>
          %parallel_loop3A_279 = arith.index_cast %parallel_loop3A_193 : i32 to index
          %parallel_loop3A_280 = arith.constant 80 : index
          %parallel_loop3A_281 = tpu.vector_load %arg5[%parallel_loop3A_279, %parallel_loop3A_280] {strides = array<i32>} : memref<24x768xf32, #tpu.memory_space<vmem>>, vector<1x16xf32>,
          %parallel_loop3A_282 = vector.shape_cast %parallel_loop3A_281 : vector<1x16xf32> to vector<16xf32>
          %parallel_loop3A_283 = arith.addf %parallel_loop3A_278, %parallel_loop3A_282 : vector<16xf32>
          %parallel_loop3A_284 = arith.index_cast %rem3A_147 : i32 to index
          %parallel_loop3A_285 = arith.index_cast %parallel_loop3A_193 : i32 to index
          %parallel_loop3A_286 = arith.constant 80 : index
          %parallel_loop3A_287 = tpu.vector_load %arg7[%parallel_loop3A_284, %parallel_loop3A_285, %parallel_loop3A_286] {strides = array<i32>} : memref<3x24x768xf32, #tpu.memory_space<vmem>>, vector<1x1x16xf32>,
          %parallel_loop3A_288 = vector.shape_cast %parallel_loop3A_287 : vector<1x1x16xf32> to vector<16xf32>
          %parallel_loop3A_289 = vector.shape_cast %parallel_loop3A_283 : vector<16xf32> to vector<1x1x16xf32>
          tpu.vector_store %arg7[%parallel_loop3A_284, %parallel_loop3A_285, %parallel_loop3A_286], %parallel_loop3A_289 {strides = array<i32>} : memref<3x24x768xf32, #tpu.memory_space<vmem>>, vector<1x1x16xf32>,
          %parallel_loop3A_290 = arith.index_cast %rem3A_147 : i32 to index
          %parallel_loop3A_291 = arith.index_cast %parallel_loop3A_193 : i32 to index
          %parallel_loop3A_292 = arith.constant 96 : index
          %parallel_loop3A_293 = tpu.vector_load %arg6[%parallel_loop3A_290, %parallel_loop3A_291, %parallel_loop3A_292] {strides = array<i32>} : memref<3x24x768xf32, #tpu.memory_space<vmem>>, vector<1x1x16xf32>,
          %parallel_loop3A_294 = vector.shape_cast %parallel_loop3A_293 : vector<1x1x16xf32> to vector<16xf32>
          %parallel_loop3A_295 = arith.index_cast %parallel_loop3A_193 : i32 to index
          %parallel_loop3A_296 = arith.constant 96 : index
          %parallel_loop3A_297 = tpu.vector_load %arg5[%parallel_loop3A_295, %parallel_loop3A_296] {strides = array<i32>} : memref<24x768xf32, #tpu.memory_space<vmem>>, vector<1x16xf32>,
          %parallel_loop3A_298 = vector.shape_cast %parallel_loop3A_297 : vector<1x16xf32> to vector<16xf32>
          %parallel_loop3A_299 = arith.addf %parallel_loop3A_294, %parallel_loop3A_298 : vector<16xf32>
          %parallel_loop3A_300 = arith.index_cast %rem3A_147 : i32 to index
          %parallel_loop3A_301 = arith.index_cast %parallel_loop3A_193 : i32 to index
          %parallel_loop3A_302 = arith.constant 96 : index
          %parallel_loop3A_303 = tpu.vector_load %arg7[%parallel_loop3A_300, %parallel_loop3A_301, %parallel_loop3A_302] {strides = array<i32>} : memref<3x24x768xf32, #tpu.memory_space<vmem>>, vector<1x1x16xf32>,
          %parallel_loop3A_304 = vector.shape_cast %parallel_loop3A_303 : vector<1x1x16xf32> to vector<16xf32>
          %parallel_loop3A_305 = vector.shape_cast %parallel_loop3A_299 : vector<16xf32> to vector<1x1x16xf32>
          tpu.vector_store %arg7[%parallel_loop3A_300, %parallel_loop3A_301, %parallel_loop3A_302], %parallel_loop3A_305 {strides = array<i32>} : memref<3x24x768xf32, #tpu.memory_space<vmem>>, vector<1x1x16xf32>,
          %parallel_loop3A_306 = arith.index_cast %rem3A_147 : i32 to index
          %parallel_loop3A_307 = arith.index_cast %parallel_loop3A_193 : i32 to index
          %parallel_loop3A_308 = arith.constant 112 : index
          %parallel_loop3A_309 = tpu.vector_load %arg6[%parallel_loop3A_306, %parallel_loop3A_307, %parallel_loop3A_308] {strides = array<i32>} : memref<3x24x768xf32, #tpu.memory_space<vmem>>, vector<1x1x16xf32>,
          %parallel_loop3A_310 = vector.shape_cast %parallel_loop3A_309 : vector<1x1x16xf32> to vector<16xf32>
          %parallel_loop3A_311 = arith.index_cast %parallel_loop3A_193 : i32 to index
          %parallel_loop3A_312 = arith.constant 112 : index
          %parallel_loop3A_313 = tpu.vector_load %arg5[%parallel_loop3A_311, %parallel_loop3A_312] {strides = array<i32>} : memref<24x768xf32, #tpu.memory_space<vmem>>, vector<1x16xf32>,
          %parallel_loop3A_314 = vector.shape_cast %parallel_loop3A_313 : vector<1x16xf32> to vector<16xf32>
          %parallel_loop3A_315 = arith.addf %parallel_loop3A_310, %parallel_loop3A_314 : vector<16xf32>
          %parallel_loop3A_316 = arith.index_cast %rem3A_147 : i32 to index
          %parallel_loop3A_317 = arith.index_cast %parallel_loop3A_193 : i32 to index
          %parallel_loop3A_318 = arith.constant 112 : index
          %parallel_loop3A_319 = tpu.vector_load %arg7[%parallel_loop3A_316, %parallel_loop3A_317, %parallel_loop3A_318] {strides = array<i32>} : memref<3x24x768xf32, #tpu.memory_space<vmem>>, vector<1x1x16xf32>,
          %parallel_loop3A_320 = vector.shape_cast %parallel_loop3A_319 : vector<1x1x16xf32> to vector<16xf32>
          %parallel_loop3A_321 = vector.shape_cast %parallel_loop3A_315 : vector<16xf32> to vector<1x1x16xf32>
          tpu.vector_store %arg7[%parallel_loop3A_316, %parallel_loop3A_317, %parallel_loop3A_318], %parallel_loop3A_321 {strides = array<i32>} : memref<3x24x768xf32, #tpu.memory_space<vmem>>, vector<1x1x16xf32>,
          %parallel_loop3A_322 = arith.index_cast %rem3A_147 : i32 to index
          %parallel_loop3A_323 = arith.index_cast %parallel_loop3A_193 : i32 to index
          %parallel_loop3A_324 = arith.constant 128 : index
          %parallel_loop3A_325 = tpu.vector_load %arg6[%parallel_loop3A_322, %parallel_loop3A_323, %parallel_loop3A_324] {strides = array<i32>} : memref<3x24x768xf32, #tpu.memory_space<vmem>>, vector<1x1x16xf32>,
          %parallel_loop3A_326 = vector.shape_cast %parallel_loop3A_325 : vector<1x1x16xf32> to vector<16xf32>
          %parallel_loop3A_327 = arith.index_cast %parallel_loop3A_193 : i32 to index
          %parallel_loop3A_328 = arith.constant 128 : index
          %parallel_loop3A_329 = tpu.vector_load %arg5[%parallel_loop3A_327, %parallel_loop3A_328] {strides = array<i32>} : memref<24x768xf32, #tpu.memory_space<vmem>>, vector<1x16xf32>,
          %parallel_loop3A_330 = vector.shape_cast %parallel_loop3A_329 : vector<1x16xf32> to vector<16xf32>
          %parallel_loop3A_331 = arith.addf %parallel_loop3A_326, %parallel_loop3A_330 : vector<16xf32>
          %parallel_loop3A_332 = arith.index_cast %rem3A_147 : i32 to index
          %parallel_loop3A_333 = arith.index_cast %parallel_loop3A_193 : i32 to index
          %parallel_loop3A_334 = arith.constant 128 : index
          %parallel_loop3A_335 = tpu.vector_load %arg7[%parallel_loop3A_332, %parallel_loop3A_333, %parallel_loop3A_334] {strides = array<i32>} : memref<3x24x768xf32, #tpu.memory_space<vmem>>, vector<1x1x16xf32>,
          %parallel_loop3A_336 = vector.shape_cast %parallel_loop3A_335 : vector<1x1x16xf32> to vector<16xf32>
          %parallel_loop3A_337 = vector.shape_cast %parallel_loop3A_331 : vector<16xf32> to vector<1x1x16xf32>
          tpu.vector_store %arg7[%parallel_loop3A_332, %parallel_loop3A_333, %parallel_loop3A_334], %parallel_loop3A_337 {strides = array<i32>} : memref<3x24x768xf32, #tpu.memory_space<vmem>>, vector<1x1x16xf32>,
          %parallel_loop3A_338 = arith.index_cast %rem3A_147 : i32 to index
          %parallel_loop3A_339 = arith.index_cast %parallel_loop3A_193 : i32 to index
          %parallel_loop3A_340 = arith.constant 144 : index
          %parallel_loop3A_341 = tpu.vector_load %arg6[%parallel_loop3A_338, %parallel_loop3A_339, %parallel_loop3A_340] {strides = array<i32>} : memref<3x24x768xf32, #tpu.memory_space<vmem>>, vector<1x1x16xf32>,
          %parallel_loop3A_342 = vector.shape_cast %parallel_loop3A_341 : vector<1x1x16xf32> to vector<16xf32>
          %parallel_loop3A_343 = arith.index_cast %parallel_loop3A_193 : i32 to index
          %parallel_loop3A_344 = arith.constant 144 : index
          %parallel_loop3A_345 = tpu.vector_load %arg5[%parallel_loop3A_343, %parallel_loop3A_344] {strides = array<i32>} : memref<24x768xf32, #tpu.memory_space<vmem>>, vector<1x16xf32>,
          %parallel_loop3A_346 = vector.shape_cast %parallel_loop3A_345 : vector<1x16xf32> to vector<16xf32>
          %parallel_loop3A_347 = arith.addf %parallel_loop3A_342, %parallel_loop3A_346 : vector<16xf32>
          %parallel_loop3A_348 = arith.index_cast %rem3A_147 : i32 to index
          %parallel_loop3A_349 = arith.index_cast %parallel_loop3A_193 : i32 to index
          %parallel_loop3A_350 = arith.constant 144 : index
          %parallel_loop3A_351 = tpu.vector_load %arg7[%parallel_loop3A_348, %parallel_loop3A_349, %parallel_loop3A_350] {strides = array<i32>} : memref<3x24x768xf32, #tpu.memory_space<vmem>>, vector<1x1x16xf32>,
          %parallel_loop3A_352 = vector.shape_cast %parallel_loop3A_351 : vector<1x1x16xf32> to vector<16xf32>
          %parallel_loop3A_353 = vector.shape_cast %parallel_loop3A_347 : vector<16xf32> to vector<1x1x16xf32>
          tpu.vector_store %arg7[%parallel_loop3A_348, %parallel_loop3A_349, %parallel_loop3A_350], %parallel_loop3A_353 {strides = array<i32>} : memref<3x24x768xf32, #tpu.memory_space<vmem>>, vector<1x1x16xf32>,
          %parallel_loop3A_354 = arith.index_cast %rem3A_147 : i32 to index
          %parallel_loop3A_355 = arith.index_cast %parallel_loop3A_193 : i32 to index
          %parallel_loop3A_356 = arith.constant 160 : index
          %parallel_loop3A_357 = tpu.vector_load %arg6[%parallel_loop3A_354, %parallel_loop3A_355, %parallel_loop3A_356] {strides = array<i32>} : memref<3x24x768xf32, #tpu.memory_space<vmem>>, vector<1x1x16xf32>,
          %parallel_loop3A_358 = vector.shape_cast %parallel_loop3A_357 : vector<1x1x16xf32> to vector<16xf32>
          %parallel_loop3A_359 = arith.index_cast %parallel_loop3A_193 : i32 to index
          %parallel_loop3A_360 = arith.constant 160 : index
          %parallel_loop3A_361 = tpu.vector_load %arg5[%parallel_loop3A_359, %parallel_loop3A_360] {strides = array<i32>} : memref<24x768xf32, #tpu.memory_space<vmem>>, vector<1x16xf32>,
          %parallel_loop3A_362 = vector.shape_cast %parallel_loop3A_361 : vector<1x16xf32> to vector<16xf32>
          %parallel_loop3A_363 = arith.addf %parallel_loop3A_358, %parallel_loop3A_362 : vector<16xf32>
          %parallel_loop3A_364 = arith.index_cast %rem3A_147 : i32 to index
          %parallel_loop3A_365 = arith.index_cast %parallel_loop3A_193 : i32 to index
          %parallel_loop3A_366 = arith.constant 160 : index
          %parallel_loop3A_367 = tpu.vector_load %arg7[%parallel_loop3A_364, %parallel_loop3A_365, %parallel_loop3A_366] {strides = array<i32>} : memref<3x24x768xf32, #tpu.memory_space<vmem>>, vector<1x1x16xf32>,
          %parallel_loop3A_368 = vector.shape_cast %parallel_loop3A_367 : vector<1x1x16xf32> to vector<16xf32>
          %parallel_loop3A_369 = vector.shape_cast %parallel_loop3A_363 : vector<16xf32> to vector<1x1x16xf32>
          tpu.vector_store %arg7[%parallel_loop3A_364, %parallel_loop3A_365, %parallel_loop3A_366], %parallel_loop3A_369 {strides = array<i32>} : memref<3x24x768xf32, #tpu.memory_space<vmem>>, vector<1x1x16xf32>,
          %parallel_loop3A_370 = arith.index_cast %rem3A_147 : i32 to index
          %parallel_loop3A_371 = arith.index_cast %parallel_loop3A_193 : i32 to index
          %parallel_loop3A_372 = arith.constant 176 : index
          %parallel_loop3A_373 = tpu.vector_load %arg6[%parallel_loop3A_370, %parallel_loop3A_371, %parallel_loop3A_372] {strides = array<i32>} : memref<3x24x768xf32, #tpu.memory_space<vmem>>, vector<1x1x16xf32>,
          %parallel_loop3A_374 = vector.shape_cast %parallel_loop3A_373 : vector<1x1x16xf32> to vector<16xf32>
          %parallel_loop3A_375 = arith.index_cast %parallel_loop3A_193 : i32 to index
          %parallel_loop3A_376 = arith.constant 176 : index
          %parallel_loop3A_377 = tpu.vector_load %arg5[%parallel_loop3A_375, %parallel_loop3A_376] {strides = array<i32>} : memref<24x768xf32, #tpu.memory_space<vmem>>, vector<1x16xf32>,
          %parallel_loop3A_378 = vector.shape_cast %parallel_loop3A_377 : vector<1x16xf32> to vector<16xf32>
          %parallel_loop3A_379 = arith.addf %parallel_loop3A_374, %parallel_loop3A_378 : vector<16xf32>
          %parallel_loop3A_380 = arith.index_cast %rem3A_147 : i32 to index
          %parallel_loop3A_381 = arith.index_cast %parallel_loop3A_193 : i32 to index
          %parallel_loop3A_382 = arith.constant 176 : index
          %parallel_loop3A_383 = tpu.vector_load %arg7[%parallel_loop3A_380, %parallel_loop3A_381, %parallel_loop3A_382] {strides = array<i32>} : memref<3x24x768xf32, #tpu.memory_space<vmem>>, vector<1x1x16xf32>,
          %parallel_loop3A_384 = vector.shape_cast %parallel_loop3A_383 : vector<1x1x16xf32> to vector<16xf32>
          %parallel_loop3A_385 = vector.shape_cast %parallel_loop3A_379 : vector<16xf32> to vector<1x1x16xf32>
          tpu.vector_store %arg7[%parallel_loop3A_380, %parallel_loop3A_381, %parallel_loop3A_382], %parallel_loop3A_385 {strides = array<i32>} : memref<3x24x768xf32, #tpu.memory_space<vmem>>, vector<1x1x16xf32>,
          %parallel_loop3A_386 = arith.index_cast %rem3A_147 : i32 to index
          %parallel_loop3A_387 = arith.index_cast %parallel_loop3A_193 : i32 to index
          %parallel_loop3A_388 = arith.constant 192 : index
          %parallel_loop3A_389 = tpu.vector_load %arg6[%parallel_loop3A_386, %parallel_loop3A_387, %parallel_loop3A_388] {strides = array<i32>} : memref<3x24x768xf32, #tpu.memory_space<vmem>>, vector<1x1x16xf32>,
          %parallel_loop3A_390 = vector.shape_cast %parallel_loop3A_389 : vector<1x1x16xf32> to vector<16xf32>
          %parallel_loop3A_391 = arith.index_cast %parallel_loop3A_193 : i32 to index
          %parallel_loop3A_392 = arith.constant 192 : index
          %parallel_loop3A_393 = tpu.vector_load %arg5[%parallel_loop3A_391, %parallel_loop3A_392] {strides = array<i32>} : memref<24x768xf32, #tpu.memory_space<vmem>>, vector<1x16xf32>,
          %parallel_loop3A_394 = vector.shape_cast %parallel_loop3A_393 : vector<1x16xf32> to vector<16xf32>
          %parallel_loop3A_395 = arith.addf %parallel_loop3A_390, %parallel_loop3A_394 : vector<16xf32>
          %parallel_loop3A_396 = arith.index_cast %rem3A_147 : i32 to index
          %parallel_loop3A_397 = arith.index_cast %parallel_loop3A_193 : i32 to index
          %parallel_loop3A_398 = arith.constant 192 : index
          %parallel_loop3A_399 = tpu.vector_load %arg7[%parallel_loop3A_396, %parallel_loop3A_397, %parallel_loop3A_398] {strides = array<i32>} : memref<3x24x768xf32, #tpu.memory_space<vmem>>, vector<1x1x16xf32>,
          %parallel_loop3A_400 = vector.shape_cast %parallel_loop3A_399 : vector<1x1x16xf32> to vector<16xf32>
          %parallel_loop3A_401 = vector.shape_cast %parallel_loop3A_395 : vector<16xf32> to vector<1x1x16xf32>
          tpu.vector_store %arg7[%parallel_loop3A_396, %parallel_loop3A_397, %parallel_loop3A_398], %parallel_loop3A_401 {strides = array<i32>} : memref<3x24x768xf32, #tpu.memory_space<vmem>>, vector<1x1x16xf32>,
          %parallel_loop3A_402 = arith.index_cast %rem3A_147 : i32 to index
          %parallel_loop3A_403 = arith.index_cast %parallel_loop3A_193 : i32 to index
          %parallel_loop3A_404 = arith.constant 208 : index
          %parallel_loop3A_405 = tpu.vector_load %arg6[%parallel_loop3A_402, %parallel_loop3A_403, %parallel_loop3A_404] {strides = array<i32>} : memref<3x24x768xf32, #tpu.memory_space<vmem>>, vector<1x1x16xf32>,
          %parallel_loop3A_406 = vector.shape_cast %parallel_loop3A_405 : vector<1x1x16xf32> to vector<16xf32>
          %parallel_loop3A_407 = arith.index_cast %parallel_loop3A_193 : i32 to index
          %parallel_loop3A_408 = arith.constant 208 : index
          %parallel_loop3A_409 = tpu.vector_load %arg5[%parallel_loop3A_407, %parallel_loop3A_408] {strides = array<i32>} : memref<24x768xf32, #tpu.memory_space<vmem>>, vector<1x16xf32>,
          %parallel_loop3A_410 = vector.shape_cast %parallel_loop3A_409 : vector<1x16xf32> to vector<16xf32>
          %parallel_loop3A_411 = arith.addf %parallel_loop3A_406, %parallel_loop3A_410 : vector<16xf32>
          %parallel_loop3A_412 = arith.index_cast %rem3A_147 : i32 to index
          %parallel_loop3A_413 = arith.index_cast %parallel_loop3A_193 : i32 to index
          %parallel_loop3A_414 = arith.constant 208 : index
          %parallel_loop3A_415 = tpu.vector_load %arg7[%parallel_loop3A_412, %parallel_loop3A_413, %parallel_loop3A_414] {strides = array<i32>} : memref<3x24x768xf32, #tpu.memory_space<vmem>>, vector<1x1x16xf32>,
          %parallel_loop3A_416 = vector.shape_cast %parallel_loop3A_415 : vector<1x1x16xf32> to vector<16xf32>
          %parallel_loop3A_417 = vector.shape_cast %parallel_loop3A_411 : vector<16xf32> to vector<1x1x16xf32>
          tpu.vector_store %arg7[%parallel_loop3A_412, %parallel_loop3A_413, %parallel_loop3A_414], %parallel_loop3A_417 {strides = array<i32>} : memref<3x24x768xf32, #tpu.memory_space<vmem>>, vector<1x1x16xf32>,
          %parallel_loop3A_418 = arith.index_cast %rem3A_147 : i32 to index
          %parallel_loop3A_419 = arith.index_cast %parallel_loop3A_193 : i32 to index
          %parallel_loop3A_420 = arith.constant 224 : index
          %parallel_loop3A_421 = tpu.vector_load %arg6[%parallel_loop3A_418, %parallel_loop3A_419, %parallel_loop3A_420] {strides = array<i32>} : memref<3x24x768xf32, #tpu.memory_space<vmem>>, vector<1x1x16xf32>,
          %parallel_loop3A_422 = vector.shape_cast %parallel_loop3A_421 : vector<1x1x16xf32> to vector<16xf32>
          %parallel_loop3A_423 = arith.index_cast %parallel_loop3A_193 : i32 to index
          %parallel_loop3A_424 = arith.constant 224 : index
          %parallel_loop3A_425 = tpu.vector_load %arg5[%parallel_loop3A_423, %parallel_loop3A_424] {strides = array<i32>} : memref<24x768xf32, #tpu.memory_space<vmem>>, vector<1x16xf32>,
          %parallel_loop3A_426 = vector.shape_cast %parallel_loop3A_425 : vector<1x16xf32> to vector<16xf32>
          %parallel_loop3A_427 = arith.addf %parallel_loop3A_422, %parallel_loop3A_426 : vector<16xf32>
          %parallel_loop3A_428 = arith.index_cast %rem3A_147 : i32 to index
          %parallel_loop3A_429 = arith.index_cast %parallel_loop3A_193 : i32 to index
          %parallel_loop3A_430 = arith.constant 224 : index
          %parallel_loop3A_431 = tpu.vector_load %arg7[%parallel_loop3A_428, %parallel_loop3A_429, %parallel_loop3A_430] {strides = array<i32>} : memref<3x24x768xf32, #tpu.memory_space<vmem>>, vector<1x1x16xf32>,
          %parallel_loop3A_432 = vector.shape_cast %parallel_loop3A_431 : vector<1x1x16xf32> to vector<16xf32>
          %parallel_loop3A_433 = vector.shape_cast %parallel_loop3A_427 : vector<16xf32> to vector<1x1x16xf32>
          tpu.vector_store %arg7[%parallel_loop3A_428, %parallel_loop3A_429, %parallel_loop3A_430], %parallel_loop3A_433 {strides = array<i32>} : memref<3x24x768xf32, #tpu.memory_space<vmem>>, vector<1x1x16xf32>,
          %parallel_loop3A_434 = arith.index_cast %rem3A_147 : i32 to index
          %parallel_loop3A_435 = arith.index_cast %parallel_loop3A_193 : i32 to index
          %parallel_loop3A_436 = arith.constant 240 : index
          %parallel_loop3A_437 = tpu.vector_load %arg6[%parallel_loop3A_434, %parallel_loop3A_435, %parallel_loop3A_436] {strides = array<i32>} : memref<3x24x768xf32, #tpu.memory_space<vmem>>, vector<1x1x16xf32>,
          %parallel_loop3A_438 = vector.shape_cast %parallel_loop3A_437 : vector<1x1x16xf32> to vector<16xf32>
          %parallel_loop3A_439 = arith.index_cast %parallel_loop3A_193 : i32 to index
          %parallel_loop3A_440 = arith.constant 240 : index
          %parallel_loop3A_441 = tpu.vector_load %arg5[%parallel_loop3A_439, %parallel_loop3A_440] {strides = array<i32>} : memref<24x768xf32, #tpu.memory_space<vmem>>, vector<1x16xf32>,
          %parallel_loop3A_442 = vector.shape_cast %parallel_loop3A_441 : vector<1x16xf32> to vector<16xf32>
          %parallel_loop3A_443 = arith.addf %parallel_loop3A_438, %parallel_loop3A_442 : vector<16xf32>
          %parallel_loop3A_444 = arith.index_cast %rem3A_147 : i32 to index
          %parallel_loop3A_445 = arith.index_cast %parallel_loop3A_193 : i32 to index
          %parallel_loop3A_446 = arith.constant 240 : index
          %parallel_loop3A_447 = tpu.vector_load %arg7[%parallel_loop3A_444, %parallel_loop3A_445, %parallel_loop3A_446] {strides = array<i32>} : memref<3x24x768xf32, #tpu.memory_space<vmem>>, vector<1x1x16xf32>,
          %parallel_loop3A_448 = vector.shape_cast %parallel_loop3A_447 : vector<1x1x16xf32> to vector<16xf32>
          %parallel_loop3A_449 = vector.shape_cast %parallel_loop3A_443 : vector<16xf32> to vector<1x1x16xf32>
          tpu.vector_store %arg7[%parallel_loop3A_444, %parallel_loop3A_445, %parallel_loop3A_446], %parallel_loop3A_449 {strides = array<i32>} : memref<3x24x768xf32, #tpu.memory_space<vmem>>, vector<1x1x16xf32>,
          %parallel_loop3A_450 = arith.index_cast %rem3A_147 : i32 to index
          %parallel_loop3A_451 = arith.index_cast %parallel_loop3A_193 : i32 to index
          %parallel_loop3A_452 = arith.constant 256 : index
          %parallel_loop3A_453 = tpu.vector_load %arg6[%parallel_loop3A_450, %parallel_loop3A_451, %parallel_loop3A_452] {strides = array<i32>} : memref<3x24x768xf32, #tpu.memory_space<vmem>>, vector<1x1x16xf32>,
          %parallel_loop3A_454 = vector.shape_cast %parallel_loop3A_453 : vector<1x1x16xf32> to vector<16xf32>
          %parallel_loop3A_455 = arith.index_cast %parallel_loop3A_193 : i32 to index
          %parallel_loop3A_456 = arith.constant 256 : index
          %parallel_loop3A_457 = tpu.vector_load %arg5[%parallel_loop3A_455, %parallel_loop3A_456] {strides = array<i32>} : memref<24x768xf32, #tpu.memory_space<vmem>>, vector<1x16xf32>,
          %parallel_loop3A_458 = vector.shape_cast %parallel_loop3A_457 : vector<1x16xf32> to vector<16xf32>
          %parallel_loop3A_459 = arith.addf %parallel_loop3A_454, %parallel_loop3A_458 : vector<16xf32>
          %parallel_loop3A_460 = arith.index_cast %rem3A_147 : i32 to index
          %parallel_loop3A_461 = arith.index_cast %parallel_loop3A_193 : i32 to index
          %parallel_loop3A_462 = arith.constant 256 : index
          %parallel_loop3A_463 = tpu.vector_load %arg7[%parallel_loop3A_460, %parallel_loop3A_461, %parallel_loop3A_462] {strides = array<i32>} : memref<3x24x768xf32, #tpu.memory_space<vmem>>, vector<1x1x16xf32>,
          %parallel_loop3A_464 = vector.shape_cast %parallel_loop3A_463 : vector<1x1x16xf32> to vector<16xf32>
          %parallel_loop3A_465 = vector.shape_cast %parallel_loop3A_459 : vector<16xf32> to vector<1x1x16xf32>
          tpu.vector_store %arg7[%parallel_loop3A_460, %parallel_loop3A_461, %parallel_loop3A_462], %parallel_loop3A_465 {strides = array<i32>} : memref<3x24x768xf32, #tpu.memory_space<vmem>>, vector<1x1x16xf32>,
          %parallel_loop3A_466 = arith.index_cast %rem3A_147 : i32 to index
          %parallel_loop3A_467 = arith.index_cast %parallel_loop3A_193 : i32 to index
          %parallel_loop3A_468 = arith.constant 272 : index
          %parallel_loop3A_469 = tpu.vector_load %arg6[%parallel_loop3A_466, %parallel_loop3A_467, %parallel_loop3A_468] {strides = array<i32>} : memref<3x24x768xf32, #tpu.memory_space<vmem>>, vector<1x1x16xf32>,
          %parallel_loop3A_470 = vector.shape_cast %parallel_loop3A_469 : vector<1x1x16xf32> to vector<16xf32>
          %parallel_loop3A_471 = arith.index_cast %parallel_loop3A_193 : i32 to index
          %parallel_loop3A_472 = arith.constant 272 : index
          %parallel_loop3A_473 = tpu.vector_load %arg5[%parallel_loop3A_471, %parallel_loop3A_472] {strides = array<i32>} : memref<24x768xf32, #tpu.memory_space<vmem>>, vector<1x16xf32>,
          %parallel_loop3A_474 = vector.shape_cast %parallel_loop3A_473 : vector<1x16xf32> to vector<16xf32>
          %parallel_loop3A_475 = arith.addf %parallel_loop3A_470, %parallel_loop3A_474 : vector<16xf32>
          %parallel_loop3A_476 = arith.index_cast %rem3A_147 : i32 to index
          %parallel_loop3A_477 = arith.index_cast %parallel_loop3A_193 : i32 to index
          %parallel_loop3A_478 = arith.constant 272 : index
          %parallel_loop3A_479 = tpu.vector_load %arg7[%parallel_loop3A_476, %parallel_loop3A_477, %parallel_loop3A_478] {strides = array<i32>} : memref<3x24x768xf32, #tpu.memory_space<vmem>>, vector<1x1x16xf32>,
          %parallel_loop3A_480 = vector.shape_cast %parallel_loop3A_479 : vector<1x1x16xf32> to vector<16xf32>
          %parallel_loop3A_481 = vector.shape_cast %parallel_loop3A_475 : vector<16xf32> to vector<1x1x16xf32>
          tpu.vector_store %arg7[%parallel_loop3A_476, %parallel_loop3A_477, %parallel_loop3A_478], %parallel_loop3A_481 {strides = array<i32>} : memref<3x24x768xf32, #tpu.memory_space<vmem>>, vector<1x1x16xf32>,
          %parallel_loop3A_482 = arith.index_cast %rem3A_147 : i32 to index
          %parallel_loop3A_483 = arith.index_cast %parallel_loop3A_193 : i32 to index
          %parallel_loop3A_484 = arith.constant 288 : index
          %parallel_loop3A_485 = tpu.vector_load %arg6[%parallel_loop3A_482, %parallel_loop3A_483, %parallel_loop3A_484] {strides = array<i32>} : memref<3x24x768xf32, #tpu.memory_space<vmem>>, vector<1x1x16xf32>,
          %parallel_loop3A_486 = vector.shape_cast %parallel_loop3A_485 : vector<1x1x16xf32> to vector<16xf32>
          %parallel_loop3A_487 = arith.index_cast %parallel_loop3A_193 : i32 to index
          %parallel_loop3A_488 = arith.constant 288 : index
          %parallel_loop3A_489 = tpu.vector_load %arg5[%parallel_loop3A_487, %parallel_loop3A_488] {strides = array<i32>} : memref<24x768xf32, #tpu.memory_space<vmem>>, vector<1x16xf32>,
          %parallel_loop3A_490 = vector.shape_cast %parallel_loop3A_489 : vector<1x16xf32> to vector<16xf32>
          %parallel_loop3A_491 = arith.addf %parallel_loop3A_486, %parallel_loop3A_490 : vector<16xf32>
          %parallel_loop3A_492 = arith.index_cast %rem3A_147 : i32 to index
          %parallel_loop3A_493 = arith.index_cast %parallel_loop3A_193 : i32 to index
          %parallel_loop3A_494 = arith.constant 288 : index
          %parallel_loop3A_495 = tpu.vector_load %arg7[%parallel_loop3A_492, %parallel_loop3A_493, %parallel_loop3A_494] {strides = array<i32>} : memref<3x24x768xf32, #tpu.memory_space<vmem>>, vector<1x1x16xf32>,
          %parallel_loop3A_496 = vector.shape_cast %parallel_loop3A_495 : vector<1x1x16xf32> to vector<16xf32>
          %parallel_loop3A_497 = vector.shape_cast %parallel_loop3A_491 : vector<16xf32> to vector<1x1x16xf32>
          tpu.vector_store %arg7[%parallel_loop3A_492, %parallel_loop3A_493, %parallel_loop3A_494], %parallel_loop3A_497 {strides = array<i32>} : memref<3x24x768xf32, #tpu.memory_space<vmem>>, vector<1x1x16xf32>,
          %parallel_loop3A_498 = arith.index_cast %rem3A_147 : i32 to index
          %parallel_loop3A_499 = arith.index_cast %parallel_loop3A_193 : i32 to index
          %parallel_loop3A_500 = arith.constant 304 : index
          %parallel_loop3A_501 = tpu.vector_load %arg6[%parallel_loop3A_498, %parallel_loop3A_499, %parallel_loop3A_500] {strides = array<i32>} : memref<3x24x768xf32, #tpu.memory_space<vmem>>, vector<1x1x16xf32>,
          %parallel_loop3A_502 = vector.shape_cast %parallel_loop3A_501 : vector<1x1x16xf32> to vector<16xf32>
          %parallel_loop3A_503 = arith.index_cast %parallel_loop3A_193 : i32 to index
          %parallel_loop3A_504 = arith.constant 304 : index
          %parallel_loop3A_505 = tpu.vector_load %arg5[%parallel_loop3A_503, %parallel_loop3A_504] {strides = array<i32>} : memref<24x768xf32, #tpu.memory_space<vmem>>, vector<1x16xf32>,
          %parallel_loop3A_506 = vector.shape_cast %parallel_loop3A_505 : vector<1x16xf32> to vector<16xf32>
          %parallel_loop3A_507 = arith.addf %parallel_loop3A_502, %parallel_loop3A_506 : vector<16xf32>
          %parallel_loop3A_508 = arith.index_cast %rem3A_147 : i32 to index
          %parallel_loop3A_509 = arith.index_cast %parallel_loop3A_193 : i32 to index
          %parallel_loop3A_510 = arith.constant 304 : index
          %parallel_loop3A_511 = tpu.vector_load %arg7[%parallel_loop3A_508, %parallel_loop3A_509, %parallel_loop3A_510] {strides = array<i32>} : memref<3x24x768xf32, #tpu.memory_space<vmem>>, vector<1x1x16xf32>,
          %parallel_loop3A_512 = vector.shape_cast %parallel_loop3A_511 : vector<1x1x16xf32> to vector<16xf32>
          %parallel_loop3A_513 = vector.shape_cast %parallel_loop3A_507 : vector<16xf32> to vector<1x1x16xf32>
          tpu.vector_store %arg7[%parallel_loop3A_508, %parallel_loop3A_509, %parallel_loop3A_510], %parallel_loop3A_513 {strides = array<i32>} : memref<3x24x768xf32, #tpu.memory_space<vmem>>, vector<1x1x16xf32>,
          %parallel_loop3A_514 = arith.index_cast %rem3A_147 : i32 to index
          %parallel_loop3A_515 = arith.index_cast %parallel_loop3A_193 : i32 to index
          %parallel_loop3A_516 = arith.constant 320 : index
          %parallel_loop3A_517 = tpu.vector_load %arg6[%parallel_loop3A_514, %parallel_loop3A_515, %parallel_loop3A_516] {strides = array<i32>} : memref<3x24x768xf32, #tpu.memory_space<vmem>>, vector<1x1x16xf32>,
          %parallel_loop3A_518 = vector.shape_cast %parallel_loop3A_517 : vector<1x1x16xf32> to vector<16xf32>
          %parallel_loop3A_519 = arith.index_cast %parallel_loop3A_193 : i32 to index
          %parallel_loop3A_520 = arith.constant 320 : index
          %parallel_loop3A_521 = tpu.vector_load %arg5[%parallel_loop3A_519, %parallel_loop3A_520] {strides = array<i32>} : memref<24x768xf32, #tpu.memory_space<vmem>>, vector<1x16xf32>,
          %parallel_loop3A_522 = vector.shape_cast %parallel_loop3A_521 : vector<1x16xf32> to vector<16xf32>
          %parallel_loop3A_523 = arith.addf %parallel_loop3A_518, %parallel_loop3A_522 : vector<16xf32>
          %parallel_loop3A_524 = arith.index_cast %rem3A_147 : i32 to index
          %parallel_loop3A_525 = arith.index_cast %parallel_loop3A_193 : i32 to index
          %parallel_loop3A_526 = arith.constant 320 : index
          %parallel_loop3A_527 = tpu.vector_load %arg7[%parallel_loop3A_524, %parallel_loop3A_525, %parallel_loop3A_526] {strides = array<i32>} : memref<3x24x768xf32, #tpu.memory_space<vmem>>, vector<1x1x16xf32>,
          %parallel_loop3A_528 = vector.shape_cast %parallel_loop3A_527 : vector<1x1x16xf32> to vector<16xf32>
          %parallel_loop3A_529 = vector.shape_cast %parallel_loop3A_523 : vector<16xf32> to vector<1x1x16xf32>
          tpu.vector_store %arg7[%parallel_loop3A_524, %parallel_loop3A_525, %parallel_loop3A_526], %parallel_loop3A_529 {strides = array<i32>} : memref<3x24x768xf32, #tpu.memory_space<vmem>>, vector<1x1x16xf32>,
          %parallel_loop3A_530 = arith.index_cast %rem3A_147 : i32 to index
          %parallel_loop3A_531 = arith.index_cast %parallel_loop3A_193 : i32 to index
          %parallel_loop3A_532 = arith.constant 336 : index
          %parallel_loop3A_533 = tpu.vector_load %arg6[%parallel_loop3A_530, %parallel_loop3A_531, %parallel_loop3A_532] {strides = array<i32>} : memref<3x24x768xf32, #tpu.memory_space<vmem>>, vector<1x1x16xf32>,
          %parallel_loop3A_534 = vector.shape_cast %parallel_loop3A_533 : vector<1x1x16xf32> to vector<16xf32>
          %parallel_loop3A_535 = arith.index_cast %parallel_loop3A_193 : i32 to index
          %parallel_loop3A_536 = arith.constant 336 : index
          %parallel_loop3A_537 = tpu.vector_load %arg5[%parallel_loop3A_535, %parallel_loop3A_536] {strides = array<i32>} : memref<24x768xf32, #tpu.memory_space<vmem>>, vector<1x16xf32>,
          %parallel_loop3A_538 = vector.shape_cast %parallel_loop3A_537 : vector<1x16xf32> to vector<16xf32>
          %parallel_loop3A_539 = arith.addf %parallel_loop3A_534, %parallel_loop3A_538 : vector<16xf32>
          %parallel_loop3A_540 = arith.index_cast %rem3A_147 : i32 to index
          %parallel_loop3A_541 = arith.index_cast %parallel_loop3A_193 : i32 to index
          %parallel_loop3A_542 = arith.constant 336 : index
          %parallel_loop3A_543 = tpu.vector_load %arg7[%parallel_loop3A_540, %parallel_loop3A_541, %parallel_loop3A_542] {strides = array<i32>} : memref<3x24x768xf32, #tpu.memory_space<vmem>>, vector<1x1x16xf32>,
          %parallel_loop3A_544 = vector.shape_cast %parallel_loop3A_543 : vector<1x1x16xf32> to vector<16xf32>
          %parallel_loop3A_545 = vector.shape_cast %parallel_loop3A_539 : vector<16xf32> to vector<1x1x16xf32>
          tpu.vector_store %arg7[%parallel_loop3A_540, %parallel_loop3A_541, %parallel_loop3A_542], %parallel_loop3A_545 {strides = array<i32>} : memref<3x24x768xf32, #tpu.memory_space<vmem>>, vector<1x1x16xf32>,
          %parallel_loop3A_546 = arith.index_cast %rem3A_147 : i32 to index
          %parallel_loop3A_547 = arith.index_cast %parallel_loop3A_193 : i32 to index
          %parallel_loop3A_548 = arith.constant 352 : index
          %parallel_loop3A_549 = tpu.vector_load %arg6[%parallel_loop3A_546, %parallel_loop3A_547, %parallel_loop3A_548] {strides = array<i32>} : memref<3x24x768xf32, #tpu.memory_space<vmem>>, vector<1x1x16xf32>,
          %parallel_loop3A_550 = vector.shape_cast %parallel_loop3A_549 : vector<1x1x16xf32> to vector<16xf32>
          %parallel_loop3A_551 = arith.index_cast %parallel_loop3A_193 : i32 to index
          %parallel_loop3A_552 = arith.constant 352 : index
          %parallel_loop3A_553 = tpu.vector_load %arg5[%parallel_loop3A_551, %parallel_loop3A_552] {strides = array<i32>} : memref<24x768xf32, #tpu.memory_space<vmem>>, vector<1x16xf32>,
          %parallel_loop3A_554 = vector.shape_cast %parallel_loop3A_553 : vector<1x16xf32> to vector<16xf32>
          %parallel_loop3A_555 = arith.addf %parallel_loop3A_550, %parallel_loop3A_554 : vector<16xf32>
          %parallel_loop3A_556 = arith.index_cast %rem3A_147 : i32 to index
          %parallel_loop3A_557 = arith.index_cast %parallel_loop3A_193 : i32 to index
          %parallel_loop3A_558 = arith.constant 352 : index
          %parallel_loop3A_559 = tpu.vector_load %arg7[%parallel_loop3A_556, %parallel_loop3A_557, %parallel_loop3A_558] {strides = array<i32>} : memref<3x24x768xf32, #tpu.memory_space<vmem>>, vector<1x1x16xf32>,
          %parallel_loop3A_560 = vector.shape_cast %parallel_loop3A_559 : vector<1x1x16xf32> to vector<16xf32>
          %parallel_loop3A_561 = vector.shape_cast %parallel_loop3A_555 : vector<16xf32> to vector<1x1x16xf32>
          tpu.vector_store %arg7[%parallel_loop3A_556, %parallel_loop3A_557, %parallel_loop3A_558], %parallel_loop3A_561 {strides = array<i32>} : memref<3x24x768xf32, #tpu.memory_space<vmem>>, vector<1x1x16xf32>,
          %parallel_loop3A_562 = arith.index_cast %rem3A_147 : i32 to index
          %parallel_loop3A_563 = arith.index_cast %parallel_loop3A_193 : i32 to index
          %parallel_loop3A_564 = arith.constant 368 : index
          %parallel_loop3A_565 = tpu.vector_load %arg6[%parallel_loop3A_562, %parallel_loop3A_563, %parallel_loop3A_564] {strides = array<i32>} : memref<3x24x768xf32, #tpu.memory_space<vmem>>, vector<1x1x16xf32>,
          %parallel_loop3A_566 = vector.shape_cast %parallel_loop3A_565 : vector<1x1x16xf32> to vector<16xf32>
          %parallel_loop3A_567 = arith.index_cast %parallel_loop3A_193 : i32 to index
          %parallel_loop3A_568 = arith.constant 368 : index
          %parallel_loop3A_569 = tpu.vector_load %arg5[%parallel_loop3A_567, %parallel_loop3A_568] {strides = array<i32>} : memref<24x768xf32, #tpu.memory_space<vmem>>, vector<1x16xf32>,
          %parallel_loop3A_570 = vector.shape_cast %parallel_loop3A_569 : vector<1x16xf32> to vector<16xf32>
          %parallel_loop3A_571 = arith.addf %parallel_loop3A_566, %parallel_loop3A_570 : vector<16xf32>
          %parallel_loop3A_572 = arith.index_cast %rem3A_147 : i32 to index
          %parallel_loop3A_573 = arith.index_cast %parallel_loop3A_193 : i32 to index
          %parallel_loop3A_574 = arith.constant 368 : index
          %parallel_loop3A_575 = tpu.vector_load %arg7[%parallel_loop3A_572, %parallel_loop3A_573, %parallel_loop3A_574] {strides = array<i32>} : memref<3x24x768xf32, #tpu.memory_space<vmem>>, vector<1x1x16xf32>,
          %parallel_loop3A_576 = vector.shape_cast %parallel_loop3A_575 : vector<1x1x16xf32> to vector<16xf32>
          %parallel_loop3A_577 = vector.shape_cast %parallel_loop3A_571 : vector<16xf32> to vector<1x1x16xf32>
          tpu.vector_store %arg7[%parallel_loop3A_572, %parallel_loop3A_573, %parallel_loop3A_574], %parallel_loop3A_577 {strides = array<i32>} : memref<3x24x768xf32, #tpu.memory_space<vmem>>, vector<1x1x16xf32>,
          %parallel_loop3A_578 = arith.index_cast %rem3A_147 : i32 to index
          %parallel_loop3A_579 = arith.index_cast %parallel_loop3A_193 : i32 to index
          %parallel_loop3A_580 = arith.constant 384 : index
          %parallel_loop3A_581 = tpu.vector_load %arg6[%parallel_loop3A_578, %parallel_loop3A_579, %parallel_loop3A_580] {strides = array<i32>} : memref<3x24x768xf32, #tpu.memory_space<vmem>>, vector<1x1x16xf32>,
          %parallel_loop3A_582 = vector.shape_cast %parallel_loop3A_581 : vector<1x1x16xf32> to vector<16xf32>
          %parallel_loop3A_583 = arith.index_cast %parallel_loop3A_193 : i32 to index
          %parallel_loop3A_584 = arith.constant 384 : index
          %parallel_loop3A_585 = tpu.vector_load %arg5[%parallel_loop3A_583, %parallel_loop3A_584] {strides = array<i32>} : memref<24x768xf32, #tpu.memory_space<vmem>>, vector<1x16xf32>,
          %parallel_loop3A_586 = vector.shape_cast %parallel_loop3A_585 : vector<1x16xf32> to vector<16xf32>
          %parallel_loop3A_587 = arith.addf %parallel_loop3A_582, %parallel_loop3A_586 : vector<16xf32>
          %parallel_loop3A_588 = arith.index_cast %rem3A_147 : i32 to index
          %parallel_loop3A_589 = arith.index_cast %parallel_loop3A_193 : i32 to index
          %parallel_loop3A_590 = arith.constant 384 : index
          %parallel_loop3A_591 = tpu.vector_load %arg7[%parallel_loop3A_588, %parallel_loop3A_589, %parallel_loop3A_590] {strides = array<i32>} : memref<3x24x768xf32, #tpu.memory_space<vmem>>, vector<1x1x16xf32>,
          %parallel_loop3A_592 = vector.shape_cast %parallel_loop3A_591 : vector<1x1x16xf32> to vector<16xf32>
          %parallel_loop3A_593 = vector.shape_cast %parallel_loop3A_587 : vector<16xf32> to vector<1x1x16xf32>
          tpu.vector_store %arg7[%parallel_loop3A_588, %parallel_loop3A_589, %parallel_loop3A_590], %parallel_loop3A_593 {strides = array<i32>} : memref<3x24x768xf32, #tpu.memory_space<vmem>>, vector<1x1x16xf32>,
          %parallel_loop3A_594 = arith.index_cast %rem3A_147 : i32 to index
          %parallel_loop3A_595 = arith.index_cast %parallel_loop3A_193 : i32 to index
          %parallel_loop3A_596 = arith.constant 400 : index
          %parallel_loop3A_597 = tpu.vector_load %arg6[%parallel_loop3A_594, %parallel_loop3A_595, %parallel_loop3A_596] {strides = array<i32>} : memref<3x24x768xf32, #tpu.memory_space<vmem>>, vector<1x1x16xf32>,
          %parallel_loop3A_598 = vector.shape_cast %parallel_loop3A_597 : vector<1x1x16xf32> to vector<16xf32>
          %parallel_loop3A_599 = arith.index_cast %parallel_loop3A_193 : i32 to index
          %parallel_loop3A_600 = arith.constant 400 : index
          %parallel_loop3A_601 = tpu.vector_load %arg5[%parallel_loop3A_599, %parallel_loop3A_600] {strides = array<i32>} : memref<24x768xf32, #tpu.memory_space<vmem>>, vector<1x16xf32>,
          %parallel_loop3A_602 = vector.shape_cast %parallel_loop3A_601 : vector<1x16xf32> to vector<16xf32>
          %parallel_loop3A_603 = arith.addf %parallel_loop3A_598, %parallel_loop3A_602 : vector<16xf32>
          %parallel_loop3A_604 = arith.index_cast %rem3A_147 : i32 to index
          %parallel_loop3A_605 = arith.index_cast %parallel_loop3A_193 : i32 to index
          %parallel_loop3A_606 = arith.constant 400 : index
          %parallel_loop3A_607 = tpu.vector_load %arg7[%parallel_loop3A_604, %parallel_loop3A_605, %parallel_loop3A_606] {strides = array<i32>} : memref<3x24x768xf32, #tpu.memory_space<vmem>>, vector<1x1x16xf32>,
          %parallel_loop3A_608 = vector.shape_cast %parallel_loop3A_607 : vector<1x1x16xf32> to vector<16xf32>
          %parallel_loop3A_609 = vector.shape_cast %parallel_loop3A_603 : vector<16xf32> to vector<1x1x16xf32>
          tpu.vector_store %arg7[%parallel_loop3A_604, %parallel_loop3A_605, %parallel_loop3A_606], %parallel_loop3A_609 {strides = array<i32>} : memref<3x24x768xf32, #tpu.memory_space<vmem>>, vector<1x1x16xf32>,
          %parallel_loop3A_610 = arith.index_cast %rem3A_147 : i32 to index
          %parallel_loop3A_611 = arith.index_cast %parallel_loop3A_193 : i32 to index
          %parallel_loop3A_612 = arith.constant 416 : index
          %parallel_loop3A_613 = tpu.vector_load %arg6[%parallel_loop3A_610, %parallel_loop3A_611, %parallel_loop3A_612] {strides = array<i32>} : memref<3x24x768xf32, #tpu.memory_space<vmem>>, vector<1x1x16xf32>,
          %parallel_loop3A_614 = vector.shape_cast %parallel_loop3A_613 : vector<1x1x16xf32> to vector<16xf32>
          %parallel_loop3A_615 = arith.index_cast %parallel_loop3A_193 : i32 to index
          %parallel_loop3A_616 = arith.constant 416 : index
          %parallel_loop3A_617 = tpu.vector_load %arg5[%parallel_loop3A_615, %parallel_loop3A_616] {strides = array<i32>} : memref<24x768xf32, #tpu.memory_space<vmem>>, vector<1x16xf32>,
          %parallel_loop3A_618 = vector.shape_cast %parallel_loop3A_617 : vector<1x16xf32> to vector<16xf32>
          %parallel_loop3A_619 = arith.addf %parallel_loop3A_614, %parallel_loop3A_618 : vector<16xf32>
          %parallel_loop3A_620 = arith.index_cast %rem3A_147 : i32 to index
          %parallel_loop3A_621 = arith.index_cast %parallel_loop3A_193 : i32 to index
          %parallel_loop3A_622 = arith.constant 416 : index
          %parallel_loop3A_623 = tpu.vector_load %arg7[%parallel_loop3A_620, %parallel_loop3A_621, %parallel_loop3A_622] {strides = array<i32>} : memref<3x24x768xf32, #tpu.memory_space<vmem>>, vector<1x1x16xf32>,
          %parallel_loop3A_624 = vector.shape_cast %parallel_loop3A_623 : vector<1x1x16xf32> to vector<16xf32>
          %parallel_loop3A_625 = vector.shape_cast %parallel_loop3A_619 : vector<16xf32> to vector<1x1x16xf32>
          tpu.vector_store %arg7[%parallel_loop3A_620, %parallel_loop3A_621, %parallel_loop3A_622], %parallel_loop3A_625 {strides = array<i32>} : memref<3x24x768xf32, #tpu.memory_space<vmem>>, vector<1x1x16xf32>,
          %parallel_loop3A_626 = arith.index_cast %rem3A_147 : i32 to index
          %parallel_loop3A_627 = arith.index_cast %parallel_loop3A_193 : i32 to index
          %parallel_loop3A_628 = arith.constant 432 : index
          %parallel_loop3A_629 = tpu.vector_load %arg6[%parallel_loop3A_626, %parallel_loop3A_627, %parallel_loop3A_628] {strides = array<i32>} : memref<3x24x768xf32, #tpu.memory_space<vmem>>, vector<1x1x16xf32>,
          %parallel_loop3A_630 = vector.shape_cast %parallel_loop3A_629 : vector<1x1x16xf32> to vector<16xf32>
          %parallel_loop3A_631 = arith.index_cast %parallel_loop3A_193 : i32 to index
          %parallel_loop3A_632 = arith.constant 432 : index
          %parallel_loop3A_633 = tpu.vector_load %arg5[%parallel_loop3A_631, %parallel_loop3A_632] {strides = array<i32>} : memref<24x768xf32, #tpu.memory_space<vmem>>, vector<1x16xf32>,
          %parallel_loop3A_634 = vector.shape_cast %parallel_loop3A_633 : vector<1x16xf32> to vector<16xf32>
          %parallel_loop3A_635 = arith.addf %parallel_loop3A_630, %parallel_loop3A_634 : vector<16xf32>
          %parallel_loop3A_636 = arith.index_cast %rem3A_147 : i32 to index
          %parallel_loop3A_637 = arith.index_cast %parallel_loop3A_193 : i32 to index
          %parallel_loop3A_638 = arith.constant 432 : index
          %parallel_loop3A_639 = tpu.vector_load %arg7[%parallel_loop3A_636, %parallel_loop3A_637, %parallel_loop3A_638] {strides = array<i32>} : memref<3x24x768xf32, #tpu.memory_space<vmem>>, vector<1x1x16xf32>,
          %parallel_loop3A_640 = vector.shape_cast %parallel_loop3A_639 : vector<1x1x16xf32> to vector<16xf32>
          %parallel_loop3A_641 = vector.shape_cast %parallel_loop3A_635 : vector<16xf32> to vector<1x1x16xf32>
          tpu.vector_store %arg7[%parallel_loop3A_636, %parallel_loop3A_637, %parallel_loop3A_638], %parallel_loop3A_641 {strides = array<i32>} : memref<3x24x768xf32, #tpu.memory_space<vmem>>, vector<1x1x16xf32>,
          %parallel_loop3A_642 = arith.index_cast %rem3A_147 : i32 to index
          %parallel_loop3A_643 = arith.index_cast %parallel_loop3A_193 : i32 to index
          %parallel_loop3A_644 = arith.constant 448 : index
          %parallel_loop3A_645 = tpu.vector_load %arg6[%parallel_loop3A_642, %parallel_loop3A_643, %parallel_loop3A_644] {strides = array<i32>} : memref<3x24x768xf32, #tpu.memory_space<vmem>>, vector<1x1x16xf32>,
          %parallel_loop3A_646 = vector.shape_cast %parallel_loop3A_645 : vector<1x1x16xf32> to vector<16xf32>
          %parallel_loop3A_647 = arith.index_cast %parallel_loop3A_193 : i32 to index
          %parallel_loop3A_648 = arith.constant 448 : index
          %parallel_loop3A_649 = tpu.vector_load %arg5[%parallel_loop3A_647, %parallel_loop3A_648] {strides = array<i32>} : memref<24x768xf32, #tpu.memory_space<vmem>>, vector<1x16xf32>,
          %parallel_loop3A_650 = vector.shape_cast %parallel_loop3A_649 : vector<1x16xf32> to vector<16xf32>
          %parallel_loop3A_651 = arith.addf %parallel_loop3A_646, %parallel_loop3A_650 : vector<16xf32>
          %parallel_loop3A_652 = arith.index_cast %rem3A_147 : i32 to index
          %parallel_loop3A_653 = arith.index_cast %parallel_loop3A_193 : i32 to index
          %parallel_loop3A_654 = arith.constant 448 : index
          %parallel_loop3A_655 = tpu.vector_load %arg7[%parallel_loop3A_652, %parallel_loop3A_653, %parallel_loop3A_654] {strides = array<i32>} : memref<3x24x768xf32, #tpu.memory_space<vmem>>, vector<1x1x16xf32>,
          %parallel_loop3A_656 = vector.shape_cast %parallel_loop3A_655 : vector<1x1x16xf32> to vector<16xf32>
          %parallel_loop3A_657 = vector.shape_cast %parallel_loop3A_651 : vector<16xf32> to vector<1x1x16xf32>
          tpu.vector_store %arg7[%parallel_loop3A_652, %parallel_loop3A_653, %parallel_loop3A_654], %parallel_loop3A_657 {strides = array<i32>} : memref<3x24x768xf32, #tpu.memory_space<vmem>>, vector<1x1x16xf32>,
          %parallel_loop3A_658 = arith.index_cast %rem3A_147 : i32 to index
          %parallel_loop3A_659 = arith.index_cast %parallel_loop3A_193 : i32 to index
          %parallel_loop3A_660 = arith.constant 464 : index
          %parallel_loop3A_661 = tpu.vector_load %arg6[%parallel_loop3A_658, %parallel_loop3A_659, %parallel_loop3A_660] {strides = array<i32>} : memref<3x24x768xf32, #tpu.memory_space<vmem>>, vector<1x1x16xf32>,
          %parallel_loop3A_662 = vector.shape_cast %parallel_loop3A_661 : vector<1x1x16xf32> to vector<16xf32>
          %parallel_loop3A_663 = arith.index_cast %parallel_loop3A_193 : i32 to index
          %parallel_loop3A_664 = arith.constant 464 : index
          %parallel_loop3A_665 = tpu.vector_load %arg5[%parallel_loop3A_663, %parallel_loop3A_664] {strides = array<i32>} : memref<24x768xf32, #tpu.memory_space<vmem>>, vector<1x16xf32>,
          %parallel_loop3A_666 = vector.shape_cast %parallel_loop3A_665 : vector<1x16xf32> to vector<16xf32>
          %parallel_loop3A_667 = arith.addf %parallel_loop3A_662, %parallel_loop3A_666 : vector<16xf32>
          %parallel_loop3A_668 = arith.index_cast %rem3A_147 : i32 to index
          %parallel_loop3A_669 = arith.index_cast %parallel_loop3A_193 : i32 to index
          %parallel_loop3A_670 = arith.constant 464 : index
          %parallel_loop3A_671 = tpu.vector_load %arg7[%parallel_loop3A_668, %parallel_loop3A_669, %parallel_loop3A_670] {strides = array<i32>} : memref<3x24x768xf32, #tpu.memory_space<vmem>>, vector<1x1x16xf32>,
          %parallel_loop3A_672 = vector.shape_cast %parallel_loop3A_671 : vector<1x1x16xf32> to vector<16xf32>
          %parallel_loop3A_673 = vector.shape_cast %parallel_loop3A_667 : vector<16xf32> to vector<1x1x16xf32>
          tpu.vector_store %arg7[%parallel_loop3A_668, %parallel_loop3A_669, %parallel_loop3A_670], %parallel_loop3A_673 {strides = array<i32>} : memref<3x24x768xf32, #tpu.memory_space<vmem>>, vector<1x1x16xf32>,
          %parallel_loop3A_674 = arith.index_cast %rem3A_147 : i32 to index
          %parallel_loop3A_675 = arith.index_cast %parallel_loop3A_193 : i32 to index
          %parallel_loop3A_676 = arith.constant 480 : index
          %parallel_loop3A_677 = tpu.vector_load %arg6[%parallel_loop3A_674, %parallel_loop3A_675, %parallel_loop3A_676] {strides = array<i32>} : memref<3x24x768xf32, #tpu.memory_space<vmem>>, vector<1x1x16xf32>,
          %parallel_loop3A_678 = vector.shape_cast %parallel_loop3A_677 : vector<1x1x16xf32> to vector<16xf32>
          %parallel_loop3A_679 = arith.index_cast %parallel_loop3A_193 : i32 to index
          %parallel_loop3A_680 = arith.constant 480 : index
          %parallel_loop3A_681 = tpu.vector_load %arg5[%parallel_loop3A_679, %parallel_loop3A_680] {strides = array<i32>} : memref<24x768xf32, #tpu.memory_space<vmem>>, vector<1x16xf32>,
          %parallel_loop3A_682 = vector.shape_cast %parallel_loop3A_681 : vector<1x16xf32> to vector<16xf32>
          %parallel_loop3A_683 = arith.addf %parallel_loop3A_678, %parallel_loop3A_682 : vector<16xf32>
          %parallel_loop3A_684 = arith.index_cast %rem3A_147 : i32 to index
          %parallel_loop3A_685 = arith.index_cast %parallel_loop3A_193 : i32 to index
          %parallel_loop3A_686 = arith.constant 480 : index
          %parallel_loop3A_687 = tpu.vector_load %arg7[%parallel_loop3A_684, %parallel_loop3A_685, %parallel_loop3A_686] {strides = array<i32>} : memref<3x24x768xf32, #tpu.memory_space<vmem>>, vector<1x1x16xf32>,
          %parallel_loop3A_688 = vector.shape_cast %parallel_loop3A_687 : vector<1x1x16xf32> to vector<16xf32>
          %parallel_loop3A_689 = vector.shape_cast %parallel_loop3A_683 : vector<16xf32> to vector<1x1x16xf32>
          tpu.vector_store %arg7[%parallel_loop3A_684, %parallel_loop3A_685, %parallel_loop3A_686], %parallel_loop3A_689 {strides = array<i32>} : memref<3x24x768xf32, #tpu.memory_space<vmem>>, vector<1x1x16xf32>,
          %parallel_loop3A_690 = arith.index_cast %rem3A_147 : i32 to index
          %parallel_loop3A_691 = arith.index_cast %parallel_loop3A_193 : i32 to index
          %parallel_loop3A_692 = arith.constant 496 : index
          %parallel_loop3A_693 = tpu.vector_load %arg6[%parallel_loop3A_690, %parallel_loop3A_691, %parallel_loop3A_692] {strides = array<i32>} : memref<3x24x768xf32, #tpu.memory_space<vmem>>, vector<1x1x16xf32>,
          %parallel_loop3A_694 = vector.shape_cast %parallel_loop3A_693 : vector<1x1x16xf32> to vector<16xf32>
          %parallel_loop3A_695 = arith.index_cast %parallel_loop3A_193 : i32 to index
          %parallel_loop3A_696 = arith.constant 496 : index
          %parallel_loop3A_697 = tpu.vector_load %arg5[%parallel_loop3A_695, %parallel_loop3A_696] {strides = array<i32>} : memref<24x768xf32, #tpu.memory_space<vmem>>, vector<1x16xf32>,
          %parallel_loop3A_698 = vector.shape_cast %parallel_loop3A_697 : vector<1x16xf32> to vector<16xf32>
          %parallel_loop3A_699 = arith.addf %parallel_loop3A_694, %parallel_loop3A_698 : vector<16xf32>
          %parallel_loop3A_700 = arith.index_cast %rem3A_147 : i32 to index
          %parallel_loop3A_701 = arith.index_cast %parallel_loop3A_193 : i32 to index
          %parallel_loop3A_702 = arith.constant 496 : index
          %parallel_loop3A_703 = tpu.vector_load %arg7[%parallel_loop3A_700, %parallel_loop3A_701, %parallel_loop3A_702] {strides = array<i32>} : memref<3x24x768xf32, #tpu.memory_space<vmem>>, vector<1x1x16xf32>,
          %parallel_loop3A_704 = vector.shape_cast %parallel_loop3A_703 : vector<1x1x16xf32> to vector<16xf32>
          %parallel_loop3A_705 = vector.shape_cast %parallel_loop3A_699 : vector<16xf32> to vector<1x1x16xf32>
          tpu.vector_store %arg7[%parallel_loop3A_700, %parallel_loop3A_701, %parallel_loop3A_702], %parallel_loop3A_705 {strides = array<i32>} : memref<3x24x768xf32, #tpu.memory_space<vmem>>, vector<1x1x16xf32>,
          %parallel_loop3A_706 = arith.index_cast %rem3A_147 : i32 to index
          %parallel_loop3A_707 = arith.index_cast %parallel_loop3A_193 : i32 to index
          %parallel_loop3A_708 = arith.constant 512 : index
          %parallel_loop3A_709 = tpu.vector_load %arg6[%parallel_loop3A_706, %parallel_loop3A_707, %parallel_loop3A_708] {strides = array<i32>} : memref<3x24x768xf32, #tpu.memory_space<vmem>>, vector<1x1x16xf32>,
          %parallel_loop3A_710 = vector.shape_cast %parallel_loop3A_709 : vector<1x1x16xf32> to vector<16xf32>
          %parallel_loop3A_711 = arith.index_cast %parallel_loop3A_193 : i32 to index
          %parallel_loop3A_712 = arith.constant 512 : index
          %parallel_loop3A_713 = tpu.vector_load %arg5[%parallel_loop3A_711, %parallel_loop3A_712] {strides = array<i32>} : memref<24x768xf32, #tpu.memory_space<vmem>>, vector<1x16xf32>,
          %parallel_loop3A_714 = vector.shape_cast %parallel_loop3A_713 : vector<1x16xf32> to vector<16xf32>
          %parallel_loop3A_715 = arith.addf %parallel_loop3A_710, %parallel_loop3A_714 : vector<16xf32>
          %parallel_loop3A_716 = arith.index_cast %rem3A_147 : i32 to index
          %parallel_loop3A_717 = arith.index_cast %parallel_loop3A_193 : i32 to index
          %parallel_loop3A_718 = arith.constant 512 : index
          %parallel_loop3A_719 = tpu.vector_load %arg7[%parallel_loop3A_716, %parallel_loop3A_717, %parallel_loop3A_718] {strides = array<i32>} : memref<3x24x768xf32, #tpu.memory_space<vmem>>, vector<1x1x16xf32>,
          %parallel_loop3A_720 = vector.shape_cast %parallel_loop3A_719 : vector<1x1x16xf32> to vector<16xf32>
          %parallel_loop3A_721 = vector.shape_cast %parallel_loop3A_715 : vector<16xf32> to vector<1x1x16xf32>
          tpu.vector_store %arg7[%parallel_loop3A_716, %parallel_loop3A_717, %parallel_loop3A_718], %parallel_loop3A_721 {strides = array<i32>} : memref<3x24x768xf32, #tpu.memory_space<vmem>>, vector<1x1x16xf32>,
          %parallel_loop3A_722 = arith.index_cast %rem3A_147 : i32 to index
          %parallel_loop3A_723 = arith.index_cast %parallel_loop3A_193 : i32 to index
          %parallel_loop3A_724 = arith.constant 528 : index
          %parallel_loop3A_725 = tpu.vector_load %arg6[%parallel_loop3A_722, %parallel_loop3A_723, %parallel_loop3A_724] {strides = array<i32>} : memref<3x24x768xf32, #tpu.memory_space<vmem>>, vector<1x1x16xf32>,
          %parallel_loop3A_726 = vector.shape_cast %parallel_loop3A_725 : vector<1x1x16xf32> to vector<16xf32>
          %parallel_loop3A_727 = arith.index_cast %parallel_loop3A_193 : i32 to index
          %parallel_loop3A_728 = arith.constant 528 : index
          %parallel_loop3A_729 = tpu.vector_load %arg5[%parallel_loop3A_727, %parallel_loop3A_728] {strides = array<i32>} : memref<24x768xf32, #tpu.memory_space<vmem>>, vector<1x16xf32>,
          %parallel_loop3A_730 = vector.shape_cast %parallel_loop3A_729 : vector<1x16xf32> to vector<16xf32>
          %parallel_loop3A_731 = arith.addf %parallel_loop3A_726, %parallel_loop3A_730 : vector<16xf32>
          %parallel_loop3A_732 = arith.index_cast %rem3A_147 : i32 to index
          %parallel_loop3A_733 = arith.index_cast %parallel_loop3A_193 : i32 to index
          %parallel_loop3A_734 = arith.constant 528 : index
          %parallel_loop3A_735 = tpu.vector_load %arg7[%parallel_loop3A_732, %parallel_loop3A_733, %parallel_loop3A_734] {strides = array<i32>} : memref<3x24x768xf32, #tpu.memory_space<vmem>>, vector<1x1x16xf32>,
          %parallel_loop3A_736 = vector.shape_cast %parallel_loop3A_735 : vector<1x1x16xf32> to vector<16xf32>
          %parallel_loop3A_737 = vector.shape_cast %parallel_loop3A_731 : vector<16xf32> to vector<1x1x16xf32>
          tpu.vector_store %arg7[%parallel_loop3A_732, %parallel_loop3A_733, %parallel_loop3A_734], %parallel_loop3A_737 {strides = array<i32>} : memref<3x24x768xf32, #tpu.memory_space<vmem>>, vector<1x1x16xf32>,
          %parallel_loop3A_738 = arith.index_cast %rem3A_147 : i32 to index
          %parallel_loop3A_739 = arith.index_cast %parallel_loop3A_193 : i32 to index
          %parallel_loop3A_740 = arith.constant 544 : index
          %parallel_loop3A_741 = tpu.vector_load %arg6[%parallel_loop3A_738, %parallel_loop3A_739, %parallel_loop3A_740] {strides = array<i32>} : memref<3x24x768xf32, #tpu.memory_space<vmem>>, vector<1x1x16xf32>,
          %parallel_loop3A_742 = vector.shape_cast %parallel_loop3A_741 : vector<1x1x16xf32> to vector<16xf32>
          %parallel_loop3A_743 = arith.index_cast %parallel_loop3A_193 : i32 to index
          %parallel_loop3A_744 = arith.constant 544 : index
          %parallel_loop3A_745 = tpu.vector_load %arg5[%parallel_loop3A_743, %parallel_loop3A_744] {strides = array<i32>} : memref<24x768xf32, #tpu.memory_space<vmem>>, vector<1x16xf32>,
          %parallel_loop3A_746 = vector.shape_cast %parallel_loop3A_745 : vector<1x16xf32> to vector<16xf32>
          %parallel_loop3A_747 = arith.addf %parallel_loop3A_742, %parallel_loop3A_746 : vector<16xf32>
          %parallel_loop3A_748 = arith.index_cast %rem3A_147 : i32 to index
          %parallel_loop3A_749 = arith.index_cast %parallel_loop3A_193 : i32 to index
          %parallel_loop3A_750 = arith.constant 544 : index
          %parallel_loop3A_751 = tpu.vector_load %arg7[%parallel_loop3A_748, %parallel_loop3A_749, %parallel_loop3A_750] {strides = array<i32>} : memref<3x24x768xf32, #tpu.memory_space<vmem>>, vector<1x1x16xf32>,
          %parallel_loop3A_752 = vector.shape_cast %parallel_loop3A_751 : vector<1x1x16xf32> to vector<16xf32>
          %parallel_loop3A_753 = vector.shape_cast %parallel_loop3A_747 : vector<16xf32> to vector<1x1x16xf32>
          tpu.vector_store %arg7[%parallel_loop3A_748, %parallel_loop3A_749, %parallel_loop3A_750], %parallel_loop3A_753 {strides = array<i32>} : memref<3x24x768xf32, #tpu.memory_space<vmem>>, vector<1x1x16xf32>,
          %parallel_loop3A_754 = arith.index_cast %rem3A_147 : i32 to index
          %parallel_loop3A_755 = arith.index_cast %parallel_loop3A_193 : i32 to index
          %parallel_loop3A_756 = arith.constant 560 : index
          %parallel_loop3A_757 = tpu.vector_load %arg6[%parallel_loop3A_754, %parallel_loop3A_755, %parallel_loop3A_756] {strides = array<i32>} : memref<3x24x768xf32, #tpu.memory_space<vmem>>, vector<1x1x16xf32>,
          %parallel_loop3A_758 = vector.shape_cast %parallel_loop3A_757 : vector<1x1x16xf32> to vector<16xf32>
          %parallel_loop3A_759 = arith.index_cast %parallel_loop3A_193 : i32 to index
          %parallel_loop3A_760 = arith.constant 560 : index
          %parallel_loop3A_761 = tpu.vector_load %arg5[%parallel_loop3A_759, %parallel_loop3A_760] {strides = array<i32>} : memref<24x768xf32, #tpu.memory_space<vmem>>, vector<1x16xf32>,
          %parallel_loop3A_762 = vector.shape_cast %parallel_loop3A_761 : vector<1x16xf32> to vector<16xf32>
          %parallel_loop3A_763 = arith.addf %parallel_loop3A_758, %parallel_loop3A_762 : vector<16xf32>
          %parallel_loop3A_764 = arith.index_cast %rem3A_147 : i32 to index
          %parallel_loop3A_765 = arith.index_cast %parallel_loop3A_193 : i32 to index
          %parallel_loop3A_766 = arith.constant 560 : index
          %parallel_loop3A_767 = tpu.vector_load %arg7[%parallel_loop3A_764, %parallel_loop3A_765, %parallel_loop3A_766] {strides = array<i32>} : memref<3x24x768xf32, #tpu.memory_space<vmem>>, vector<1x1x16xf32>,
          %parallel_loop3A_768 = vector.shape_cast %parallel_loop3A_767 : vector<1x1x16xf32> to vector<16xf32>
          %parallel_loop3A_769 = vector.shape_cast %parallel_loop3A_763 : vector<16xf32> to vector<1x1x16xf32>
          tpu.vector_store %arg7[%parallel_loop3A_764, %parallel_loop3A_765, %parallel_loop3A_766], %parallel_loop3A_769 {strides = array<i32>} : memref<3x24x768xf32, #tpu.memory_space<vmem>>, vector<1x1x16xf32>,
          %parallel_loop3A_770 = arith.index_cast %rem3A_147 : i32 to index
          %parallel_loop3A_771 = arith.index_cast %parallel_loop3A_193 : i32 to index
          %parallel_loop3A_772 = arith.constant 576 : index
          %parallel_loop3A_773 = tpu.vector_load %arg6[%parallel_loop3A_770, %parallel_loop3A_771, %parallel_loop3A_772] {strides = array<i32>} : memref<3x24x768xf32, #tpu.memory_space<vmem>>, vector<1x1x16xf32>,
          %parallel_loop3A_774 = vector.shape_cast %parallel_loop3A_773 : vector<1x1x16xf32> to vector<16xf32>
          %parallel_loop3A_775 = arith.index_cast %parallel_loop3A_193 : i32 to index
          %parallel_loop3A_776 = arith.constant 576 : index
          %parallel_loop3A_777 = tpu.vector_load %arg5[%parallel_loop3A_775, %parallel_loop3A_776] {strides = array<i32>} : memref<24x768xf32, #tpu.memory_space<vmem>>, vector<1x16xf32>,
          %parallel_loop3A_778 = vector.shape_cast %parallel_loop3A_777 : vector<1x16xf32> to vector<16xf32>
          %parallel_loop3A_779 = arith.addf %parallel_loop3A_774, %parallel_loop3A_778 : vector<16xf32>
          %parallel_loop3A_780 = arith.index_cast %rem3A_147 : i32 to index
          %parallel_loop3A_781 = arith.index_cast %parallel_loop3A_193 : i32 to index
          %parallel_loop3A_782 = arith.constant 576 : index
          %parallel_loop3A_783 = tpu.vector_load %arg7[%parallel_loop3A_780, %parallel_loop3A_781, %parallel_loop3A_782] {strides = array<i32>} : memref<3x24x768xf32, #tpu.memory_space<vmem>>, vector<1x1x16xf32>,
          %parallel_loop3A_784 = vector.shape_cast %parallel_loop3A_783 : vector<1x1x16xf32> to vector<16xf32>
          %parallel_loop3A_785 = vector.shape_cast %parallel_loop3A_779 : vector<16xf32> to vector<1x1x16xf32>
          tpu.vector_store %arg7[%parallel_loop3A_780, %parallel_loop3A_781, %parallel_loop3A_782], %parallel_loop3A_785 {strides = array<i32>} : memref<3x24x768xf32, #tpu.memory_space<vmem>>, vector<1x1x16xf32>,
          %parallel_loop3A_786 = arith.index_cast %rem3A_147 : i32 to index
          %parallel_loop3A_787 = arith.index_cast %parallel_loop3A_193 : i32 to index
          %parallel_loop3A_788 = arith.constant 592 : index
          %parallel_loop3A_789 = tpu.vector_load %arg6[%parallel_loop3A_786, %parallel_loop3A_787, %parallel_loop3A_788] {strides = array<i32>} : memref<3x24x768xf32, #tpu.memory_space<vmem>>, vector<1x1x16xf32>,
          %parallel_loop3A_790 = vector.shape_cast %parallel_loop3A_789 : vector<1x1x16xf32> to vector<16xf32>
          %parallel_loop3A_791 = arith.index_cast %parallel_loop3A_193 : i32 to index
          %parallel_loop3A_792 = arith.constant 592 : index
          %parallel_loop3A_793 = tpu.vector_load %arg5[%parallel_loop3A_791, %parallel_loop3A_792] {strides = array<i32>} : memref<24x768xf32, #tpu.memory_space<vmem>>, vector<1x16xf32>,
          %parallel_loop3A_794 = vector.shape_cast %parallel_loop3A_793 : vector<1x16xf32> to vector<16xf32>
          %parallel_loop3A_795 = arith.addf %parallel_loop3A_790, %parallel_loop3A_794 : vector<16xf32>
          %parallel_loop3A_796 = arith.index_cast %rem3A_147 : i32 to index
          %parallel_loop3A_797 = arith.index_cast %parallel_loop3A_193 : i32 to index
          %parallel_loop3A_798 = arith.constant 592 : index
          %parallel_loop3A_799 = tpu.vector_load %arg7[%parallel_loop3A_796, %parallel_loop3A_797, %parallel_loop3A_798] {strides = array<i32>} : memref<3x24x768xf32, #tpu.memory_space<vmem>>, vector<1x1x16xf32>,
          %parallel_loop3A_800 = vector.shape_cast %parallel_loop3A_799 : vector<1x1x16xf32> to vector<16xf32>
          %parallel_loop3A_801 = vector.shape_cast %parallel_loop3A_795 : vector<16xf32> to vector<1x1x16xf32>
          tpu.vector_store %arg7[%parallel_loop3A_796, %parallel_loop3A_797, %parallel_loop3A_798], %parallel_loop3A_801 {strides = array<i32>} : memref<3x24x768xf32, #tpu.memory_space<vmem>>, vector<1x1x16xf32>,
          %parallel_loop3A_802 = arith.index_cast %rem3A_147 : i32 to index
          %parallel_loop3A_803 = arith.index_cast %parallel_loop3A_193 : i32 to index
          %parallel_loop3A_804 = arith.constant 608 : index
          %parallel_loop3A_805 = tpu.vector_load %arg6[%parallel_loop3A_802, %parallel_loop3A_803, %parallel_loop3A_804] {strides = array<i32>} : memref<3x24x768xf32, #tpu.memory_space<vmem>>, vector<1x1x16xf32>,
          %parallel_loop3A_806 = vector.shape_cast %parallel_loop3A_805 : vector<1x1x16xf32> to vector<16xf32>
          %parallel_loop3A_807 = arith.index_cast %parallel_loop3A_193 : i32 to index
          %parallel_loop3A_808 = arith.constant 608 : index
          %parallel_loop3A_809 = tpu.vector_load %arg5[%parallel_loop3A_807, %parallel_loop3A_808] {strides = array<i32>} : memref<24x768xf32, #tpu.memory_space<vmem>>, vector<1x16xf32>,
          %parallel_loop3A_810 = vector.shape_cast %parallel_loop3A_809 : vector<1x16xf32> to vector<16xf32>
          %parallel_loop3A_811 = arith.addf %parallel_loop3A_806, %parallel_loop3A_810 : vector<16xf32>
          %parallel_loop3A_812 = arith.index_cast %rem3A_147 : i32 to index
          %parallel_loop3A_813 = arith.index_cast %parallel_loop3A_193 : i32 to index
          %parallel_loop3A_814 = arith.constant 608 : index
          %parallel_loop3A_815 = tpu.vector_load %arg7[%parallel_loop3A_812, %parallel_loop3A_813, %parallel_loop3A_814] {strides = array<i32>} : memref<3x24x768xf32, #tpu.memory_space<vmem>>, vector<1x1x16xf32>,
          %parallel_loop3A_816 = vector.shape_cast %parallel_loop3A_815 : vector<1x1x16xf32> to vector<16xf32>
          %parallel_loop3A_817 = vector.shape_cast %parallel_loop3A_811 : vector<16xf32> to vector<1x1x16xf32>
          tpu.vector_store %arg7[%parallel_loop3A_812, %parallel_loop3A_813, %parallel_loop3A_814], %parallel_loop3A_817 {strides = array<i32>} : memref<3x24x768xf32, #tpu.memory_space<vmem>>, vector<1x1x16xf32>,
          %parallel_loop3A_818 = arith.index_cast %rem3A_147 : i32 to index
          %parallel_loop3A_819 = arith.index_cast %parallel_loop3A_193 : i32 to index
          %parallel_loop3A_820 = arith.constant 624 : index
          %parallel_loop3A_821 = tpu.vector_load %arg6[%parallel_loop3A_818, %parallel_loop3A_819, %parallel_loop3A_820] {strides = array<i32>} : memref<3x24x768xf32, #tpu.memory_space<vmem>>, vector<1x1x16xf32>,
          %parallel_loop3A_822 = vector.shape_cast %parallel_loop3A_821 : vector<1x1x16xf32> to vector<16xf32>
          %parallel_loop3A_823 = arith.index_cast %parallel_loop3A_193 : i32 to index
          %parallel_loop3A_824 = arith.constant 624 : index
          %parallel_loop3A_825 = tpu.vector_load %arg5[%parallel_loop3A_823, %parallel_loop3A_824] {strides = array<i32>} : memref<24x768xf32, #tpu.memory_space<vmem>>, vector<1x16xf32>,
          %parallel_loop3A_826 = vector.shape_cast %parallel_loop3A_825 : vector<1x16xf32> to vector<16xf32>
          %parallel_loop3A_827 = arith.addf %parallel_loop3A_822, %parallel_loop3A_826 : vector<16xf32>
          %parallel_loop3A_828 = arith.index_cast %rem3A_147 : i32 to index
          %parallel_loop3A_829 = arith.index_cast %parallel_loop3A_193 : i32 to index
          %parallel_loop3A_830 = arith.constant 624 : index
          %parallel_loop3A_831 = tpu.vector_load %arg7[%parallel_loop3A_828, %parallel_loop3A_829, %parallel_loop3A_830] {strides = array<i32>} : memref<3x24x768xf32, #tpu.memory_space<vmem>>, vector<1x1x16xf32>,
          %parallel_loop3A_832 = vector.shape_cast %parallel_loop3A_831 : vector<1x1x16xf32> to vector<16xf32>
          %parallel_loop3A_833 = vector.shape_cast %parallel_loop3A_827 : vector<16xf32> to vector<1x1x16xf32>
          tpu.vector_store %arg7[%parallel_loop3A_828, %parallel_loop3A_829, %parallel_loop3A_830], %parallel_loop3A_833 {strides = array<i32>} : memref<3x24x768xf32, #tpu.memory_space<vmem>>, vector<1x1x16xf32>,
          %parallel_loop3A_834 = arith.index_cast %rem3A_147 : i32 to index
          %parallel_loop3A_835 = arith.index_cast %parallel_loop3A_193 : i32 to index
          %parallel_loop3A_836 = arith.constant 640 : index
          %parallel_loop3A_837 = tpu.vector_load %arg6[%parallel_loop3A_834, %parallel_loop3A_835, %parallel_loop3A_836] {strides = array<i32>} : memref<3x24x768xf32, #tpu.memory_space<vmem>>, vector<1x1x16xf32>,
          %parallel_loop3A_838 = vector.shape_cast %parallel_loop3A_837 : vector<1x1x16xf32> to vector<16xf32>
          %parallel_loop3A_839 = arith.index_cast %parallel_loop3A_193 : i32 to index
          %parallel_loop3A_840 = arith.constant 640 : index
          %parallel_loop3A_841 = tpu.vector_load %arg5[%parallel_loop3A_839, %parallel_loop3A_840] {strides = array<i32>} : memref<24x768xf32, #tpu.memory_space<vmem>>, vector<1x16xf32>,
          %parallel_loop3A_842 = vector.shape_cast %parallel_loop3A_841 : vector<1x16xf32> to vector<16xf32>
          %parallel_loop3A_843 = arith.addf %parallel_loop3A_838, %parallel_loop3A_842 : vector<16xf32>
          %parallel_loop3A_844 = arith.index_cast %rem3A_147 : i32 to index
          %parallel_loop3A_845 = arith.index_cast %parallel_loop3A_193 : i32 to index
          %parallel_loop3A_846 = arith.constant 640 : index
          %parallel_loop3A_847 = tpu.vector_load %arg7[%parallel_loop3A_844, %parallel_loop3A_845, %parallel_loop3A_846] {strides = array<i32>} : memref<3x24x768xf32, #tpu.memory_space<vmem>>, vector<1x1x16xf32>,
          %parallel_loop3A_848 = vector.shape_cast %parallel_loop3A_847 : vector<1x1x16xf32> to vector<16xf32>
          %parallel_loop3A_849 = vector.shape_cast %parallel_loop3A_843 : vector<16xf32> to vector<1x1x16xf32>
          tpu.vector_store %arg7[%parallel_loop3A_844, %parallel_loop3A_845, %parallel_loop3A_846], %parallel_loop3A_849 {strides = array<i32>} : memref<3x24x768xf32, #tpu.memory_space<vmem>>, vector<1x1x16xf32>,
          %parallel_loop3A_850 = arith.index_cast %rem3A_147 : i32 to index
          %parallel_loop3A_851 = arith.index_cast %parallel_loop3A_193 : i32 to index
          %parallel_loop3A_852 = arith.constant 656 : index
          %parallel_loop3A_853 = tpu.vector_load %arg6[%parallel_loop3A_850, %parallel_loop3A_851, %parallel_loop3A_852] {strides = array<i32>} : memref<3x24x768xf32, #tpu.memory_space<vmem>>, vector<1x1x16xf32>,
          %parallel_loop3A_854 = vector.shape_cast %parallel_loop3A_853 : vector<1x1x16xf32> to vector<16xf32>
          %parallel_loop3A_855 = arith.index_cast %parallel_loop3A_193 : i32 to index
          %parallel_loop3A_856 = arith.constant 656 : index
          %parallel_loop3A_857 = tpu.vector_load %arg5[%parallel_loop3A_855, %parallel_loop3A_856] {strides = array<i32>} : memref<24x768xf32, #tpu.memory_space<vmem>>, vector<1x16xf32>,
          %parallel_loop3A_858 = vector.shape_cast %parallel_loop3A_857 : vector<1x16xf32> to vector<16xf32>
          %parallel_loop3A_859 = arith.addf %parallel_loop3A_854, %parallel_loop3A_858 : vector<16xf32>
          %parallel_loop3A_860 = arith.index_cast %rem3A_147 : i32 to index
          %parallel_loop3A_861 = arith.index_cast %parallel_loop3A_193 : i32 to index
          %parallel_loop3A_862 = arith.constant 656 : index
          %parallel_loop3A_863 = tpu.vector_load %arg7[%parallel_loop3A_860, %parallel_loop3A_861, %parallel_loop3A_862] {strides = array<i32>} : memref<3x24x768xf32, #tpu.memory_space<vmem>>, vector<1x1x16xf32>,
          %parallel_loop3A_864 = vector.shape_cast %parallel_loop3A_863 : vector<1x1x16xf32> to vector<16xf32>
          %parallel_loop3A_865 = vector.shape_cast %parallel_loop3A_859 : vector<16xf32> to vector<1x1x16xf32>
          tpu.vector_store %arg7[%parallel_loop3A_860, %parallel_loop3A_861, %parallel_loop3A_862], %parallel_loop3A_865 {strides = array<i32>} : memref<3x24x768xf32, #tpu.memory_space<vmem>>, vector<1x1x16xf32>,
          %parallel_loop3A_866 = arith.index_cast %rem3A_147 : i32 to index
          %parallel_loop3A_867 = arith.index_cast %parallel_loop3A_193 : i32 to index
          %parallel_loop3A_868 = arith.constant 672 : index
          %parallel_loop3A_869 = tpu.vector_load %arg6[%parallel_loop3A_866, %parallel_loop3A_867, %parallel_loop3A_868] {strides = array<i32>} : memref<3x24x768xf32, #tpu.memory_space<vmem>>, vector<1x1x16xf32>,
          %parallel_loop3A_870 = vector.shape_cast %parallel_loop3A_869 : vector<1x1x16xf32> to vector<16xf32>
          %parallel_loop3A_871 = arith.index_cast %parallel_loop3A_193 : i32 to index
          %parallel_loop3A_872 = arith.constant 672 : index
          %parallel_loop3A_873 = tpu.vector_load %arg5[%parallel_loop3A_871, %parallel_loop3A_872] {strides = array<i32>} : memref<24x768xf32, #tpu.memory_space<vmem>>, vector<1x16xf32>,
          %parallel_loop3A_874 = vector.shape_cast %parallel_loop3A_873 : vector<1x16xf32> to vector<16xf32>
          %parallel_loop3A_875 = arith.addf %parallel_loop3A_870, %parallel_loop3A_874 : vector<16xf32>
          %parallel_loop3A_876 = arith.index_cast %rem3A_147 : i32 to index
          %parallel_loop3A_877 = arith.index_cast %parallel_loop3A_193 : i32 to index
          %parallel_loop3A_878 = arith.constant 672 : index
          %parallel_loop3A_879 = tpu.vector_load %arg7[%parallel_loop3A_876, %parallel_loop3A_877, %parallel_loop3A_878] {strides = array<i32>} : memref<3x24x768xf32, #tpu.memory_space<vmem>>, vector<1x1x16xf32>,
          %parallel_loop3A_880 = vector.shape_cast %parallel_loop3A_879 : vector<1x1x16xf32> to vector<16xf32>
          %parallel_loop3A_881 = vector.shape_cast %parallel_loop3A_875 : vector<16xf32> to vector<1x1x16xf32>
          tpu.vector_store %arg7[%parallel_loop3A_876, %parallel_loop3A_877, %parallel_loop3A_878], %parallel_loop3A_881 {strides = array<i32>} : memref<3x24x768xf32, #tpu.memory_space<vmem>>, vector<1x1x16xf32>,
          %parallel_loop3A_882 = arith.index_cast %rem3A_147 : i32 to index
          %parallel_loop3A_883 = arith.index_cast %parallel_loop3A_193 : i32 to index
          %parallel_loop3A_884 = arith.constant 688 : index
          %parallel_loop3A_885 = tpu.vector_load %arg6[%parallel_loop3A_882, %parallel_loop3A_883, %parallel_loop3A_884] {strides = array<i32>} : memref<3x24x768xf32, #tpu.memory_space<vmem>>, vector<1x1x16xf32>,
          %parallel_loop3A_886 = vector.shape_cast %parallel_loop3A_885 : vector<1x1x16xf32> to vector<16xf32>
          %parallel_loop3A_887 = arith.index_cast %parallel_loop3A_193 : i32 to index
          %parallel_loop3A_888 = arith.constant 688 : index
          %parallel_loop3A_889 = tpu.vector_load %arg5[%parallel_loop3A_887, %parallel_loop3A_888] {strides = array<i32>} : memref<24x768xf32, #tpu.memory_space<vmem>>, vector<1x16xf32>,
          %parallel_loop3A_890 = vector.shape_cast %parallel_loop3A_889 : vector<1x16xf32> to vector<16xf32>
          %parallel_loop3A_891 = arith.addf %parallel_loop3A_886, %parallel_loop3A_890 : vector<16xf32>
          %parallel_loop3A_892 = arith.index_cast %rem3A_147 : i32 to index
          %parallel_loop3A_893 = arith.index_cast %parallel_loop3A_193 : i32 to index
          %parallel_loop3A_894 = arith.constant 688 : index
          %parallel_loop3A_895 = tpu.vector_load %arg7[%parallel_loop3A_892, %parallel_loop3A_893, %parallel_loop3A_894] {strides = array<i32>} : memref<3x24x768xf32, #tpu.memory_space<vmem>>, vector<1x1x16xf32>,
          %parallel_loop3A_896 = vector.shape_cast %parallel_loop3A_895 : vector<1x1x16xf32> to vector<16xf32>
          %parallel_loop3A_897 = vector.shape_cast %parallel_loop3A_891 : vector<16xf32> to vector<1x1x16xf32>
          tpu.vector_store %arg7[%parallel_loop3A_892, %parallel_loop3A_893, %parallel_loop3A_894], %parallel_loop3A_897 {strides = array<i32>} : memref<3x24x768xf32, #tpu.memory_space<vmem>>, vector<1x1x16xf32>,
          %parallel_loop3A_898 = arith.index_cast %rem3A_147 : i32 to index
          %parallel_loop3A_899 = arith.index_cast %parallel_loop3A_193 : i32 to index
          %parallel_loop3A_900 = arith.constant 704 : index
          %parallel_loop3A_901 = tpu.vector_load %arg6[%parallel_loop3A_898, %parallel_loop3A_899, %parallel_loop3A_900] {strides = array<i32>} : memref<3x24x768xf32, #tpu.memory_space<vmem>>, vector<1x1x16xf32>,
          %parallel_loop3A_902 = vector.shape_cast %parallel_loop3A_901 : vector<1x1x16xf32> to vector<16xf32>
          %parallel_loop3A_903 = arith.index_cast %parallel_loop3A_193 : i32 to index
          %parallel_loop3A_904 = arith.constant 704 : index
          %parallel_loop3A_905 = tpu.vector_load %arg5[%parallel_loop3A_903, %parallel_loop3A_904] {strides = array<i32>} : memref<24x768xf32, #tpu.memory_space<vmem>>, vector<1x16xf32>,
          %parallel_loop3A_906 = vector.shape_cast %parallel_loop3A_905 : vector<1x16xf32> to vector<16xf32>
          %parallel_loop3A_907 = arith.addf %parallel_loop3A_902, %parallel_loop3A_906 : vector<16xf32>
          %parallel_loop3A_908 = arith.index_cast %rem3A_147 : i32 to index
          %parallel_loop3A_909 = arith.index_cast %parallel_loop3A_193 : i32 to index
          %parallel_loop3A_910 = arith.constant 704 : index
          %parallel_loop3A_911 = tpu.vector_load %arg7[%parallel_loop3A_908, %parallel_loop3A_909, %parallel_loop3A_910] {strides = array<i32>} : memref<3x24x768xf32, #tpu.memory_space<vmem>>, vector<1x1x16xf32>,
          %parallel_loop3A_912 = vector.shape_cast %parallel_loop3A_911 : vector<1x1x16xf32> to vector<16xf32>
          %parallel_loop3A_913 = vector.shape_cast %parallel_loop3A_907 : vector<16xf32> to vector<1x1x16xf32>
          tpu.vector_store %arg7[%parallel_loop3A_908, %parallel_loop3A_909, %parallel_loop3A_910], %parallel_loop3A_913 {strides = array<i32>} : memref<3x24x768xf32, #tpu.memory_space<vmem>>, vector<1x1x16xf32>,
          %parallel_loop3A_914 = arith.index_cast %rem3A_147 : i32 to index
          %parallel_loop3A_915 = arith.index_cast %parallel_loop3A_193 : i32 to index
          %parallel_loop3A_916 = arith.constant 720 : index
          %parallel_loop3A_917 = tpu.vector_load %arg6[%parallel_loop3A_914, %parallel_loop3A_915, %parallel_loop3A_916] {strides = array<i32>} : memref<3x24x768xf32, #tpu.memory_space<vmem>>, vector<1x1x16xf32>,
          %parallel_loop3A_918 = vector.shape_cast %parallel_loop3A_917 : vector<1x1x16xf32> to vector<16xf32>
          %parallel_loop3A_919 = arith.index_cast %parallel_loop3A_193 : i32 to index
          %parallel_loop3A_920 = arith.constant 720 : index
          %parallel_loop3A_921 = tpu.vector_load %arg5[%parallel_loop3A_919, %parallel_loop3A_920] {strides = array<i32>} : memref<24x768xf32, #tpu.memory_space<vmem>>, vector<1x16xf32>,
          %parallel_loop3A_922 = vector.shape_cast %parallel_loop3A_921 : vector<1x16xf32> to vector<16xf32>
          %parallel_loop3A_923 = arith.addf %parallel_loop3A_918, %parallel_loop3A_922 : vector<16xf32>
          %parallel_loop3A_924 = arith.index_cast %rem3A_147 : i32 to index
          %parallel_loop3A_925 = arith.index_cast %parallel_loop3A_193 : i32 to index
          %parallel_loop3A_926 = arith.constant 720 : index
          %parallel_loop3A_927 = tpu.vector_load %arg7[%parallel_loop3A_924, %parallel_loop3A_925, %parallel_loop3A_926] {strides = array<i32>} : memref<3x24x768xf32, #tpu.memory_space<vmem>>, vector<1x1x16xf32>,
          %parallel_loop3A_928 = vector.shape_cast %parallel_loop3A_927 : vector<1x1x16xf32> to vector<16xf32>
          %parallel_loop3A_929 = vector.shape_cast %parallel_loop3A_923 : vector<16xf32> to vector<1x1x16xf32>
          tpu.vector_store %arg7[%parallel_loop3A_924, %parallel_loop3A_925, %parallel_loop3A_926], %parallel_loop3A_929 {strides = array<i32>} : memref<3x24x768xf32, #tpu.memory_space<vmem>>, vector<1x1x16xf32>,
          %parallel_loop3A_930 = arith.index_cast %rem3A_147 : i32 to index
          %parallel_loop3A_931 = arith.index_cast %parallel_loop3A_193 : i32 to index
          %parallel_loop3A_932 = arith.constant 736 : index
          %parallel_loop3A_933 = tpu.vector_load %arg6[%parallel_loop3A_930, %parallel_loop3A_931, %parallel_loop3A_932] {strides = array<i32>} : memref<3x24x768xf32, #tpu.memory_space<vmem>>, vector<1x1x16xf32>,
          %parallel_loop3A_934 = vector.shape_cast %parallel_loop3A_933 : vector<1x1x16xf32> to vector<16xf32>
          %parallel_loop3A_935 = arith.index_cast %parallel_loop3A_193 : i32 to index
          %parallel_loop3A_936 = arith.constant 736 : index
          %parallel_loop3A_937 = tpu.vector_load %arg5[%parallel_loop3A_935, %parallel_loop3A_936] {strides = array<i32>} : memref<24x768xf32, #tpu.memory_space<vmem>>, vector<1x16xf32>,
          %parallel_loop3A_938 = vector.shape_cast %parallel_loop3A_937 : vector<1x16xf32> to vector<16xf32>
          %parallel_loop3A_939 = arith.addf %parallel_loop3A_934, %parallel_loop3A_938 : vector<16xf32>
          %parallel_loop3A_940 = arith.index_cast %rem3A_147 : i32 to index
          %parallel_loop3A_941 = arith.index_cast %parallel_loop3A_193 : i32 to index
          %parallel_loop3A_942 = arith.constant 736 : index
          %parallel_loop3A_943 = tpu.vector_load %arg7[%parallel_loop3A_940, %parallel_loop3A_941, %parallel_loop3A_942] {strides = array<i32>} : memref<3x24x768xf32, #tpu.memory_space<vmem>>, vector<1x1x16xf32>,
          %parallel_loop3A_944 = vector.shape_cast %parallel_loop3A_943 : vector<1x1x16xf32> to vector<16xf32>
          %parallel_loop3A_945 = vector.shape_cast %parallel_loop3A_939 : vector<16xf32> to vector<1x1x16xf32>
          tpu.vector_store %arg7[%parallel_loop3A_940, %parallel_loop3A_941, %parallel_loop3A_942], %parallel_loop3A_945 {strides = array<i32>} : memref<3x24x768xf32, #tpu.memory_space<vmem>>, vector<1x1x16xf32>,
          %parallel_loop3A_946 = arith.index_cast %rem3A_147 : i32 to index
          %parallel_loop3A_947 = arith.index_cast %parallel_loop3A_193 : i32 to index
          %parallel_loop3A_948 = arith.constant 752 : index
          %parallel_loop3A_949 = tpu.vector_load %arg6[%parallel_loop3A_946, %parallel_loop3A_947, %parallel_loop3A_948] {strides = array<i32>} : memref<3x24x768xf32, #tpu.memory_space<vmem>>, vector<1x1x16xf32>,
          %parallel_loop3A_950 = vector.shape_cast %parallel_loop3A_949 : vector<1x1x16xf32> to vector<16xf32>
          %parallel_loop3A_951 = arith.index_cast %parallel_loop3A_193 : i32 to index
          %parallel_loop3A_952 = arith.constant 752 : index
          %parallel_loop3A_953 = tpu.vector_load %arg5[%parallel_loop3A_951, %parallel_loop3A_952] {strides = array<i32>} : memref<24x768xf32, #tpu.memory_space<vmem>>, vector<1x16xf32>,
          %parallel_loop3A_954 = vector.shape_cast %parallel_loop3A_953 : vector<1x16xf32> to vector<16xf32>
          %parallel_loop3A_955 = arith.addf %parallel_loop3A_950, %parallel_loop3A_954 : vector<16xf32>
          %parallel_loop3A_956 = arith.index_cast %rem3A_147 : i32 to index
          %parallel_loop3A_957 = arith.index_cast %parallel_loop3A_193 : i32 to index
          %parallel_loop3A_958 = arith.constant 752 : index
          %parallel_loop3A_959 = tpu.vector_load %arg7[%parallel_loop3A_956, %parallel_loop3A_957, %parallel_loop3A_958] {strides = array<i32>} : memref<3x24x768xf32, #tpu.memory_space<vmem>>, vector<1x1x16xf32>,
          %parallel_loop3A_960 = vector.shape_cast %parallel_loop3A_959 : vector<1x1x16xf32> to vector<16xf32>
          %parallel_loop3A_961 = vector.shape_cast %parallel_loop3A_955 : vector<16xf32> to vector<1x1x16xf32>
          tpu.vector_store %arg7[%parallel_loop3A_956, %parallel_loop3A_957, %parallel_loop3A_958], %parallel_loop3A_961 {strides = array<i32>} : memref<3x24x768xf32, #tpu.memory_space<vmem>>, vector<1x1x16xf32>,
        } {sc.loop_unroll_factor = 2 : i64, sc.parallel_access}
        %dma_start3A_170 = arith.constant 0 : i32
        %dma_start3A_171 = arith.constant 0 : i32
        %dma_start3A_172 = tpu.memref_slice %arg7[%rem3A_147, %dma_start3A_170, %dma_start3A_171] : memref<3x24x768xf32, #tpu.memory_space<vmem>> -> memref<1x24x768xf32, #tpu.memory_space<vmem>>
        %dma_start3A_173 = tpu.memref_squeeze %dma_start3A_172 : memref<1x24x768xf32, #tpu.memory_space<vmem>> -> memref<24x768xf32, #tpu.memory_space<vmem>>
        %dma_start3A_174 = arith.constant 0 : i32
        %dma_start3A_175 = tpu.memref_slice %arg4[%scan3A_146, %multiple_of3A, %dma_start3A_174] : memref<16x575x768xf32, #tpu.memory_space<hbm>> -> memref<1x24x768xf32, #tpu.memory_space<hbm>>
        %dma_start3A_176 = tpu.memref_squeeze %dma_start3A_175 : memref<1x24x768xf32, #tpu.memory_space<hbm>> -> memref<24x768xf32, #tpu.memory_space<hbm>>
        %dma_start3A_177 = tpu.memref_slice %arg11[%rem3A_147] : memref<3x!tpu.dma_semaphore, #tpu.memory_space<semaphore_mem>> -> memref<1x!tpu.dma_semaphore, #tpu.memory_space<semaphore_mem>>
        %dma_start3A_178 = tpu.memref_squeeze %dma_start3A_177 : memref<1x!tpu.dma_semaphore, #tpu.memory_space<semaphore_mem>> -> memref<!tpu.dma_semaphore, #tpu.memory_space<semaphore_mem>>
        %dma_start3A_179 = arith.constant 0 : i32
        %dma_start3A_180 = tpu.memref_slice %arg4[%scan3A_146, %multiple_of3A, %dma_start3A_179] : memref<16x575x768xf32, #tpu.memory_space<hbm>> -> memref<1x24x768xf32, #tpu.memory_space<hbm>>
        %dma_start3A_181 = tpu.memref_squeeze %dma_start3A_180 : memref<1x24x768xf32, #tpu.memory_space<hbm>> -> memref<24x768xf32, #tpu.memory_space<hbm>>
        %dma_start3A_182 = arith.constant 0 : i32
        %dma_start3A_183 = arith.constant 0 : i32
        %dma_start3A_184 = tpu.memref_slice %arg7[%rem3A_147, %dma_start3A_182, %dma_start3A_183] : memref<3x24x768xf32, #tpu.memory_space<vmem>> -> memref<1x24x768xf32, #tpu.memory_space<vmem>>
        %dma_start3A_185 = tpu.memref_squeeze %dma_start3A_184 : memref<1x24x768xf32, #tpu.memory_space<vmem>> -> memref<24x768xf32, #tpu.memory_space<vmem>>
        tpu.enqueue_dma source(%dma_start3A_185 : memref<24x768xf32, #tpu.memory_space<vmem>>) target(%dma_start3A_181 : memref<24x768xf32, #tpu.memory_space<hbm>>) target_semaphore(%dma_start3A_178 : memref<!tpu.dma_semaphore, #tpu.memory_space<semaphore_mem>>)
        %add3A_186 = arith.constant 3 : i32
        %add3A_187 = arith.addi %scan3A_146, %add3A_186 : i32
        %lt3A_188 = arith.constant 16 : i32
        %lt3A_189 = arith.cmpi slt, %add3A_187, %lt3A_188 : i32
        %convert_element_type3A_190 = arith.extui %lt3A_189 : i1 to i32
        %cond3A_191 = arith.constant 0 : i32
        %cond3A_192 = arith.cmpi ne, %convert_element_type3A_190, %cond3A_191 : i32
        scf.if %cond3A_192 {
          %add3A_193 = arith.constant 3 : i32
          %add3A_194 = arith.addi %scan3A_146, %add3A_193 : i32
          %dma_start3A_195 = arith.constant 0 : i32
          %dma_start3A_196 = arith.constant 0 : i32
          %dma_start3A_197 = tpu.memref_slice %arg6[%rem3A_147, %dma_start3A_195, %dma_start3A_196] : memref<3x24x768xf32, #tpu.memory_space<vmem>> -> memref<1x24x768xf32, #tpu.memory_space<vmem>>
          %dma_start3A_198 = tpu.memref_squeeze %dma_start3A_197 : memref<1x24x768xf32, #tpu.memory_space<vmem>> -> memref<24x768xf32, #tpu.memory_space<vmem>>
          %dma_start3A_199 = arith.constant 0 : i32
          %dma_start3A_200 = tpu.memref_slice %arg2[%add3A_194, %multiple_of3A, %dma_start3A_199] : memref<64x575x768xf32, #tpu.memory_space<hbm>> -> memref<1x24x768xf32, #tpu.memory_space<hbm>>
          %dma_start3A_201 = tpu.memref_squeeze %dma_start3A_200 : memref<1x24x768xf32, #tpu.memory_space<hbm>> -> memref<24x768xf32, #tpu.memory_space<hbm>>
          %dma_start3A_202 = tpu.memref_slice %arg10[%rem3A_147] : memref<3x!tpu.dma_semaphore, #tpu.memory_space<semaphore_mem>> -> memref<1x!tpu.dma_semaphore, #tpu.memory_space<semaphore_mem>>
          %dma_start3A_203 = tpu.memref_squeeze %dma_start3A_202 : memref<1x!tpu.dma_semaphore, #tpu.memory_space<semaphore_mem>> -> memref<!tpu.dma_semaphore, #tpu.memory_space<semaphore_mem>>
          %dma_start3A_204 = arith.constant 0 : i32
          %dma_start3A_205 = arith.constant 0 : i32
          %dma_start3A_206 = tpu.memref_slice %arg6[%rem3A_147, %dma_start3A_204, %dma_start3A_205] : memref<3x24x768xf32, #tpu.memory_space<vmem>> -> memref<1x24x768xf32, #tpu.memory_space<vmem>>
          %dma_start3A_207 = tpu.memref_squeeze %dma_start3A_206 : memref<1x24x768xf32, #tpu.memory_space<vmem>> -> memref<24x768xf32, #tpu.memory_space<vmem>>
          %dma_start3A_208 = arith.constant 0 : i32
          %dma_start3A_209 = tpu.memref_slice %arg2[%add3A_194, %multiple_of3A, %dma_start3A_208] : memref<64x575x768xf32, #tpu.memory_space<hbm>> -> memref<1x24x768xf32, #tpu.memory_space<hbm>>
          %dma_start3A_210 = tpu.memref_squeeze %dma_start3A_209 : memref<1x24x768xf32, #tpu.memory_space<hbm>> -> memref<24x768xf32, #tpu.memory_space<hbm>>
          tpu.enqueue_dma source(%dma_start3A_210 : memref<24x768xf32, #tpu.memory_space<hbm>>) target(%dma_start3A_207 : memref<24x768xf32, #tpu.memory_space<vmem>>) target_semaphore(%dma_start3A_203 : memref<!tpu.dma_semaphore, #tpu.memory_space<semaphore_mem>>)
        } else {
        }
      }
      %scan3A_88 = arith.constant 16 : i32
      %dma_wait3A_89 = arith.constant 1 : i32
      %dma_wait3A_90 = arith.constant 13 : i32
      %dma_wait3A_91 = arith.constant 1 : i32
      %dma_wait3A_92 = arith.constant 0 : i32
      %dma_wait3A_93 = arith.constant 0 : i32
      %dma_wait3A_94 = tpu.memref_slice %arg7[%dma_wait3A_89, %dma_wait3A_92, %dma_wait3A_93] : memref<3x24x768xf32, #tpu.memory_space<vmem>> -> memref<1x24x768xf32, #tpu.memory_space<vmem>>
      %dma_wait3A_95 = tpu.memref_squeeze %dma_wait3A_94 : memref<1x24x768xf32, #tpu.memory_space<vmem>> -> memref<24x768xf32, #tpu.memory_space<vmem>>
      %dma_wait3A_96 = arith.constant 0 : i32
      %dma_wait3A_97 = tpu.memref_slice %arg4[%dma_wait3A_90, %multiple_of3A, %dma_wait3A_96] : memref<16x575x768xf32, #tpu.memory_space<hbm>> -> memref<1x24x768xf32, #tpu.memory_space<hbm>>
      %dma_wait3A_98 = tpu.memref_squeeze %dma_wait3A_97 : memref<1x24x768xf32, #tpu.memory_space<hbm>> -> memref<24x768xf32, #tpu.memory_space<hbm>>
      %dma_wait3A_99 = tpu.memref_slice %arg11[%dma_wait3A_91] : memref<3x!tpu.dma_semaphore, #tpu.memory_space<semaphore_mem>> -> memref<1x!tpu.dma_semaphore, #tpu.memory_space<semaphore_mem>>
      %dma_wait3A_100 = tpu.memref_squeeze %dma_wait3A_99 : memref<1x!tpu.dma_semaphore, #tpu.memory_space<semaphore_mem>> -> memref<!tpu.dma_semaphore, #tpu.memory_space<semaphore_mem>>
      %dma_wait3A_101 = arith.constant 0 : i32
      %dma_wait3A_102 = tpu.memref_slice %arg4[%dma_wait3A_90, %multiple_of3A, %dma_wait3A_101] : memref<16x575x768xf32, #tpu.memory_space<hbm>> -> memref<1x24x768xf32, #tpu.memory_space<hbm>>
      %dma_wait3A_103 = tpu.memref_squeeze %dma_wait3A_102 : memref<1x24x768xf32, #tpu.memory_space<hbm>> -> memref<24x768xf32, #tpu.memory_space<hbm>>
      %dma_wait3A_104 = arith.constant 0 : i32
      %dma_wait3A_105 = arith.constant 0 : i32
      %dma_wait3A_106 = tpu.memref_slice %arg7[%dma_wait3A_89, %dma_wait3A_104, %dma_wait3A_105] : memref<3x24x768xf32, #tpu.memory_space<vmem>> -> memref<1x24x768xf32, #tpu.memory_space<vmem>>
      %dma_wait3A_107 = tpu.memref_squeeze %dma_wait3A_106 : memref<1x24x768xf32, #tpu.memory_space<vmem>> -> memref<24x768xf32, #tpu.memory_space<vmem>>
      tpu.wait_dma2 semaphore(%dma_wait3A_100 : memref<!tpu.dma_semaphore, #tpu.memory_space<semaphore_mem>>) src(%dma_wait3A_107 : memref<24x768xf32, #tpu.memory_space<vmem>>) dst(%dma_wait3A_103 : memref<24x768xf32, #tpu.memory_space<hbm>>)
      %dma_wait3A_108 = arith.constant 2 : i32
      %dma_wait3A_109 = arith.constant 14 : i32
      %dma_wait3A_110 = arith.constant 2 : i32
      %dma_wait3A_111 = arith.constant 0 : i32
      %dma_wait3A_112 = arith.constant 0 : i32
      %dma_wait3A_113 = tpu.memref_slice %arg7[%dma_wait3A_108, %dma_wait3A_111, %dma_wait3A_112] : memref<3x24x768xf32, #tpu.memory_space<vmem>> -> memref<1x24x768xf32, #tpu.memory_space<vmem>>
      %dma_wait3A_114 = tpu.memref_squeeze %dma_wait3A_113 : memref<1x24x768xf32, #tpu.memory_space<vmem>> -> memref<24x768xf32, #tpu.memory_space<vmem>>
      %dma_wait3A_115 = arith.constant 0 : i32
      %dma_wait3A_116 = tpu.memref_slice %arg4[%dma_wait3A_109, %multiple_of3A, %dma_wait3A_115] : memref<16x575x768xf32, #tpu.memory_space<hbm>> -> memref<1x24x768xf32, #tpu.memory_space<hbm>>
      %dma_wait3A_117 = tpu.memref_squeeze %dma_wait3A_116 : memref<1x24x768xf32, #tpu.memory_space<hbm>> -> memref<24x768xf32, #tpu.memory_space<hbm>>
      %dma_wait3A_118 = tpu.memref_slice %arg11[%dma_wait3A_110] : memref<3x!tpu.dma_semaphore, #tpu.memory_space<semaphore_mem>> -> memref<1x!tpu.dma_semaphore, #tpu.memory_space<semaphore_mem>>
      %dma_wait3A_119 = tpu.memref_squeeze %dma_wait3A_118 : memref<1x!tpu.dma_semaphore, #tpu.memory_space<semaphore_mem>> -> memref<!tpu.dma_semaphore, #tpu.memory_space<semaphore_mem>>
      %dma_wait3A_120 = arith.constant 0 : i32
      %dma_wait3A_121 = tpu.memref_slice %arg4[%dma_wait3A_109, %multiple_of3A, %dma_wait3A_120] : memref<16x575x768xf32, #tpu.memory_space<hbm>> -> memref<1x24x768xf32, #tpu.memory_space<hbm>>
      %dma_wait3A_122 = tpu.memref_squeeze %dma_wait3A_121 : memref<1x24x768xf32, #tpu.memory_space<hbm>> -> memref<24x768xf32, #tpu.memory_space<hbm>>
      %dma_wait3A_123 = arith.constant 0 : i32
      %dma_wait3A_124 = arith.constant 0 : i32
      %dma_wait3A_125 = tpu.memref_slice %arg7[%dma_wait3A_108, %dma_wait3A_123, %dma_wait3A_124] : memref<3x24x768xf32, #tpu.memory_space<vmem>> -> memref<1x24x768xf32, #tpu.memory_space<vmem>>
      %dma_wait3A_126 = tpu.memref_squeeze %dma_wait3A_125 : memref<1x24x768xf32, #tpu.memory_space<vmem>> -> memref<24x768xf32, #tpu.memory_space<vmem>>
      tpu.wait_dma2 semaphore(%dma_wait3A_119 : memref<!tpu.dma_semaphore, #tpu.memory_space<semaphore_mem>>) src(%dma_wait3A_126 : memref<24x768xf32, #tpu.memory_space<vmem>>) dst(%dma_wait3A_122 : memref<24x768xf32, #tpu.memory_space<hbm>>)
      %dma_wait3A_127 = arith.constant 0 : i32
      %dma_wait3A_128 = arith.constant 15 : i32
      %dma_wait3A_129 = arith.constant 0 : i32
      %dma_wait3A_130 = arith.constant 0 : i32
      %dma_wait3A_131 = arith.constant 0 : i32
      %dma_wait3A_132 = tpu.memref_slice %arg7[%dma_wait3A_127, %dma_wait3A_130, %dma_wait3A_131] : memref<3x24x768xf32, #tpu.memory_space<vmem>> -> memref<1x24x768xf32, #tpu.memory_space<vmem>>
      %dma_wait3A_133 = tpu.memref_squeeze %dma_wait3A_132 : memref<1x24x768xf32, #tpu.memory_space<vmem>> -> memref<24x768xf32, #tpu.memory_space<vmem>>
      %dma_wait3A_134 = arith.constant 0 : i32
      %dma_wait3A_135 = tpu.memref_slice %arg4[%dma_wait3A_128, %multiple_of3A, %dma_wait3A_134] : memref<16x575x768xf32, #tpu.memory_space<hbm>> -> memref<1x24x768xf32, #tpu.memory_space<hbm>>
      %dma_wait3A_136 = tpu.memref_squeeze %dma_wait3A_135 : memref<1x24x768xf32, #tpu.memory_space<hbm>> -> memref<24x768xf32, #tpu.memory_space<hbm>>
      %dma_wait3A_137 = tpu.memref_slice %arg11[%dma_wait3A_129] : memref<3x!tpu.dma_semaphore, #tpu.memory_space<semaphore_mem>> -> memref<1x!tpu.dma_semaphore, #tpu.memory_space<semaphore_mem>>
      %dma_wait3A_138 = tpu.memref_squeeze %dma_wait3A_137 : memref<1x!tpu.dma_semaphore, #tpu.memory_space<semaphore_mem>> -> memref<!tpu.dma_semaphore, #tpu.memory_space<semaphore_mem>>
      %dma_wait3A_139 = arith.constant 0 : i32
      %dma_wait3A_140 = tpu.memref_slice %arg4[%dma_wait3A_128, %multiple_of3A, %dma_wait3A_139] : memref<16x575x768xf32, #tpu.memory_space<hbm>> -> memref<1x24x768xf32, #tpu.memory_space<hbm>>
      %dma_wait3A_141 = tpu.memref_squeeze %dma_wait3A_140 : memref<1x24x768xf32, #tpu.memory_space<hbm>> -> memref<24x768xf32, #tpu.memory_space<hbm>>
      %dma_wait3A_142 = arith.constant 0 : i32
      %dma_wait3A_143 = arith.constant 0 : i32
      %dma_wait3A_144 = tpu.memref_slice %arg7[%dma_wait3A_127, %dma_wait3A_142, %dma_wait3A_143] : memref<3x24x768xf32, #tpu.memory_space<vmem>> -> memref<1x24x768xf32, #tpu.memory_space<vmem>>
      %dma_wait3A_145 = tpu.memref_squeeze %dma_wait3A_144 : memref<1x24x768xf32, #tpu.memory_space<vmem>> -> memref<24x768xf32, #tpu.memory_space<vmem>>
      tpu.wait_dma2 semaphore(%dma_wait3A_138 : memref<!tpu.dma_semaphore, #tpu.memory_space<semaphore_mem>>) src(%dma_wait3A_145 : memref<24x768xf32, #tpu.memory_space<vmem>>) dst(%dma_wait3A_141 : memref<24x768xf32, #tpu.memory_space<hbm>>)
    } else {
    }
    %eq3A = arith.constant 23 : i32
    %eq3A_3 = arith.cmpi eq, %add3A, %eq3A : i32
    %convert_element_type3A_4 = arith.extui %eq3A_3 : i1 to i32
    %cond3A_5 = arith.constant 0 : i32
    %cond3A_6 = arith.cmpi ne, %convert_element_type3A_4, %cond3A_5 : i32
    scf.if %cond3A_6 {
      %iota3A = tpu.iota {dimensions = array<i32: 0>} : vector<16xi32>
      %add3A_7 = arith.constant 551 : i32
      %add3A_8 = vector.broadcast %add3A_7 : i32 to vector<16xi32>
      %add3A_9 = arith.addi %add3A_8, %iota3A : vector<16xi32>
      %swap3A = arith.constant 0 : index
      %swap3A_10 = tpu.vector_load %arg8[%swap3A] {strides = array<i32>} : memref<24xi32, #tpu.memory_space<vmem>>, vector<16xi32>,
      %swap3A_11 = vector.shape_cast %swap3A_10 : vector<16xi32> to vector<16xi32>
      %swap3A_12 = vector.shape_cast %add3A_9 : vector<16xi32> to vector<16xi32>
      tpu.vector_store %arg8[%swap3A], %swap3A_12 {strides = array<i32>} : memref<24xi32, #tpu.memory_space<vmem>>, vector<16xi32>,
      %add3A_13 = arith.constant 559 : i32
      %add3A_14 = vector.broadcast %add3A_13 : i32 to vector<16xi32>
      %add3A_15 = arith.addi %add3A_14, %iota3A : vector<16xi32>
      %swap3A_16 = arith.constant 8 : index
      %swap3A_17 = tpu.vector_load %arg8[%swap3A_16] {strides = array<i32>} : memref<24xi32, #tpu.memory_space<vmem>>, vector<16xi32>,
      %swap3A_18 = vector.shape_cast %swap3A_17 : vector<16xi32> to vector<16xi32>
      %swap3A_19 = vector.shape_cast %add3A_15 : vector<16xi32> to vector<16xi32>
      tpu.vector_store %arg8[%swap3A_16], %swap3A_19 {strides = array<i32>} : memref<24xi32, #tpu.memory_space<vmem>>, vector<16xi32>,
      %dma_start3A = arith.constant 0 : i32
      %dma_start3A_20 = arith.constant 0 : i32
      %dma_start3A_21 = tpu.memref_slice %arg3[%dma_start3A, %dma_start3A_20] : memref<576x768xf32, #tpu.memory_space<hbm>> -> memref<576x768xf32, #tpu.memory_space<hbm>>
      tpu.enqueue_indirect_dma source(%dma_start3A_21 : memref<576x768xf32, #tpu.memory_space<hbm>>) target(%arg5 : memref<24x768xf32, #tpu.memory_space<vmem>>) offsets(%arg8 : memref<24xi32, #tpu.memory_space<vmem>>) semaphore(%arg9 : memref<!tpu.dma_semaphore, #tpu.memory_space<semaphore_mem>>)
      %dma_start3A_22 = arith.constant 0 : i32
      %dma_start3A_23 = arith.constant 0 : i32
      %dma_start3A_24 = arith.constant 0 : i32
      %dma_start3A_25 = arith.constant 0 : i32
      %dma_start3A_26 = arith.constant 0 : i32
      %dma_start3A_27 = tpu.memref_slice %arg6[%dma_start3A_23, %dma_start3A_25, %dma_start3A_26] : memref<3x24x768xf32, #tpu.memory_space<vmem>> -> memref<1x24x768xf32, #tpu.memory_space<vmem>>
      %dma_start3A_28 = tpu.memref_squeeze %dma_start3A_27 : memref<1x24x768xf32, #tpu.memory_space<vmem>> -> memref<24x768xf32, #tpu.memory_space<vmem>>
      %dma_start3A_29 = arith.constant 0 : i32
      %dma_start3A_30 = arith.constant 0 : i32
      %dma_start3A_31 = tpu.memref_slice %arg2[%dma_start3A_22, %dma_start3A_29, %dma_start3A_30] : memref<64x575x768xf32, #tpu.memory_space<hbm>> -> memref<1x575x768xf32, #tpu.memory_space<hbm>>
      %dma_start3A_32 = tpu.memref_squeeze %dma_start3A_31 : memref<1x575x768xf32, #tpu.memory_space<hbm>> -> memref<575x768xf32, #tpu.memory_space<hbm>>
      %dma_start3A_33 = arith.constant 0 : i32
      %dma_start3A_34 = arith.constant 0 : i32
      %dma_start3A_35 = tpu.memref_slice %dma_start3A_32[%dma_start3A_33, %dma_start3A_34] : memref<575x768xf32, #tpu.memory_space<hbm>> -> memref<575x768xf32, #tpu.memory_space<hbm>>
      %dma_start3A_36 = tpu.memref_slice %arg10[%dma_start3A_24] : memref<3x!tpu.dma_semaphore, #tpu.memory_space<semaphore_mem>> -> memref<1x!tpu.dma_semaphore, #tpu.memory_space<semaphore_mem>>
      %dma_start3A_37 = tpu.memref_squeeze %dma_start3A_36 : memref<1x!tpu.dma_semaphore, #tpu.memory_space<semaphore_mem>> -> memref<!tpu.dma_semaphore, #tpu.memory_space<semaphore_mem>>
      tpu.enqueue_indirect_dma source(%dma_start3A_35 : memref<575x768xf32, #tpu.memory_space<hbm>>) target(%dma_start3A_28 : memref<24x768xf32, #tpu.memory_space<vmem>>) offsets(%arg8 : memref<24xi32, #tpu.memory_space<vmem>>) semaphore(%dma_start3A_37 : memref<!tpu.dma_semaphore, #tpu.memory_space<semaphore_mem>>)
      %dma_start3A_38 = arith.constant 1 : i32
      %dma_start3A_39 = arith.constant 1 : i32
      %dma_start3A_40 = arith.constant 1 : i32
      %dma_start3A_41 = arith.constant 0 : i32
      %dma_start3A_42 = arith.constant 0 : i32
      %dma_start3A_43 = tpu.memref_slice %arg6[%dma_start3A_39, %dma_start3A_41, %dma_start3A_42] : memref<3x24x768xf32, #tpu.memory_space<vmem>> -> memref<1x24x768xf32, #tpu.memory_space<vmem>>
      %dma_start3A_44 = tpu.memref_squeeze %dma_start3A_43 : memref<1x24x768xf32, #tpu.memory_space<vmem>> -> memref<24x768xf32, #tpu.memory_space<vmem>>
      %dma_start3A_45 = arith.constant 0 : i32
      %dma_start3A_46 = arith.constant 0 : i32
      %dma_start3A_47 = tpu.memref_slice %arg2[%dma_start3A_38, %dma_start3A_45, %dma_start3A_46] : memref<64x575x768xf32, #tpu.memory_space<hbm>> -> memref<1x575x768xf32, #tpu.memory_space<hbm>>
      %dma_start3A_48 = tpu.memref_squeeze %dma_start3A_47 : memref<1x575x768xf32, #tpu.memory_space<hbm>> -> memref<575x768xf32, #tpu.memory_space<hbm>>
      %dma_start3A_49 = arith.constant 0 : i32
      %dma_start3A_50 = arith.constant 0 : i32
      %dma_start3A_51 = tpu.memref_slice %dma_start3A_48[%dma_start3A_49, %dma_start3A_50] : memref<575x768xf32, #tpu.memory_space<hbm>> -> memref<575x768xf32, #tpu.memory_space<hbm>>
      %dma_start3A_52 = tpu.memref_slice %arg10[%dma_start3A_40] : memref<3x!tpu.dma_semaphore, #tpu.memory_space<semaphore_mem>> -> memref<1x!tpu.dma_semaphore, #tpu.memory_space<semaphore_mem>>
      %dma_start3A_53 = tpu.memref_squeeze %dma_start3A_52 : memref<1x!tpu.dma_semaphore, #tpu.memory_space<semaphore_mem>> -> memref<!tpu.dma_semaphore, #tpu.memory_space<semaphore_mem>>
      tpu.enqueue_indirect_dma source(%dma_start3A_51 : memref<575x768xf32, #tpu.memory_space<hbm>>) target(%dma_start3A_44 : memref<24x768xf32, #tpu.memory_space<vmem>>) offsets(%arg8 : memref<24xi32, #tpu.memory_space<vmem>>) semaphore(%dma_start3A_53 : memref<!tpu.dma_semaphore, #tpu.memory_space<semaphore_mem>>)
      %dma_start3A_54 = arith.constant 2 : i32
      %dma_start3A_55 = arith.constant 2 : i32
      %dma_start3A_56 = arith.constant 2 : i32
      %dma_start3A_57 = arith.constant 0 : i32
      %dma_start3A_58 = arith.constant 0 : i32
      %dma_start3A_59 = tpu.memref_slice %arg6[%dma_start3A_55, %dma_start3A_57, %dma_start3A_58] : memref<3x24x768xf32, #tpu.memory_space<vmem>> -> memref<1x24x768xf32, #tpu.memory_space<vmem>>
      %dma_start3A_60 = tpu.memref_squeeze %dma_start3A_59 : memref<1x24x768xf32, #tpu.memory_space<vmem>> -> memref<24x768xf32, #tpu.memory_space<vmem>>
      %dma_start3A_61 = arith.constant 0 : i32
      %dma_start3A_62 = arith.constant 0 : i32
      %dma_start3A_63 = tpu.memref_slice %arg2[%dma_start3A_54, %dma_start3A_61, %dma_start3A_62] : memref<64x575x768xf32, #tpu.memory_space<hbm>> -> memref<1x575x768xf32, #tpu.memory_space<hbm>>
      %dma_start3A_64 = tpu.memref_squeeze %dma_start3A_63 : memref<1x575x768xf32, #tpu.memory_space<hbm>> -> memref<575x768xf32, #tpu.memory_space<hbm>>
      %dma_start3A_65 = arith.constant 0 : i32
      %dma_start3A_66 = arith.constant 0 : i32
      %dma_start3A_67 = tpu.memref_slice %dma_start3A_64[%dma_start3A_65, %dma_start3A_66] : memref<575x768xf32, #tpu.memory_space<hbm>> -> memref<575x768xf32, #tpu.memory_space<hbm>>
      %dma_start3A_68 = tpu.memref_slice %arg10[%dma_start3A_56] : memref<3x!tpu.dma_semaphore, #tpu.memory_space<semaphore_mem>> -> memref<1x!tpu.dma_semaphore, #tpu.memory_space<semaphore_mem>>
      %dma_start3A_69 = tpu.memref_squeeze %dma_start3A_68 : memref<1x!tpu.dma_semaphore, #tpu.memory_space<semaphore_mem>> -> memref<!tpu.dma_semaphore, #tpu.memory_space<semaphore_mem>>
      tpu.enqueue_indirect_dma source(%dma_start3A_67 : memref<575x768xf32, #tpu.memory_space<hbm>>) target(%dma_start3A_60 : memref<24x768xf32, #tpu.memory_space<vmem>>) offsets(%arg8 : memref<24xi32, #tpu.memory_space<vmem>>) semaphore(%dma_start3A_69 : memref<!tpu.dma_semaphore, #tpu.memory_space<semaphore_mem>>)
      %dma_wait3A = arith.constant 0 : i32
      %dma_wait3A_70 = arith.constant 0 : i32
      %dma_wait3A_71 = tpu.memref_slice %arg3[%dma_wait3A, %dma_wait3A_70] : memref<576x768xf32, #tpu.memory_space<hbm>> -> memref<576x768xf32, #tpu.memory_space<hbm>>
      tpu.wait_indirect_dma semaphore(%arg9 : memref<!tpu.dma_semaphore, #tpu.memory_space<semaphore_mem>>) src(%dma_wait3A_71 : memref<576x768xf32, #tpu.memory_space<hbm>>) dst(%arg5 : memref<24x768xf32, #tpu.memory_space<vmem>>)
      %scan3A = arith.constant 0 : i32
      %scan3A_72 = arith.constant 0 : i32
      %scan3A_73 = arith.constant 16 : i32
      %scan3A_74 = arith.addi %scan3A_72, %scan3A_73 : i32
      %scan3A_75 = arith.constant 1 : i32
      scf.for %scan3A_125 = %scan3A_72 to %scan3A_74 step %scan3A_75  : i32 {
        %rem3A = arith.constant 3 : i32
        %rem3A_126 = arith.remsi %scan3A_125, %rem3A : i32
        %dma_wait3A_127 = arith.constant 0 : i32
        %dma_wait3A_128 = arith.constant 0 : i32
        %dma_wait3A_129 = tpu.memref_slice %arg6[%rem3A_126, %dma_wait3A_127, %dma_wait3A_128] : memref<3x24x768xf32, #tpu.memory_space<vmem>> -> memref<1x24x768xf32, #tpu.memory_space<vmem>>
        %dma_wait3A_130 = tpu.memref_squeeze %dma_wait3A_129 : memref<1x24x768xf32, #tpu.memory_space<vmem>> -> memref<24x768xf32, #tpu.memory_space<vmem>>
        %dma_wait3A_131 = arith.constant 0 : i32
        %dma_wait3A_132 = arith.constant 0 : i32
        %dma_wait3A_133 = tpu.memref_slice %arg2[%scan3A_125, %dma_wait3A_131, %dma_wait3A_132] : memref<64x575x768xf32, #tpu.memory_space<hbm>> -> memref<1x575x768xf32, #tpu.memory_space<hbm>>
        %dma_wait3A_134 = tpu.memref_squeeze %dma_wait3A_133 : memref<1x575x768xf32, #tpu.memory_space<hbm>> -> memref<575x768xf32, #tpu.memory_space<hbm>>
        %dma_wait3A_135 = arith.constant 0 : i32
        %dma_wait3A_136 = arith.constant 0 : i32
        %dma_wait3A_137 = tpu.memref_slice %dma_wait3A_134[%dma_wait3A_135, %dma_wait3A_136] : memref<575x768xf32, #tpu.memory_space<hbm>> -> memref<575x768xf32, #tpu.memory_space<hbm>>
        %dma_wait3A_138 = tpu.memref_slice %arg10[%rem3A_126] : memref<3x!tpu.dma_semaphore, #tpu.memory_space<semaphore_mem>> -> memref<1x!tpu.dma_semaphore, #tpu.memory_space<semaphore_mem>>
        %dma_wait3A_139 = tpu.memref_squeeze %dma_wait3A_138 : memref<1x!tpu.dma_semaphore, #tpu.memory_space<semaphore_mem>> -> memref<!tpu.dma_semaphore, #tpu.memory_space<semaphore_mem>>
        tpu.wait_indirect_dma semaphore(%dma_wait3A_139 : memref<!tpu.dma_semaphore, #tpu.memory_space<semaphore_mem>>) src(%dma_wait3A_137 : memref<575x768xf32, #tpu.memory_space<hbm>>) dst(%dma_wait3A_130 : memref<24x768xf32, #tpu.memory_space<vmem>>)
        %ge3A = arith.constant 3 : i32
        %ge3A_140 = arith.cmpi sge, %scan3A_125, %ge3A : i32
        %convert_element_type3A_141 = arith.extui %ge3A_140 : i1 to i32
        %cond3A_142 = arith.constant 0 : i32
        %cond3A_143 = arith.cmpi ne, %convert_element_type3A_141, %cond3A_142 : i32
        scf.if %cond3A_143 {
          %sub3A = arith.constant 3 : i32
          %sub3A_166 = arith.subi %scan3A_125, %sub3A : i32
          %dma_wait3A_167 = arith.constant 0 : i32
          %dma_wait3A_168 = arith.constant 0 : i32
          %dma_wait3A_169 = tpu.memref_slice %arg7[%rem3A_126, %dma_wait3A_167, %dma_wait3A_168] : memref<3x24x768xf32, #tpu.memory_space<vmem>> -> memref<1x24x768xf32, #tpu.memory_space<vmem>>
          %dma_wait3A_170 = tpu.memref_squeeze %dma_wait3A_169 : memref<1x24x768xf32, #tpu.memory_space<vmem>> -> memref<24x768xf32, #tpu.memory_space<vmem>>
          %dma_wait3A_171 = arith.constant 0 : i32
          %dma_wait3A_172 = arith.constant 0 : i32
          %dma_wait3A_173 = tpu.memref_slice %arg4[%sub3A_166, %dma_wait3A_171, %dma_wait3A_172] : memref<16x575x768xf32, #tpu.memory_space<hbm>> -> memref<1x575x768xf32, #tpu.memory_space<hbm>>
          %dma_wait3A_174 = tpu.memref_squeeze %dma_wait3A_173 : memref<1x575x768xf32, #tpu.memory_space<hbm>> -> memref<575x768xf32, #tpu.memory_space<hbm>>
          %dma_wait3A_175 = arith.constant 0 : i32
          %dma_wait3A_176 = arith.constant 0 : i32
          %dma_wait3A_177 = tpu.memref_slice %dma_wait3A_174[%dma_wait3A_175, %dma_wait3A_176] : memref<575x768xf32, #tpu.memory_space<hbm>> -> memref<575x768xf32, #tpu.memory_space<hbm>>
          %dma_wait3A_178 = tpu.memref_slice %arg11[%rem3A_126] : memref<3x!tpu.dma_semaphore, #tpu.memory_space<semaphore_mem>> -> memref<1x!tpu.dma_semaphore, #tpu.memory_space<semaphore_mem>>
          %dma_wait3A_179 = tpu.memref_squeeze %dma_wait3A_178 : memref<1x!tpu.dma_semaphore, #tpu.memory_space<semaphore_mem>> -> memref<!tpu.dma_semaphore, #tpu.memory_space<semaphore_mem>>
          tpu.wait_indirect_dma semaphore(%dma_wait3A_179 : memref<!tpu.dma_semaphore, #tpu.memory_space<semaphore_mem>>) src(%dma_wait3A_170 : memref<24x768xf32, #tpu.memory_space<vmem>>) dst(%dma_wait3A_177 : memref<575x768xf32, #tpu.memory_space<hbm>>)
        } else {
        }
        %parallel_loop3A = arith.constant 0 : i32
        %parallel_loop3A_144 = arith.constant 24 : i32
        %parallel_loop3A_145 = arith.constant 1 : i32
        scf.for %parallel_loop3A_166 = %parallel_loop3A to %parallel_loop3A_144 step %parallel_loop3A_145  : i32 {
          %parallel_loop3A_167 = arith.index_cast %rem3A_126 : i32 to index
          %parallel_loop3A_168 = arith.index_cast %parallel_loop3A_166 : i32 to index
          %parallel_loop3A_169 = arith.constant 0 : index
          %parallel_loop3A_170 = tpu.vector_load %arg6[%parallel_loop3A_167, %parallel_loop3A_168, %parallel_loop3A_169] {strides = array<i32>} : memref<3x24x768xf32, #tpu.memory_space<vmem>>, vector<1x1x16xf32>,
          %parallel_loop3A_171 = vector.shape_cast %parallel_loop3A_170 : vector<1x1x16xf32> to vector<16xf32>
          %parallel_loop3A_172 = arith.index_cast %parallel_loop3A_166 : i32 to index
          %parallel_loop3A_173 = arith.constant 0 : index
          %parallel_loop3A_174 = tpu.vector_load %arg5[%parallel_loop3A_172, %parallel_loop3A_173] {strides = array<i32>} : memref<24x768xf32, #tpu.memory_space<vmem>>, vector<1x16xf32>,
          %parallel_loop3A_175 = vector.shape_cast %parallel_loop3A_174 : vector<1x16xf32> to vector<16xf32>
          %parallel_loop3A_176 = arith.addf %parallel_loop3A_171, %parallel_loop3A_175 : vector<16xf32>
          %parallel_loop3A_177 = arith.index_cast %rem3A_126 : i32 to index
          %parallel_loop3A_178 = arith.index_cast %parallel_loop3A_166 : i32 to index
          %parallel_loop3A_179 = arith.constant 0 : index
          %parallel_loop3A_180 = tpu.vector_load %arg7[%parallel_loop3A_177, %parallel_loop3A_178, %parallel_loop3A_179] {strides = array<i32>} : memref<3x24x768xf32, #tpu.memory_space<vmem>>, vector<1x1x16xf32>,
          %parallel_loop3A_181 = vector.shape_cast %parallel_loop3A_180 : vector<1x1x16xf32> to vector<16xf32>
          %parallel_loop3A_182 = vector.shape_cast %parallel_loop3A_176 : vector<16xf32> to vector<1x1x16xf32>
          tpu.vector_store %arg7[%parallel_loop3A_177, %parallel_loop3A_178, %parallel_loop3A_179], %parallel_loop3A_182 {strides = array<i32>} : memref<3x24x768xf32, #tpu.memory_space<vmem>>, vector<1x1x16xf32>,
          %parallel_loop3A_183 = arith.index_cast %rem3A_126 : i32 to index
          %parallel_loop3A_184 = arith.index_cast %parallel_loop3A_166 : i32 to index
          %parallel_loop3A_185 = arith.constant 16 : index
          %parallel_loop3A_186 = tpu.vector_load %arg6[%parallel_loop3A_183, %parallel_loop3A_184, %parallel_loop3A_185] {strides = array<i32>} : memref<3x24x768xf32, #tpu.memory_space<vmem>>, vector<1x1x16xf32>,
          %parallel_loop3A_187 = vector.shape_cast %parallel_loop3A_186 : vector<1x1x16xf32> to vector<16xf32>
          %parallel_loop3A_188 = arith.index_cast %parallel_loop3A_166 : i32 to index
          %parallel_loop3A_189 = arith.constant 16 : index
          %parallel_loop3A_190 = tpu.vector_load %arg5[%parallel_loop3A_188, %parallel_loop3A_189] {strides = array<i32>} : memref<24x768xf32, #tpu.memory_space<vmem>>, vector<1x16xf32>,
          %parallel_loop3A_191 = vector.shape_cast %parallel_loop3A_190 : vector<1x16xf32> to vector<16xf32>
          %parallel_loop3A_192 = arith.addf %parallel_loop3A_187, %parallel_loop3A_191 : vector<16xf32>
          %parallel_loop3A_193 = arith.index_cast %rem3A_126 : i32 to index
          %parallel_loop3A_194 = arith.index_cast %parallel_loop3A_166 : i32 to index
          %parallel_loop3A_195 = arith.constant 16 : index
          %parallel_loop3A_196 = tpu.vector_load %arg7[%parallel_loop3A_193, %parallel_loop3A_194, %parallel_loop3A_195] {strides = array<i32>} : memref<3x24x768xf32, #tpu.memory_space<vmem>>, vector<1x1x16xf32>,
          %parallel_loop3A_197 = vector.shape_cast %parallel_loop3A_196 : vector<1x1x16xf32> to vector<16xf32>
          %parallel_loop3A_198 = vector.shape_cast %parallel_loop3A_192 : vector<16xf32> to vector<1x1x16xf32>
          tpu.vector_store %arg7[%parallel_loop3A_193, %parallel_loop3A_194, %parallel_loop3A_195], %parallel_loop3A_198 {strides = array<i32>} : memref<3x24x768xf32, #tpu.memory_space<vmem>>, vector<1x1x16xf32>,
          %parallel_loop3A_199 = arith.index_cast %rem3A_126 : i32 to index
          %parallel_loop3A_200 = arith.index_cast %parallel_loop3A_166 : i32 to index
          %parallel_loop3A_201 = arith.constant 32 : index
          %parallel_loop3A_202 = tpu.vector_load %arg6[%parallel_loop3A_199, %parallel_loop3A_200, %parallel_loop3A_201] {strides = array<i32>} : memref<3x24x768xf32, #tpu.memory_space<vmem>>, vector<1x1x16xf32>,
          %parallel_loop3A_203 = vector.shape_cast %parallel_loop3A_202 : vector<1x1x16xf32> to vector<16xf32>
          %parallel_loop3A_204 = arith.index_cast %parallel_loop3A_166 : i32 to index
          %parallel_loop3A_205 = arith.constant 32 : index
          %parallel_loop3A_206 = tpu.vector_load %arg5[%parallel_loop3A_204, %parallel_loop3A_205] {strides = array<i32>} : memref<24x768xf32, #tpu.memory_space<vmem>>, vector<1x16xf32>,
          %parallel_loop3A_207 = vector.shape_cast %parallel_loop3A_206 : vector<1x16xf32> to vector<16xf32>
          %parallel_loop3A_208 = arith.addf %parallel_loop3A_203, %parallel_loop3A_207 : vector<16xf32>
          %parallel_loop3A_209 = arith.index_cast %rem3A_126 : i32 to index
          %parallel_loop3A_210 = arith.index_cast %parallel_loop3A_166 : i32 to index
          %parallel_loop3A_211 = arith.constant 32 : index
          %parallel_loop3A_212 = tpu.vector_load %arg7[%parallel_loop3A_209, %parallel_loop3A_210, %parallel_loop3A_211] {strides = array<i32>} : memref<3x24x768xf32, #tpu.memory_space<vmem>>, vector<1x1x16xf32>,
          %parallel_loop3A_213 = vector.shape_cast %parallel_loop3A_212 : vector<1x1x16xf32> to vector<16xf32>
          %parallel_loop3A_214 = vector.shape_cast %parallel_loop3A_208 : vector<16xf32> to vector<1x1x16xf32>
          tpu.vector_store %arg7[%parallel_loop3A_209, %parallel_loop3A_210, %parallel_loop3A_211], %parallel_loop3A_214 {strides = array<i32>} : memref<3x24x768xf32, #tpu.memory_space<vmem>>, vector<1x1x16xf32>,
          %parallel_loop3A_215 = arith.index_cast %rem3A_126 : i32 to index
          %parallel_loop3A_216 = arith.index_cast %parallel_loop3A_166 : i32 to index
          %parallel_loop3A_217 = arith.constant 48 : index
          %parallel_loop3A_218 = tpu.vector_load %arg6[%parallel_loop3A_215, %parallel_loop3A_216, %parallel_loop3A_217] {strides = array<i32>} : memref<3x24x768xf32, #tpu.memory_space<vmem>>, vector<1x1x16xf32>,
          %parallel_loop3A_219 = vector.shape_cast %parallel_loop3A_218 : vector<1x1x16xf32> to vector<16xf32>
          %parallel_loop3A_220 = arith.index_cast %parallel_loop3A_166 : i32 to index
          %parallel_loop3A_221 = arith.constant 48 : index
          %parallel_loop3A_222 = tpu.vector_load %arg5[%parallel_loop3A_220, %parallel_loop3A_221] {strides = array<i32>} : memref<24x768xf32, #tpu.memory_space<vmem>>, vector<1x16xf32>,
          %parallel_loop3A_223 = vector.shape_cast %parallel_loop3A_222 : vector<1x16xf32> to vector<16xf32>
          %parallel_loop3A_224 = arith.addf %parallel_loop3A_219, %parallel_loop3A_223 : vector<16xf32>
          %parallel_loop3A_225 = arith.index_cast %rem3A_126 : i32 to index
          %parallel_loop3A_226 = arith.index_cast %parallel_loop3A_166 : i32 to index
          %parallel_loop3A_227 = arith.constant 48 : index
          %parallel_loop3A_228 = tpu.vector_load %arg7[%parallel_loop3A_225, %parallel_loop3A_226, %parallel_loop3A_227] {strides = array<i32>} : memref<3x24x768xf32, #tpu.memory_space<vmem>>, vector<1x1x16xf32>,
          %parallel_loop3A_229 = vector.shape_cast %parallel_loop3A_228 : vector<1x1x16xf32> to vector<16xf32>
          %parallel_loop3A_230 = vector.shape_cast %parallel_loop3A_224 : vector<16xf32> to vector<1x1x16xf32>
          tpu.vector_store %arg7[%parallel_loop3A_225, %parallel_loop3A_226, %parallel_loop3A_227], %parallel_loop3A_230 {strides = array<i32>} : memref<3x24x768xf32, #tpu.memory_space<vmem>>, vector<1x1x16xf32>,
          %parallel_loop3A_231 = arith.index_cast %rem3A_126 : i32 to index
          %parallel_loop3A_232 = arith.index_cast %parallel_loop3A_166 : i32 to index
          %parallel_loop3A_233 = arith.constant 64 : index
          %parallel_loop3A_234 = tpu.vector_load %arg6[%parallel_loop3A_231, %parallel_loop3A_232, %parallel_loop3A_233] {strides = array<i32>} : memref<3x24x768xf32, #tpu.memory_space<vmem>>, vector<1x1x16xf32>,
          %parallel_loop3A_235 = vector.shape_cast %parallel_loop3A_234 : vector<1x1x16xf32> to vector<16xf32>
          %parallel_loop3A_236 = arith.index_cast %parallel_loop3A_166 : i32 to index
          %parallel_loop3A_237 = arith.constant 64 : index
          %parallel_loop3A_238 = tpu.vector_load %arg5[%parallel_loop3A_236, %parallel_loop3A_237] {strides = array<i32>} : memref<24x768xf32, #tpu.memory_space<vmem>>, vector<1x16xf32>,
          %parallel_loop3A_239 = vector.shape_cast %parallel_loop3A_238 : vector<1x16xf32> to vector<16xf32>
          %parallel_loop3A_240 = arith.addf %parallel_loop3A_235, %parallel_loop3A_239 : vector<16xf32>
          %parallel_loop3A_241 = arith.index_cast %rem3A_126 : i32 to index
          %parallel_loop3A_242 = arith.index_cast %parallel_loop3A_166 : i32 to index
          %parallel_loop3A_243 = arith.constant 64 : index
          %parallel_loop3A_244 = tpu.vector_load %arg7[%parallel_loop3A_241, %parallel_loop3A_242, %parallel_loop3A_243] {strides = array<i32>} : memref<3x24x768xf32, #tpu.memory_space<vmem>>, vector<1x1x16xf32>,
          %parallel_loop3A_245 = vector.shape_cast %parallel_loop3A_244 : vector<1x1x16xf32> to vector<16xf32>
          %parallel_loop3A_246 = vector.shape_cast %parallel_loop3A_240 : vector<16xf32> to vector<1x1x16xf32>
          tpu.vector_store %arg7[%parallel_loop3A_241, %parallel_loop3A_242, %parallel_loop3A_243], %parallel_loop3A_246 {strides = array<i32>} : memref<3x24x768xf32, #tpu.memory_space<vmem>>, vector<1x1x16xf32>,
          %parallel_loop3A_247 = arith.index_cast %rem3A_126 : i32 to index
          %parallel_loop3A_248 = arith.index_cast %parallel_loop3A_166 : i32 to index
          %parallel_loop3A_249 = arith.constant 80 : index
          %parallel_loop3A_250 = tpu.vector_load %arg6[%parallel_loop3A_247, %parallel_loop3A_248, %parallel_loop3A_249] {strides = array<i32>} : memref<3x24x768xf32, #tpu.memory_space<vmem>>, vector<1x1x16xf32>,
          %parallel_loop3A_251 = vector.shape_cast %parallel_loop3A_250 : vector<1x1x16xf32> to vector<16xf32>
          %parallel_loop3A_252 = arith.index_cast %parallel_loop3A_166 : i32 to index
          %parallel_loop3A_253 = arith.constant 80 : index
          %parallel_loop3A_254 = tpu.vector_load %arg5[%parallel_loop3A_252, %parallel_loop3A_253] {strides = array<i32>} : memref<24x768xf32, #tpu.memory_space<vmem>>, vector<1x16xf32>,
          %parallel_loop3A_255 = vector.shape_cast %parallel_loop3A_254 : vector<1x16xf32> to vector<16xf32>
          %parallel_loop3A_256 = arith.addf %parallel_loop3A_251, %parallel_loop3A_255 : vector<16xf32>
          %parallel_loop3A_257 = arith.index_cast %rem3A_126 : i32 to index
          %parallel_loop3A_258 = arith.index_cast %parallel_loop3A_166 : i32 to index
          %parallel_loop3A_259 = arith.constant 80 : index
          %parallel_loop3A_260 = tpu.vector_load %arg7[%parallel_loop3A_257, %parallel_loop3A_258, %parallel_loop3A_259] {strides = array<i32>} : memref<3x24x768xf32, #tpu.memory_space<vmem>>, vector<1x1x16xf32>,
          %parallel_loop3A_261 = vector.shape_cast %parallel_loop3A_260 : vector<1x1x16xf32> to vector<16xf32>
          %parallel_loop3A_262 = vector.shape_cast %parallel_loop3A_256 : vector<16xf32> to vector<1x1x16xf32>
          tpu.vector_store %arg7[%parallel_loop3A_257, %parallel_loop3A_258, %parallel_loop3A_259], %parallel_loop3A_262 {strides = array<i32>} : memref<3x24x768xf32, #tpu.memory_space<vmem>>, vector<1x1x16xf32>,
          %parallel_loop3A_263 = arith.index_cast %rem3A_126 : i32 to index
          %parallel_loop3A_264 = arith.index_cast %parallel_loop3A_166 : i32 to index
          %parallel_loop3A_265 = arith.constant 96 : index
          %parallel_loop3A_266 = tpu.vector_load %arg6[%parallel_loop3A_263, %parallel_loop3A_264, %parallel_loop3A_265] {strides = array<i32>} : memref<3x24x768xf32, #tpu.memory_space<vmem>>, vector<1x1x16xf32>,
          %parallel_loop3A_267 = vector.shape_cast %parallel_loop3A_266 : vector<1x1x16xf32> to vector<16xf32>
          %parallel_loop3A_268 = arith.index_cast %parallel_loop3A_166 : i32 to index
          %parallel_loop3A_269 = arith.constant 96 : index
          %parallel_loop3A_270 = tpu.vector_load %arg5[%parallel_loop3A_268, %parallel_loop3A_269] {strides = array<i32>} : memref<24x768xf32, #tpu.memory_space<vmem>>, vector<1x16xf32>,
          %parallel_loop3A_271 = vector.shape_cast %parallel_loop3A_270 : vector<1x16xf32> to vector<16xf32>
          %parallel_loop3A_272 = arith.addf %parallel_loop3A_267, %parallel_loop3A_271 : vector<16xf32>
          %parallel_loop3A_273 = arith.index_cast %rem3A_126 : i32 to index
          %parallel_loop3A_274 = arith.index_cast %parallel_loop3A_166 : i32 to index
          %parallel_loop3A_275 = arith.constant 96 : index
          %parallel_loop3A_276 = tpu.vector_load %arg7[%parallel_loop3A_273, %parallel_loop3A_274, %parallel_loop3A_275] {strides = array<i32>} : memref<3x24x768xf32, #tpu.memory_space<vmem>>, vector<1x1x16xf32>,
          %parallel_loop3A_277 = vector.shape_cast %parallel_loop3A_276 : vector<1x1x16xf32> to vector<16xf32>
          %parallel_loop3A_278 = vector.shape_cast %parallel_loop3A_272 : vector<16xf32> to vector<1x1x16xf32>
          tpu.vector_store %arg7[%parallel_loop3A_273, %parallel_loop3A_274, %parallel_loop3A_275], %parallel_loop3A_278 {strides = array<i32>} : memref<3x24x768xf32, #tpu.memory_space<vmem>>, vector<1x1x16xf32>,
          %parallel_loop3A_279 = arith.index_cast %rem3A_126 : i32 to index
          %parallel_loop3A_280 = arith.index_cast %parallel_loop3A_166 : i32 to index
          %parallel_loop3A_281 = arith.constant 112 : index
          %parallel_loop3A_282 = tpu.vector_load %arg6[%parallel_loop3A_279, %parallel_loop3A_280, %parallel_loop3A_281] {strides = array<i32>} : memref<3x24x768xf32, #tpu.memory_space<vmem>>, vector<1x1x16xf32>,
          %parallel_loop3A_283 = vector.shape_cast %parallel_loop3A_282 : vector<1x1x16xf32> to vector<16xf32>
          %parallel_loop3A_284 = arith.index_cast %parallel_loop3A_166 : i32 to index
          %parallel_loop3A_285 = arith.constant 112 : index
          %parallel_loop3A_286 = tpu.vector_load %arg5[%parallel_loop3A_284, %parallel_loop3A_285] {strides = array<i32>} : memref<24x768xf32, #tpu.memory_space<vmem>>, vector<1x16xf32>,
          %parallel_loop3A_287 = vector.shape_cast %parallel_loop3A_286 : vector<1x16xf32> to vector<16xf32>
          %parallel_loop3A_288 = arith.addf %parallel_loop3A_283, %parallel_loop3A_287 : vector<16xf32>
          %parallel_loop3A_289 = arith.index_cast %rem3A_126 : i32 to index
          %parallel_loop3A_290 = arith.index_cast %parallel_loop3A_166 : i32 to index
          %parallel_loop3A_291 = arith.constant 112 : index
          %parallel_loop3A_292 = tpu.vector_load %arg7[%parallel_loop3A_289, %parallel_loop3A_290, %parallel_loop3A_291] {strides = array<i32>} : memref<3x24x768xf32, #tpu.memory_space<vmem>>, vector<1x1x16xf32>,
          %parallel_loop3A_293 = vector.shape_cast %parallel_loop3A_292 : vector<1x1x16xf32> to vector<16xf32>
          %parallel_loop3A_294 = vector.shape_cast %parallel_loop3A_288 : vector<16xf32> to vector<1x1x16xf32>
          tpu.vector_store %arg7[%parallel_loop3A_289, %parallel_loop3A_290, %parallel_loop3A_291], %parallel_loop3A_294 {strides = array<i32>} : memref<3x24x768xf32, #tpu.memory_space<vmem>>, vector<1x1x16xf32>,
          %parallel_loop3A_295 = arith.index_cast %rem3A_126 : i32 to index
          %parallel_loop3A_296 = arith.index_cast %parallel_loop3A_166 : i32 to index
          %parallel_loop3A_297 = arith.constant 128 : index
          %parallel_loop3A_298 = tpu.vector_load %arg6[%parallel_loop3A_295, %parallel_loop3A_296, %parallel_loop3A_297] {strides = array<i32>} : memref<3x24x768xf32, #tpu.memory_space<vmem>>, vector<1x1x16xf32>,
          %parallel_loop3A_299 = vector.shape_cast %parallel_loop3A_298 : vector<1x1x16xf32> to vector<16xf32>
          %parallel_loop3A_300 = arith.index_cast %parallel_loop3A_166 : i32 to index
          %parallel_loop3A_301 = arith.constant 128 : index
          %parallel_loop3A_302 = tpu.vector_load %arg5[%parallel_loop3A_300, %parallel_loop3A_301] {strides = array<i32>} : memref<24x768xf32, #tpu.memory_space<vmem>>, vector<1x16xf32>,
          %parallel_loop3A_303 = vector.shape_cast %parallel_loop3A_302 : vector<1x16xf32> to vector<16xf32>
          %parallel_loop3A_304 = arith.addf %parallel_loop3A_299, %parallel_loop3A_303 : vector<16xf32>
          %parallel_loop3A_305 = arith.index_cast %rem3A_126 : i32 to index
          %parallel_loop3A_306 = arith.index_cast %parallel_loop3A_166 : i32 to index
          %parallel_loop3A_307 = arith.constant 128 : index
          %parallel_loop3A_308 = tpu.vector_load %arg7[%parallel_loop3A_305, %parallel_loop3A_306, %parallel_loop3A_307] {strides = array<i32>} : memref<3x24x768xf32, #tpu.memory_space<vmem>>, vector<1x1x16xf32>,
          %parallel_loop3A_309 = vector.shape_cast %parallel_loop3A_308 : vector<1x1x16xf32> to vector<16xf32>
          %parallel_loop3A_310 = vector.shape_cast %parallel_loop3A_304 : vector<16xf32> to vector<1x1x16xf32>
          tpu.vector_store %arg7[%parallel_loop3A_305, %parallel_loop3A_306, %parallel_loop3A_307], %parallel_loop3A_310 {strides = array<i32>} : memref<3x24x768xf32, #tpu.memory_space<vmem>>, vector<1x1x16xf32>,
          %parallel_loop3A_311 = arith.index_cast %rem3A_126 : i32 to index
          %parallel_loop3A_312 = arith.index_cast %parallel_loop3A_166 : i32 to index
          %parallel_loop3A_313 = arith.constant 144 : index
          %parallel_loop3A_314 = tpu.vector_load %arg6[%parallel_loop3A_311, %parallel_loop3A_312, %parallel_loop3A_313] {strides = array<i32>} : memref<3x24x768xf32, #tpu.memory_space<vmem>>, vector<1x1x16xf32>,
          %parallel_loop3A_315 = vector.shape_cast %parallel_loop3A_314 : vector<1x1x16xf32> to vector<16xf32>
          %parallel_loop3A_316 = arith.index_cast %parallel_loop3A_166 : i32 to index
          %parallel_loop3A_317 = arith.constant 144 : index
          %parallel_loop3A_318 = tpu.vector_load %arg5[%parallel_loop3A_316, %parallel_loop3A_317] {strides = array<i32>} : memref<24x768xf32, #tpu.memory_space<vmem>>, vector<1x16xf32>,
          %parallel_loop3A_319 = vector.shape_cast %parallel_loop3A_318 : vector<1x16xf32> to vector<16xf32>
          %parallel_loop3A_320 = arith.addf %parallel_loop3A_315, %parallel_loop3A_319 : vector<16xf32>
          %parallel_loop3A_321 = arith.index_cast %rem3A_126 : i32 to index
          %parallel_loop3A_322 = arith.index_cast %parallel_loop3A_166 : i32 to index
          %parallel_loop3A_323 = arith.constant 144 : index
          %parallel_loop3A_324 = tpu.vector_load %arg7[%parallel_loop3A_321, %parallel_loop3A_322, %parallel_loop3A_323] {strides = array<i32>} : memref<3x24x768xf32, #tpu.memory_space<vmem>>, vector<1x1x16xf32>,
          %parallel_loop3A_325 = vector.shape_cast %parallel_loop3A_324 : vector<1x1x16xf32> to vector<16xf32>
          %parallel_loop3A_326 = vector.shape_cast %parallel_loop3A_320 : vector<16xf32> to vector<1x1x16xf32>
          tpu.vector_store %arg7[%parallel_loop3A_321, %parallel_loop3A_322, %parallel_loop3A_323], %parallel_loop3A_326 {strides = array<i32>} : memref<3x24x768xf32, #tpu.memory_space<vmem>>, vector<1x1x16xf32>,
          %parallel_loop3A_327 = arith.index_cast %rem3A_126 : i32 to index
          %parallel_loop3A_328 = arith.index_cast %parallel_loop3A_166 : i32 to index
          %parallel_loop3A_329 = arith.constant 160 : index
          %parallel_loop3A_330 = tpu.vector_load %arg6[%parallel_loop3A_327, %parallel_loop3A_328, %parallel_loop3A_329] {strides = array<i32>} : memref<3x24x768xf32, #tpu.memory_space<vmem>>, vector<1x1x16xf32>,
          %parallel_loop3A_331 = vector.shape_cast %parallel_loop3A_330 : vector<1x1x16xf32> to vector<16xf32>
          %parallel_loop3A_332 = arith.index_cast %parallel_loop3A_166 : i32 to index
          %parallel_loop3A_333 = arith.constant 160 : index
          %parallel_loop3A_334 = tpu.vector_load %arg5[%parallel_loop3A_332, %parallel_loop3A_333] {strides = array<i32>} : memref<24x768xf32, #tpu.memory_space<vmem>>, vector<1x16xf32>,
          %parallel_loop3A_335 = vector.shape_cast %parallel_loop3A_334 : vector<1x16xf32> to vector<16xf32>
          %parallel_loop3A_336 = arith.addf %parallel_loop3A_331, %parallel_loop3A_335 : vector<16xf32>
          %parallel_loop3A_337 = arith.index_cast %rem3A_126 : i32 to index
          %parallel_loop3A_338 = arith.index_cast %parallel_loop3A_166 : i32 to index
          %parallel_loop3A_339 = arith.constant 160 : index
          %parallel_loop3A_340 = tpu.vector_load %arg7[%parallel_loop3A_337, %parallel_loop3A_338, %parallel_loop3A_339] {strides = array<i32>} : memref<3x24x768xf32, #tpu.memory_space<vmem>>, vector<1x1x16xf32>,
          %parallel_loop3A_341 = vector.shape_cast %parallel_loop3A_340 : vector<1x1x16xf32> to vector<16xf32>
          %parallel_loop3A_342 = vector.shape_cast %parallel_loop3A_336 : vector<16xf32> to vector<1x1x16xf32>
          tpu.vector_store %arg7[%parallel_loop3A_337, %parallel_loop3A_338, %parallel_loop3A_339], %parallel_loop3A_342 {strides = array<i32>} : memref<3x24x768xf32, #tpu.memory_space<vmem>>, vector<1x1x16xf32>,
          %parallel_loop3A_343 = arith.index_cast %rem3A_126 : i32 to index
          %parallel_loop3A_344 = arith.index_cast %parallel_loop3A_166 : i32 to index
          %parallel_loop3A_345 = arith.constant 176 : index
          %parallel_loop3A_346 = tpu.vector_load %arg6[%parallel_loop3A_343, %parallel_loop3A_344, %parallel_loop3A_345] {strides = array<i32>} : memref<3x24x768xf32, #tpu.memory_space<vmem>>, vector<1x1x16xf32>,
          %parallel_loop3A_347 = vector.shape_cast %parallel_loop3A_346 : vector<1x1x16xf32> to vector<16xf32>
          %parallel_loop3A_348 = arith.index_cast %parallel_loop3A_166 : i32 to index
          %parallel_loop3A_349 = arith.constant 176 : index
          %parallel_loop3A_350 = tpu.vector_load %arg5[%parallel_loop3A_348, %parallel_loop3A_349] {strides = array<i32>} : memref<24x768xf32, #tpu.memory_space<vmem>>, vector<1x16xf32>,
          %parallel_loop3A_351 = vector.shape_cast %parallel_loop3A_350 : vector<1x16xf32> to vector<16xf32>
          %parallel_loop3A_352 = arith.addf %parallel_loop3A_347, %parallel_loop3A_351 : vector<16xf32>
          %parallel_loop3A_353 = arith.index_cast %rem3A_126 : i32 to index
          %parallel_loop3A_354 = arith.index_cast %parallel_loop3A_166 : i32 to index
          %parallel_loop3A_355 = arith.constant 176 : index
          %parallel_loop3A_356 = tpu.vector_load %arg7[%parallel_loop3A_353, %parallel_loop3A_354, %parallel_loop3A_355] {strides = array<i32>} : memref<3x24x768xf32, #tpu.memory_space<vmem>>, vector<1x1x16xf32>,
          %parallel_loop3A_357 = vector.shape_cast %parallel_loop3A_356 : vector<1x1x16xf32> to vector<16xf32>
          %parallel_loop3A_358 = vector.shape_cast %parallel_loop3A_352 : vector<16xf32> to vector<1x1x16xf32>
          tpu.vector_store %arg7[%parallel_loop3A_353, %parallel_loop3A_354, %parallel_loop3A_355], %parallel_loop3A_358 {strides = array<i32>} : memref<3x24x768xf32, #tpu.memory_space<vmem>>, vector<1x1x16xf32>,
          %parallel_loop3A_359 = arith.index_cast %rem3A_126 : i32 to index
          %parallel_loop3A_360 = arith.index_cast %parallel_loop3A_166 : i32 to index
          %parallel_loop3A_361 = arith.constant 192 : index
          %parallel_loop3A_362 = tpu.vector_load %arg6[%parallel_loop3A_359, %parallel_loop3A_360, %parallel_loop3A_361] {strides = array<i32>} : memref<3x24x768xf32, #tpu.memory_space<vmem>>, vector<1x1x16xf32>,
          %parallel_loop3A_363 = vector.shape_cast %parallel_loop3A_362 : vector<1x1x16xf32> to vector<16xf32>
          %parallel_loop3A_364 = arith.index_cast %parallel_loop3A_166 : i32 to index
          %parallel_loop3A_365 = arith.constant 192 : index
          %parallel_loop3A_366 = tpu.vector_load %arg5[%parallel_loop3A_364, %parallel_loop3A_365] {strides = array<i32>} : memref<24x768xf32, #tpu.memory_space<vmem>>, vector<1x16xf32>,
          %parallel_loop3A_367 = vector.shape_cast %parallel_loop3A_366 : vector<1x16xf32> to vector<16xf32>
          %parallel_loop3A_368 = arith.addf %parallel_loop3A_363, %parallel_loop3A_367 : vector<16xf32>
          %parallel_loop3A_369 = arith.index_cast %rem3A_126 : i32 to index
          %parallel_loop3A_370 = arith.index_cast %parallel_loop3A_166 : i32 to index
          %parallel_loop3A_371 = arith.constant 192 : index
          %parallel_loop3A_372 = tpu.vector_load %arg7[%parallel_loop3A_369, %parallel_loop3A_370, %parallel_loop3A_371] {strides = array<i32>} : memref<3x24x768xf32, #tpu.memory_space<vmem>>, vector<1x1x16xf32>,
          %parallel_loop3A_373 = vector.shape_cast %parallel_loop3A_372 : vector<1x1x16xf32> to vector<16xf32>
          %parallel_loop3A_374 = vector.shape_cast %parallel_loop3A_368 : vector<16xf32> to vector<1x1x16xf32>
          tpu.vector_store %arg7[%parallel_loop3A_369, %parallel_loop3A_370, %parallel_loop3A_371], %parallel_loop3A_374 {strides = array<i32>} : memref<3x24x768xf32, #tpu.memory_space<vmem>>, vector<1x1x16xf32>,
          %parallel_loop3A_375 = arith.index_cast %rem3A_126 : i32 to index
          %parallel_loop3A_376 = arith.index_cast %parallel_loop3A_166 : i32 to index
          %parallel_loop3A_377 = arith.constant 208 : index
          %parallel_loop3A_378 = tpu.vector_load %arg6[%parallel_loop3A_375, %parallel_loop3A_376, %parallel_loop3A_377] {strides = array<i32>} : memref<3x24x768xf32, #tpu.memory_space<vmem>>, vector<1x1x16xf32>,
          %parallel_loop3A_379 = vector.shape_cast %parallel_loop3A_378 : vector<1x1x16xf32> to vector<16xf32>
          %parallel_loop3A_380 = arith.index_cast %parallel_loop3A_166 : i32 to index
          %parallel_loop3A_381 = arith.constant 208 : index
          %parallel_loop3A_382 = tpu.vector_load %arg5[%parallel_loop3A_380, %parallel_loop3A_381] {strides = array<i32>} : memref<24x768xf32, #tpu.memory_space<vmem>>, vector<1x16xf32>,
          %parallel_loop3A_383 = vector.shape_cast %parallel_loop3A_382 : vector<1x16xf32> to vector<16xf32>
          %parallel_loop3A_384 = arith.addf %parallel_loop3A_379, %parallel_loop3A_383 : vector<16xf32>
          %parallel_loop3A_385 = arith.index_cast %rem3A_126 : i32 to index
          %parallel_loop3A_386 = arith.index_cast %parallel_loop3A_166 : i32 to index
          %parallel_loop3A_387 = arith.constant 208 : index
          %parallel_loop3A_388 = tpu.vector_load %arg7[%parallel_loop3A_385, %parallel_loop3A_386, %parallel_loop3A_387] {strides = array<i32>} : memref<3x24x768xf32, #tpu.memory_space<vmem>>, vector<1x1x16xf32>,
          %parallel_loop3A_389 = vector.shape_cast %parallel_loop3A_388 : vector<1x1x16xf32> to vector<16xf32>
          %parallel_loop3A_390 = vector.shape_cast %parallel_loop3A_384 : vector<16xf32> to vector<1x1x16xf32>
          tpu.vector_store %arg7[%parallel_loop3A_385, %parallel_loop3A_386, %parallel_loop3A_387], %parallel_loop3A_390 {strides = array<i32>} : memref<3x24x768xf32, #tpu.memory_space<vmem>>, vector<1x1x16xf32>,
          %parallel_loop3A_391 = arith.index_cast %rem3A_126 : i32 to index
          %parallel_loop3A_392 = arith.index_cast %parallel_loop3A_166 : i32 to index
          %parallel_loop3A_393 = arith.constant 224 : index
          %parallel_loop3A_394 = tpu.vector_load %arg6[%parallel_loop3A_391, %parallel_loop3A_392, %parallel_loop3A_393] {strides = array<i32>} : memref<3x24x768xf32, #tpu.memory_space<vmem>>, vector<1x1x16xf32>,
          %parallel_loop3A_395 = vector.shape_cast %parallel_loop3A_394 : vector<1x1x16xf32> to vector<16xf32>
          %parallel_loop3A_396 = arith.index_cast %parallel_loop3A_166 : i32 to index
          %parallel_loop3A_397 = arith.constant 224 : index
          %parallel_loop3A_398 = tpu.vector_load %arg5[%parallel_loop3A_396, %parallel_loop3A_397] {strides = array<i32>} : memref<24x768xf32, #tpu.memory_space<vmem>>, vector<1x16xf32>,
          %parallel_loop3A_399 = vector.shape_cast %parallel_loop3A_398 : vector<1x16xf32> to vector<16xf32>
          %parallel_loop3A_400 = arith.addf %parallel_loop3A_395, %parallel_loop3A_399 : vector<16xf32>
          %parallel_loop3A_401 = arith.index_cast %rem3A_126 : i32 to index
          %parallel_loop3A_402 = arith.index_cast %parallel_loop3A_166 : i32 to index
          %parallel_loop3A_403 = arith.constant 224 : index
          %parallel_loop3A_404 = tpu.vector_load %arg7[%parallel_loop3A_401, %parallel_loop3A_402, %parallel_loop3A_403] {strides = array<i32>} : memref<3x24x768xf32, #tpu.memory_space<vmem>>, vector<1x1x16xf32>,
          %parallel_loop3A_405 = vector.shape_cast %parallel_loop3A_404 : vector<1x1x16xf32> to vector<16xf32>
          %parallel_loop3A_406 = vector.shape_cast %parallel_loop3A_400 : vector<16xf32> to vector<1x1x16xf32>
          tpu.vector_store %arg7[%parallel_loop3A_401, %parallel_loop3A_402, %parallel_loop3A_403], %parallel_loop3A_406 {strides = array<i32>} : memref<3x24x768xf32, #tpu.memory_space<vmem>>, vector<1x1x16xf32>,
          %parallel_loop3A_407 = arith.index_cast %rem3A_126 : i32 to index
          %parallel_loop3A_408 = arith.index_cast %parallel_loop3A_166 : i32 to index
          %parallel_loop3A_409 = arith.constant 240 : index
          %parallel_loop3A_410 = tpu.vector_load %arg6[%parallel_loop3A_407, %parallel_loop3A_408, %parallel_loop3A_409] {strides = array<i32>} : memref<3x24x768xf32, #tpu.memory_space<vmem>>, vector<1x1x16xf32>,
          %parallel_loop3A_411 = vector.shape_cast %parallel_loop3A_410 : vector<1x1x16xf32> to vector<16xf32>
          %parallel_loop3A_412 = arith.index_cast %parallel_loop3A_166 : i32 to index
          %parallel_loop3A_413 = arith.constant 240 : index
          %parallel_loop3A_414 = tpu.vector_load %arg5[%parallel_loop3A_412, %parallel_loop3A_413] {strides = array<i32>} : memref<24x768xf32, #tpu.memory_space<vmem>>, vector<1x16xf32>,
          %parallel_loop3A_415 = vector.shape_cast %parallel_loop3A_414 : vector<1x16xf32> to vector<16xf32>
          %parallel_loop3A_416 = arith.addf %parallel_loop3A_411, %parallel_loop3A_415 : vector<16xf32>
          %parallel_loop3A_417 = arith.index_cast %rem3A_126 : i32 to index
          %parallel_loop3A_418 = arith.index_cast %parallel_loop3A_166 : i32 to index
          %parallel_loop3A_419 = arith.constant 240 : index
          %parallel_loop3A_420 = tpu.vector_load %arg7[%parallel_loop3A_417, %parallel_loop3A_418, %parallel_loop3A_419] {strides = array<i32>} : memref<3x24x768xf32, #tpu.memory_space<vmem>>, vector<1x1x16xf32>,
          %parallel_loop3A_421 = vector.shape_cast %parallel_loop3A_420 : vector<1x1x16xf32> to vector<16xf32>
          %parallel_loop3A_422 = vector.shape_cast %parallel_loop3A_416 : vector<16xf32> to vector<1x1x16xf32>
          tpu.vector_store %arg7[%parallel_loop3A_417, %parallel_loop3A_418, %parallel_loop3A_419], %parallel_loop3A_422 {strides = array<i32>} : memref<3x24x768xf32, #tpu.memory_space<vmem>>, vector<1x1x16xf32>,
          %parallel_loop3A_423 = arith.index_cast %rem3A_126 : i32 to index
          %parallel_loop3A_424 = arith.index_cast %parallel_loop3A_166 : i32 to index
          %parallel_loop3A_425 = arith.constant 256 : index
          %parallel_loop3A_426 = tpu.vector_load %arg6[%parallel_loop3A_423, %parallel_loop3A_424, %parallel_loop3A_425] {strides = array<i32>} : memref<3x24x768xf32, #tpu.memory_space<vmem>>, vector<1x1x16xf32>,
          %parallel_loop3A_427 = vector.shape_cast %parallel_loop3A_426 : vector<1x1x16xf32> to vector<16xf32>
          %parallel_loop3A_428 = arith.index_cast %parallel_loop3A_166 : i32 to index
          %parallel_loop3A_429 = arith.constant 256 : index
          %parallel_loop3A_430 = tpu.vector_load %arg5[%parallel_loop3A_428, %parallel_loop3A_429] {strides = array<i32>} : memref<24x768xf32, #tpu.memory_space<vmem>>, vector<1x16xf32>,
          %parallel_loop3A_431 = vector.shape_cast %parallel_loop3A_430 : vector<1x16xf32> to vector<16xf32>
          %parallel_loop3A_432 = arith.addf %parallel_loop3A_427, %parallel_loop3A_431 : vector<16xf32>
          %parallel_loop3A_433 = arith.index_cast %rem3A_126 : i32 to index
          %parallel_loop3A_434 = arith.index_cast %parallel_loop3A_166 : i32 to index
          %parallel_loop3A_435 = arith.constant 256 : index
          %parallel_loop3A_436 = tpu.vector_load %arg7[%parallel_loop3A_433, %parallel_loop3A_434, %parallel_loop3A_435] {strides = array<i32>} : memref<3x24x768xf32, #tpu.memory_space<vmem>>, vector<1x1x16xf32>,
          %parallel_loop3A_437 = vector.shape_cast %parallel_loop3A_436 : vector<1x1x16xf32> to vector<16xf32>
          %parallel_loop3A_438 = vector.shape_cast %parallel_loop3A_432 : vector<16xf32> to vector<1x1x16xf32>
          tpu.vector_store %arg7[%parallel_loop3A_433, %parallel_loop3A_434, %parallel_loop3A_435], %parallel_loop3A_438 {strides = array<i32>} : memref<3x24x768xf32, #tpu.memory_space<vmem>>, vector<1x1x16xf32>,
          %parallel_loop3A_439 = arith.index_cast %rem3A_126 : i32 to index
          %parallel_loop3A_440 = arith.index_cast %parallel_loop3A_166 : i32 to index
          %parallel_loop3A_441 = arith.constant 272 : index
          %parallel_loop3A_442 = tpu.vector_load %arg6[%parallel_loop3A_439, %parallel_loop3A_440, %parallel_loop3A_441] {strides = array<i32>} : memref<3x24x768xf32, #tpu.memory_space<vmem>>, vector<1x1x16xf32>,
          %parallel_loop3A_443 = vector.shape_cast %parallel_loop3A_442 : vector<1x1x16xf32> to vector<16xf32>
          %parallel_loop3A_444 = arith.index_cast %parallel_loop3A_166 : i32 to index
          %parallel_loop3A_445 = arith.constant 272 : index
          %parallel_loop3A_446 = tpu.vector_load %arg5[%parallel_loop3A_444, %parallel_loop3A_445] {strides = array<i32>} : memref<24x768xf32, #tpu.memory_space<vmem>>, vector<1x16xf32>,
          %parallel_loop3A_447 = vector.shape_cast %parallel_loop3A_446 : vector<1x16xf32> to vector<16xf32>
          %parallel_loop3A_448 = arith.addf %parallel_loop3A_443, %parallel_loop3A_447 : vector<16xf32>
          %parallel_loop3A_449 = arith.index_cast %rem3A_126 : i32 to index
          %parallel_loop3A_450 = arith.index_cast %parallel_loop3A_166 : i32 to index
          %parallel_loop3A_451 = arith.constant 272 : index
          %parallel_loop3A_452 = tpu.vector_load %arg7[%parallel_loop3A_449, %parallel_loop3A_450, %parallel_loop3A_451] {strides = array<i32>} : memref<3x24x768xf32, #tpu.memory_space<vmem>>, vector<1x1x16xf32>,
          %parallel_loop3A_453 = vector.shape_cast %parallel_loop3A_452 : vector<1x1x16xf32> to vector<16xf32>
          %parallel_loop3A_454 = vector.shape_cast %parallel_loop3A_448 : vector<16xf32> to vector<1x1x16xf32>
          tpu.vector_store %arg7[%parallel_loop3A_449, %parallel_loop3A_450, %parallel_loop3A_451], %parallel_loop3A_454 {strides = array<i32>} : memref<3x24x768xf32, #tpu.memory_space<vmem>>, vector<1x1x16xf32>,
          %parallel_loop3A_455 = arith.index_cast %rem3A_126 : i32 to index
          %parallel_loop3A_456 = arith.index_cast %parallel_loop3A_166 : i32 to index
          %parallel_loop3A_457 = arith.constant 288 : index
          %parallel_loop3A_458 = tpu.vector_load %arg6[%parallel_loop3A_455, %parallel_loop3A_456, %parallel_loop3A_457] {strides = array<i32>} : memref<3x24x768xf32, #tpu.memory_space<vmem>>, vector<1x1x16xf32>,
          %parallel_loop3A_459 = vector.shape_cast %parallel_loop3A_458 : vector<1x1x16xf32> to vector<16xf32>
          %parallel_loop3A_460 = arith.index_cast %parallel_loop3A_166 : i32 to index
          %parallel_loop3A_461 = arith.constant 288 : index
          %parallel_loop3A_462 = tpu.vector_load %arg5[%parallel_loop3A_460, %parallel_loop3A_461] {strides = array<i32>} : memref<24x768xf32, #tpu.memory_space<vmem>>, vector<1x16xf32>,
          %parallel_loop3A_463 = vector.shape_cast %parallel_loop3A_462 : vector<1x16xf32> to vector<16xf32>
          %parallel_loop3A_464 = arith.addf %parallel_loop3A_459, %parallel_loop3A_463 : vector<16xf32>
          %parallel_loop3A_465 = arith.index_cast %rem3A_126 : i32 to index
          %parallel_loop3A_466 = arith.index_cast %parallel_loop3A_166 : i32 to index
          %parallel_loop3A_467 = arith.constant 288 : index
          %parallel_loop3A_468 = tpu.vector_load %arg7[%parallel_loop3A_465, %parallel_loop3A_466, %parallel_loop3A_467] {strides = array<i32>} : memref<3x24x768xf32, #tpu.memory_space<vmem>>, vector<1x1x16xf32>,
          %parallel_loop3A_469 = vector.shape_cast %parallel_loop3A_468 : vector<1x1x16xf32> to vector<16xf32>
          %parallel_loop3A_470 = vector.shape_cast %parallel_loop3A_464 : vector<16xf32> to vector<1x1x16xf32>
          tpu.vector_store %arg7[%parallel_loop3A_465, %parallel_loop3A_466, %parallel_loop3A_467], %parallel_loop3A_470 {strides = array<i32>} : memref<3x24x768xf32, #tpu.memory_space<vmem>>, vector<1x1x16xf32>,
          %parallel_loop3A_471 = arith.index_cast %rem3A_126 : i32 to index
          %parallel_loop3A_472 = arith.index_cast %parallel_loop3A_166 : i32 to index
          %parallel_loop3A_473 = arith.constant 304 : index
          %parallel_loop3A_474 = tpu.vector_load %arg6[%parallel_loop3A_471, %parallel_loop3A_472, %parallel_loop3A_473] {strides = array<i32>} : memref<3x24x768xf32, #tpu.memory_space<vmem>>, vector<1x1x16xf32>,
          %parallel_loop3A_475 = vector.shape_cast %parallel_loop3A_474 : vector<1x1x16xf32> to vector<16xf32>
          %parallel_loop3A_476 = arith.index_cast %parallel_loop3A_166 : i32 to index
          %parallel_loop3A_477 = arith.constant 304 : index
          %parallel_loop3A_478 = tpu.vector_load %arg5[%parallel_loop3A_476, %parallel_loop3A_477] {strides = array<i32>} : memref<24x768xf32, #tpu.memory_space<vmem>>, vector<1x16xf32>,
          %parallel_loop3A_479 = vector.shape_cast %parallel_loop3A_478 : vector<1x16xf32> to vector<16xf32>
          %parallel_loop3A_480 = arith.addf %parallel_loop3A_475, %parallel_loop3A_479 : vector<16xf32>
          %parallel_loop3A_481 = arith.index_cast %rem3A_126 : i32 to index
          %parallel_loop3A_482 = arith.index_cast %parallel_loop3A_166 : i32 to index
          %parallel_loop3A_483 = arith.constant 304 : index
          %parallel_loop3A_484 = tpu.vector_load %arg7[%parallel_loop3A_481, %parallel_loop3A_482, %parallel_loop3A_483] {strides = array<i32>} : memref<3x24x768xf32, #tpu.memory_space<vmem>>, vector<1x1x16xf32>,
          %parallel_loop3A_485 = vector.shape_cast %parallel_loop3A_484 : vector<1x1x16xf32> to vector<16xf32>
          %parallel_loop3A_486 = vector.shape_cast %parallel_loop3A_480 : vector<16xf32> to vector<1x1x16xf32>
          tpu.vector_store %arg7[%parallel_loop3A_481, %parallel_loop3A_482, %parallel_loop3A_483], %parallel_loop3A_486 {strides = array<i32>} : memref<3x24x768xf32, #tpu.memory_space<vmem>>, vector<1x1x16xf32>,
          %parallel_loop3A_487 = arith.index_cast %rem3A_126 : i32 to index
          %parallel_loop3A_488 = arith.index_cast %parallel_loop3A_166 : i32 to index
          %parallel_loop3A_489 = arith.constant 320 : index
          %parallel_loop3A_490 = tpu.vector_load %arg6[%parallel_loop3A_487, %parallel_loop3A_488, %parallel_loop3A_489] {strides = array<i32>} : memref<3x24x768xf32, #tpu.memory_space<vmem>>, vector<1x1x16xf32>,
          %parallel_loop3A_491 = vector.shape_cast %parallel_loop3A_490 : vector<1x1x16xf32> to vector<16xf32>
          %parallel_loop3A_492 = arith.index_cast %parallel_loop3A_166 : i32 to index
          %parallel_loop3A_493 = arith.constant 320 : index
          %parallel_loop3A_494 = tpu.vector_load %arg5[%parallel_loop3A_492, %parallel_loop3A_493] {strides = array<i32>} : memref<24x768xf32, #tpu.memory_space<vmem>>, vector<1x16xf32>,
          %parallel_loop3A_495 = vector.shape_cast %parallel_loop3A_494 : vector<1x16xf32> to vector<16xf32>
          %parallel_loop3A_496 = arith.addf %parallel_loop3A_491, %parallel_loop3A_495 : vector<16xf32>
          %parallel_loop3A_497 = arith.index_cast %rem3A_126 : i32 to index
          %parallel_loop3A_498 = arith.index_cast %parallel_loop3A_166 : i32 to index
          %parallel_loop3A_499 = arith.constant 320 : index
          %parallel_loop3A_500 = tpu.vector_load %arg7[%parallel_loop3A_497, %parallel_loop3A_498, %parallel_loop3A_499] {strides = array<i32>} : memref<3x24x768xf32, #tpu.memory_space<vmem>>, vector<1x1x16xf32>,
          %parallel_loop3A_501 = vector.shape_cast %parallel_loop3A_500 : vector<1x1x16xf32> to vector<16xf32>
          %parallel_loop3A_502 = vector.shape_cast %parallel_loop3A_496 : vector<16xf32> to vector<1x1x16xf32>
          tpu.vector_store %arg7[%parallel_loop3A_497, %parallel_loop3A_498, %parallel_loop3A_499], %parallel_loop3A_502 {strides = array<i32>} : memref<3x24x768xf32, #tpu.memory_space<vmem>>, vector<1x1x16xf32>,
          %parallel_loop3A_503 = arith.index_cast %rem3A_126 : i32 to index
          %parallel_loop3A_504 = arith.index_cast %parallel_loop3A_166 : i32 to index
          %parallel_loop3A_505 = arith.constant 336 : index
          %parallel_loop3A_506 = tpu.vector_load %arg6[%parallel_loop3A_503, %parallel_loop3A_504, %parallel_loop3A_505] {strides = array<i32>} : memref<3x24x768xf32, #tpu.memory_space<vmem>>, vector<1x1x16xf32>,
          %parallel_loop3A_507 = vector.shape_cast %parallel_loop3A_506 : vector<1x1x16xf32> to vector<16xf32>
          %parallel_loop3A_508 = arith.index_cast %parallel_loop3A_166 : i32 to index
          %parallel_loop3A_509 = arith.constant 336 : index
          %parallel_loop3A_510 = tpu.vector_load %arg5[%parallel_loop3A_508, %parallel_loop3A_509] {strides = array<i32>} : memref<24x768xf32, #tpu.memory_space<vmem>>, vector<1x16xf32>,
          %parallel_loop3A_511 = vector.shape_cast %parallel_loop3A_510 : vector<1x16xf32> to vector<16xf32>
          %parallel_loop3A_512 = arith.addf %parallel_loop3A_507, %parallel_loop3A_511 : vector<16xf32>
          %parallel_loop3A_513 = arith.index_cast %rem3A_126 : i32 to index
          %parallel_loop3A_514 = arith.index_cast %parallel_loop3A_166 : i32 to index
          %parallel_loop3A_515 = arith.constant 336 : index
          %parallel_loop3A_516 = tpu.vector_load %arg7[%parallel_loop3A_513, %parallel_loop3A_514, %parallel_loop3A_515] {strides = array<i32>} : memref<3x24x768xf32, #tpu.memory_space<vmem>>, vector<1x1x16xf32>,
          %parallel_loop3A_517 = vector.shape_cast %parallel_loop3A_516 : vector<1x1x16xf32> to vector<16xf32>
          %parallel_loop3A_518 = vector.shape_cast %parallel_loop3A_512 : vector<16xf32> to vector<1x1x16xf32>
          tpu.vector_store %arg7[%parallel_loop3A_513, %parallel_loop3A_514, %parallel_loop3A_515], %parallel_loop3A_518 {strides = array<i32>} : memref<3x24x768xf32, #tpu.memory_space<vmem>>, vector<1x1x16xf32>,
          %parallel_loop3A_519 = arith.index_cast %rem3A_126 : i32 to index
          %parallel_loop3A_520 = arith.index_cast %parallel_loop3A_166 : i32 to index
          %parallel_loop3A_521 = arith.constant 352 : index
          %parallel_loop3A_522 = tpu.vector_load %arg6[%parallel_loop3A_519, %parallel_loop3A_520, %parallel_loop3A_521] {strides = array<i32>} : memref<3x24x768xf32, #tpu.memory_space<vmem>>, vector<1x1x16xf32>,
          %parallel_loop3A_523 = vector.shape_cast %parallel_loop3A_522 : vector<1x1x16xf32> to vector<16xf32>
          %parallel_loop3A_524 = arith.index_cast %parallel_loop3A_166 : i32 to index
          %parallel_loop3A_525 = arith.constant 352 : index
          %parallel_loop3A_526 = tpu.vector_load %arg5[%parallel_loop3A_524, %parallel_loop3A_525] {strides = array<i32>} : memref<24x768xf32, #tpu.memory_space<vmem>>, vector<1x16xf32>,
          %parallel_loop3A_527 = vector.shape_cast %parallel_loop3A_526 : vector<1x16xf32> to vector<16xf32>
          %parallel_loop3A_528 = arith.addf %parallel_loop3A_523, %parallel_loop3A_527 : vector<16xf32>
          %parallel_loop3A_529 = arith.index_cast %rem3A_126 : i32 to index
          %parallel_loop3A_530 = arith.index_cast %parallel_loop3A_166 : i32 to index
          %parallel_loop3A_531 = arith.constant 352 : index
          %parallel_loop3A_532 = tpu.vector_load %arg7[%parallel_loop3A_529, %parallel_loop3A_530, %parallel_loop3A_531] {strides = array<i32>} : memref<3x24x768xf32, #tpu.memory_space<vmem>>, vector<1x1x16xf32>,
          %parallel_loop3A_533 = vector.shape_cast %parallel_loop3A_532 : vector<1x1x16xf32> to vector<16xf32>
          %parallel_loop3A_534 = vector.shape_cast %parallel_loop3A_528 : vector<16xf32> to vector<1x1x16xf32>
          tpu.vector_store %arg7[%parallel_loop3A_529, %parallel_loop3A_530, %parallel_loop3A_531], %parallel_loop3A_534 {strides = array<i32>} : memref<3x24x768xf32, #tpu.memory_space<vmem>>, vector<1x1x16xf32>,
          %parallel_loop3A_535 = arith.index_cast %rem3A_126 : i32 to index
          %parallel_loop3A_536 = arith.index_cast %parallel_loop3A_166 : i32 to index
          %parallel_loop3A_537 = arith.constant 368 : index
          %parallel_loop3A_538 = tpu.vector_load %arg6[%parallel_loop3A_535, %parallel_loop3A_536, %parallel_loop3A_537] {strides = array<i32>} : memref<3x24x768xf32, #tpu.memory_space<vmem>>, vector<1x1x16xf32>,
          %parallel_loop3A_539 = vector.shape_cast %parallel_loop3A_538 : vector<1x1x16xf32> to vector<16xf32>
          %parallel_loop3A_540 = arith.index_cast %parallel_loop3A_166 : i32 to index
          %parallel_loop3A_541 = arith.constant 368 : index
          %parallel_loop3A_542 = tpu.vector_load %arg5[%parallel_loop3A_540, %parallel_loop3A_541] {strides = array<i32>} : memref<24x768xf32, #tpu.memory_space<vmem>>, vector<1x16xf32>,
          %parallel_loop3A_543 = vector.shape_cast %parallel_loop3A_542 : vector<1x16xf32> to vector<16xf32>
          %parallel_loop3A_544 = arith.addf %parallel_loop3A_539, %parallel_loop3A_543 : vector<16xf32>
          %parallel_loop3A_545 = arith.index_cast %rem3A_126 : i32 to index
          %parallel_loop3A_546 = arith.index_cast %parallel_loop3A_166 : i32 to index
          %parallel_loop3A_547 = arith.constant 368 : index
          %parallel_loop3A_548 = tpu.vector_load %arg7[%parallel_loop3A_545, %parallel_loop3A_546, %parallel_loop3A_547] {strides = array<i32>} : memref<3x24x768xf32, #tpu.memory_space<vmem>>, vector<1x1x16xf32>,
          %parallel_loop3A_549 = vector.shape_cast %parallel_loop3A_548 : vector<1x1x16xf32> to vector<16xf32>
          %parallel_loop3A_550 = vector.shape_cast %parallel_loop3A_544 : vector<16xf32> to vector<1x1x16xf32>
          tpu.vector_store %arg7[%parallel_loop3A_545, %parallel_loop3A_546, %parallel_loop3A_547], %parallel_loop3A_550 {strides = array<i32>} : memref<3x24x768xf32, #tpu.memory_space<vmem>>, vector<1x1x16xf32>,
          %parallel_loop3A_551 = arith.index_cast %rem3A_126 : i32 to index
          %parallel_loop3A_552 = arith.index_cast %parallel_loop3A_166 : i32 to index
          %parallel_loop3A_553 = arith.constant 384 : index
          %parallel_loop3A_554 = tpu.vector_load %arg6[%parallel_loop3A_551, %parallel_loop3A_552, %parallel_loop3A_553] {strides = array<i32>} : memref<3x24x768xf32, #tpu.memory_space<vmem>>, vector<1x1x16xf32>,
          %parallel_loop3A_555 = vector.shape_cast %parallel_loop3A_554 : vector<1x1x16xf32> to vector<16xf32>
          %parallel_loop3A_556 = arith.index_cast %parallel_loop3A_166 : i32 to index
          %parallel_loop3A_557 = arith.constant 384 : index
          %parallel_loop3A_558 = tpu.vector_load %arg5[%parallel_loop3A_556, %parallel_loop3A_557] {strides = array<i32>} : memref<24x768xf32, #tpu.memory_space<vmem>>, vector<1x16xf32>,
          %parallel_loop3A_559 = vector.shape_cast %parallel_loop3A_558 : vector<1x16xf32> to vector<16xf32>
          %parallel_loop3A_560 = arith.addf %parallel_loop3A_555, %parallel_loop3A_559 : vector<16xf32>
          %parallel_loop3A_561 = arith.index_cast %rem3A_126 : i32 to index
          %parallel_loop3A_562 = arith.index_cast %parallel_loop3A_166 : i32 to index
          %parallel_loop3A_563 = arith.constant 384 : index
          %parallel_loop3A_564 = tpu.vector_load %arg7[%parallel_loop3A_561, %parallel_loop3A_562, %parallel_loop3A_563] {strides = array<i32>} : memref<3x24x768xf32, #tpu.memory_space<vmem>>, vector<1x1x16xf32>,
          %parallel_loop3A_565 = vector.shape_cast %parallel_loop3A_564 : vector<1x1x16xf32> to vector<16xf32>
          %parallel_loop3A_566 = vector.shape_cast %parallel_loop3A_560 : vector<16xf32> to vector<1x1x16xf32>
          tpu.vector_store %arg7[%parallel_loop3A_561, %parallel_loop3A_562, %parallel_loop3A_563], %parallel_loop3A_566 {strides = array<i32>} : memref<3x24x768xf32, #tpu.memory_space<vmem>>, vector<1x1x16xf32>,
          %parallel_loop3A_567 = arith.index_cast %rem3A_126 : i32 to index
          %parallel_loop3A_568 = arith.index_cast %parallel_loop3A_166 : i32 to index
          %parallel_loop3A_569 = arith.constant 400 : index
          %parallel_loop3A_570 = tpu.vector_load %arg6[%parallel_loop3A_567, %parallel_loop3A_568, %parallel_loop3A_569] {strides = array<i32>} : memref<3x24x768xf32, #tpu.memory_space<vmem>>, vector<1x1x16xf32>,
          %parallel_loop3A_571 = vector.shape_cast %parallel_loop3A_570 : vector<1x1x16xf32> to vector<16xf32>
          %parallel_loop3A_572 = arith.index_cast %parallel_loop3A_166 : i32 to index
          %parallel_loop3A_573 = arith.constant 400 : index
          %parallel_loop3A_574 = tpu.vector_load %arg5[%parallel_loop3A_572, %parallel_loop3A_573] {strides = array<i32>} : memref<24x768xf32, #tpu.memory_space<vmem>>, vector<1x16xf32>,
          %parallel_loop3A_575 = vector.shape_cast %parallel_loop3A_574 : vector<1x16xf32> to vector<16xf32>
          %parallel_loop3A_576 = arith.addf %parallel_loop3A_571, %parallel_loop3A_575 : vector<16xf32>
          %parallel_loop3A_577 = arith.index_cast %rem3A_126 : i32 to index
          %parallel_loop3A_578 = arith.index_cast %parallel_loop3A_166 : i32 to index
          %parallel_loop3A_579 = arith.constant 400 : index
          %parallel_loop3A_580 = tpu.vector_load %arg7[%parallel_loop3A_577, %parallel_loop3A_578, %parallel_loop3A_579] {strides = array<i32>} : memref<3x24x768xf32, #tpu.memory_space<vmem>>, vector<1x1x16xf32>,
          %parallel_loop3A_581 = vector.shape_cast %parallel_loop3A_580 : vector<1x1x16xf32> to vector<16xf32>
          %parallel_loop3A_582 = vector.shape_cast %parallel_loop3A_576 : vector<16xf32> to vector<1x1x16xf32>
          tpu.vector_store %arg7[%parallel_loop3A_577, %parallel_loop3A_578, %parallel_loop3A_579], %parallel_loop3A_582 {strides = array<i32>} : memref<3x24x768xf32, #tpu.memory_space<vmem>>, vector<1x1x16xf32>,
          %parallel_loop3A_583 = arith.index_cast %rem3A_126 : i32 to index
          %parallel_loop3A_584 = arith.index_cast %parallel_loop3A_166 : i32 to index
          %parallel_loop3A_585 = arith.constant 416 : index
          %parallel_loop3A_586 = tpu.vector_load %arg6[%parallel_loop3A_583, %parallel_loop3A_584, %parallel_loop3A_585] {strides = array<i32>} : memref<3x24x768xf32, #tpu.memory_space<vmem>>, vector<1x1x16xf32>,
          %parallel_loop3A_587 = vector.shape_cast %parallel_loop3A_586 : vector<1x1x16xf32> to vector<16xf32>
          %parallel_loop3A_588 = arith.index_cast %parallel_loop3A_166 : i32 to index
          %parallel_loop3A_589 = arith.constant 416 : index
          %parallel_loop3A_590 = tpu.vector_load %arg5[%parallel_loop3A_588, %parallel_loop3A_589] {strides = array<i32>} : memref<24x768xf32, #tpu.memory_space<vmem>>, vector<1x16xf32>,
          %parallel_loop3A_591 = vector.shape_cast %parallel_loop3A_590 : vector<1x16xf32> to vector<16xf32>
          %parallel_loop3A_592 = arith.addf %parallel_loop3A_587, %parallel_loop3A_591 : vector<16xf32>
          %parallel_loop3A_593 = arith.index_cast %rem3A_126 : i32 to index
          %parallel_loop3A_594 = arith.index_cast %parallel_loop3A_166 : i32 to index
          %parallel_loop3A_595 = arith.constant 416 : index
          %parallel_loop3A_596 = tpu.vector_load %arg7[%parallel_loop3A_593, %parallel_loop3A_594, %parallel_loop3A_595] {strides = array<i32>} : memref<3x24x768xf32, #tpu.memory_space<vmem>>, vector<1x1x16xf32>,
          %parallel_loop3A_597 = vector.shape_cast %parallel_loop3A_596 : vector<1x1x16xf32> to vector<16xf32>
          %parallel_loop3A_598 = vector.shape_cast %parallel_loop3A_592 : vector<16xf32> to vector<1x1x16xf32>
          tpu.vector_store %arg7[%parallel_loop3A_593, %parallel_loop3A_594, %parallel_loop3A_595], %parallel_loop3A_598 {strides = array<i32>} : memref<3x24x768xf32, #tpu.memory_space<vmem>>, vector<1x1x16xf32>,
          %parallel_loop3A_599 = arith.index_cast %rem3A_126 : i32 to index
          %parallel_loop3A_600 = arith.index_cast %parallel_loop3A_166 : i32 to index
          %parallel_loop3A_601 = arith.constant 432 : index
          %parallel_loop3A_602 = tpu.vector_load %arg6[%parallel_loop3A_599, %parallel_loop3A_600, %parallel_loop3A_601] {strides = array<i32>} : memref<3x24x768xf32, #tpu.memory_space<vmem>>, vector<1x1x16xf32>,
          %parallel_loop3A_603 = vector.shape_cast %parallel_loop3A_602 : vector<1x1x16xf32> to vector<16xf32>
          %parallel_loop3A_604 = arith.index_cast %parallel_loop3A_166 : i32 to index
          %parallel_loop3A_605 = arith.constant 432 : index
          %parallel_loop3A_606 = tpu.vector_load %arg5[%parallel_loop3A_604, %parallel_loop3A_605] {strides = array<i32>} : memref<24x768xf32, #tpu.memory_space<vmem>>, vector<1x16xf32>,
          %parallel_loop3A_607 = vector.shape_cast %parallel_loop3A_606 : vector<1x16xf32> to vector<16xf32>
          %parallel_loop3A_608 = arith.addf %parallel_loop3A_603, %parallel_loop3A_607 : vector<16xf32>
          %parallel_loop3A_609 = arith.index_cast %rem3A_126 : i32 to index
          %parallel_loop3A_610 = arith.index_cast %parallel_loop3A_166 : i32 to index
          %parallel_loop3A_611 = arith.constant 432 : index
          %parallel_loop3A_612 = tpu.vector_load %arg7[%parallel_loop3A_609, %parallel_loop3A_610, %parallel_loop3A_611] {strides = array<i32>} : memref<3x24x768xf32, #tpu.memory_space<vmem>>, vector<1x1x16xf32>,
          %parallel_loop3A_613 = vector.shape_cast %parallel_loop3A_612 : vector<1x1x16xf32> to vector<16xf32>
          %parallel_loop3A_614 = vector.shape_cast %parallel_loop3A_608 : vector<16xf32> to vector<1x1x16xf32>
          tpu.vector_store %arg7[%parallel_loop3A_609, %parallel_loop3A_610, %parallel_loop3A_611], %parallel_loop3A_614 {strides = array<i32>} : memref<3x24x768xf32, #tpu.memory_space<vmem>>, vector<1x1x16xf32>,
          %parallel_loop3A_615 = arith.index_cast %rem3A_126 : i32 to index
          %parallel_loop3A_616 = arith.index_cast %parallel_loop3A_166 : i32 to index
          %parallel_loop3A_617 = arith.constant 448 : index
          %parallel_loop3A_618 = tpu.vector_load %arg6[%parallel_loop3A_615, %parallel_loop3A_616, %parallel_loop3A_617] {strides = array<i32>} : memref<3x24x768xf32, #tpu.memory_space<vmem>>, vector<1x1x16xf32>,
          %parallel_loop3A_619 = vector.shape_cast %parallel_loop3A_618 : vector<1x1x16xf32> to vector<16xf32>
          %parallel_loop3A_620 = arith.index_cast %parallel_loop3A_166 : i32 to index
          %parallel_loop3A_621 = arith.constant 448 : index
          %parallel_loop3A_622 = tpu.vector_load %arg5[%parallel_loop3A_620, %parallel_loop3A_621] {strides = array<i32>} : memref<24x768xf32, #tpu.memory_space<vmem>>, vector<1x16xf32>,
          %parallel_loop3A_623 = vector.shape_cast %parallel_loop3A_622 : vector<1x16xf32> to vector<16xf32>
          %parallel_loop3A_624 = arith.addf %parallel_loop3A_619, %parallel_loop3A_623 : vector<16xf32>
          %parallel_loop3A_625 = arith.index_cast %rem3A_126 : i32 to index
          %parallel_loop3A_626 = arith.index_cast %parallel_loop3A_166 : i32 to index
          %parallel_loop3A_627 = arith.constant 448 : index
          %parallel_loop3A_628 = tpu.vector_load %arg7[%parallel_loop3A_625, %parallel_loop3A_626, %parallel_loop3A_627] {strides = array<i32>} : memref<3x24x768xf32, #tpu.memory_space<vmem>>, vector<1x1x16xf32>,
          %parallel_loop3A_629 = vector.shape_cast %parallel_loop3A_628 : vector<1x1x16xf32> to vector<16xf32>
          %parallel_loop3A_630 = vector.shape_cast %parallel_loop3A_624 : vector<16xf32> to vector<1x1x16xf32>
          tpu.vector_store %arg7[%parallel_loop3A_625, %parallel_loop3A_626, %parallel_loop3A_627], %parallel_loop3A_630 {strides = array<i32>} : memref<3x24x768xf32, #tpu.memory_space<vmem>>, vector<1x1x16xf32>,
          %parallel_loop3A_631 = arith.index_cast %rem3A_126 : i32 to index
          %parallel_loop3A_632 = arith.index_cast %parallel_loop3A_166 : i32 to index
          %parallel_loop3A_633 = arith.constant 464 : index
          %parallel_loop3A_634 = tpu.vector_load %arg6[%parallel_loop3A_631, %parallel_loop3A_632, %parallel_loop3A_633] {strides = array<i32>} : memref<3x24x768xf32, #tpu.memory_space<vmem>>, vector<1x1x16xf32>,
          %parallel_loop3A_635 = vector.shape_cast %parallel_loop3A_634 : vector<1x1x16xf32> to vector<16xf32>
          %parallel_loop3A_636 = arith.index_cast %parallel_loop3A_166 : i32 to index
          %parallel_loop3A_637 = arith.constant 464 : index
          %parallel_loop3A_638 = tpu.vector_load %arg5[%parallel_loop3A_636, %parallel_loop3A_637] {strides = array<i32>} : memref<24x768xf32, #tpu.memory_space<vmem>>, vector<1x16xf32>,
          %parallel_loop3A_639 = vector.shape_cast %parallel_loop3A_638 : vector<1x16xf32> to vector<16xf32>
          %parallel_loop3A_640 = arith.addf %parallel_loop3A_635, %parallel_loop3A_639 : vector<16xf32>
          %parallel_loop3A_641 = arith.index_cast %rem3A_126 : i32 to index
          %parallel_loop3A_642 = arith.index_cast %parallel_loop3A_166 : i32 to index
          %parallel_loop3A_643 = arith.constant 464 : index
          %parallel_loop3A_644 = tpu.vector_load %arg7[%parallel_loop3A_641, %parallel_loop3A_642, %parallel_loop3A_643] {strides = array<i32>} : memref<3x24x768xf32, #tpu.memory_space<vmem>>, vector<1x1x16xf32>,
          %parallel_loop3A_645 = vector.shape_cast %parallel_loop3A_644 : vector<1x1x16xf32> to vector<16xf32>
          %parallel_loop3A_646 = vector.shape_cast %parallel_loop3A_640 : vector<16xf32> to vector<1x1x16xf32>
          tpu.vector_store %arg7[%parallel_loop3A_641, %parallel_loop3A_642, %parallel_loop3A_643], %parallel_loop3A_646 {strides = array<i32>} : memref<3x24x768xf32, #tpu.memory_space<vmem>>, vector<1x1x16xf32>,
          %parallel_loop3A_647 = arith.index_cast %rem3A_126 : i32 to index
          %parallel_loop3A_648 = arith.index_cast %parallel_loop3A_166 : i32 to index
          %parallel_loop3A_649 = arith.constant 480 : index
          %parallel_loop3A_650 = tpu.vector_load %arg6[%parallel_loop3A_647, %parallel_loop3A_648, %parallel_loop3A_649] {strides = array<i32>} : memref<3x24x768xf32, #tpu.memory_space<vmem>>, vector<1x1x16xf32>,
          %parallel_loop3A_651 = vector.shape_cast %parallel_loop3A_650 : vector<1x1x16xf32> to vector<16xf32>
          %parallel_loop3A_652 = arith.index_cast %parallel_loop3A_166 : i32 to index
          %parallel_loop3A_653 = arith.constant 480 : index
          %parallel_loop3A_654 = tpu.vector_load %arg5[%parallel_loop3A_652, %parallel_loop3A_653] {strides = array<i32>} : memref<24x768xf32, #tpu.memory_space<vmem>>, vector<1x16xf32>,
          %parallel_loop3A_655 = vector.shape_cast %parallel_loop3A_654 : vector<1x16xf32> to vector<16xf32>
          %parallel_loop3A_656 = arith.addf %parallel_loop3A_651, %parallel_loop3A_655 : vector<16xf32>
          %parallel_loop3A_657 = arith.index_cast %rem3A_126 : i32 to index
          %parallel_loop3A_658 = arith.index_cast %parallel_loop3A_166 : i32 to index
          %parallel_loop3A_659 = arith.constant 480 : index
          %parallel_loop3A_660 = tpu.vector_load %arg7[%parallel_loop3A_657, %parallel_loop3A_658, %parallel_loop3A_659] {strides = array<i32>} : memref<3x24x768xf32, #tpu.memory_space<vmem>>, vector<1x1x16xf32>,
          %parallel_loop3A_661 = vector.shape_cast %parallel_loop3A_660 : vector<1x1x16xf32> to vector<16xf32>
          %parallel_loop3A_662 = vector.shape_cast %parallel_loop3A_656 : vector<16xf32> to vector<1x1x16xf32>
          tpu.vector_store %arg7[%parallel_loop3A_657, %parallel_loop3A_658, %parallel_loop3A_659], %parallel_loop3A_662 {strides = array<i32>} : memref<3x24x768xf32, #tpu.memory_space<vmem>>, vector<1x1x16xf32>,
          %parallel_loop3A_663 = arith.index_cast %rem3A_126 : i32 to index
          %parallel_loop3A_664 = arith.index_cast %parallel_loop3A_166 : i32 to index
          %parallel_loop3A_665 = arith.constant 496 : index
          %parallel_loop3A_666 = tpu.vector_load %arg6[%parallel_loop3A_663, %parallel_loop3A_664, %parallel_loop3A_665] {strides = array<i32>} : memref<3x24x768xf32, #tpu.memory_space<vmem>>, vector<1x1x16xf32>,
          %parallel_loop3A_667 = vector.shape_cast %parallel_loop3A_666 : vector<1x1x16xf32> to vector<16xf32>
          %parallel_loop3A_668 = arith.index_cast %parallel_loop3A_166 : i32 to index
          %parallel_loop3A_669 = arith.constant 496 : index
          %parallel_loop3A_670 = tpu.vector_load %arg5[%parallel_loop3A_668, %parallel_loop3A_669] {strides = array<i32>} : memref<24x768xf32, #tpu.memory_space<vmem>>, vector<1x16xf32>,
          %parallel_loop3A_671 = vector.shape_cast %parallel_loop3A_670 : vector<1x16xf32> to vector<16xf32>
          %parallel_loop3A_672 = arith.addf %parallel_loop3A_667, %parallel_loop3A_671 : vector<16xf32>
          %parallel_loop3A_673 = arith.index_cast %rem3A_126 : i32 to index
          %parallel_loop3A_674 = arith.index_cast %parallel_loop3A_166 : i32 to index
          %parallel_loop3A_675 = arith.constant 496 : index
          %parallel_loop3A_676 = tpu.vector_load %arg7[%parallel_loop3A_673, %parallel_loop3A_674, %parallel_loop3A_675] {strides = array<i32>} : memref<3x24x768xf32, #tpu.memory_space<vmem>>, vector<1x1x16xf32>,
          %parallel_loop3A_677 = vector.shape_cast %parallel_loop3A_676 : vector<1x1x16xf32> to vector<16xf32>
          %parallel_loop3A_678 = vector.shape_cast %parallel_loop3A_672 : vector<16xf32> to vector<1x1x16xf32>
          tpu.vector_store %arg7[%parallel_loop3A_673, %parallel_loop3A_674, %parallel_loop3A_675], %parallel_loop3A_678 {strides = array<i32>} : memref<3x24x768xf32, #tpu.memory_space<vmem>>, vector<1x1x16xf32>,
          %parallel_loop3A_679 = arith.index_cast %rem3A_126 : i32 to index
          %parallel_loop3A_680 = arith.index_cast %parallel_loop3A_166 : i32 to index
          %parallel_loop3A_681 = arith.constant 512 : index
          %parallel_loop3A_682 = tpu.vector_load %arg6[%parallel_loop3A_679, %parallel_loop3A_680, %parallel_loop3A_681] {strides = array<i32>} : memref<3x24x768xf32, #tpu.memory_space<vmem>>, vector<1x1x16xf32>,
          %parallel_loop3A_683 = vector.shape_cast %parallel_loop3A_682 : vector<1x1x16xf32> to vector<16xf32>
          %parallel_loop3A_684 = arith.index_cast %parallel_loop3A_166 : i32 to index
          %parallel_loop3A_685 = arith.constant 512 : index
          %parallel_loop3A_686 = tpu.vector_load %arg5[%parallel_loop3A_684, %parallel_loop3A_685] {strides = array<i32>} : memref<24x768xf32, #tpu.memory_space<vmem>>, vector<1x16xf32>,
          %parallel_loop3A_687 = vector.shape_cast %parallel_loop3A_686 : vector<1x16xf32> to vector<16xf32>
          %parallel_loop3A_688 = arith.addf %parallel_loop3A_683, %parallel_loop3A_687 : vector<16xf32>
          %parallel_loop3A_689 = arith.index_cast %rem3A_126 : i32 to index
          %parallel_loop3A_690 = arith.index_cast %parallel_loop3A_166 : i32 to index
          %parallel_loop3A_691 = arith.constant 512 : index
          %parallel_loop3A_692 = tpu.vector_load %arg7[%parallel_loop3A_689, %parallel_loop3A_690, %parallel_loop3A_691] {strides = array<i32>} : memref<3x24x768xf32, #tpu.memory_space<vmem>>, vector<1x1x16xf32>,
          %parallel_loop3A_693 = vector.shape_cast %parallel_loop3A_692 : vector<1x1x16xf32> to vector<16xf32>
          %parallel_loop3A_694 = vector.shape_cast %parallel_loop3A_688 : vector<16xf32> to vector<1x1x16xf32>
          tpu.vector_store %arg7[%parallel_loop3A_689, %parallel_loop3A_690, %parallel_loop3A_691], %parallel_loop3A_694 {strides = array<i32>} : memref<3x24x768xf32, #tpu.memory_space<vmem>>, vector<1x1x16xf32>,
          %parallel_loop3A_695 = arith.index_cast %rem3A_126 : i32 to index
          %parallel_loop3A_696 = arith.index_cast %parallel_loop3A_166 : i32 to index
          %parallel_loop3A_697 = arith.constant 528 : index
          %parallel_loop3A_698 = tpu.vector_load %arg6[%parallel_loop3A_695, %parallel_loop3A_696, %parallel_loop3A_697] {strides = array<i32>} : memref<3x24x768xf32, #tpu.memory_space<vmem>>, vector<1x1x16xf32>,
          %parallel_loop3A_699 = vector.shape_cast %parallel_loop3A_698 : vector<1x1x16xf32> to vector<16xf32>
          %parallel_loop3A_700 = arith.index_cast %parallel_loop3A_166 : i32 to index
          %parallel_loop3A_701 = arith.constant 528 : index
          %parallel_loop3A_702 = tpu.vector_load %arg5[%parallel_loop3A_700, %parallel_loop3A_701] {strides = array<i32>} : memref<24x768xf32, #tpu.memory_space<vmem>>, vector<1x16xf32>,
          %parallel_loop3A_703 = vector.shape_cast %parallel_loop3A_702 : vector<1x16xf32> to vector<16xf32>
          %parallel_loop3A_704 = arith.addf %parallel_loop3A_699, %parallel_loop3A_703 : vector<16xf32>
          %parallel_loop3A_705 = arith.index_cast %rem3A_126 : i32 to index
          %parallel_loop3A_706 = arith.index_cast %parallel_loop3A_166 : i32 to index
          %parallel_loop3A_707 = arith.constant 528 : index
          %parallel_loop3A_708 = tpu.vector_load %arg7[%parallel_loop3A_705, %parallel_loop3A_706, %parallel_loop3A_707] {strides = array<i32>} : memref<3x24x768xf32, #tpu.memory_space<vmem>>, vector<1x1x16xf32>,
          %parallel_loop3A_709 = vector.shape_cast %parallel_loop3A_708 : vector<1x1x16xf32> to vector<16xf32>
          %parallel_loop3A_710 = vector.shape_cast %parallel_loop3A_704 : vector<16xf32> to vector<1x1x16xf32>
          tpu.vector_store %arg7[%parallel_loop3A_705, %parallel_loop3A_706, %parallel_loop3A_707], %parallel_loop3A_710 {strides = array<i32>} : memref<3x24x768xf32, #tpu.memory_space<vmem>>, vector<1x1x16xf32>,
          %parallel_loop3A_711 = arith.index_cast %rem3A_126 : i32 to index
          %parallel_loop3A_712 = arith.index_cast %parallel_loop3A_166 : i32 to index
          %parallel_loop3A_713 = arith.constant 544 : index
          %parallel_loop3A_714 = tpu.vector_load %arg6[%parallel_loop3A_711, %parallel_loop3A_712, %parallel_loop3A_713] {strides = array<i32>} : memref<3x24x768xf32, #tpu.memory_space<vmem>>, vector<1x1x16xf32>,
          %parallel_loop3A_715 = vector.shape_cast %parallel_loop3A_714 : vector<1x1x16xf32> to vector<16xf32>
          %parallel_loop3A_716 = arith.index_cast %parallel_loop3A_166 : i32 to index
          %parallel_loop3A_717 = arith.constant 544 : index
          %parallel_loop3A_718 = tpu.vector_load %arg5[%parallel_loop3A_716, %parallel_loop3A_717] {strides = array<i32>} : memref<24x768xf32, #tpu.memory_space<vmem>>, vector<1x16xf32>,
          %parallel_loop3A_719 = vector.shape_cast %parallel_loop3A_718 : vector<1x16xf32> to vector<16xf32>
          %parallel_loop3A_720 = arith.addf %parallel_loop3A_715, %parallel_loop3A_719 : vector<16xf32>
          %parallel_loop3A_721 = arith.index_cast %rem3A_126 : i32 to index
          %parallel_loop3A_722 = arith.index_cast %parallel_loop3A_166 : i32 to index
          %parallel_loop3A_723 = arith.constant 544 : index
          %parallel_loop3A_724 = tpu.vector_load %arg7[%parallel_loop3A_721, %parallel_loop3A_722, %parallel_loop3A_723] {strides = array<i32>} : memref<3x24x768xf32, #tpu.memory_space<vmem>>, vector<1x1x16xf32>,
          %parallel_loop3A_725 = vector.shape_cast %parallel_loop3A_724 : vector<1x1x16xf32> to vector<16xf32>
          %parallel_loop3A_726 = vector.shape_cast %parallel_loop3A_720 : vector<16xf32> to vector<1x1x16xf32>
          tpu.vector_store %arg7[%parallel_loop3A_721, %parallel_loop3A_722, %parallel_loop3A_723], %parallel_loop3A_726 {strides = array<i32>} : memref<3x24x768xf32, #tpu.memory_space<vmem>>, vector<1x1x16xf32>,
          %parallel_loop3A_727 = arith.index_cast %rem3A_126 : i32 to index
          %parallel_loop3A_728 = arith.index_cast %parallel_loop3A_166 : i32 to index
          %parallel_loop3A_729 = arith.constant 560 : index
          %parallel_loop3A_730 = tpu.vector_load %arg6[%parallel_loop3A_727, %parallel_loop3A_728, %parallel_loop3A_729] {strides = array<i32>} : memref<3x24x768xf32, #tpu.memory_space<vmem>>, vector<1x1x16xf32>,
          %parallel_loop3A_731 = vector.shape_cast %parallel_loop3A_730 : vector<1x1x16xf32> to vector<16xf32>
          %parallel_loop3A_732 = arith.index_cast %parallel_loop3A_166 : i32 to index
          %parallel_loop3A_733 = arith.constant 560 : index
          %parallel_loop3A_734 = tpu.vector_load %arg5[%parallel_loop3A_732, %parallel_loop3A_733] {strides = array<i32>} : memref<24x768xf32, #tpu.memory_space<vmem>>, vector<1x16xf32>,
          %parallel_loop3A_735 = vector.shape_cast %parallel_loop3A_734 : vector<1x16xf32> to vector<16xf32>
          %parallel_loop3A_736 = arith.addf %parallel_loop3A_731, %parallel_loop3A_735 : vector<16xf32>
          %parallel_loop3A_737 = arith.index_cast %rem3A_126 : i32 to index
          %parallel_loop3A_738 = arith.index_cast %parallel_loop3A_166 : i32 to index
          %parallel_loop3A_739 = arith.constant 560 : index
          %parallel_loop3A_740 = tpu.vector_load %arg7[%parallel_loop3A_737, %parallel_loop3A_738, %parallel_loop3A_739] {strides = array<i32>} : memref<3x24x768xf32, #tpu.memory_space<vmem>>, vector<1x1x16xf32>,
          %parallel_loop3A_741 = vector.shape_cast %parallel_loop3A_740 : vector<1x1x16xf32> to vector<16xf32>
          %parallel_loop3A_742 = vector.shape_cast %parallel_loop3A_736 : vector<16xf32> to vector<1x1x16xf32>
          tpu.vector_store %arg7[%parallel_loop3A_737, %parallel_loop3A_738, %parallel_loop3A_739], %parallel_loop3A_742 {strides = array<i32>} : memref<3x24x768xf32, #tpu.memory_space<vmem>>, vector<1x1x16xf32>,
          %parallel_loop3A_743 = arith.index_cast %rem3A_126 : i32 to index
          %parallel_loop3A_744 = arith.index_cast %parallel_loop3A_166 : i32 to index
          %parallel_loop3A_745 = arith.constant 576 : index
          %parallel_loop3A_746 = tpu.vector_load %arg6[%parallel_loop3A_743, %parallel_loop3A_744, %parallel_loop3A_745] {strides = array<i32>} : memref<3x24x768xf32, #tpu.memory_space<vmem>>, vector<1x1x16xf32>,
          %parallel_loop3A_747 = vector.shape_cast %parallel_loop3A_746 : vector<1x1x16xf32> to vector<16xf32>
          %parallel_loop3A_748 = arith.index_cast %parallel_loop3A_166 : i32 to index
          %parallel_loop3A_749 = arith.constant 576 : index
          %parallel_loop3A_750 = tpu.vector_load %arg5[%parallel_loop3A_748, %parallel_loop3A_749] {strides = array<i32>} : memref<24x768xf32, #tpu.memory_space<vmem>>, vector<1x16xf32>,
          %parallel_loop3A_751 = vector.shape_cast %parallel_loop3A_750 : vector<1x16xf32> to vector<16xf32>
          %parallel_loop3A_752 = arith.addf %parallel_loop3A_747, %parallel_loop3A_751 : vector<16xf32>
          %parallel_loop3A_753 = arith.index_cast %rem3A_126 : i32 to index
          %parallel_loop3A_754 = arith.index_cast %parallel_loop3A_166 : i32 to index
          %parallel_loop3A_755 = arith.constant 576 : index
          %parallel_loop3A_756 = tpu.vector_load %arg7[%parallel_loop3A_753, %parallel_loop3A_754, %parallel_loop3A_755] {strides = array<i32>} : memref<3x24x768xf32, #tpu.memory_space<vmem>>, vector<1x1x16xf32>,
          %parallel_loop3A_757 = vector.shape_cast %parallel_loop3A_756 : vector<1x1x16xf32> to vector<16xf32>
          %parallel_loop3A_758 = vector.shape_cast %parallel_loop3A_752 : vector<16xf32> to vector<1x1x16xf32>
          tpu.vector_store %arg7[%parallel_loop3A_753, %parallel_loop3A_754, %parallel_loop3A_755], %parallel_loop3A_758 {strides = array<i32>} : memref<3x24x768xf32, #tpu.memory_space<vmem>>, vector<1x1x16xf32>,
          %parallel_loop3A_759 = arith.index_cast %rem3A_126 : i32 to index
          %parallel_loop3A_760 = arith.index_cast %parallel_loop3A_166 : i32 to index
          %parallel_loop3A_761 = arith.constant 592 : index
          %parallel_loop3A_762 = tpu.vector_load %arg6[%parallel_loop3A_759, %parallel_loop3A_760, %parallel_loop3A_761] {strides = array<i32>} : memref<3x24x768xf32, #tpu.memory_space<vmem>>, vector<1x1x16xf32>,
          %parallel_loop3A_763 = vector.shape_cast %parallel_loop3A_762 : vector<1x1x16xf32> to vector<16xf32>
          %parallel_loop3A_764 = arith.index_cast %parallel_loop3A_166 : i32 to index
          %parallel_loop3A_765 = arith.constant 592 : index
          %parallel_loop3A_766 = tpu.vector_load %arg5[%parallel_loop3A_764, %parallel_loop3A_765] {strides = array<i32>} : memref<24x768xf32, #tpu.memory_space<vmem>>, vector<1x16xf32>,
          %parallel_loop3A_767 = vector.shape_cast %parallel_loop3A_766 : vector<1x16xf32> to vector<16xf32>
          %parallel_loop3A_768 = arith.addf %parallel_loop3A_763, %parallel_loop3A_767 : vector<16xf32>
          %parallel_loop3A_769 = arith.index_cast %rem3A_126 : i32 to index
          %parallel_loop3A_770 = arith.index_cast %parallel_loop3A_166 : i32 to index
          %parallel_loop3A_771 = arith.constant 592 : index
          %parallel_loop3A_772 = tpu.vector_load %arg7[%parallel_loop3A_769, %parallel_loop3A_770, %parallel_loop3A_771] {strides = array<i32>} : memref<3x24x768xf32, #tpu.memory_space<vmem>>, vector<1x1x16xf32>,
          %parallel_loop3A_773 = vector.shape_cast %parallel_loop3A_772 : vector<1x1x16xf32> to vector<16xf32>
          %parallel_loop3A_774 = vector.shape_cast %parallel_loop3A_768 : vector<16xf32> to vector<1x1x16xf32>
          tpu.vector_store %arg7[%parallel_loop3A_769, %parallel_loop3A_770, %parallel_loop3A_771], %parallel_loop3A_774 {strides = array<i32>} : memref<3x24x768xf32, #tpu.memory_space<vmem>>, vector<1x1x16xf32>,
          %parallel_loop3A_775 = arith.index_cast %rem3A_126 : i32 to index
          %parallel_loop3A_776 = arith.index_cast %parallel_loop3A_166 : i32 to index
          %parallel_loop3A_777 = arith.constant 608 : index
          %parallel_loop3A_778 = tpu.vector_load %arg6[%parallel_loop3A_775, %parallel_loop3A_776, %parallel_loop3A_777] {strides = array<i32>} : memref<3x24x768xf32, #tpu.memory_space<vmem>>, vector<1x1x16xf32>,
          %parallel_loop3A_779 = vector.shape_cast %parallel_loop3A_778 : vector<1x1x16xf32> to vector<16xf32>
          %parallel_loop3A_780 = arith.index_cast %parallel_loop3A_166 : i32 to index
          %parallel_loop3A_781 = arith.constant 608 : index
          %parallel_loop3A_782 = tpu.vector_load %arg5[%parallel_loop3A_780, %parallel_loop3A_781] {strides = array<i32>} : memref<24x768xf32, #tpu.memory_space<vmem>>, vector<1x16xf32>,
          %parallel_loop3A_783 = vector.shape_cast %parallel_loop3A_782 : vector<1x16xf32> to vector<16xf32>
          %parallel_loop3A_784 = arith.addf %parallel_loop3A_779, %parallel_loop3A_783 : vector<16xf32>
          %parallel_loop3A_785 = arith.index_cast %rem3A_126 : i32 to index
          %parallel_loop3A_786 = arith.index_cast %parallel_loop3A_166 : i32 to index
          %parallel_loop3A_787 = arith.constant 608 : index
          %parallel_loop3A_788 = tpu.vector_load %arg7[%parallel_loop3A_785, %parallel_loop3A_786, %parallel_loop3A_787] {strides = array<i32>} : memref<3x24x768xf32, #tpu.memory_space<vmem>>, vector<1x1x16xf32>,
          %parallel_loop3A_789 = vector.shape_cast %parallel_loop3A_788 : vector<1x1x16xf32> to vector<16xf32>
          %parallel_loop3A_790 = vector.shape_cast %parallel_loop3A_784 : vector<16xf32> to vector<1x1x16xf32>
          tpu.vector_store %arg7[%parallel_loop3A_785, %parallel_loop3A_786, %parallel_loop3A_787], %parallel_loop3A_790 {strides = array<i32>} : memref<3x24x768xf32, #tpu.memory_space<vmem>>, vector<1x1x16xf32>,
          %parallel_loop3A_791 = arith.index_cast %rem3A_126 : i32 to index
          %parallel_loop3A_792 = arith.index_cast %parallel_loop3A_166 : i32 to index
          %parallel_loop3A_793 = arith.constant 624 : index
          %parallel_loop3A_794 = tpu.vector_load %arg6[%parallel_loop3A_791, %parallel_loop3A_792, %parallel_loop3A_793] {strides = array<i32>} : memref<3x24x768xf32, #tpu.memory_space<vmem>>, vector<1x1x16xf32>,
          %parallel_loop3A_795 = vector.shape_cast %parallel_loop3A_794 : vector<1x1x16xf32> to vector<16xf32>
          %parallel_loop3A_796 = arith.index_cast %parallel_loop3A_166 : i32 to index
          %parallel_loop3A_797 = arith.constant 624 : index
          %parallel_loop3A_798 = tpu.vector_load %arg5[%parallel_loop3A_796, %parallel_loop3A_797] {strides = array<i32>} : memref<24x768xf32, #tpu.memory_space<vmem>>, vector<1x16xf32>,
          %parallel_loop3A_799 = vector.shape_cast %parallel_loop3A_798 : vector<1x16xf32> to vector<16xf32>
          %parallel_loop3A_800 = arith.addf %parallel_loop3A_795, %parallel_loop3A_799 : vector<16xf32>
          %parallel_loop3A_801 = arith.index_cast %rem3A_126 : i32 to index
          %parallel_loop3A_802 = arith.index_cast %parallel_loop3A_166 : i32 to index
          %parallel_loop3A_803 = arith.constant 624 : index
          %parallel_loop3A_804 = tpu.vector_load %arg7[%parallel_loop3A_801, %parallel_loop3A_802, %parallel_loop3A_803] {strides = array<i32>} : memref<3x24x768xf32, #tpu.memory_space<vmem>>, vector<1x1x16xf32>,
          %parallel_loop3A_805 = vector.shape_cast %parallel_loop3A_804 : vector<1x1x16xf32> to vector<16xf32>
          %parallel_loop3A_806 = vector.shape_cast %parallel_loop3A_800 : vector<16xf32> to vector<1x1x16xf32>
          tpu.vector_store %arg7[%parallel_loop3A_801, %parallel_loop3A_802, %parallel_loop3A_803], %parallel_loop3A_806 {strides = array<i32>} : memref<3x24x768xf32, #tpu.memory_space<vmem>>, vector<1x1x16xf32>,
          %parallel_loop3A_807 = arith.index_cast %rem3A_126 : i32 to index
          %parallel_loop3A_808 = arith.index_cast %parallel_loop3A_166 : i32 to index
          %parallel_loop3A_809 = arith.constant 640 : index
          %parallel_loop3A_810 = tpu.vector_load %arg6[%parallel_loop3A_807, %parallel_loop3A_808, %parallel_loop3A_809] {strides = array<i32>} : memref<3x24x768xf32, #tpu.memory_space<vmem>>, vector<1x1x16xf32>,
          %parallel_loop3A_811 = vector.shape_cast %parallel_loop3A_810 : vector<1x1x16xf32> to vector<16xf32>
          %parallel_loop3A_812 = arith.index_cast %parallel_loop3A_166 : i32 to index
          %parallel_loop3A_813 = arith.constant 640 : index
          %parallel_loop3A_814 = tpu.vector_load %arg5[%parallel_loop3A_812, %parallel_loop3A_813] {strides = array<i32>} : memref<24x768xf32, #tpu.memory_space<vmem>>, vector<1x16xf32>,
          %parallel_loop3A_815 = vector.shape_cast %parallel_loop3A_814 : vector<1x16xf32> to vector<16xf32>
          %parallel_loop3A_816 = arith.addf %parallel_loop3A_811, %parallel_loop3A_815 : vector<16xf32>
          %parallel_loop3A_817 = arith.index_cast %rem3A_126 : i32 to index
          %parallel_loop3A_818 = arith.index_cast %parallel_loop3A_166 : i32 to index
          %parallel_loop3A_819 = arith.constant 640 : index
          %parallel_loop3A_820 = tpu.vector_load %arg7[%parallel_loop3A_817, %parallel_loop3A_818, %parallel_loop3A_819] {strides = array<i32>} : memref<3x24x768xf32, #tpu.memory_space<vmem>>, vector<1x1x16xf32>,
          %parallel_loop3A_821 = vector.shape_cast %parallel_loop3A_820 : vector<1x1x16xf32> to vector<16xf32>
          %parallel_loop3A_822 = vector.shape_cast %parallel_loop3A_816 : vector<16xf32> to vector<1x1x16xf32>
          tpu.vector_store %arg7[%parallel_loop3A_817, %parallel_loop3A_818, %parallel_loop3A_819], %parallel_loop3A_822 {strides = array<i32>} : memref<3x24x768xf32, #tpu.memory_space<vmem>>, vector<1x1x16xf32>,
          %parallel_loop3A_823 = arith.index_cast %rem3A_126 : i32 to index
          %parallel_loop3A_824 = arith.index_cast %parallel_loop3A_166 : i32 to index
          %parallel_loop3A_825 = arith.constant 656 : index
          %parallel_loop3A_826 = tpu.vector_load %arg6[%parallel_loop3A_823, %parallel_loop3A_824, %parallel_loop3A_825] {strides = array<i32>} : memref<3x24x768xf32, #tpu.memory_space<vmem>>, vector<1x1x16xf32>,
          %parallel_loop3A_827 = vector.shape_cast %parallel_loop3A_826 : vector<1x1x16xf32> to vector<16xf32>
          %parallel_loop3A_828 = arith.index_cast %parallel_loop3A_166 : i32 to index
          %parallel_loop3A_829 = arith.constant 656 : index
          %parallel_loop3A_830 = tpu.vector_load %arg5[%parallel_loop3A_828, %parallel_loop3A_829] {strides = array<i32>} : memref<24x768xf32, #tpu.memory_space<vmem>>, vector<1x16xf32>,
          %parallel_loop3A_831 = vector.shape_cast %parallel_loop3A_830 : vector<1x16xf32> to vector<16xf32>
          %parallel_loop3A_832 = arith.addf %parallel_loop3A_827, %parallel_loop3A_831 : vector<16xf32>
          %parallel_loop3A_833 = arith.index_cast %rem3A_126 : i32 to index
          %parallel_loop3A_834 = arith.index_cast %parallel_loop3A_166 : i32 to index
          %parallel_loop3A_835 = arith.constant 656 : index
          %parallel_loop3A_836 = tpu.vector_load %arg7[%parallel_loop3A_833, %parallel_loop3A_834, %parallel_loop3A_835] {strides = array<i32>} : memref<3x24x768xf32, #tpu.memory_space<vmem>>, vector<1x1x16xf32>,
          %parallel_loop3A_837 = vector.shape_cast %parallel_loop3A_836 : vector<1x1x16xf32> to vector<16xf32>
          %parallel_loop3A_838 = vector.shape_cast %parallel_loop3A_832 : vector<16xf32> to vector<1x1x16xf32>
          tpu.vector_store %arg7[%parallel_loop3A_833, %parallel_loop3A_834, %parallel_loop3A_835], %parallel_loop3A_838 {strides = array<i32>} : memref<3x24x768xf32, #tpu.memory_space<vmem>>, vector<1x1x16xf32>,
          %parallel_loop3A_839 = arith.index_cast %rem3A_126 : i32 to index
          %parallel_loop3A_840 = arith.index_cast %parallel_loop3A_166 : i32 to index
          %parallel_loop3A_841 = arith.constant 672 : index
          %parallel_loop3A_842 = tpu.vector_load %arg6[%parallel_loop3A_839, %parallel_loop3A_840, %parallel_loop3A_841] {strides = array<i32>} : memref<3x24x768xf32, #tpu.memory_space<vmem>>, vector<1x1x16xf32>,
          %parallel_loop3A_843 = vector.shape_cast %parallel_loop3A_842 : vector<1x1x16xf32> to vector<16xf32>
          %parallel_loop3A_844 = arith.index_cast %parallel_loop3A_166 : i32 to index
          %parallel_loop3A_845 = arith.constant 672 : index
          %parallel_loop3A_846 = tpu.vector_load %arg5[%parallel_loop3A_844, %parallel_loop3A_845] {strides = array<i32>} : memref<24x768xf32, #tpu.memory_space<vmem>>, vector<1x16xf32>,
          %parallel_loop3A_847 = vector.shape_cast %parallel_loop3A_846 : vector<1x16xf32> to vector<16xf32>
          %parallel_loop3A_848 = arith.addf %parallel_loop3A_843, %parallel_loop3A_847 : vector<16xf32>
          %parallel_loop3A_849 = arith.index_cast %rem3A_126 : i32 to index
          %parallel_loop3A_850 = arith.index_cast %parallel_loop3A_166 : i32 to index
          %parallel_loop3A_851 = arith.constant 672 : index
          %parallel_loop3A_852 = tpu.vector_load %arg7[%parallel_loop3A_849, %parallel_loop3A_850, %parallel_loop3A_851] {strides = array<i32>} : memref<3x24x768xf32, #tpu.memory_space<vmem>>, vector<1x1x16xf32>,
          %parallel_loop3A_853 = vector.shape_cast %parallel_loop3A_852 : vector<1x1x16xf32> to vector<16xf32>
          %parallel_loop3A_854 = vector.shape_cast %parallel_loop3A_848 : vector<16xf32> to vector<1x1x16xf32>
          tpu.vector_store %arg7[%parallel_loop3A_849, %parallel_loop3A_850, %parallel_loop3A_851], %parallel_loop3A_854 {strides = array<i32>} : memref<3x24x768xf32, #tpu.memory_space<vmem>>, vector<1x1x16xf32>,
          %parallel_loop3A_855 = arith.index_cast %rem3A_126 : i32 to index
          %parallel_loop3A_856 = arith.index_cast %parallel_loop3A_166 : i32 to index
          %parallel_loop3A_857 = arith.constant 688 : index
          %parallel_loop3A_858 = tpu.vector_load %arg6[%parallel_loop3A_855, %parallel_loop3A_856, %parallel_loop3A_857] {strides = array<i32>} : memref<3x24x768xf32, #tpu.memory_space<vmem>>, vector<1x1x16xf32>,
          %parallel_loop3A_859 = vector.shape_cast %parallel_loop3A_858 : vector<1x1x16xf32> to vector<16xf32>
          %parallel_loop3A_860 = arith.index_cast %parallel_loop3A_166 : i32 to index
          %parallel_loop3A_861 = arith.constant 688 : index
          %parallel_loop3A_862 = tpu.vector_load %arg5[%parallel_loop3A_860, %parallel_loop3A_861] {strides = array<i32>} : memref<24x768xf32, #tpu.memory_space<vmem>>, vector<1x16xf32>,
          %parallel_loop3A_863 = vector.shape_cast %parallel_loop3A_862 : vector<1x16xf32> to vector<16xf32>
          %parallel_loop3A_864 = arith.addf %parallel_loop3A_859, %parallel_loop3A_863 : vector<16xf32>
          %parallel_loop3A_865 = arith.index_cast %rem3A_126 : i32 to index
          %parallel_loop3A_866 = arith.index_cast %parallel_loop3A_166 : i32 to index
          %parallel_loop3A_867 = arith.constant 688 : index
          %parallel_loop3A_868 = tpu.vector_load %arg7[%parallel_loop3A_865, %parallel_loop3A_866, %parallel_loop3A_867] {strides = array<i32>} : memref<3x24x768xf32, #tpu.memory_space<vmem>>, vector<1x1x16xf32>,
          %parallel_loop3A_869 = vector.shape_cast %parallel_loop3A_868 : vector<1x1x16xf32> to vector<16xf32>
          %parallel_loop3A_870 = vector.shape_cast %parallel_loop3A_864 : vector<16xf32> to vector<1x1x16xf32>
          tpu.vector_store %arg7[%parallel_loop3A_865, %parallel_loop3A_866, %parallel_loop3A_867], %parallel_loop3A_870 {strides = array<i32>} : memref<3x24x768xf32, #tpu.memory_space<vmem>>, vector<1x1x16xf32>,
          %parallel_loop3A_871 = arith.index_cast %rem3A_126 : i32 to index
          %parallel_loop3A_872 = arith.index_cast %parallel_loop3A_166 : i32 to index
          %parallel_loop3A_873 = arith.constant 704 : index
          %parallel_loop3A_874 = tpu.vector_load %arg6[%parallel_loop3A_871, %parallel_loop3A_872, %parallel_loop3A_873] {strides = array<i32>} : memref<3x24x768xf32, #tpu.memory_space<vmem>>, vector<1x1x16xf32>,
          %parallel_loop3A_875 = vector.shape_cast %parallel_loop3A_874 : vector<1x1x16xf32> to vector<16xf32>
          %parallel_loop3A_876 = arith.index_cast %parallel_loop3A_166 : i32 to index
          %parallel_loop3A_877 = arith.constant 704 : index
          %parallel_loop3A_878 = tpu.vector_load %arg5[%parallel_loop3A_876, %parallel_loop3A_877] {strides = array<i32>} : memref<24x768xf32, #tpu.memory_space<vmem>>, vector<1x16xf32>,
          %parallel_loop3A_879 = vector.shape_cast %parallel_loop3A_878 : vector<1x16xf32> to vector<16xf32>
          %parallel_loop3A_880 = arith.addf %parallel_loop3A_875, %parallel_loop3A_879 : vector<16xf32>
          %parallel_loop3A_881 = arith.index_cast %rem3A_126 : i32 to index
          %parallel_loop3A_882 = arith.index_cast %parallel_loop3A_166 : i32 to index
          %parallel_loop3A_883 = arith.constant 704 : index
          %parallel_loop3A_884 = tpu.vector_load %arg7[%parallel_loop3A_881, %parallel_loop3A_882, %parallel_loop3A_883] {strides = array<i32>} : memref<3x24x768xf32, #tpu.memory_space<vmem>>, vector<1x1x16xf32>,
          %parallel_loop3A_885 = vector.shape_cast %parallel_loop3A_884 : vector<1x1x16xf32> to vector<16xf32>
          %parallel_loop3A_886 = vector.shape_cast %parallel_loop3A_880 : vector<16xf32> to vector<1x1x16xf32>
          tpu.vector_store %arg7[%parallel_loop3A_881, %parallel_loop3A_882, %parallel_loop3A_883], %parallel_loop3A_886 {strides = array<i32>} : memref<3x24x768xf32, #tpu.memory_space<vmem>>, vector<1x1x16xf32>,
          %parallel_loop3A_887 = arith.index_cast %rem3A_126 : i32 to index
          %parallel_loop3A_888 = arith.index_cast %parallel_loop3A_166 : i32 to index
          %parallel_loop3A_889 = arith.constant 720 : index
          %parallel_loop3A_890 = tpu.vector_load %arg6[%parallel_loop3A_887, %parallel_loop3A_888, %parallel_loop3A_889] {strides = array<i32>} : memref<3x24x768xf32, #tpu.memory_space<vmem>>, vector<1x1x16xf32>,
          %parallel_loop3A_891 = vector.shape_cast %parallel_loop3A_890 : vector<1x1x16xf32> to vector<16xf32>
          %parallel_loop3A_892 = arith.index_cast %parallel_loop3A_166 : i32 to index
          %parallel_loop3A_893 = arith.constant 720 : index
          %parallel_loop3A_894 = tpu.vector_load %arg5[%parallel_loop3A_892, %parallel_loop3A_893] {strides = array<i32>} : memref<24x768xf32, #tpu.memory_space<vmem>>, vector<1x16xf32>,
          %parallel_loop3A_895 = vector.shape_cast %parallel_loop3A_894 : vector<1x16xf32> to vector<16xf32>
          %parallel_loop3A_896 = arith.addf %parallel_loop3A_891, %parallel_loop3A_895 : vector<16xf32>
          %parallel_loop3A_897 = arith.index_cast %rem3A_126 : i32 to index
          %parallel_loop3A_898 = arith.index_cast %parallel_loop3A_166 : i32 to index
          %parallel_loop3A_899 = arith.constant 720 : index
          %parallel_loop3A_900 = tpu.vector_load %arg7[%parallel_loop3A_897, %parallel_loop3A_898, %parallel_loop3A_899] {strides = array<i32>} : memref<3x24x768xf32, #tpu.memory_space<vmem>>, vector<1x1x16xf32>,
          %parallel_loop3A_901 = vector.shape_cast %parallel_loop3A_900 : vector<1x1x16xf32> to vector<16xf32>
          %parallel_loop3A_902 = vector.shape_cast %parallel_loop3A_896 : vector<16xf32> to vector<1x1x16xf32>
          tpu.vector_store %arg7[%parallel_loop3A_897, %parallel_loop3A_898, %parallel_loop3A_899], %parallel_loop3A_902 {strides = array<i32>} : memref<3x24x768xf32, #tpu.memory_space<vmem>>, vector<1x1x16xf32>,
          %parallel_loop3A_903 = arith.index_cast %rem3A_126 : i32 to index
          %parallel_loop3A_904 = arith.index_cast %parallel_loop3A_166 : i32 to index
          %parallel_loop3A_905 = arith.constant 736 : index
          %parallel_loop3A_906 = tpu.vector_load %arg6[%parallel_loop3A_903, %parallel_loop3A_904, %parallel_loop3A_905] {strides = array<i32>} : memref<3x24x768xf32, #tpu.memory_space<vmem>>, vector<1x1x16xf32>,
          %parallel_loop3A_907 = vector.shape_cast %parallel_loop3A_906 : vector<1x1x16xf32> to vector<16xf32>
          %parallel_loop3A_908 = arith.index_cast %parallel_loop3A_166 : i32 to index
          %parallel_loop3A_909 = arith.constant 736 : index
          %parallel_loop3A_910 = tpu.vector_load %arg5[%parallel_loop3A_908, %parallel_loop3A_909] {strides = array<i32>} : memref<24x768xf32, #tpu.memory_space<vmem>>, vector<1x16xf32>,
          %parallel_loop3A_911 = vector.shape_cast %parallel_loop3A_910 : vector<1x16xf32> to vector<16xf32>
          %parallel_loop3A_912 = arith.addf %parallel_loop3A_907, %parallel_loop3A_911 : vector<16xf32>
          %parallel_loop3A_913 = arith.index_cast %rem3A_126 : i32 to index
          %parallel_loop3A_914 = arith.index_cast %parallel_loop3A_166 : i32 to index
          %parallel_loop3A_915 = arith.constant 736 : index
          %parallel_loop3A_916 = tpu.vector_load %arg7[%parallel_loop3A_913, %parallel_loop3A_914, %parallel_loop3A_915] {strides = array<i32>} : memref<3x24x768xf32, #tpu.memory_space<vmem>>, vector<1x1x16xf32>,
          %parallel_loop3A_917 = vector.shape_cast %parallel_loop3A_916 : vector<1x1x16xf32> to vector<16xf32>
          %parallel_loop3A_918 = vector.shape_cast %parallel_loop3A_912 : vector<16xf32> to vector<1x1x16xf32>
          tpu.vector_store %arg7[%parallel_loop3A_913, %parallel_loop3A_914, %parallel_loop3A_915], %parallel_loop3A_918 {strides = array<i32>} : memref<3x24x768xf32, #tpu.memory_space<vmem>>, vector<1x1x16xf32>,
          %parallel_loop3A_919 = arith.index_cast %rem3A_126 : i32 to index
          %parallel_loop3A_920 = arith.index_cast %parallel_loop3A_166 : i32 to index
          %parallel_loop3A_921 = arith.constant 752 : index
          %parallel_loop3A_922 = tpu.vector_load %arg6[%parallel_loop3A_919, %parallel_loop3A_920, %parallel_loop3A_921] {strides = array<i32>} : memref<3x24x768xf32, #tpu.memory_space<vmem>>, vector<1x1x16xf32>,
          %parallel_loop3A_923 = vector.shape_cast %parallel_loop3A_922 : vector<1x1x16xf32> to vector<16xf32>
          %parallel_loop3A_924 = arith.index_cast %parallel_loop3A_166 : i32 to index
          %parallel_loop3A_925 = arith.constant 752 : index
          %parallel_loop3A_926 = tpu.vector_load %arg5[%parallel_loop3A_924, %parallel_loop3A_925] {strides = array<i32>} : memref<24x768xf32, #tpu.memory_space<vmem>>, vector<1x16xf32>,
          %parallel_loop3A_927 = vector.shape_cast %parallel_loop3A_926 : vector<1x16xf32> to vector<16xf32>
          %parallel_loop3A_928 = arith.addf %parallel_loop3A_923, %parallel_loop3A_927 : vector<16xf32>
          %parallel_loop3A_929 = arith.index_cast %rem3A_126 : i32 to index
          %parallel_loop3A_930 = arith.index_cast %parallel_loop3A_166 : i32 to index
          %parallel_loop3A_931 = arith.constant 752 : index
          %parallel_loop3A_932 = tpu.vector_load %arg7[%parallel_loop3A_929, %parallel_loop3A_930, %parallel_loop3A_931] {strides = array<i32>} : memref<3x24x768xf32, #tpu.memory_space<vmem>>, vector<1x1x16xf32>,
          %parallel_loop3A_933 = vector.shape_cast %parallel_loop3A_932 : vector<1x1x16xf32> to vector<16xf32>
          %parallel_loop3A_934 = vector.shape_cast %parallel_loop3A_928 : vector<16xf32> to vector<1x1x16xf32>
          tpu.vector_store %arg7[%parallel_loop3A_929, %parallel_loop3A_930, %parallel_loop3A_931], %parallel_loop3A_934 {strides = array<i32>} : memref<3x24x768xf32, #tpu.memory_space<vmem>>, vector<1x1x16xf32>,
        } {sc.loop_unroll_factor = 2 : i64, sc.parallel_access}
        %dma_start3A_146 = arith.constant 0 : i32
        %dma_start3A_147 = arith.constant 0 : i32
        %dma_start3A_148 = tpu.memref_slice %arg7[%rem3A_126, %dma_start3A_146, %dma_start3A_147] : memref<3x24x768xf32, #tpu.memory_space<vmem>> -> memref<1x24x768xf32, #tpu.memory_space<vmem>>
        %dma_start3A_149 = tpu.memref_squeeze %dma_start3A_148 : memref<1x24x768xf32, #tpu.memory_space<vmem>> -> memref<24x768xf32, #tpu.memory_space<vmem>>
        %dma_start3A_150 = arith.constant 0 : i32
        %dma_start3A_151 = arith.constant 0 : i32
        %dma_start3A_152 = tpu.memref_slice %arg4[%scan3A_125, %dma_start3A_150, %dma_start3A_151] : memref<16x575x768xf32, #tpu.memory_space<hbm>> -> memref<1x575x768xf32, #tpu.memory_space<hbm>>
        %dma_start3A_153 = tpu.memref_squeeze %dma_start3A_152 : memref<1x575x768xf32, #tpu.memory_space<hbm>> -> memref<575x768xf32, #tpu.memory_space<hbm>>
        %dma_start3A_154 = arith.constant 0 : i32
        %dma_start3A_155 = arith.constant 0 : i32
        %dma_start3A_156 = tpu.memref_slice %dma_start3A_153[%dma_start3A_154, %dma_start3A_155] : memref<575x768xf32, #tpu.memory_space<hbm>> -> memref<575x768xf32, #tpu.memory_space<hbm>>
        %dma_start3A_157 = tpu.memref_slice %arg11[%rem3A_126] : memref<3x!tpu.dma_semaphore, #tpu.memory_space<semaphore_mem>> -> memref<1x!tpu.dma_semaphore, #tpu.memory_space<semaphore_mem>>
        %dma_start3A_158 = tpu.memref_squeeze %dma_start3A_157 : memref<1x!tpu.dma_semaphore, #tpu.memory_space<semaphore_mem>> -> memref<!tpu.dma_semaphore, #tpu.memory_space<semaphore_mem>>
        tpu.enqueue_indirect_dma source(%dma_start3A_149 : memref<24x768xf32, #tpu.memory_space<vmem>>) target(%dma_start3A_156 : memref<575x768xf32, #tpu.memory_space<hbm>>) offsets(%arg8 : memref<24xi32, #tpu.memory_space<vmem>>) semaphore(%dma_start3A_158 : memref<!tpu.dma_semaphore, #tpu.memory_space<semaphore_mem>>)
        %add3A_159 = arith.constant 3 : i32
        %add3A_160 = arith.addi %scan3A_125, %add3A_159 : i32
        %lt3A_161 = arith.constant 16 : i32
        %lt3A_162 = arith.cmpi slt, %add3A_160, %lt3A_161 : i32
        %convert_element_type3A_163 = arith.extui %lt3A_162 : i1 to i32
        %cond3A_164 = arith.constant 0 : i32
        %cond3A_165 = arith.cmpi ne, %convert_element_type3A_163, %cond3A_164 : i32
        scf.if %cond3A_165 {
          %add3A_166 = arith.constant 3 : i32
          %add3A_167 = arith.addi %scan3A_125, %add3A_166 : i32
          %dma_start3A_168 = arith.constant 0 : i32
          %dma_start3A_169 = arith.constant 0 : i32
          %dma_start3A_170 = tpu.memref_slice %arg6[%rem3A_126, %dma_start3A_168, %dma_start3A_169] : memref<3x24x768xf32, #tpu.memory_space<vmem>> -> memref<1x24x768xf32, #tpu.memory_space<vmem>>
          %dma_start3A_171 = tpu.memref_squeeze %dma_start3A_170 : memref<1x24x768xf32, #tpu.memory_space<vmem>> -> memref<24x768xf32, #tpu.memory_space<vmem>>
          %dma_start3A_172 = arith.constant 0 : i32
          %dma_start3A_173 = arith.constant 0 : i32
          %dma_start3A_174 = tpu.memref_slice %arg2[%add3A_167, %dma_start3A_172, %dma_start3A_173] : memref<64x575x768xf32, #tpu.memory_space<hbm>> -> memref<1x575x768xf32, #tpu.memory_space<hbm>>
          %dma_start3A_175 = tpu.memref_squeeze %dma_start3A_174 : memref<1x575x768xf32, #tpu.memory_space<hbm>> -> memref<575x768xf32, #tpu.memory_space<hbm>>
          %dma_start3A_176 = arith.constant 0 : i32
          %dma_start3A_177 = arith.constant 0 : i32
          %dma_start3A_178 = tpu.memref_slice %dma_start3A_175[%dma_start3A_176, %dma_start3A_177] : memref<575x768xf32, #tpu.memory_space<hbm>> -> memref<575x768xf32, #tpu.memory_space<hbm>>
          %dma_start3A_179 = tpu.memref_slice %arg10[%rem3A_126] : memref<3x!tpu.dma_semaphore, #tpu.memory_space<semaphore_mem>> -> memref<1x!tpu.dma_semaphore, #tpu.memory_space<semaphore_mem>>
          %dma_start3A_180 = tpu.memref_squeeze %dma_start3A_179 : memref<1x!tpu.dma_semaphore, #tpu.memory_space<semaphore_mem>> -> memref<!tpu.dma_semaphore, #tpu.memory_space<semaphore_mem>>
          tpu.enqueue_indirect_dma source(%dma_start3A_178 : memref<575x768xf32, #tpu.memory_space<hbm>>) target(%dma_start3A_171 : memref<24x768xf32, #tpu.memory_space<vmem>>) offsets(%arg8 : memref<24xi32, #tpu.memory_space<vmem>>) semaphore(%dma_start3A_180 : memref<!tpu.dma_semaphore, #tpu.memory_space<semaphore_mem>>)
        } else {
        }
      }
      %scan3A_76 = arith.constant 16 : i32
      %dma_wait3A_77 = arith.constant 1 : i32
      %dma_wait3A_78 = arith.constant 13 : i32
      %dma_wait3A_79 = arith.constant 1 : i32
      %dma_wait3A_80 = arith.constant 0 : i32
      %dma_wait3A_81 = arith.constant 0 : i32
      %dma_wait3A_82 = tpu.memref_slice %arg7[%dma_wait3A_77, %dma_wait3A_80, %dma_wait3A_81] : memref<3x24x768xf32, #tpu.memory_space<vmem>> -> memref<1x24x768xf32, #tpu.memory_space<vmem>>
      %dma_wait3A_83 = tpu.memref_squeeze %dma_wait3A_82 : memref<1x24x768xf32, #tpu.memory_space<vmem>> -> memref<24x768xf32, #tpu.memory_space<vmem>>
      %dma_wait3A_84 = arith.constant 0 : i32
      %dma_wait3A_85 = arith.constant 0 : i32
      %dma_wait3A_86 = tpu.memref_slice %arg4[%dma_wait3A_78, %dma_wait3A_84, %dma_wait3A_85] : memref<16x575x768xf32, #tpu.memory_space<hbm>> -> memref<1x575x768xf32, #tpu.memory_space<hbm>>
      %dma_wait3A_87 = tpu.memref_squeeze %dma_wait3A_86 : memref<1x575x768xf32, #tpu.memory_space<hbm>> -> memref<575x768xf32, #tpu.memory_space<hbm>>
      %dma_wait3A_88 = arith.constant 0 : i32
      %dma_wait3A_89 = arith.constant 0 : i32
      %dma_wait3A_90 = tpu.memref_slice %dma_wait3A_87[%dma_wait3A_88, %dma_wait3A_89] : memref<575x768xf32, #tpu.memory_space<hbm>> -> memref<575x768xf32, #tpu.memory_space<hbm>>
      %dma_wait3A_91 = tpu.memref_slice %arg11[%dma_wait3A_79] : memref<3x!tpu.dma_semaphore, #tpu.memory_space<semaphore_mem>> -> memref<1x!tpu.dma_semaphore, #tpu.memory_space<semaphore_mem>>
      %dma_wait3A_92 = tpu.memref_squeeze %dma_wait3A_91 : memref<1x!tpu.dma_semaphore, #tpu.memory_space<semaphore_mem>> -> memref<!tpu.dma_semaphore, #tpu.memory_space<semaphore_mem>>
      tpu.wait_indirect_dma semaphore(%dma_wait3A_92 : memref<!tpu.dma_semaphore, #tpu.memory_space<semaphore_mem>>) src(%dma_wait3A_83 : memref<24x768xf32, #tpu.memory_space<vmem>>) dst(%dma_wait3A_90 : memref<575x768xf32, #tpu.memory_space<hbm>>)
      %dma_wait3A_93 = arith.constant 2 : i32
      %dma_wait3A_94 = arith.constant 14 : i32
      %dma_wait3A_95 = arith.constant 2 : i32
      %dma_wait3A_96 = arith.constant 0 : i32
      %dma_wait3A_97 = arith.constant 0 : i32
      %dma_wait3A_98 = tpu.memref_slice %arg7[%dma_wait3A_93, %dma_wait3A_96, %dma_wait3A_97] : memref<3x24x768xf32, #tpu.memory_space<vmem>> -> memref<1x24x768xf32, #tpu.memory_space<vmem>>
      %dma_wait3A_99 = tpu.memref_squeeze %dma_wait3A_98 : memref<1x24x768xf32, #tpu.memory_space<vmem>> -> memref<24x768xf32, #tpu.memory_space<vmem>>
      %dma_wait3A_100 = arith.constant 0 : i32
      %dma_wait3A_101 = arith.constant 0 : i32
      %dma_wait3A_102 = tpu.memref_slice %arg4[%dma_wait3A_94, %dma_wait3A_100, %dma_wait3A_101] : memref<16x575x768xf32, #tpu.memory_space<hbm>> -> memref<1x575x768xf32, #tpu.memory_space<hbm>>
      %dma_wait3A_103 = tpu.memref_squeeze %dma_wait3A_102 : memref<1x575x768xf32, #tpu.memory_space<hbm>> -> memref<575x768xf32, #tpu.memory_space<hbm>>
      %dma_wait3A_104 = arith.constant 0 : i32
      %dma_wait3A_105 = arith.constant 0 : i32
      %dma_wait3A_106 = tpu.memref_slice %dma_wait3A_103[%dma_wait3A_104, %dma_wait3A_105] : memref<575x768xf32, #tpu.memory_space<hbm>> -> memref<575x768xf32, #tpu.memory_space<hbm>>
      %dma_wait3A_107 = tpu.memref_slice %arg11[%dma_wait3A_95] : memref<3x!tpu.dma_semaphore, #tpu.memory_space<semaphore_mem>> -> memref<1x!tpu.dma_semaphore, #tpu.memory_space<semaphore_mem>>
      %dma_wait3A_108 = tpu.memref_squeeze %dma_wait3A_107 : memref<1x!tpu.dma_semaphore, #tpu.memory_space<semaphore_mem>> -> memref<!tpu.dma_semaphore, #tpu.memory_space<semaphore_mem>>
      tpu.wait_indirect_dma semaphore(%dma_wait3A_108 : memref<!tpu.dma_semaphore, #tpu.memory_space<semaphore_mem>>) src(%dma_wait3A_99 : memref<24x768xf32, #tpu.memory_space<vmem>>) dst(%dma_wait3A_106 : memref<575x768xf32, #tpu.memory_space<hbm>>)
      %dma_wait3A_109 = arith.constant 0 : i32
      %dma_wait3A_110 = arith.constant 15 : i32
      %dma_wait3A_111 = arith.constant 0 : i32
      %dma_wait3A_112 = arith.constant 0 : i32
      %dma_wait3A_113 = arith.constant 0 : i32
      %dma_wait3A_114 = tpu.memref_slice %arg7[%dma_wait3A_109, %dma_wait3A_112, %dma_wait3A_113] : memref<3x24x768xf32, #tpu.memory_space<vmem>> -> memref<1x24x768xf32, #tpu.memory_space<vmem>>
      %dma_wait3A_115 = tpu.memref_squeeze %dma_wait3A_114 : memref<1x24x768xf32, #tpu.memory_space<vmem>> -> memref<24x768xf32, #tpu.memory_space<vmem>>
      %dma_wait3A_116 = arith.constant 0 : i32
      %dma_wait3A_117 = arith.constant 0 : i32
      %dma_wait3A_118 = tpu.memref_slice %arg4[%dma_wait3A_110, %dma_wait3A_116, %dma_wait3A_117] : memref<16x575x768xf32, #tpu.memory_space<hbm>> -> memref<1x575x768xf32, #tpu.memory_space<hbm>>
      %dma_wait3A_119 = tpu.memref_squeeze %dma_wait3A_118 : memref<1x575x768xf32, #tpu.memory_space<hbm>> -> memref<575x768xf32, #tpu.memory_space<hbm>>
      %dma_wait3A_120 = arith.constant 0 : i32
      %dma_wait3A_121 = arith.constant 0 : i32
      %dma_wait3A_122 = tpu.memref_slice %dma_wait3A_119[%dma_wait3A_120, %dma_wait3A_121] : memref<575x768xf32, #tpu.memory_space<hbm>> -> memref<575x768xf32, #tpu.memory_space<hbm>>
      %dma_wait3A_123 = tpu.memref_slice %arg11[%dma_wait3A_111] : memref<3x!tpu.dma_semaphore, #tpu.memory_space<semaphore_mem>> -> memref<1x!tpu.dma_semaphore, #tpu.memory_space<semaphore_mem>>
      %dma_wait3A_124 = tpu.memref_squeeze %dma_wait3A_123 : memref<1x!tpu.dma_semaphore, #tpu.memory_space<semaphore_mem>> -> memref<!tpu.dma_semaphore, #tpu.memory_space<semaphore_mem>>
      tpu.wait_indirect_dma semaphore(%dma_wait3A_124 : memref<!tpu.dma_semaphore, #tpu.memory_space<semaphore_mem>>) src(%dma_wait3A_115 : memref<24x768xf32, #tpu.memory_space<vmem>>) dst(%dma_wait3A_122 : memref<575x768xf32, #tpu.memory_space<hbm>>)
    } else {
    }
    return
  }
}

module attributes {stable_mosaic.version = 14 : i64} {
  func.func @_tc_body(%arg0: i32, %arg1: memref<4x575x768xf32, #tpu.memory_space<vmem>>, %arg2: memref<576x768xf32, #tpu.memory_space<vmem>>, %arg3: memref<4x575x768xf32, #tpu.memory_space<vmem>>) attributes {dimension_semantics = [#tpu.dimension_semantics<arbitrary>], iteration_bounds = array<i64: 12>, scalar_prefetch = 0 : i64, scratch_operands = 0 : i64, tpu.core_type = #tpu.core_type<tc>, window_params = [{transform_indices = @transform_0, window_bounds = array<i64: 4, 575, 768>}, {pipeline_mode = #tpu.pipeline_mode<synchronous>, transform_indices = @transform_1, window_bounds = array<i64: 576, 768>}, {transform_indices = @transform_2, window_bounds = array<i64: 4, 575, 768>}]} {
    %get3A = arith.constant 0 : index
    %get3A_0 = arith.constant 0 : index
    %get3A_1 = arith.constant 0 : index
    %get3A_2 = vector.load %arg1[%get3A, %get3A_0, %get3A_1] : memref<4x575x768xf32, #tpu.memory_space<vmem>>, vector<4x575x768xf32>
    %get3A_3 = arith.constant 0 : index
    %get3A_4 = arith.constant 0 : index
    %get3A_5 = vector.load %arg2[%get3A_3, %get3A_4] : memref<576x768xf32, #tpu.memory_space<vmem>>, vector<575x768xf32>
    %broadcast_in_dim3A = vector.shape_cast %get3A_5 : vector<575x768xf32> to vector<1x575x768xf32>
    %add3A = vector.broadcast %broadcast_in_dim3A : vector<1x575x768xf32> to vector<4x575x768xf32>
    %add3A_6 = arith.addf %get3A_2, %add3A : vector<4x575x768xf32>
    %swap3A = arith.constant 0 : index
    %swap3A_7 = arith.constant 0 : index
    %swap3A_8 = arith.constant 0 : index
    %swap3A_9 = vector.load %arg3[%swap3A, %swap3A_7, %swap3A_8] : memref<4x575x768xf32, #tpu.memory_space<vmem>>, vector<4x575x768xf32>
    tpu.vector_store %arg3[%swap3A, %swap3A_7, %swap3A_8], %add3A_6 {strides = array<i32>} : memref<4x575x768xf32, #tpu.memory_space<vmem>>, vector<4x575x768xf32>,
    return
  }
  func.func @transform_0(%arg0: i32) -> (i32, i32, i32) {
    %add3A = arith.constant 4 : i32
    %add3A_0 = arith.addi %add3A, %arg0 : i32
    %c0_i32 = arith.constant 0 : i32
    %c0_i32_1 = arith.constant 0 : i32
    %c0_i32_2 = arith.constant 0 : i32
    return %add3A_0, %c0_i32, %c0_i32_1 : i32, i32, i32
  }
  func.func @transform_1(%arg0: i32) -> (i32, i32) {
    %c0_i32 = arith.constant 0 : i32
    %c0_i32_0 = arith.constant 0 : i32
    %c0_i32_1 = arith.constant 0 : i32
    return %c0_i32, %c0_i32_0 : i32, i32
  }
  func.func @transform_2(%arg0: i32) -> (i32, i32, i32) {
    %add3A = arith.constant 4 : i32
    %add3A_0 = arith.addi %add3A, %arg0 : i32
    %c0_i32 = arith.constant 0 : i32
    %c0_i32_1 = arith.constant 0 : i32
    %c0_i32_2 = arith.constant 0 : i32
    return %add3A_0, %c0_i32, %c0_i32_1 : i32, i32, i32
  }
}

</mosaic_0001>

<sc_bundles>
// kernel: kernel.4.cloned.1.call-start
scs
__scs_entry_jumppad:
0x0: {  	(pc) =	sbr.rel $0x88, $3  }
0x1: {  	(tag) =	ssettag $0x0;
	lr =	simm.s32 $0x1  }
0x2: {  	[smem:$0x3F9F] =	sst lr;
	_ =	strace $0xD0000000  }
0x3: {  	_ = 	snop  }
0x4: {  	_ = 	snop  }
0x5: {  	_ = 	snop  }
0x6: {  	_ = 	snop  }
0x7: {  	_ = 	snop  }
__scs_overlays_trampoline_lowered:
0x8: {  	[smem:$0x3FAE] =	sst s0  }
0x9: {  	[smem:$0x3FAF] =	sst s1  }
0xa: {  	[smem:$0x3FB0] =	sst s2  }
0xb: {  	[smem:$0x3FB1] =	sst s3  }
0xc: {  	[smem:$0x3FB2] =	sst s4  }
0xd: {  	[smem:$0x3FB3] =	sst s5  }
0xe: {  	[smem:$0x3FB4] =	sst s6  }
0xf: {  	[smem:$0x3FB5] =	sst s7  }
0x10: {  	[smem:$0x3FB6] =	sst s8  }
0x11: {  	[smem:$0x3FB7] =	sst s9;
	s0 =	simm.s32 @!p0 $0x0  }
0x12: {  	s1 =	sld [smem:$0x3F9D];
	s0 =	simm.s32 @p0 $0x1  }
0x13: {  	[smem:$0x3FB8] =	sst s0;
	s0 =	simm.s32 @!p1 $0x0  }
0x14: {  	s2 =	sld [smem:$0x3F9C];
	s0 =	simm.s32 @p1 $0x1  }
0x15: {  	[smem:$0x3FB9] =	sst s0;
	s0 =	simm.s32 @!p2 $0x0  }
0x16: {  	s3 =	sld [smem:$0x3FDB];
	s0 =	simm.s32 @p2 $0x1  }
0x17: {  	s4 =	simm.s32 $0x1BF5;
	[smem:$0x3FBB] =	sst s0  }
0x18: {  	s0 =	sld [smem:$0x3F9E];
	_ =	swait.ge [sflag:s4], $0x0  }
0x19: {  	s7 =	sld [smem:$0x3F9F]  }
0x1a: {  	s8 =	sadd.s32 $0xFFFFE003, lr  }
0x1b: {  	s9 =	sadd.s32 $0xFFFFFEF7, lr;
	s5 =	simm.s32 $0xFFFFFFFF;
	p2 =	slt.u32 s8, $0xFFFFF086  }
0x1c: {  	p1 =	slt.u32 s9, $0xF7A;
	s5 =	simm.s32 @!p2 $0x0  }
0x1d: {  	s5 =	simm.s32 @p1 $0x1;
	p0 =	seq.s32 s7, s2  }
0x1e: {  	s7 =	smul.u32 @!p0 $0xF7A, s2;
	p2 =	seq.s32 @!p0 s5, $0x0  }
0x1f: {  	s9 =	smul.u32 $0xF7A, s1;
	s8 =	simm.s32 @!p0 $0x1BF5;
	p2 =	por !p2, p0  }
0x20: {  	[sflag:s8] =	ssyncset.s32 @!p0 $0xFFFFF086;
	s6 =	sadd.s32 @!p0 s3, s7;
	s7 =	simm.s32 @!p0 $0x108  }
0x21: {  	s3 =	sadd.s32 s3, s9;
	s6 =	sadd.s32 @!p0 $0x88, s6;
	s7 =	simm.s32 @p2 $0x1082  }
0x22: {  	[simem:s7], [sflag:s8] =	dma.local @!p0 [hbm:s6], $0xF7A  }
0x23: {  	s9 =	sor.u32 $0xD0000000, s2;
	s6 =	simm.s32 $0x108;
	_ =	swait.ge @!p0 [sflag:s8], $0x0  }
0x24: {  	s3 =	sadd.s32 $0x88, s3;
	s6 =	simm.s32 @!p1 $0x1082;
	[sflag:s4] =	ssyncset.s32 $0xFFFFF086  }
0x25: {  	[simem:s6], [sflag:s4] =	dma.local [hbm:s3], $0xF7A  }
0x26: {  	[smem:$0x3F9F] =	sst s1;
	(tag) =	ssettag s2;
	_ =	strace s9  }
0x27: {  	s1 =	sld [smem:$0x3FAF]  }
0x28: {  	s2 =	sld [smem:$0x3FB0]  }
0x29: {  	s4 =	sld [smem:$0x3FB2]  }
0x2a: {  	p0 =	seq.s32 s5, $0x0;
	s5 =	sld [smem:$0x3FB3]  }
0x2b: {  	s6 =	sld [smem:$0x3FB4]  }
0x2c: {  	s7 =	sld [smem:$0x3FB5]  }
0x2d: {  	s3 =	simm.s32 $0x108;
	s8 =	sld [smem:$0x3FB6]  }
0x2e: {  	s3 =	simm.s32 @!p0 $0x1082;
	s9 =	sld [smem:$0x3FB7]  }
0x2f: {  	lr =	sadd.s32 s0, s3;
	s0 =	sld [smem:$0x3FAE]  }
0x30: {  	s3 =	sld [smem:$0x3FB1]  }
0x31: {  	[smem:$0x3FBA] =	sst s10  }
0x32: {  	s10 =	sld [smem:$0x3FB8];
	_ =	sdelay $0x3  }
0x33: {  	p0 =	seq.s32 s10, $0x1;
	s10 =	sld [smem:$0x3FBA];
	_ =	sdelay $0x3  }
0x34: {  	[smem:$0x3FBA] =	sst s10  }
0x35: {  	s10 =	sld [smem:$0x3FB9];
	_ =	sdelay $0x3  }
0x36: {  	p1 =	seq.s32 s10, $0x1;
	s10 =	sld [smem:$0x3FBA];
	_ =	sdelay $0x3  }
0x37: {  	[smem:$0x3FBA] =	sst s10  }
0x38: {  	s10 =	sld [smem:$0x3FBB]  }
0x39: {  	_ = 	snop;
	(pc) =	sbr.ind lr, $3  }
0x3a: {  	_ = 	snop  }
0x3b: {  	_ = 	snop  }
0x3c: {  	p2 =	seq.s32 s10, $0x1;
	s10 =	sld [smem:$0x3FBA]  }
0x3d: {  	_ =	shalt  }
0x3e: {  	_ =	shalt  }
0x3f: {  	_ =	shalt  }
0x40: {  	_ =	shalt  }
0x41: {  	_ =	shalt  }
0x42: {  	_ =	shalt  }
0x43: {  	_ =	shalt  }
0x44: {  	_ =	shalt  }
0x45: {  	_ =	shalt  }
0x46: {  	_ =	shalt  }
0x47: {  	_ =	shalt  }
0x48: {  	_ =	shalt  }
0x49: {  	_ =	shalt  }
0x4a: {  	_ =	shalt  }
0x4b: {  	_ =	shalt  }
0x4c: {  	_ =	shalt  }
0x4d: {  	_ =	shalt  }
0x4e: {  	_ =	shalt  }
0x4f: {  	_ =	shalt  }
0x50: {  	_ =	shalt  }
0x51: {  	_ =	shalt  }
0x52: {  	_ =	shalt  }
0x53: {  	_ =	shalt  }
0x54: {  	_ =	shalt  }
0x55: {  	_ =	shalt  }
0x56: {  	_ =	shalt  }
0x57: {  	_ =	shalt  }
0x58: {  	_ =	shalt  }
0x59: {  	_ =	shalt  }
0x5a: {  	_ =	shalt  }
0x5b: {  	_ =	shalt  }
0x5c: {  	_ =	shalt  }
0x5d: {  	_ =	shalt  }
0x5e: {  	_ =	shalt  }
0x5f: {  	_ =	shalt  }
0x60: {  	_ =	shalt  }
0x61: {  	_ =	shalt  }
0x62: {  	_ =	shalt  }
0x63: {  	_ =	shalt  }
0x64: {  	_ =	shalt  }
0x65: {  	_ =	shalt  }
0x66: {  	_ =	shalt  }
0x67: {  	_ =	shalt  }
0x68: {  	_ =	shalt  }
0x69: {  	_ =	shalt  }
0x6a: {  	_ =	shalt  }
0x6b: {  	_ =	shalt  }
0x6c: {  	_ =	shalt  }
0x6d: {  	_ =	shalt  }
0x6e: {  	_ =	shalt  }
0x6f: {  	_ =	shalt  }
0x70: {  	_ =	shalt  }
0x71: {  	_ =	shalt  }
0x72: {  	_ =	shalt  }
0x73: {  	_ =	shalt  }
0x74: {  	_ =	shalt  }
0x75: {  	_ =	shalt  }
0x76: {  	_ =	shalt  }
0x77: {  	_ =	shalt  }
0x78: {  	_ =	shalt  }
0x79: {  	_ =	shalt  }
0x7a: {  	_ =	shalt  }
0x7b: {  	_ =	shalt  }
0x7c: {  	_ =	shalt  }
0x7d: {  	_ =	shalt  }
0x7e: {  	_ =	shalt  }
0x7f: {  	_ =	shalt  }
0x80: {  	_ =	shalt  }
0x81: {  	_ =	shalt  }
0x82: {  	_ =	shalt  }
0x83: {  	_ =	shalt  }
0x84: {  	_ =	shalt  }
0x85: {  	_ =	shalt  }
0x86: {  	_ =	shalt  }
0x87: {  	_ =	shalt  }
.Lfunc_end0:
.L_simem_size_0:
called_computation.1_lowered:
.L_overlay_start_0:
0x88: {  	s2 =	sld [smem:$0x3FD9]  }
0x89: {  	s3 =	sld [smem:$0x3FFE];
	_ =	sdelay $0x1  }
0x8a: {  	s1 =	srdreg.scid  }
0x8b: {  	s0 =	sand.u32 $0x1, s1  }
0x8c: {  	s17 =	sshll.u32 s0, $0xA;
	s2 =	sadd.s32 s3, s2  }
0x8d: {  	s2 =	sadd.s32 s2, s17  }
0x8e: {  	[smem:$0x3FC6] =	sst s2  }
0x8f: {  	_ = 	snop  }
0x90: {  	s2 =	sld [smem:$0x3FC8]  }
0x91: {  	s18 =	sld [smem:$0x3FD0];
	(tm) =	ssettm $0x1  }
0x92: {  	s4 =	sld [smem:$0x3FFB];
	_ =	sdelay $0x3  }
0x93: {  	_ =	strace s4  }
0x94: {  	s4 =	sld [smem:$0x3FFC];
	_ =	sdelay $0x3  }
0x95: {  	_ =	strace s4  }
0x96: {  	s4 =	sld [smem:$0x3FFD];
	_ =	sdelay $0x3  }
0x97: {  	_ =	strace s4  }
0x98: {  	_ =	strace $0x8FFFFFFF  }
0x99: {  	s19 =	sld [smem:$0x3FDB];
	_ =	sdelay $0x1  }
0x9a: {  	s5 =	simm.s32 $_scs_section_size  }
0x9b: {  	s6 =	simm.s32 $_size__tile_overlayer_lowered;
	s7 =	simm.s32 $_tile_overlayer_lowered  }
0x9c: {  	s22 =	simm.s32 $0x1BFF;
	s21 =	sshll.u32 s7, $0x1;
	s4 =	sadd.s32 s5, s19  }
0x9d: {  	s8 =	simm.s32 $0x0;
	s20 =	sshll.u32 s6, $0x1;
	s6 =	sadd.s32 s21, s4  }
0x9e: {  	[timem:s8], [sflag:s22] =	dma.local [hbm:s6], s20  }
0x9f: {  	_ =	swait.ge [sflag:s22], s20  }
0xa0: {  	s5 =	ssub.s32 $0x0, s20;
	[sflag:s22] =	ssyncset.done $0x0  }
0xa1: {  	[sflag:s22] =	ssyncadd.s32 s5;
	_ =	sdelay $0x1  }
0xa2: {  	s23 =	simm.s32 $0x1B8B  }
0xa3: {  	_ =	swait.ge [sflag:s23], $0x1  }
0xa4: {  	[sflag:s23] =	ssyncset.done $0x0  }
0xa5: {  	s25 =	simm.s32 $0x1B8E;
	s24 =	sld [smem:$0x3FFE];
	[sflag:s23] =	ssyncadd.s32 $0xFFFFFFFF  }
0xa6: {  	s26 =	simm.s32 $execute0_lowered;
	[smem:$0x3FD2] =	sst s25  }
0xa7: {  	s6 =	sshll.u32 s26, $0x1;
	_ =	strace $0x80000046;
	[dreg:$0x1] =	wrdreg $0xFFFFFFFF  }
0xa8: {  	s28 =	simm.s32 $_size_execute0_lowered;
	s4 =	sadd.s32 s4, s6;
	[dreg:$0x0] =	wrdreg $0x0  }
0xa9: {  	s6 =	sshll.u32 s28, $0x1;
	[dreg:$0x2] =	wrdreg s4  }
0xaa: {  	[dreg:$0x3] =	wrdreg s6  }
0xab: {  	[dreg:$0x4] =	wrdreg $0xC0  }
0xac: {  	_ =	task [dreg:s8], $0x5FFFF  }
0xad: {  	[dreg:$0x1] =	wrdreg $0xFFFFFFFF  }
0xae: {  	[dreg:$0x0] =	wrdreg $0x60  }
0xaf: {  	[dreg:$0x2] =	wrdreg s24  }
0xb0: {  	[dreg:$0x3] =	wrdreg s2  }
0xb1: {  	[dreg:$0x4] =	wrdreg s18  }
0xb2: {  	[dreg:$0x5] =	wrdreg $0x9  }
0xb3: {  	_ =	task.clear_ibuf [dreg:s8], $0x6FFFF;
	_ =	strace $0x90000046  }
0xb4: {  	s29 =	simm.s32 $0x9;
	_ =	strace $0x80000048  }
0xb5: {  	_ =	swait.ge [sflag:s29], $0x1  }
0xb6: {  	[sflag:s29] =	ssyncadd.s32 $0xFFFFFFFF  }
0xb7: {  	_ =	strace $0x90000048  }
0xb8: {  	_ =	sfence  }
0xb9: {  	s30 =	sld [smem:$0x0];
	_ =	sdelay $0x2  }
0xba: {  	s31 =	sshll.u32 s1, $0xD;
	s1 =	sshrl.u32 s1, $0x2  }
0xbb: {  	s3 =	sand.u32 $0x4000, s31;
	s1 =	sadd.s32 s1, s30  }
0xbc: {  	s0 =	sor.u32 s3, s0;
	s1 =	sshll.u32 s1, $0x11  }
0xbd: {  	s0 =	sor.u32 s1, s0  }
0xbe: {  	s0 =	sadd.s32 $0x8F2B, s0  }
0xbf: {  	[sflag:s0] =	ssyncadd.remote.s32 $0x1  }
0xc0: {  	_ =	sfence.sel $0xFFFF  }
0xc1: {  	[dreg:$0x0] =	wrdreg $0xFFFFFFFF;
	(pc) =	sbr.abs _section_cstart, $3  }
0xc2: {  	[dreg:$0x1] =	wrdreg $0xFFFFFFFF  }
0xc3: {  	_ =	task.clear_ibuf [dreg:s8], $0x2FFFF;
	_ =	strace $0x9FFFFFFF  }
0xc4: {  	(tm) =	ssettm $0x7FFFFFFF  }
0xc5: {  	_ =	shalt  }
tec
execute0_lowered:
.L_overlay_start_1:
0x0: {  	(tag) =	ssettag $0x1  }
0x1: {  	s0 =	rddreg [dreg:$0x0];
	s1 =	srdreg.scid  }
0x2: {  	s2 =	stileid.u32;
	s6 =	rddreg [dreg:$0x1];
	s4 =	simm.s32 $0x0  }
0x3: {  	s1 =	sand.u32 $0x1, s1;
	[smem:$0x7FF] =	sst s4;
	s8 =	sadd.s32 $0xA00, s0  }
0x4: {  	s25 =	sadd.s32 $0x100, s6;
	_ =	strace $0x80000047;
	[dreg:$0x5] =	wrdreg s8  }
0x5: {  	s2 =	sshll.u32 s2, $0x1;
	s26 =	sadd.s32 $0x200, s6;
	[dreg:$0xb] =	wrdreg s25  }
0x6: {  	s28 =	sadd.s32 $0xB00, s0;
	s29 =	sadd.s32 $0xC00, s0;
	[dreg:$0xc] =	wrdreg s26  }
0x7: {  	s30 =	sadd.s32 $0xE200, s0;
	s0 =	sadd.s32 $0x1BA00, s0;
	[dreg:$0xd] =	wrdreg s28  }
0x8: {  	s2 =	sor.u32 s1, s2;
	s1 =	ssub.s32 $0x2, s1;
	[dreg:$0xe] =	wrdreg s29  }
0x9: {  	[dreg:$0xf] =	wrdreg s30;
	s7 =	smul.u32 $0x4800, s2;
	s5 =	sshrl.u32 s1, $0x1  }
0xa: {  	[dreg:$0x10] =	wrdreg s0;
	s1 =	ssub.s32 s1, s5  }
0xb: {  	s3 =	sshrl.u32 s7, $0x3;
	[dreg:$0x4] =	wrdreg s7;
	s24 =	sadd.s32 $0x144000, s7  }
0xc: {  	s31 =	smax.u32 s1, $0x1;
	s8 =	sadd.s32 s8, s3;
	[dreg:$0xa] =	wrdreg s24  }
.Ltmp0:
0xd: {  	s3 =	sadd.s32 s6, s3;
	[dreg:$0x11] =	wrdreg s31;
	(pc) =	sbr.rel .LBB2_1-.Ltmp0, $4  }
0xe: {  	[dreg:$0x7] =	wrdreg s3  }
0xf: {  	v4 =	vlaneseq.u32;
	vm0 =	vmmov $0xffff;
	s22 =	sadd.s32 $0xD800, s8;
	[dreg:$0x6] =	wrdreg s8  }
0x10: {  	v0 =	vadd.s32 $0x227, v4;
	v1 =	vadd.s32 $0x22F, v4;
	v3 =	vshrl.u32 v4, $0x3;
	p0 =	sgt.u32 s2, $0x16;
	s23 =	sadd.s32 $0x1B000, s8;
	[dreg:$0x8] =	wrdreg s22  }
0x11: {  	v2 =	vand.u32 $0x7, v4;
	v4 =	vor.u32 $0x8, v4;
	v3 =	vmul.u32 $0x8, v3;
	p1 =	sne.s32 s2, $0x17;
	s1 =	simm.s32 $0x0;
	[dreg:$0x9] =	wrdreg s23  }
.LBB2_13:
0x12: {  	s1 =	sadd.s32 $0x1, s1;
	s0 =	rddreg [dreg:$0x11]  }
0x13: {  	p2 =	sne.s32 s1, s0  }
.Ltmp1:
0x14: {  	_ = 	snop;
	(pc) =	sbr.rel @!p2 .LBB2_14-.Ltmp1, $1  }
0x15: {  	_ =	sdelay $0x3  }
.LBB2_1:
.Ltmp2:
0x16: {  	(pc) =	sbr.rel @p0 .LBB2_7-.Ltmp2, $2  }
0x17: {  	_ =	sdelay $0x2  }
0x18: {  	[dreg:$0x12] =	wrdreg s1  }
0x19: {  	s2 =	simm.s32 $0x0;
	s0 =	rddreg [dreg:$0x7]  }
0x1a: {  	[tilespmem:s2], [sflag:$0x1] =	stream.linear.gather [hbm4b:s0+s2], $0x4800, $0x38;
	[tilespmem:$0x1F880] =	vst v63  }
0x1b: {  	s25 =	rddreg [dreg:$0x6];
	s1 =	simm.s32 $0x4800  }
0x1c: {  	[tilespmem:s1], [sflag:$0x2] =	stream.linear.gather [hbm4b:s25+s2], $0x4800, $0x38;
	[tilespmem:$0x1F880] =	vst v63  }
0x1d: {  	s26 =	rddreg [dreg:$0x8];
	s28 =	simm.s32 $0x9000  }
0x1e: {  	[tilespmem:s28], [sflag:$0x3] =	stream.linear.gather [hbm4b:s26+s2], $0x4800, $0x38;
	[tilespmem:$0x1F880] =	vst v63  }
0x1f: {  	s29 =	rddreg [dreg:$0x9];
	s30 =	simm.s32 $0xD800;
	s31 =	simm.s32 $0x1  }
0x20: {  	[tilespmem:s30], [sflag:$0x4] =	stream.linear.gather [hbm4b:s29+s2], $0x4800, $0x38;
	[tilespmem:$0x1F880] =	vst v63  }
0x21: {  	_ =	swait.ge [sflag:s31], $0x4800  }
0x22: {  	[sflag:s31] =	ssyncset.done $0x0  }
0x23: {  	s1 =	simm.s32 $0x0;
	[sflag:s31] =	ssyncadd.s32 $0xFFFFB800  }
.LBB2_3:
0x24: {  	s0 =	smul.u32 $0xAB, s1;
	_ =	sdelay $0x1  }
0x25: {  	s0 =	sshrl.u32 s0, $0x9  }
0x26: {  	s0 =	sand.u32 $0x7F, s0  }
0x27: {  	s0 =	smul.u32 $0x3, s0;
	_ =	sdelay $0x1  }
0x28: {  	s0 =	ssub.s32 s1, s0  }
0x29: {  	s28 =	sand.u32 $0xFF, s0  }
0x2a: {  	s26 =	sadd.s32 $0x2, s28  }
0x2b: {  	p2 =	slt.u32 s1, $0x3;
	_ =	swait.ge [sflag:s26], $0x4800  }
0x2c: {  	s2 =	simm.s32 $0x0;
	s11 =	simm.s32 $0x0;
	[sflag:s26] =	ssyncset.done $0x0  }
0x2d: {  	s10 =	smul.u32 $0x1800, s2;
	s0 =	sadd.s32 @!p2 $0x5, s28;
	[sflag:s26] =	ssyncadd.s32 $0xFFFFB800  }
0x2e: {  	s7 =	sand.u32 $0x300, s11;
	s29 =	smul.u32 $0x4800, s28;
	_ =	swait.ge @!p2 [sflag:s0], $0x4800  }
0x2f: {  	s9 =	sor.u32 $0x80, s7;
	[sflag:s0] =	ssyncset.done @!p2 $0x0  }
0x30: {  	s5 =	sor.u32 s9, s10;
	s18 =	sadd.s32 s29, s10;
	[sflag:s0] =	ssyncadd.s32 @!p2 $0xFFFFB800  }
0x31: {  	s12 =	sor.u32 s9, s18;
	v5 =	vld [tilespmem:s5+$0x0]  }
0x32: {  	v6 =	vld [tilespmem:s12+$0x4800];
	_ =	sdelay $0x3  }
0x33: {  	s13 =	sor.u32 s7, s18  }
0x34: {  	s3 =	sor.u32 s7, s10;
	v7 =	vld [tilespmem:s13+$0x4800];
	v5 =	vadd.f32 v5, v6  }
0x35: {  	v6 =	vld [tilespmem:s3+$0x0]  }
0x36: {  	[tilespmem:s12+$0x12000] =	vst v5;
	v5 =	vld [tilespmem:s12+$0x4810]  }
0x37: {  	v8 =	vld [tilespmem:s5+$0x10];
	_ =	sdelay $0x2  }
0x38: {  	v6 =	vadd.f32 v6, v7;
	_ =	sdelay $0x1  }
0x39: {  	v7 =	vld [tilespmem:s13+$0x4810];
	[tilespmem:s13+$0x12000] =	vst v6;
	v5 =	vadd.f32 v8, v5  }
0x3a: {  	v6 =	vld [tilespmem:s3+$0x10]  }
0x3b: {  	[tilespmem:s12+$0x12010] =	vst v5;
	v5 =	vld [tilespmem:s12+$0x4820]  }
0x3c: {  	v8 =	vld [tilespmem:s5+$0x20];
	_ =	sdelay $0x2  }
0x3d: {  	v6 =	vadd.f32 v6, v7;
	_ =	sdelay $0x1  }
0x3e: {  	v7 =	vld [tilespmem:s13+$0x4820];
	[tilespmem:s13+$0x12010] =	vst v6;
	v5 =	vadd.f32 v8, v5  }
0x3f: {  	v6 =	vld [tilespmem:s3+$0x20]  }
0x40: {  	[tilespmem:s12+$0x12020] =	vst v5;
	v5 =	vld [tilespmem:s12+$0x4830]  }
0x41: {  	v8 =	vld [tilespmem:s5+$0x30];
	_ =	sdelay $0x2  }
0x42: {  	v6 =	vadd.f32 v6, v7;
	_ =	sdelay $0x1  }
0x43: {  	v7 =	vld [tilespmem:s13+$0x4830];
	[tilespmem:s13+$0x12020] =	vst v6;
	v5 =	vadd.f32 v8, v5  }
0x44: {  	v6 =	vld [tilespmem:s3+$0x30]  }
0x45: {  	[tilespmem:s12+$0x12030] =	vst v5;
	v5 =	vld [tilespmem:s12+$0x4840]  }
0x46: {  	v8 =	vld [tilespmem:s5+$0x40];
	_ =	sdelay $0x2  }
0x47: {  	v6 =	vadd.f32 v6, v7;
	_ =	sdelay $0x1  }
0x48: {  	v7 =	vld [tilespmem:s13+$0x4840];
	[tilespmem:s13+$0x12030] =	vst v6;
	v5 =	vadd.f32 v8, v5  }
0x49: {  	v6 =	vld [tilespmem:s3+$0x40]  }
0x4a: {  	[tilespmem:s12+$0x12040] =	vst v5;
	v5 =	vld [tilespmem:s12+$0x4850]  }
0x4b: {  	v8 =	vld [tilespmem:s5+$0x50];
	_ =	sdelay $0x2  }
0x4c: {  	v6 =	vadd.f32 v6, v7;
	_ =	sdelay $0x1  }
0x4d: {  	v7 =	vld [tilespmem:s13+$0x4850];
	[tilespmem:s13+$0x12040] =	vst v6;
	v5 =	vadd.f32 v8, v5  }
0x4e: {  	v6 =	vld [tilespmem:s3+$0x50]  }
0x4f: {  	[tilespmem:s12+$0x12050] =	vst v5;
	v5 =	vld [tilespmem:s12+$0x4860]  }
0x50: {  	v8 =	vld [tilespmem:s5+$0x60];
	_ =	sdelay $0x2  }
0x51: {  	v6 =	vadd.f32 v6, v7;
	_ =	sdelay $0x1  }
0x52: {  	v7 =	vld [tilespmem:s13+$0x4860];
	[tilespmem:s13+$0x12050] =	vst v6;
	v5 =	vadd.f32 v8, v5  }
0x53: {  	v6 =	vld [tilespmem:s3+$0x60]  }
0x54: {  	[tilespmem:s12+$0x12060] =	vst v5;
	v5 =	vld [tilespmem:s12+$0x4870]  }
0x55: {  	v8 =	vld [tilespmem:s5+$0x70];
	_ =	sdelay $0x2  }
0x56: {  	v6 =	vadd.f32 v6, v7;
	_ =	sdelay $0x1  }
0x57: {  	v7 =	vld [tilespmem:s13+$0x4870];
	[tilespmem:s13+$0x12060] =	vst v6;
	v5 =	vadd.f32 v8, v5  }
0x58: {  	v6 =	vld [tilespmem:s3+$0x70]  }
0x59: {  	[tilespmem:s12+$0x12070] =	vst v5;
	v5 =	vld [tilespmem:s12+$0x4C00]  }
0x5a: {  	v8 =	vld [tilespmem:s5+$0x400];
	_ =	sdelay $0x2  }
0x5b: {  	v6 =	vadd.f32 v6, v7;
	_ =	sdelay $0x1  }
0x5c: {  	v7 =	vld [tilespmem:s13+$0x4C00];
	[tilespmem:s13+$0x12070] =	vst v6;
	v5 =	vadd.f32 v8, v5  }
0x5d: {  	v6 =	vld [tilespmem:s3+$0x400]  }
0x5e: {  	[tilespmem:s12+$0x12400] =	vst v5;
	v5 =	vld [tilespmem:s12+$0x4C10]  }
0x5f: {  	v8 =	vld [tilespmem:s5+$0x410];
	_ =	sdelay $0x2  }
0x60: {  	v6 =	vadd.f32 v6, v7;
	_ =	sdelay $0x1  }
0x61: {  	v7 =	vld [tilespmem:s13+$0x4C10];
	[tilespmem:s13+$0x12400] =	vst v6;
	v5 =	vadd.f32 v8, v5  }
0x62: {  	v6 =	vld [tilespmem:s3+$0x410]  }
0x63: {  	[tilespmem:s12+$0x12410] =	vst v5;
	v5 =	vld [tilespmem:s12+$0x4C20]  }
0x64: {  	v8 =	vld [tilespmem:s5+$0x420];
	_ =	sdelay $0x2  }
0x65: {  	v6 =	vadd.f32 v6, v7;
	_ =	sdelay $0x1  }
0x66: {  	v7 =	vld [tilespmem:s13+$0x4C20];
	[tilespmem:s13+$0x12410] =	vst v6;
	v5 =	vadd.f32 v8, v5  }
0x67: {  	v6 =	vld [tilespmem:s3+$0x420]  }
0x68: {  	[tilespmem:s12+$0x12420] =	vst v5;
	v5 =	vld [tilespmem:s12+$0x4C30]  }
0x69: {  	v8 =	vld [tilespmem:s5+$0x430];
	_ =	sdelay $0x2  }
0x6a: {  	v6 =	vadd.f32 v6, v7;
	_ =	sdelay $0x1  }
0x6b: {  	v7 =	vld [tilespmem:s13+$0x4C30];
	[tilespmem:s13+$0x12420] =	vst v6;
	v5 =	vadd.f32 v8, v5  }
0x6c: {  	v6 =	vld [tilespmem:s3+$0x430]  }
0x6d: {  	[tilespmem:s12+$0x12430] =	vst v5;
	v5 =	vld [tilespmem:s12+$0x4C40]  }
0x6e: {  	v8 =	vld [tilespmem:s5+$0x440];
	_ =	sdelay $0x2  }
0x6f: {  	v6 =	vadd.f32 v6, v7;
	_ =	sdelay $0x1  }
0x70: {  	v7 =	vld [tilespmem:s13+$0x4C40];
	[tilespmem:s13+$0x12430] =	vst v6;
	v5 =	vadd.f32 v8, v5  }
0x71: {  	v6 =	vld [tilespmem:s3+$0x440]  }
0x72: {  	[tilespmem:s12+$0x12440] =	vst v5;
	v5 =	vld [tilespmem:s12+$0x4C50]  }
0x73: {  	v8 =	vld [tilespmem:s5+$0x450];
	_ =	sdelay $0x2  }
0x74: {  	v6 =	vadd.f32 v6, v7;
	_ =	sdelay $0x1  }
0x75: {  	v7 =	vld [tilespmem:s13+$0x4C50];
	[tilespmem:s13+$0x12440] =	vst v6;
	v5 =	vadd.f32 v8, v5  }
0x76: {  	v6 =	vld [tilespmem:s3+$0x450]  }
0x77: {  	[tilespmem:s12+$0x12450] =	vst v5;
	v5 =	vld [tilespmem:s12+$0x4C60]  }
0x78: {  	v8 =	vld [tilespmem:s5+$0x460];
	_ =	sdelay $0x2  }
0x79: {  	v6 =	vadd.f32 v6, v7;
	_ =	sdelay $0x1  }
0x7a: {  	v7 =	vld [tilespmem:s13+$0x4C60];
	[tilespmem:s13+$0x12450] =	vst v6;
	v5 =	vadd.f32 v8, v5  }
0x7b: {  	v6 =	vld [tilespmem:s3+$0x460]  }
0x7c: {  	[tilespmem:s12+$0x12460] =	vst v5;
	v5 =	vld [tilespmem:s12+$0x4C70]  }
0x7d: {  	v8 =	vld [tilespmem:s5+$0x470];
	_ =	sdelay $0x2  }
0x7e: {  	v6 =	vadd.f32 v6, v7;
	_ =	sdelay $0x1  }
0x7f: {  	v7 =	vld [tilespmem:s13+$0x4C70];
	[tilespmem:s13+$0x12460] =	vst v6;
	v5 =	vadd.f32 v8, v5  }
0x80: {  	s14 =	sadd.s32 $0x800, s18;
	v6 =	vld [tilespmem:s3+$0x470]  }
0x81: {  	s8 =	sadd.s32 $0x800, s10;
	s15 =	sor.u32 s9, s14;
	[tilespmem:s12+$0x12470] =	vst v5  }
0x82: {  	s16 =	sor.u32 s9, s8;
	v5 =	vld [tilespmem:s15+$0x4800]  }
0x83: {  	v8 =	vld [tilespmem:s16+$0x0];
	_ =	sdelay $0x1  }
0x84: {  	v6 =	vadd.f32 v6, v7;
	_ =	sdelay $0x1  }
0x85: {  	s6 =	sor.u32 s7, s14;
	[tilespmem:s13+$0x12470] =	vst v6  }
0x86: {  	s17 =	sor.u32 s7, s8;
	v6 =	vld [tilespmem:s6+$0x4800];
	v5 =	vadd.f32 v8, v5  }
0x87: {  	v7 =	vld [tilespmem:s17+$0x0]  }
0x88: {  	[tilespmem:s15+$0x12000] =	vst v5;
	v5 =	vld [tilespmem:s15+$0x4810]  }
0x89: {  	v8 =	vld [tilespmem:s16+$0x10];
	_ =	sdelay $0x2  }
0x8a: {  	v6 =	vadd.f32 v7, v6;
	_ =	sdelay $0x1  }
0x8b: {  	v7 =	vld [tilespmem:s6+$0x4810];
	[tilespmem:s6+$0x12000] =	vst v6;
	v5 =	vadd.f32 v8, v5  }
0x8c: {  	v6 =	vld [tilespmem:s17+$0x10]  }
0x8d: {  	[tilespmem:s15+$0x12010] =	vst v5;
	v5 =	vld [tilespmem:s15+$0x4820]  }
0x8e: {  	v8 =	vld [tilespmem:s16+$0x20];
	_ =	sdelay $0x2  }
0x8f: {  	v6 =	vadd.f32 v6, v7;
	_ =	sdelay $0x1  }
0x90: {  	v7 =	vld [tilespmem:s6+$0x4820];
	[tilespmem:s6+$0x12010] =	vst v6;
	v5 =	vadd.f32 v8, v5  }
0x91: {  	v6 =	vld [tilespmem:s17+$0x20]  }
0x92: {  	[tilespmem:s15+$0x12020] =	vst v5;
	v5 =	vld [tilespmem:s15+$0x4830]  }
0x93: {  	v8 =	vld [tilespmem:s16+$0x30];
	_ =	sdelay $0x2  }
0x94: {  	v6 =	vadd.f32 v6, v7;
	_ =	sdelay $0x1  }
0x95: {  	v7 =	vld [tilespmem:s6+$0x4830];
	[tilespmem:s6+$0x12020] =	vst v6;
	v5 =	vadd.f32 v8, v5  }
0x96: {  	v6 =	vld [tilespmem:s17+$0x30]  }
0x97: {  	[tilespmem:s15+$0x12030] =	vst v5;
	v5 =	vld [tilespmem:s15+$0x4840]  }
0x98: {  	v8 =	vld [tilespmem:s16+$0x40];
	_ =	sdelay $0x2  }
0x99: {  	v6 =	vadd.f32 v6, v7;
	_ =	sdelay $0x1  }
0x9a: {  	v7 =	vld [tilespmem:s6+$0x4840];
	[tilespmem:s6+$0x12030] =	vst v6;
	v5 =	vadd.f32 v8, v5  }
0x9b: {  	v6 =	vld [tilespmem:s17+$0x40]  }
0x9c: {  	[tilespmem:s15+$0x12040] =	vst v5;
	v5 =	vld [tilespmem:s15+$0x4850]  }
0x9d: {  	v8 =	vld [tilespmem:s16+$0x50];
	_ =	sdelay $0x2  }
0x9e: {  	v6 =	vadd.f32 v6, v7;
	_ =	sdelay $0x1  }
0x9f: {  	v7 =	vld [tilespmem:s6+$0x4850];
	[tilespmem:s6+$0x12040] =	vst v6;
	v5 =	vadd.f32 v8, v5  }
0xa0: {  	v6 =	vld [tilespmem:s17+$0x50]  }
0xa1: {  	[tilespmem:s15+$0x12050] =	vst v5;
	v5 =	vld [tilespmem:s15+$0x4860]  }
0xa2: {  	v8 =	vld [tilespmem:s16+$0x60];
	_ =	sdelay $0x2  }
0xa3: {  	v6 =	vadd.f32 v6, v7;
	_ =	sdelay $0x1  }
0xa4: {  	v7 =	vld [tilespmem:s6+$0x4860];
	[tilespmem:s6+$0x12050] =	vst v6;
	v5 =	vadd.f32 v8, v5  }
0xa5: {  	v6 =	vld [tilespmem:s17+$0x60]  }
0xa6: {  	s19 =	simm.s32 $0x0;
	[tilespmem:s15+$0x12060] =	vst v5;
	v5 =	vld [tilespmem:s15+$0x4870]  }
0xa7: {  	s20 =	simm.s32 $0x100;
	s24 =	smul.u32 $0x1800, s19;
	v8 =	vld [tilespmem:s16+$0x70]  }
0xa8: {  	s2 =	sand.u32 $0x300, s20  }
0xa9: {  	s11 =	sor.u32 s2, s24;
	s25 =	sadd.s32 s29, s24  }
0xaa: {  	s23 =	sor.u32 $0x80, s2;
	v12 =	vld [tilespmem:s11+$0x0];
	s5 =	sor.u32 s2, s25  }
0xab: {  	s21 =	sor.u32 s23, s24;
	v11 =	vld [tilespmem:s5+$0x4800];
	v6 =	vadd.f32 v6, v7  }
0xac: {  	s3 =	sor.u32 s23, s25;
	v7 =	vld [tilespmem:s21+$0x0];
	v5 =	vadd.f32 v8, v5  }
0xad: {  	s13 =	sadd.s32 $0xC00, s18;
	[tilespmem:s6+$0x12060] =	vst v6;
	v6 =	vld [tilespmem:s3+$0x4800]  }
0xae: {  	s14 =	sadd.s32 $0xC00, s10;
	s22 =	sor.u32 s9, s13;
	[tilespmem:s15+$0x12070] =	vst v5  }
0xaf: {  	s12 =	sor.u32 s9, s14;
	v5 =	vld [tilespmem:s22+$0x4800]  }
0xb0: {  	v11 =	vadd.f32 v12, v11;
	v10 =	vld [tilespmem:s12+$0x0]  }
0xb1: {  	v13 =	vld [tilespmem:s5+$0x4820]  }
0xb2: {  	v15 =	vld [tilespmem:s5+$0x4850];
	[tilespmem:s5+$0x12000] =	vst v11;
	v6 =	vadd.f32 v7, v6  }
0xb3: {  	v14 =	vld [tilespmem:s11+$0x10]  }
0xb4: {  	[tilespmem:s3+$0x12000] =	vst v6;
	v6 =	vld [tilespmem:s3+$0x4810]  }
0xb5: {  	v5 =	vadd.f32 v10, v5;
	v10 =	vld [tilespmem:s21+$0x10]  }
0xb6: {  	v7 =	vld [tilespmem:s5+$0x4810]  }
0xb7: {  	[tilespmem:s22+$0x12000] =	vst v5;
	v5 =	vld [tilespmem:s22+$0x4810]  }
0xb8: {  	v12 =	vld [tilespmem:s12+$0x10]  }
0xb9: {  	v17 =	vld [tilespmem:s5+$0x4C00]  }
0xba: {  	v9 =	vld [tilespmem:s6+$0x4870];
	v6 =	vadd.f32 v10, v6  }
0xbb: {  	v8 =	vld [tilespmem:s17+$0x70];
	v7 =	vadd.f32 v14, v7  }
0xbc: {  	[tilespmem:s3+$0x12010] =	vst v6;
	v6 =	vld [tilespmem:s3+$0x4820]  }
0xbd: {  	[tilespmem:s5+$0x12010] =	vst v7;
	v5 =	vadd.f32 v12, v5;
	v12 =	vld [tilespmem:s21+$0x20]  }
0xbe: {  	v16 =	vld [tilespmem:s11+$0x20]  }
0xbf: {  	[tilespmem:s22+$0x12010] =	vst v5;
	v5 =	vld [tilespmem:s22+$0x4820]  }
0xc0: {  	v14 =	vld [tilespmem:s12+$0x20]  }
0xc1: {  	v11 =	vld [tilespmem:s5+$0x4830]  }
0xc2: {  	v7 =	vld [tilespmem:s5+$0x4860];
	v6 =	vadd.f32 v12, v6  }
0xc3: {  	v10 =	vld [tilespmem:s5+$0x4840];
	v13 =	vadd.f32 v16, v13  }
0xc4: {  	v8 =	vadd.f32 v8, v9;
	[tilespmem:s3+$0x12020] =	vst v6;
	v6 =	vld [tilespmem:s3+$0x4830]  }
0xc5: {  	[tilespmem:s5+$0x12020] =	vst v13;
	v5 =	vadd.f32 v14, v5;
	v14 =	vld [tilespmem:s21+$0x30]  }
0xc6: {  	[tilespmem:s6+$0x12070] =	vst v8;
	v8 =	vld [tilespmem:s11+$0x30]  }
0xc7: {  	v13 =	vld [tilespmem:s5+$0x4C10]  }
0xc8: {  	v12 =	vld [tilespmem:s5+$0x4870]  }
0xc9: {  	[tilespmem:s22+$0x12020] =	vst v5;
	v5 =	vld [tilespmem:s22+$0x4830]  }
0xca: {  	v9 =	vld [tilespmem:s12+$0x30];
	v6 =	vadd.f32 v14, v6  }
0xcb: {  	v8 =	vadd.f32 v8, v11;
	v14 =	vld [tilespmem:s5+$0x4C20]  }
0xcc: {  	[tilespmem:s3+$0x12030] =	vst v6;
	v6 =	vld [tilespmem:s3+$0x4840]  }
0xcd: {  	[tilespmem:s5+$0x12030] =	vst v8;
	v36 =	vld [tilespmem:s21+$0x40]  }
0xce: {  	v8 =	vld [tilespmem:s11+$0x40];
	_ =	sdelay $0x3  }
0xcf: {  	v6 =	vadd.f32 v36, v6  }
0xd0: {  	v8 =	vadd.f32 v8, v10  }
0xd1: {  	[tilespmem:s3+$0x12040] =	vst v6;
	v6 =	vld [tilespmem:s3+$0x4850]  }
0xd2: {  	[tilespmem:s5+$0x12040] =	vst v8;
	v11 =	vld [tilespmem:s21+$0x50]  }
0xd3: {  	v8 =	vld [tilespmem:s11+$0x50];
	_ =	sdelay $0x3  }
0xd4: {  	v6 =	vadd.f32 v11, v6  }
0xd5: {  	v8 =	vadd.f32 v8, v15  }
0xd6: {  	[tilespmem:s3+$0x12050] =	vst v6;
	v6 =	vld [tilespmem:s3+$0x4860]  }
0xd7: {  	[tilespmem:s5+$0x12050] =	vst v8;
	v10 =	vld [tilespmem:s21+$0x60]  }
0xd8: {  	v8 =	vld [tilespmem:s11+$0x60];
	_ =	sdelay $0x3  }
0xd9: {  	v6 =	vadd.f32 v10, v6  }
0xda: {  	v7 =	vadd.f32 v8, v7  }
0xdb: {  	[tilespmem:s3+$0x12060] =	vst v6;
	v6 =	vld [tilespmem:s3+$0x4870]  }
0xdc: {  	[tilespmem:s5+$0x12060] =	vst v7;
	v10 =	vld [tilespmem:s21+$0x70]  }
0xdd: {  	v5 =	vadd.f32 v9, v5;
	v7 =	vld [tilespmem:s11+$0x70];
	_ =	sdelay $0x1  }
0xde: {  	[tilespmem:s22+$0x12030] =	vst v5;
	v5 =	vld [tilespmem:s22+$0x4840]  }
0xdf: {  	s17 =	sor.u32 s7, s14;
	v9 =	vld [tilespmem:s12+$0x40]  }
0xe0: {  	s6 =	sor.u32 s7, s13;
	v11 =	vld [tilespmem:s17+$0x0];
	v6 =	vadd.f32 v10, v6  }
0xe1: {  	v7 =	vadd.f32 v7, v12;
	v10 =	vld [tilespmem:s6+$0x4800]  }
0xe2: {  	[tilespmem:s3+$0x12070] =	vst v6;
	v6 =	vld [tilespmem:s3+$0x4C00]  }
0xe3: {  	[tilespmem:s5+$0x12070] =	vst v7;
	v8 =	vld [tilespmem:s21+$0x400]  }
0xe4: {  	v5 =	vadd.f32 v9, v5;
	v7 =	vld [tilespmem:s11+$0x400];
	_ =	sdelay $0x1  }
0xe5: {  	[tilespmem:s22+$0x12040] =	vst v5;
	v5 =	vld [tilespmem:s22+$0x4850];
	v9 =	vadd.f32 v11, v10  }
0xe6: {  	v10 =	vld [tilespmem:s12+$0x50]  }
0xe7: {  	v11 =	vld [tilespmem:s6+$0x4810];
	[tilespmem:s6+$0x12000] =	vst v9;
	v6 =	vadd.f32 v8, v6  }
0xe8: {  	v7 =	vadd.f32 v7, v17;
	v9 =	vld [tilespmem:s17+$0x10]  }
0xe9: {  	[tilespmem:s3+$0x12400] =	vst v6;
	v6 =	vld [tilespmem:s3+$0x4C10]  }
0xea: {  	[tilespmem:s5+$0x12400] =	vst v7;
	v8 =	vld [tilespmem:s21+$0x410]  }
0xeb: {  	v7 =	vld [tilespmem:s11+$0x410];
	v5 =	vadd.f32 v10, v5;
	_ =	sdelay $0x1  }
0xec: {  	[tilespmem:s22+$0x12050] =	vst v5;
	v5 =	vld [tilespmem:s22+$0x4860];
	v9 =	vadd.f32 v9, v11  }
0xed: {  	v10 =	vld [tilespmem:s12+$0x60]  }
0xee: {  	v11 =	vld [tilespmem:s6+$0x4820];
	[tilespmem:s6+$0x12010] =	vst v9;
	v6 =	vadd.f32 v8, v6  }
0xef: {  	v7 =	vadd.f32 v7, v13;
	v9 =	vld [tilespmem:s17+$0x20]  }
0xf0: {  	[tilespmem:s3+$0x12410] =	vst v6;
	v6 =	vld [tilespmem:s3+$0x4C20]  }
0xf1: {  	[tilespmem:s5+$0x12410] =	vst v7;
	v8 =	vld [tilespmem:s21+$0x420]  }
0xf2: {  	v7 =	vld [tilespmem:s11+$0x420];
	v5 =	vadd.f32 v10, v5  }
0xf3: {  	v12 =	vld [tilespmem:s5+$0x4C30]  }
0xf4: {  	[tilespmem:s22+$0x12060] =	vst v5;
	v5 =	vld [tilespmem:s22+$0x4870];
	v9 =	vadd.f32 v9, v11  }
0xf5: {  	v10 =	vld [tilespmem:s12+$0x70]  }
0xf6: {  	v11 =	vld [tilespmem:s6+$0x4830];
	[tilespmem:s6+$0x12020] =	vst v9;
	v6 =	vadd.f32 v8, v6  }
0xf7: {  	v7 =	vadd.f32 v7, v14;
	v9 =	vld [tilespmem:s17+$0x30]  }
0xf8: {  	[tilespmem:s3+$0x12420] =	vst v6;
	v6 =	vld [tilespmem:s3+$0x4C30]  }
0xf9: {  	[tilespmem:s5+$0x12420] =	vst v7;
	v8 =	vld [tilespmem:s21+$0x430]  }
0xfa: {  	v7 =	vld [tilespmem:s11+$0x430];
	v5 =	vadd.f32 v10, v5;
	_ =	sdelay $0x1  }
0xfb: {  	s16 =	sadd.s32 $0x1000, s18;
	[tilespmem:s22+$0x12070] =	vst v5;
	v5 =	vadd.f32 v9, v11  }
0xfc: {  	s12 =	sor.u32 s9, s16;
	v10 =	vld [tilespmem:s6+$0x4840]  }
0xfd: {  	v9 =	vld [tilespmem:s12+$0x4800];
	[tilespmem:s6+$0x12030] =	vst v5;
	v6 =	vadd.f32 v8, v6  }
0xfe: {  	v5 =	vadd.f32 v7, v12;
	v7 =	vld [tilespmem:s17+$0x40]  }
0xff: {  	s15 =	sadd.s32 $0x1000, s10;
	[tilespmem:s3+$0x12430] =	vst v6;
	v6 =	vld [tilespmem:s3+$0x4C40]  }
0x100: {  	s19 =	sor.u32 s9, s15;
	v8 =	vld [tilespmem:s21+$0x440]  }
0x101: {  	v11 =	vld [tilespmem:s19+$0x0];
	_ =	sdelay $0x2  }
0x102: {  	v12 =	vld [tilespmem:s5+$0x4C40];
	[tilespmem:s5+$0x12430] =	vst v5;
	v7 =	vadd.f32 v7, v10  }
0x103: {  	v5 =	vadd.f32 v8, v6;
	v6 =	vld [tilespmem:s11+$0x440]  }
0x104: {  	[tilespmem:s6+$0x12040] =	vst v7;
	v8 =	vadd.f32 v11, v9;
	v11 =	vld [tilespmem:s6+$0x4850]  }
0x105: {  	v7 =	vld [tilespmem:s17+$0x50]  }
0x106: {  	[tilespmem:s3+$0x12440] =	vst v5;
	v5 =	vld [tilespmem:s3+$0x4C50]  }
0x107: {  	[tilespmem:s12+$0x12000] =	vst v8;
	v8 =	vld [tilespmem:s12+$0x4810]  }
0x108: {  	v9 =	vld [tilespmem:s21+$0x450]  }
0x109: {  	v10 =	vld [tilespmem:s19+$0x10]  }
0x10a: {  	v6 =	vadd.f32 v6, v12;
	_ =	sdelay $0x1  }
0x10b: {  	v12 =	vld [tilespmem:s5+$0x4C50];
	v7 =	vadd.f32 v7, v11;
	[tilespmem:s5+$0x12440] =	vst v6  }
0x10c: {  	v6 =	vld [tilespmem:s11+$0x450]  }
0x10d: {  	[tilespmem:s6+$0x12050] =	vst v7;
	v5 =	vadd.f32 v9, v5;
	v8 =	vadd.f32 v10, v8;
	v10 =	vld [tilespmem:s6+$0x4860]  }
0x10e: {  	v7 =	vld [tilespmem:s17+$0x60]  }
0x10f: {  	[tilespmem:s3+$0x12450] =	vst v5;
	v5 =	vld [tilespmem:s3+$0x4C60]  }
0x110: {  	[tilespmem:s12+$0x12010] =	vst v8;
	v8 =	vld [tilespmem:s12+$0x4820]  }
0x111: {  	v9 =	vld [tilespmem:s21+$0x460]  }
0x112: {  	v11 =	vld [tilespmem:s19+$0x20]  }
0x113: {  	v6 =	vadd.f32 v6, v12;
	_ =	sdelay $0x1  }
0x114: {  	v12 =	vld [tilespmem:s5+$0x4C60];
	v7 =	vadd.f32 v7, v10;
	[tilespmem:s5+$0x12450] =	vst v6  }
0x115: {  	v6 =	vld [tilespmem:s11+$0x460]  }
0x116: {  	[tilespmem:s6+$0x12060] =	vst v7;
	v5 =	vadd.f32 v9, v5;
	v8 =	vadd.f32 v11, v8;
	v11 =	vld [tilespmem:s6+$0x4870]  }
0x117: {  	v7 =	vld [tilespmem:s17+$0x70]  }
0x118: {  	[tilespmem:s3+$0x12460] =	vst v5;
	v5 =	vld [tilespmem:s3+$0x4C70]  }
0x119: {  	v9 =	vld [tilespmem:s21+$0x470];
	_ =	sdelay $0x1  }
0x11a: {  	[tilespmem:s12+$0x12020] =	vst v8;
	v8 =	vld [tilespmem:s12+$0x4830]  }
0x11b: {  	v10 =	vld [tilespmem:s19+$0x30];
	v6 =	vadd.f32 v6, v12  }
0x11c: {  	v7 =	vadd.f32 v7, v11  }
0x11d: {  	v12 =	vld [tilespmem:s5+$0x4C70];
	[tilespmem:s5+$0x12460] =	vst v6;
	v5 =	vadd.f32 v9, v5  }
0x11e: {  	s20 =	sadd.s32 $0x800, s25;
	s15 =	sor.u32 s7, s15;
	[tilespmem:s6+$0x12070] =	vst v7;
	v6 =	vld [tilespmem:s11+$0x470]  }
0x11f: {  	s0 =	sor.u32 s23, s20;
	s21 =	sadd.s32 $0x800, s24;
	v11 =	vld [tilespmem:s15+$0x0];
	[tilespmem:s3+$0x12470] =	vst v5  }
0x120: {  	s22 =	sor.u32 s23, s21;
	v5 =	vadd.f32 v10, v8;
	v8 =	vld [tilespmem:s0+$0x4800]  }
0x121: {  	s3 =	sor.u32 s7, s16;
	v9 =	vld [tilespmem:s22+$0x0]  }
0x122: {  	v7 =	vld [tilespmem:s3+$0x4800]  }
0x123: {  	[tilespmem:s12+$0x12030] =	vst v5;
	v5 =	vld [tilespmem:s12+$0x4840];
	v6 =	vadd.f32 v6, v12  }
0x124: {  	v10 =	vld [tilespmem:s19+$0x40]  }
0x125: {  	s17 =	sor.u32 s2, s20;
	v12 =	vld [tilespmem:s3+$0x4810];
	[tilespmem:s5+$0x12470] =	vst v6  }
0x126: {  	s13 =	sor.u32 s2, s21;
	v6 =	vld [tilespmem:s17+$0x4800];
	v8 =	vadd.f32 v9, v8  }
0x127: {  	v9 =	vld [tilespmem:s13+$0x0];
	v7 =	vadd.f32 v11, v7  }
0x128: {  	[tilespmem:s0+$0x12000] =	vst v8;
	v8 =	vld [tilespmem:s0+$0x4810]  }
0x129: {  	v5 =	vadd.f32 v10, v5;
	[tilespmem:s3+$0x12000] =	vst v7;
	v10 =	vld [tilespmem:s22+$0x10]  }
0x12a: {  	v7 =	vld [tilespmem:s15+$0x10]  }
0x12b: {  	[tilespmem:s12+$0x12040] =	vst v5;
	v5 =	vld [tilespmem:s12+$0x4850]  }
0x12c: {  	v11 =	vld [tilespmem:s19+$0x50];
	v6 =	vadd.f32 v9, v6;
	_ =	sdelay $0x1  }
0x12d: {  	v9 =	vld [tilespmem:s17+$0x4810];
	[tilespmem:s17+$0x12000] =	vst v6  }
0x12e: {  	v6 =	vadd.f32 v10, v8;
	v8 =	vld [tilespmem:s13+$0x10]  }
0x12f: {  	v7 =	vadd.f32 v7, v12;
	v12 =	vld [tilespmem:s3+$0x4820]  }
0x130: {  	v5 =	vadd.f32 v11, v5;
	[tilespmem:s0+$0x12010] =	vst v6;
	v6 =	vld [tilespmem:s0+$0x4820]  }
0x131: {  	v10 =	vld [tilespmem:s22+$0x20]  }
0x132: {  	[tilespmem:s12+$0x12050] =	vst v5;
	v5 =	vld [tilespmem:s12+$0x4860]  }
0x133: {  	[tilespmem:s3+$0x12010] =	vst v7;
	v11 =	vld [tilespmem:s19+$0x60]  }
0x134: {  	v7 =	vadd.f32 v8, v9;
	v8 =	vld [tilespmem:s15+$0x20];
	_ =	sdelay $0x1  }
0x135: {  	v9 =	vld [tilespmem:s17+$0x4820];
	[tilespmem:s17+$0x12010] =	vst v7;
	v6 =	vadd.f32 v10, v6  }
0x136: {  	v7 =	vld [tilespmem:s13+$0x20]  }
0x137: {  	v5 =	vadd.f32 v11, v5;
	[tilespmem:s0+$0x12020] =	vst v6;
	v6 =	vld [tilespmem:s0+$0x4830]  }
0x138: {  	v8 =	vadd.f32 v8, v12;
	v10 =	vld [tilespmem:s22+$0x30]  }
0x139: {  	s8 =	simm.s32 $0x200;
	s16 =	simm.s32 $0x0;
	v12 =	vld [tilespmem:s3+$0x4830];
	[tilespmem:s12+$0x12060] =	vst v5  }
0x13a: {  	s30 =	sand.u32 $0x300, s8;
	s20 =	smul.u32 $0x1800, s16;
	[tilespmem:s3+$0x12020] =	vst v8;
	v8 =	vld [tilespmem:s17+$0x4830]  }
0x13b: {  	v11 =	vld [tilespmem:s19+$0x70];
	v7 =	vadd.f32 v7, v9;
	s19 =	sor.u32 $0x80, s30  }
0x13c: {  	v9 =	vld [tilespmem:s15+$0x30];
	s14 =	sor.u32 s19, s20  }
0x13d: {  	[tilespmem:s17+$0x12020] =	vst v7;
	v13 =	vld [tilespmem:s14+$0x0];
	v6 =	vadd.f32 v10, v6  }
0x13e: {  	v7 =	vld [tilespmem:s13+$0x30]  }
0x13f: {  	s21 =	sadd.s32 s29, s20;
	[tilespmem:s0+$0x12030] =	vst v6;
	v6 =	vld [tilespmem:s0+$0x4840]  }
0x140: {  	s5 =	sor.u32 s19, s21;
	v10 =	vld [tilespmem:s22+$0x40]  }
0x141: {  	v9 =	vadd.f32 v9, v12;
	v12 =	vld [tilespmem:s5+$0x4800];
	_ =	sdelay $0x1  }
0x142: {  	v14 =	vld [tilespmem:s3+$0x4840];
	[tilespmem:s3+$0x12030] =	vst v9;
	v7 =	vadd.f32 v7, v8  }
0x143: {  	v9 =	vld [tilespmem:s15+$0x40]  }
0x144: {  	v8 =	vld [tilespmem:s17+$0x4840];
	[tilespmem:s17+$0x12030] =	vst v7;
	v6 =	vadd.f32 v10, v6  }
0x145: {  	v7 =	vld [tilespmem:s13+$0x40];
	v10 =	vadd.f32 v13, v12  }
0x146: {  	[tilespmem:s0+$0x12040] =	vst v6;
	v6 =	vld [tilespmem:s0+$0x4850]  }
0x147: {  	[tilespmem:s5+$0x12000] =	vst v10;
	v10 =	vld [tilespmem:s5+$0x4810]  }
0x148: {  	v9 =	vadd.f32 v9, v14;
	v12 =	vld [tilespmem:s22+$0x50]  }
0x149: {  	v14 =	vld [tilespmem:s3+$0x4850]  }
0x14a: {  	v13 =	vld [tilespmem:s14+$0x10];
	[tilespmem:s3+$0x12040] =	vst v9;
	v7 =	vadd.f32 v7, v8  }
0x14b: {  	v9 =	vld [tilespmem:s15+$0x50]  }
0x14c: {  	v8 =	vld [tilespmem:s17+$0x4850];
	[tilespmem:s17+$0x12040] =	vst v7  }
0x14d: {  	v6 =	vadd.f32 v12, v6;
	v7 =	vld [tilespmem:s13+$0x50]  }
0x14e: {  	v5 =	vld [tilespmem:s12+$0x4870]  }
0x14f: {  	v10 =	vadd.f32 v13, v10;
	[tilespmem:s0+$0x12050] =	vst v6;
	v6 =	vld [tilespmem:s0+$0x4860]  }
0x150: {  	v9 =	vadd.f32 v9, v14;
	v12 =	vld [tilespmem:s22+$0x60]  }
0x151: {  	[tilespmem:s5+$0x12010] =	vst v10;
	v10 =	vld [tilespmem:s5+$0x4820]  }
0x152: {  	[tilespmem:s3+$0x12050] =	vst v9;
	v7 =	vadd.f32 v7, v8;
	v8 =	vld [tilespmem:s3+$0x4860]  }
0x153: {  	v9 =	vld [tilespmem:s15+$0x60]  }
0x154: {  	v5 =	vadd.f32 v11, v5;
	v13 =	vld [tilespmem:s14+$0x20]  }
0x155: {  	v14 =	vld [tilespmem:s17+$0x4860];
	[tilespmem:s17+$0x12050] =	vst v7;
	v6 =	vadd.f32 v12, v6  }
0x156: {  	s16 =	sadd.s32 $0x1400, s18;
	[tilespmem:s12+$0x12070] =	vst v5;
	v7 =	vld [tilespmem:s13+$0x60]  }
0x157: {  	s10 =	sadd.s32 $0x1400, s10;
	s12 =	sor.u32 s9, s16;
	[tilespmem:s0+$0x12060] =	vst v6;
	v6 =	vld [tilespmem:s0+$0x4870]  }
0x158: {  	s11 =	sor.u32 s9, s10;
	v5 =	vadd.f32 v9, v8;
	v8 =	vld [tilespmem:s12+$0x4800]  }
0x159: {  	v10 =	vadd.f32 v13, v10;
	v9 =	vld [tilespmem:s11+$0x0]  }
0x15a: {  	v12 =	vld [tilespmem:s22+$0x70]  }
0x15b: {  	[tilespmem:s5+$0x12020] =	vst v10;
	v10 =	vld [tilespmem:s5+$0x4830]  }
0x15c: {  	v11 =	vld [tilespmem:s14+$0x30];
	[tilespmem:s3+$0x12060] =	vst v5;
	v7 =	vadd.f32 v7, v14  }
0x15d: {  	v5 =	vld [tilespmem:s15+$0x70];
	s15 =	sor.u32 s30, s20  }
0x15e: {  	v13 =	vld [tilespmem:s15+$0x0];
	[tilespmem:s17+$0x12060] =	vst v7;
	v8 =	vadd.f32 v9, v8  }
0x15f: {  	v6 =	vadd.f32 v12, v6;
	v12 =	vld [tilespmem:s13+$0x70];
	s13 =	sor.u32 s30, s21  }
0x160: {  	s18 =	sadd.s32 $0xC00, s25;
	v9 =	vld [tilespmem:s13+$0x4800];
	[tilespmem:s12+$0x12000] =	vst v8  }
0x161: {  	s9 =	sadd.s32 $0xC00, s24;
	v8 =	vld [tilespmem:s12+$0x4810];
	[tilespmem:s0+$0x12070] =	vst v6;
	s0 =	sor.u32 s23, s18  }
0x162: {  	s22 =	sor.u32 s23, s9;
	v6 =	vadd.f32 v11, v10;
	v7 =	vld [tilespmem:s0+$0x4800]  }
0x163: {  	v11 =	vld [tilespmem:s22+$0x0]  }
0x164: {  	[tilespmem:s5+$0x12030] =	vst v6;
	v6 =	vld [tilespmem:s5+$0x4840]  }
0x165: {  	v10 =	vld [tilespmem:s14+$0x40]  }
0x166: {  	v14 =	vld [tilespmem:s11+$0x10];
	_ =	sdelay $0x1  }
0x167: {  	v7 =	vadd.f32 v11, v7;
	_ =	sdelay $0x1  }
0x168: {  	v9 =	vadd.f32 v13, v9;
	v13 =	vld [tilespmem:s0+$0x4810];
	v6 =	vadd.f32 v10, v6;
	[tilespmem:s0+$0x12000] =	vst v7  }
0x169: {  	v7 =	vadd.f32 v14, v8;
	v8 =	vld [tilespmem:s22+$0x10]  }
0x16a: {  	[tilespmem:s5+$0x12040] =	vst v6;
	v6 =	vld [tilespmem:s5+$0x4850]  }
0x16b: {  	[tilespmem:s13+$0x12000] =	vst v9;
	v11 =	vld [tilespmem:s14+$0x50]  }
0x16c: {  	v9 =	vld [tilespmem:s15+$0x10]  }
0x16d: {  	v10 =	vld [tilespmem:s13+$0x4810];
	_ =	sdelay $0x1  }
0x16e: {  	v8 =	vadd.f32 v8, v13  }
0x16f: {  	v13 =	vld [tilespmem:s5+$0x4860];
	v6 =	vadd.f32 v11, v6  }
0x170: {  	[tilespmem:s0+$0x12010] =	vst v8;
	v8 =	vld [tilespmem:s0+$0x4820]  }
0x171: {  	[tilespmem:s5+$0x12050] =	vst v6;
	v6 =	vadd.f32 v9, v10;
	v10 =	vld [tilespmem:s22+$0x20]  }
0x172: {  	v9 =	vld [tilespmem:s14+$0x60]  }
0x173: {  	v37 =	vld [tilespmem:s17+$0x4870]  }
0x174: {  	v11 =	vld [tilespmem:s13+$0x4820];
	[tilespmem:s13+$0x12010] =	vst v6  }
0x175: {  	v15 =	vld [tilespmem:s15+$0x20]  }
0x176: {  	v8 =	vadd.f32 v10, v8  }
0x177: {  	v45 =	vld [tilespmem:s13+$0x4C70];
	v9 =	vadd.f32 v9, v13  }
0x178: {  	[tilespmem:s0+$0x12020] =	vst v8;
	v8 =	vld [tilespmem:s0+$0x4830]  }
0x179: {  	v12 =	vadd.f32 v12, v37;
	[tilespmem:s5+$0x12060] =	vst v9;
	v9 =	vld [tilespmem:s5+$0x4870]  }
0x17a: {  	v10 =	vadd.f32 v15, v11;
	v15 =	vld [tilespmem:s22+$0x30]  }
0x17b: {  	[tilespmem:s17+$0x12070] =	vst v12;
	s17 =	sor.u32 s2, s18;
	v11 =	vld [tilespmem:s14+$0x70]  }
0x17c: {  	s6 =	sor.u32 s2, s9;
	v12 =	vld [tilespmem:s17+$0x4800]  }
0x17d: {  	v38 =	vld [tilespmem:s6+$0x0]  }
0x17e: {  	v13 =	vld [tilespmem:s13+$0x4830];
	[tilespmem:s13+$0x12020] =	vst v10  }
0x17f: {  	v10 =	vld [tilespmem:s15+$0x30];
	v8 =	vadd.f32 v15, v8  }
0x180: {  	v39 =	vld [tilespmem:s17+$0x4810];
	v9 =	vadd.f32 v11, v9  }
0x181: {  	[tilespmem:s0+$0x12030] =	vst v8;
	v8 =	vld [tilespmem:s0+$0x4840]  }
0x182: {  	[tilespmem:s5+$0x12070] =	vst v9;
	v9 =	vld [tilespmem:s5+$0x4C00]  }
0x183: {  	v15 =	vld [tilespmem:s22+$0x40]  }
0x184: {  	v10 =	vadd.f32 v10, v13;
	v13 =	vld [tilespmem:s14+$0x400]  }
0x185: {  	v40 =	vld [tilespmem:s17+$0x4820]  }
0x186: {  	v41 =	vld [tilespmem:s17+$0x4830];
	[tilespmem:s13+$0x12030] =	vst v10;
	v10 =	vadd.f32 v38, v12  }
0x187: {  	v11 =	vld [tilespmem:s13+$0x4840]  }
0x188: {  	v12 =	vld [tilespmem:s15+$0x40];
	[tilespmem:s17+$0x12000] =	vst v10;
	v8 =	vadd.f32 v15, v8  }
0x189: {  	v10 =	vld [tilespmem:s6+$0x10];
	v9 =	vadd.f32 v13, v9  }
0x18a: {  	[tilespmem:s0+$0x12040] =	vst v8;
	v8 =	vld [tilespmem:s0+$0x4850]  }
0x18b: {  	[tilespmem:s5+$0x12400] =	vst v9;
	v9 =	vld [tilespmem:s5+$0x4C10]  }
0x18c: {  	v15 =	vld [tilespmem:s22+$0x50]  }
0x18d: {  	v11 =	vadd.f32 v12, v11;
	v12 =	vld [tilespmem:s14+$0x410]  }
0x18e: {  	v42 =	vld [tilespmem:s17+$0x4840]  }
0x18f: {  	v44 =	vld [tilespmem:s17+$0x4860];
	v10 =	vadd.f32 v10, v39  }
0x190: {  	v13 =	vld [tilespmem:s13+$0x4850];
	[tilespmem:s13+$0x12040] =	vst v11  }
0x191: {  	v11 =	vld [tilespmem:s15+$0x50];
	[tilespmem:s17+$0x12010] =	vst v10;
	v8 =	vadd.f32 v15, v8  }
0x192: {  	v10 =	vld [tilespmem:s6+$0x20];
	v9 =	vadd.f32 v12, v9  }
0x193: {  	[tilespmem:s0+$0x12050] =	vst v8;
	v8 =	vld [tilespmem:s0+$0x4860]  }
0x194: {  	[tilespmem:s5+$0x12410] =	vst v9;
	v9 =	vld [tilespmem:s5+$0x4C20]  }
0x195: {  	v15 =	vld [tilespmem:s22+$0x60]  }
0x196: {  	v11 =	vadd.f32 v11, v13;
	v13 =	vld [tilespmem:s14+$0x420]  }
0x197: {  	v46 =	vld [tilespmem:s17+$0x4870]  }
0x198: {  	v12 =	vld [tilespmem:s13+$0x4860];
	[tilespmem:s13+$0x12050] =	vst v11;
	v10 =	vadd.f32 v10, v40  }
0x199: {  	[tilespmem:s12+$0x12010] =	vst v7;
	v11 =	vld [tilespmem:s15+$0x60]  }
0x19a: {  	v7 =	vld [tilespmem:s12+$0x4820];
	[tilespmem:s17+$0x12020] =	vst v10;
	v8 =	vadd.f32 v15, v8  }
0x19b: {  	v10 =	vld [tilespmem:s6+$0x30];
	v9 =	vadd.f32 v13, v9  }
0x19c: {  	[tilespmem:s0+$0x12060] =	vst v8;
	v8 =	vld [tilespmem:s0+$0x4870]  }
0x19d: {  	[tilespmem:s5+$0x12420] =	vst v9;
	v9 =	vld [tilespmem:s5+$0x4C30]  }
0x19e: {  	v11 =	vadd.f32 v11, v12;
	v12 =	vld [tilespmem:s14+$0x430]  }
0x19f: {  	v15 =	vld [tilespmem:s22+$0x70]  }
0x1a0: {  	v13 =	vld [tilespmem:s13+$0x4870];
	[tilespmem:s13+$0x12060] =	vst v11;
	v10 =	vadd.f32 v10, v41  }
0x1a1: {  	v11 =	vld [tilespmem:s15+$0x70]  }
0x1a2: {  	v14 =	vld [tilespmem:s11+$0x20];
	[tilespmem:s17+$0x12030] =	vst v10  }
0x1a3: {  	v10 =	vld [tilespmem:s6+$0x40];
	v9 =	vadd.f32 v12, v9  }
0x1a4: {  	v8 =	vadd.f32 v15, v8;
	v12 =	vld [tilespmem:s13+$0x4C00]  }
0x1a5: {  	s18 =	sadd.s32 $0x1000, s25;
	[tilespmem:s5+$0x12430] =	vst v9;
	v9 =	vld [tilespmem:s5+$0x4C40]  }
0x1a6: {  	s22 =	sadd.s32 $0x1000, s24;
	[tilespmem:s0+$0x12070] =	vst v8;
	s0 =	sor.u32 s23, s18;
	v11 =	vadd.f32 v11, v13;
	v15 =	vld [tilespmem:s14+$0x440]  }
0x1a7: {  	s31 =	sor.u32 s23, s22;
	v8 =	vld [tilespmem:s0+$0x4800]  }
0x1a8: {  	[tilespmem:s13+$0x12070] =	vst v11;
	v11 =	vld [tilespmem:s31+$0x0]  }
0x1a9: {  	v10 =	vadd.f32 v10, v42;
	v43 =	vld [tilespmem:s15+$0x400]  }
0x1aa: {  	v6 =	vld [tilespmem:s12+$0x4830]  }
0x1ab: {  	v13 =	vld [tilespmem:s17+$0x4850];
	[tilespmem:s17+$0x12040] =	vst v10;
	v9 =	vadd.f32 v15, v9  }
0x1ac: {  	v10 =	vld [tilespmem:s6+$0x50]  }
0x1ad: {  	v8 =	vadd.f32 v11, v8;
	[tilespmem:s5+$0x12440] =	vst v9;
	v9 =	vld [tilespmem:s5+$0x4C50]  }
0x1ae: {  	v12 =	vadd.f32 v43, v12;
	v11 =	vld [tilespmem:s14+$0x450]  }
0x1af: {  	[tilespmem:s0+$0x12000] =	vst v8;
	v8 =	vld [tilespmem:s0+$0x4810]  }
0x1b0: {  	v7 =	vadd.f32 v14, v7;
	[tilespmem:s13+$0x12400] =	vst v12;
	v12 =	vld [tilespmem:s31+$0x10]  }
0x1b1: {  	v15 =	vld [tilespmem:s13+$0x4C10];
	v10 =	vadd.f32 v10, v13  }
0x1b2: {  	[tilespmem:s12+$0x12020] =	vst v7;
	v13 =	vld [tilespmem:s15+$0x410]  }
0x1b3: {  	[tilespmem:s17+$0x12050] =	vst v10;
	v10 =	vld [tilespmem:s11+$0x30]  }
0x1b4: {  	v7 =	vld [tilespmem:s6+$0x60];
	v9 =	vadd.f32 v11, v9  }
0x1b5: {  	v8 =	vadd.f32 v12, v8;
	v12 =	vld [tilespmem:s13+$0x4C20]  }
0x1b6: {  	[tilespmem:s5+$0x12450] =	vst v9;
	v9 =	vld [tilespmem:s5+$0x4C60]  }
0x1b7: {  	v13 =	vadd.f32 v13, v15;
	v11 =	vld [tilespmem:s14+$0x460]  }
0x1b8: {  	[tilespmem:s0+$0x12010] =	vst v8;
	v8 =	vld [tilespmem:s0+$0x4820];
	v6 =	vadd.f32 v10, v6  }
0x1b9: {  	v7 =	vadd.f32 v7, v44;
	[tilespmem:s13+$0x12410] =	vst v13;
	v13 =	vld [tilespmem:s31+$0x20]  }
0x1ba: {  	v10 =	vld [tilespmem:s15+$0x420];
	[tilespmem:s12+$0x12030] =	vst v6  }
0x1bb: {  	v6 =	vld [tilespmem:s12+$0x4840];
	[tilespmem:s17+$0x12060] =	vst v7  }
0x1bc: {  	v14 =	vld [tilespmem:s6+$0x70];
	v7 =	vadd.f32 v11, v9  }
0x1bd: {  	v9 =	vld [tilespmem:s11+$0x40]  }
0x1be: {  	[tilespmem:s5+$0x12460] =	vst v7;
	v7 =	vadd.f32 v13, v8;
	v8 =	vld [tilespmem:s13+$0x4C30]  }
0x1bf: {  	v10 =	vadd.f32 v10, v12;
	v12 =	vld [tilespmem:s3+$0x4870]  }
0x1c0: {  	[tilespmem:s0+$0x12020] =	vst v7;
	v7 =	vld [tilespmem:s0+$0x4830]  }
0x1c1: {  	[tilespmem:s13+$0x12420] =	vst v10;
	v10 =	vld [tilespmem:s31+$0x30]  }
0x1c2: {  	v6 =	vadd.f32 v9, v6;
	v9 =	vld [tilespmem:s15+$0x430]  }
0x1c3: {  	v13 =	vld [tilespmem:s12+$0x4850]  }
0x1c4: {  	v11 =	vld [tilespmem:s14+$0x470];
	[tilespmem:s12+$0x12040] =	vst v6  }
0x1c5: {  	v15 =	vld [tilespmem:s11+$0x50]  }
0x1c6: {  	v6 =	vld [tilespmem:s12+$0x4860];
	v7 =	vadd.f32 v10, v7  }
0x1c7: {  	v10 =	vld [tilespmem:s13+$0x4C40];
	v8 =	vadd.f32 v9, v8  }
0x1c8: {  	v5 =	vadd.f32 v5, v12;
	v9 =	vld [tilespmem:s0+$0x4840];
	[tilespmem:s0+$0x12030] =	vst v7  }
0x1c9: {  	[tilespmem:s13+$0x12430] =	vst v8;
	v8 =	vld [tilespmem:s31+$0x40]  }
0x1ca: {  	s9 =	sor.u32 s7, s16;
	[tilespmem:s3+$0x12070] =	vst v5;
	v5 =	vadd.f32 v15, v13;
	v12 =	vld [tilespmem:s15+$0x440]  }
0x1cb: {  	s10 =	sor.u32 s7, s10;
	v13 =	vld [tilespmem:s9+$0x4800]  }
0x1cc: {  	[tilespmem:s12+$0x12050] =	vst v5;
	v5 =	vld [tilespmem:s10+$0x0]  }
0x1cd: {  	v47 =	vld [tilespmem:s9+$0x4830]  }
0x1ce: {  	v23 =	vld [tilespmem:s9+$0x4840]  }
0x1cf: {  	v15 =	vld [tilespmem:s13+$0x4C50];
	v8 =	vadd.f32 v8, v9  }
0x1d0: {  	v9 =	vld [tilespmem:s9+$0x4810];
	v10 =	vadd.f32 v12, v10  }
0x1d1: {  	[tilespmem:s0+$0x12040] =	vst v8;
	v8 =	vld [tilespmem:s0+$0x4850];
	v5 =	vadd.f32 v5, v13  }
0x1d2: {  	[tilespmem:s13+$0x12440] =	vst v10;
	v10 =	vld [tilespmem:s31+$0x50]  }
0x1d3: {  	v12 =	vld [tilespmem:s15+$0x450];
	[tilespmem:s9+$0x12000] =	vst v5  }
0x1d4: {  	v5 =	vld [tilespmem:s10+$0x10]  }
0x1d5: {  	v59 =	vld [tilespmem:s9+$0x4850]  }
0x1d6: {  	v7 =	vld [tilespmem:s11+$0x60]  }
0x1d7: {  	v13 =	vld [tilespmem:s13+$0x4C60];
	v8 =	vadd.f32 v10, v8  }
0x1d8: {  	v10 =	vld [tilespmem:s9+$0x4820];
	v12 =	vadd.f32 v12, v15  }
0x1d9: {  	[tilespmem:s0+$0x12050] =	vst v8;
	v8 =	vld [tilespmem:s0+$0x4860];
	v5 =	vadd.f32 v5, v9  }
0x1da: {  	[tilespmem:s13+$0x12450] =	vst v12;
	v9 =	vld [tilespmem:s31+$0x60]  }
0x1db: {  	v12 =	vld [tilespmem:s15+$0x460];
	[tilespmem:s9+$0x12010] =	vst v5;
	v5 =	vadd.f32 v14, v46  }
0x1dc: {  	v14 =	vld [tilespmem:s5+$0x4C70]  }
0x1dd: {  	s18 =	sor.u32 s2, s18;
	v15 =	vld [tilespmem:s10+$0x20];
	[tilespmem:s17+$0x12070] =	vst v5  }
0x1de: {  	v5 =	vld [tilespmem:s18+$0x4800]  }
0x1df: {  	v18 =	vld [tilespmem:s18+$0x4840]  }
0x1e0: {  	s22 =	sor.u32 s2, s22;
	v57 =	vld [tilespmem:s18+$0x4860];
	v8 =	vadd.f32 v9, v8  }
0x1e1: {  	v9 =	vld [tilespmem:s22+$0x0];
	v12 =	vadd.f32 v12, v13  }
0x1e2: {  	v11 =	vadd.f32 v11, v14;
	[tilespmem:s0+$0x12060] =	vst v8;
	v8 =	vld [tilespmem:s0+$0x4870]  }
0x1e3: {  	s16 =	sadd.s32 $0x800, s21;
	[tilespmem:s13+$0x12460] =	vst v12;
	v12 =	vld [tilespmem:s31+$0x70]  }
0x1e4: {  	s6 =	sadd.s32 $0x800, s20;
	s3 =	sor.u32 s19, s16;
	v10 =	vadd.f32 v15, v10;
	v15 =	vld [tilespmem:s18+$0x4810];
	[tilespmem:s5+$0x12470] =	vst v11  }
0x1e5: {  	s14 =	sor.u32 s19, s6;
	v11 =	vld [tilespmem:s3+$0x4800]  }
0x1e6: {  	v14 =	vld [tilespmem:s14+$0x0];
	v5 =	vadd.f32 v9, v5  }
0x1e7: {  	v13 =	vld [tilespmem:s15+$0x470];
	[tilespmem:s9+$0x12020] =	vst v10  }
0x1e8: {  	v9 =	vld [tilespmem:s18+$0x4820];
	[tilespmem:s18+$0x12000] =	vst v5;
	v5 =	vadd.f32 v12, v8  }
0x1e9: {  	s15 =	sadd.s32 $0x1400, s25;
	v10 =	vld [tilespmem:s10+$0x30]  }
0x1ea: {  	s17 =	sadd.s32 $0x1400, s24;
	s24 =	sor.u32 s23, s15;
	v8 =	vld [tilespmem:s22+$0x10];
	[tilespmem:s0+$0x12070] =	vst v5  }
0x1eb: {  	s23 =	sor.u32 s23, s17;
	v5 =	vadd.f32 v14, v11;
	v11 =	vld [tilespmem:s24+$0x4800]  }
0x1ec: {  	v14 =	vld [tilespmem:s23+$0x0]  }
0x1ed: {  	v13 =	vadd.f32 v13, v45;
	[tilespmem:s3+$0x12000] =	vst v5;
	v5 =	vld [tilespmem:s3+$0x4810]  }
0x1ee: {  	v48 =	vld [tilespmem:s14+$0x10]  }
0x1ef: {  	s31 =	sor.u32 s30, s16;
	v12 =	vld [tilespmem:s18+$0x4830];
	[tilespmem:s13+$0x12470] =	vst v13  }
0x1f0: {  	s5 =	sor.u32 s30, s6;
	v19 =	vld [tilespmem:s31+$0x4800]  }
0x1f1: {  	v11 =	vadd.f32 v14, v11;
	v14 =	vld [tilespmem:s5+$0x0]  }
0x1f2: {  	v13 =	vld [tilespmem:s18+$0x4850]  }
0x1f3: {  	[tilespmem:s24+$0x12000] =	vst v11;
	v5 =	vadd.f32 v48, v5;
	v11 =	vld [tilespmem:s24+$0x4810]  }
0x1f4: {  	v49 =	vld [tilespmem:s23+$0x10]  }
0x1f5: {  	[tilespmem:s3+$0x12010] =	vst v5;
	v5 =	vadd.f32 v8, v15;
	v8 =	vld [tilespmem:s3+$0x4820]  }
0x1f6: {  	v14 =	vadd.f32 v14, v19;
	v15 =	vld [tilespmem:s14+$0x20]  }
0x1f7: {  	v20 =	vld [tilespmem:s31+$0x4810]  }
0x1f8: {  	v21 =	vld [tilespmem:s31+$0x4840];
	[tilespmem:s31+$0x12000] =	vst v14  }
0x1f9: {  	[tilespmem:s18+$0x12010] =	vst v5;
	v11 =	vadd.f32 v49, v11;
	v51 =	vld [tilespmem:s5+$0x10]  }
0x1fa: {  	v50 =	vld [tilespmem:s22+$0x20]  }
0x1fb: {  	[tilespmem:s24+$0x12010] =	vst v11;
	v8 =	vadd.f32 v15, v8;
	v15 =	vld [tilespmem:s24+$0x4820]  }
0x1fc: {  	v22 =	vld [tilespmem:s23+$0x20]  }
0x1fd: {  	[tilespmem:s3+$0x12020] =	vst v8;
	v8 =	vld [tilespmem:s3+$0x4830]  }
0x1fe: {  	v11 =	vadd.f32 v51, v20;
	v52 =	vld [tilespmem:s14+$0x30]  }
0x1ff: {  	v53 =	vld [tilespmem:s31+$0x4850];
	v9 =	vadd.f32 v50, v9  }
0x200: {  	v5 =	vld [tilespmem:s31+$0x4820];
	[tilespmem:s31+$0x12010] =	vst v11  }
0x201: {  	[tilespmem:s18+$0x12020] =	vst v9;
	v15 =	vadd.f32 v22, v15;
	v9 =	vld [tilespmem:s5+$0x20]  }
0x202: {  	v54 =	vld [tilespmem:s22+$0x30]  }
0x203: {  	[tilespmem:s24+$0x12020] =	vst v15;
	v8 =	vadd.f32 v52, v8;
	v15 =	vld [tilespmem:s24+$0x4830]  }
0x204: {  	v55 =	vld [tilespmem:s23+$0x30]  }
0x205: {  	[tilespmem:s3+$0x12030] =	vst v8;
	v8 =	vld [tilespmem:s3+$0x4840]  }
0x206: {  	v56 =	vld [tilespmem:s14+$0x40];
	v5 =	vadd.f32 v9, v5  }
0x207: {  	v58 =	vld [tilespmem:s24+$0x4840];
	v12 =	vadd.f32 v54, v12  }
0x208: {  	v14 =	vld [tilespmem:s31+$0x4830];
	[tilespmem:s31+$0x12020] =	vst v5  }
0x209: {  	[tilespmem:s18+$0x12030] =	vst v12;
	v15 =	vadd.f32 v55, v15;
	v12 =	vld [tilespmem:s5+$0x30]  }
0x20a: {  	v11 =	vld [tilespmem:s31+$0x4860]  }
0x20b: {  	[tilespmem:s24+$0x12030] =	vst v15;
	v15 =	vld [tilespmem:s22+$0x40];
	v8 =	vadd.f32 v56, v8  }
0x20c: {  	v6 =	vadd.f32 v7, v6;
	v9 =	vld [tilespmem:s31+$0x4870]  }
0x20d: {  	v7 =	vld [tilespmem:s23+$0x40];
	[tilespmem:s3+$0x12040] =	vst v8;
	v8 =	vadd.f32 v10, v47  }
0x20e: {  	[tilespmem:s12+$0x12060] =	vst v6;
	v10 =	vld [tilespmem:s3+$0x4850];
	v6 =	vadd.f32 v12, v14  }
0x20f: {  	v12 =	vld [tilespmem:s14+$0x50];
	[tilespmem:s9+$0x12030] =	vst v8  }
0x210: {  	[tilespmem:s31+$0x12030] =	vst v6;
	v6 =	vld [tilespmem:s10+$0x40];
	v8 =	vadd.f32 v15, v18  }
0x211: {  	v15 =	vld [tilespmem:s5+$0x40]  }
0x212: {  	v5 =	vld [tilespmem:s18+$0x4870];
	v7 =	vadd.f32 v7, v58;
	[tilespmem:s18+$0x12040] =	vst v8  }
0x213: {  	v8 =	vld [tilespmem:s22+$0x50]  }
0x214: {  	[tilespmem:s24+$0x12040] =	vst v7;
	v7 =	vadd.f32 v12, v10;
	v10 =	vld [tilespmem:s24+$0x4850]  }
0x215: {  	v12 =	vld [tilespmem:s23+$0x50];
	v6 =	vadd.f32 v6, v23  }
0x216: {  	[tilespmem:s3+$0x12050] =	vst v7;
	v7 =	vadd.f32 v15, v21;
	v15 =	vld [tilespmem:s3+$0x4860]  }
0x217: {  	[tilespmem:s9+$0x12040] =	vst v6;
	v6 =	vld [tilespmem:s14+$0x60]  }
0x218: {  	[tilespmem:s31+$0x12040] =	vst v7;
	v60 =	vld [tilespmem:s10+$0x50]  }
0x219: {  	v61 =	vld [tilespmem:s5+$0x50]  }
0x21a: {  	v14 =	vld [tilespmem:s11+$0x70];
	v8 =	vadd.f32 v8, v13  }
0x21b: {  	v13 =	vld [tilespmem:s12+$0x4870]  }
0x21c: {  	v7 =	vld [tilespmem:s9+$0x4860];
	v10 =	vadd.f32 v12, v10;
	[tilespmem:s18+$0x12050] =	vst v8  }
0x21d: {  	v62 =	vld [tilespmem:s22+$0x60];
	v8 =	vadd.f32 v60, v59  }
0x21e: {  	[tilespmem:s24+$0x12050] =	vst v10;
	v10 =	vld [tilespmem:s24+$0x4860];
	v6 =	vadd.f32 v6, v15;
	v15 =	vadd.f32 v61, v53  }
0x21f: {  	v63 =	vld [tilespmem:s23+$0x60];
	[tilespmem:s9+$0x12050] =	vst v8  }
0x220: {  	[tilespmem:s31+$0x12050] =	vst v15;
	v8 =	vld [tilespmem:s10+$0x60]  }
0x221: {  	[tilespmem:s3+$0x12060] =	vst v6;
	v6 =	vadd.f32 v14, v13;
	v14 =	vld [tilespmem:s5+$0x60]  }
0x222: {  	v13 =	vld [tilespmem:s3+$0x4870];
	v15 =	vadd.f32 v62, v57  }
0x223: {  	s7 =	sadd.s32 $0x4800, s29;
	v12 =	vld [tilespmem:s14+$0x70];
	[tilespmem:s12+$0x12070] =	vst v6  }
0x224: {  	s25 =	sor.u32 s2, s15;
	s14 =	sor.u32 s2, s17;
	s2 =	simm.s32 $0x4;
	v6 =	vld [tilespmem:s9+$0x4870];
	v10 =	vadd.f32 v63, v10;
	[tilespmem:s18+$0x12060] =	vst v15  }
.LBB2_4:
0x225: {  	s2 =	sadd.s32 $0x2, s2;
	v15 =	vld [tilespmem:s22+$0x70];
	v7 =	vadd.f32 v8, v7  }
0x226: {  	s8 =	sadd.s32 $0x100, s8;
	s0 =	sshrl.u32 s2, $0x3;
	v8 =	vadd.f32 v14, v11;
	[tilespmem:s24+$0x12060] =	vst v10;
	v10 =	vld [tilespmem:s24+$0x4870]  }
0x227: {  	s12 =	sand.u32 $0x300, s8;
	s13 =	smul.u32 $0x1800, s0;
	v11 =	vld [tilespmem:s23+$0x70];
	[tilespmem:s9+$0x12060] =	vst v7  }
0x228: {  	s15 =	sor.u32 $0x80, s12;
	[tilespmem:s31+$0x12060] =	vst v8;
	v7 =	vld [tilespmem:s10+$0x70];
	s10 =	smov.u32 s14  }
0x229: {  	s23 =	sadd.s32 s29, s13;
	s17 =	sor.u32 s12, s13;
	s11 =	sor.u32 s15, s13;
	v8 =	vld [tilespmem:s5+$0x70];
	v12 =	vadd.f32 v12, v13  }
0x22a: {  	s0 =	sadd.s32 $0xC00, s21;
	s14 =	sor.u32 s12, s23;
	s16 =	sor.u32 s15, s23;
	v13 =	vld [tilespmem:s11+$0x0];
	v5 =	vadd.f32 v15, v5  }
0x22b: {  	s6 =	sadd.s32 $0xC00, s20;
	s22 =	sor.u32 s19, s0;
	s5 =	sor.u32 s30, s0;
	v14 =	vld [tilespmem:s16+$0x4800];
	[tilespmem:s3+$0x12070] =	vst v12  }
0x22c: {  	p2 =	slt.u32 s2, $0x16;
	s0 =	sor.u32 s19, s6;
	s3 =	sor.u32 s30, s6;
	v12 =	vld [tilespmem:s22+$0x4800];
	[tilespmem:s18+$0x12070] =	vst v5;
	v5 =	vadd.f32 v11, v10  }
0x22d: {  	v10 =	vld [tilespmem:s0+$0x0];
	v6 =	vadd.f32 v7, v6  }
0x22e: {  	v7 =	vld [tilespmem:s14+$0x4800];
	v8 =	vadd.f32 v8, v9;
	[tilespmem:s24+$0x12070] =	vst v5  }
0x22f: {  	v5 =	vld [tilespmem:s17+$0x0];
	[tilespmem:s9+$0x12070] =	vst v6;
	s9 =	smov.u32 s25  }
0x230: {  	v6 =	vld [tilespmem:s14+$0x4810];
	v9 =	vadd.f32 v13, v14;
	[tilespmem:s31+$0x12070] =	vst v8  }
0x231: {  	v8 =	vld [tilespmem:s14+$0x4820]  }
0x232: {  	[tilespmem:s16+$0x12000] =	vst v9;
	v9 =	vld [tilespmem:s16+$0x4810];
	v10 =	vadd.f32 v10, v12  }
0x233: {  	v11 =	vld [tilespmem:s11+$0x10]  }
0x234: {  	v5 =	vadd.f32 v5, v7;
	[tilespmem:s22+$0x12000] =	vst v10;
	v7 =	vld [tilespmem:s22+$0x4810]  }
0x235: {  	v10 =	vld [tilespmem:s0+$0x10]  }
0x236: {  	[tilespmem:s14+$0x12000] =	vst v5;
	v5 =	vld [tilespmem:s14+$0x4830]  }
0x237: {  	v12 =	vld [tilespmem:s17+$0x10]  }
0x238: {  	v13 =	vld [tilespmem:s14+$0x4840];
	v9 =	vadd.f32 v11, v9  }
0x239: {  	v14 =	vld [tilespmem:s14+$0x4850]  }
0x23a: {  	[tilespmem:s16+$0x12010] =	vst v9;
	v9 =	vld [tilespmem:s16+$0x4820];
	v7 =	vadd.f32 v10, v7  }
0x23b: {  	v10 =	vld [tilespmem:s11+$0x20]  }
0x23c: {  	v6 =	vadd.f32 v12, v6;
	[tilespmem:s22+$0x12010] =	vst v7;
	v7 =	vld [tilespmem:s22+$0x4820]  }
0x23d: {  	v11 =	vld [tilespmem:s0+$0x20]  }
0x23e: {  	[tilespmem:s14+$0x12010] =	vst v6;
	v15 =	vld [tilespmem:s14+$0x4860]  }
0x23f: {  	v6 =	vld [tilespmem:s17+$0x20]  }
0x240: {  	v16 =	vld [tilespmem:s14+$0x4870];
	v9 =	vadd.f32 v10, v9  }
0x241: {  	v12 =	vld [tilespmem:s14+$0x4C00]  }
0x242: {  	[tilespmem:s16+$0x12020] =	vst v9;
	v9 =	vld [tilespmem:s16+$0x4830];
	v7 =	vadd.f32 v11, v7  }
0x243: {  	v17 =	vld [tilespmem:s11+$0x30]  }
0x244: {  	v6 =	vadd.f32 v6, v8;
	[tilespmem:s22+$0x12020] =	vst v7;
	v7 =	vld [tilespmem:s22+$0x4830]  }
0x245: {  	v8 =	vld [tilespmem:s0+$0x30]  }
0x246: {  	[tilespmem:s14+$0x12020] =	vst v6;
	v11 =	vld [tilespmem:s14+$0x4C10]  }
0x247: {  	v6 =	vld [tilespmem:s17+$0x30]  }
0x248: {  	v10 =	vld [tilespmem:s14+$0x4C20];
	v17 =	vadd.f32 v17, v9  }
0x249: {  	v9 =	vld [tilespmem:s14+$0x4C30]  }
0x24a: {  	[tilespmem:s16+$0x12030] =	vst v17;
	v17 =	vld [tilespmem:s16+$0x4840];
	v7 =	vadd.f32 v8, v7  }
0x24b: {  	v18 =	vld [tilespmem:s11+$0x40]  }
0x24c: {  	v5 =	vadd.f32 v6, v5;
	[tilespmem:s22+$0x12030] =	vst v7;
	v19 =	vld [tilespmem:s22+$0x4840]  }
0x24d: {  	v20 =	vld [tilespmem:s0+$0x40]  }
0x24e: {  	[tilespmem:s14+$0x12030] =	vst v5;
	v8 =	vld [tilespmem:s14+$0x4C40]  }
0x24f: {  	v5 =	vld [tilespmem:s17+$0x40]  }
0x250: {  	v7 =	vld [tilespmem:s14+$0x4C50];
	v17 =	vadd.f32 v18, v17  }
0x251: {  	v6 =	vld [tilespmem:s14+$0x4C60]  }
0x252: {  	[tilespmem:s16+$0x12040] =	vst v17;
	v17 =	vld [tilespmem:s16+$0x4850];
	v18 =	vadd.f32 v20, v19  }
0x253: {  	v19 =	vld [tilespmem:s11+$0x50]  }
0x254: {  	v5 =	vadd.f32 v5, v13;
	[tilespmem:s22+$0x12040] =	vst v18;
	v13 =	vld [tilespmem:s22+$0x4850]  }
0x255: {  	v18 =	vld [tilespmem:s0+$0x50]  }
0x256: {  	[tilespmem:s14+$0x12040] =	vst v5;
	v5 =	vld [tilespmem:s14+$0x4C70]  }
0x257: {  	v20 =	vld [tilespmem:s17+$0x50]  }
0x258: {  	v17 =	vadd.f32 v19, v17;
	v19 =	vld [tilespmem:s5+$0x4800]  }
0x259: {  	v21 =	vld [tilespmem:s3+$0x0]  }
0x25a: {  	[tilespmem:s16+$0x12050] =	vst v17;
	v17 =	vld [tilespmem:s16+$0x4860];
	v13 =	vadd.f32 v18, v13  }
0x25b: {  	v18 =	vld [tilespmem:s11+$0x60]  }
0x25c: {  	v14 =	vadd.f32 v20, v14;
	[tilespmem:s22+$0x12050] =	vst v13;
	v13 =	vld [tilespmem:s22+$0x4860]  }
0x25d: {  	v20 =	vld [tilespmem:s0+$0x60]  }
0x25e: {  	[tilespmem:s14+$0x12050] =	vst v14;
	v14 =	vadd.f32 v21, v19;
	v19 =	vld [tilespmem:s5+$0x4810]  }
0x25f: {  	v21 =	vld [tilespmem:s17+$0x60]  }
0x260: {  	v17 =	vadd.f32 v18, v17;
	[tilespmem:s5+$0x12000] =	vst v14;
	v14 =	vld [tilespmem:s5+$0x4820]  }
0x261: {  	v18 =	vld [tilespmem:s3+$0x10]  }
0x262: {  	[tilespmem:s16+$0x12060] =	vst v17;
	v17 =	vld [tilespmem:s16+$0x4870];
	v13 =	vadd.f32 v20, v13  }
0x263: {  	v20 =	vld [tilespmem:s11+$0x70]  }
0x264: {  	v15 =	vadd.f32 v21, v15;
	[tilespmem:s22+$0x12060] =	vst v13;
	v13 =	vld [tilespmem:s22+$0x4870]  }
0x265: {  	v21 =	vld [tilespmem:s0+$0x70]  }
0x266: {  	[tilespmem:s14+$0x12060] =	vst v15;
	v15 =	vadd.f32 v18, v19;
	v18 =	vld [tilespmem:s5+$0x4830]  }
0x267: {  	v19 =	vld [tilespmem:s17+$0x70]  }
0x268: {  	v17 =	vadd.f32 v20, v17;
	[tilespmem:s5+$0x12010] =	vst v15;
	v15 =	vld [tilespmem:s5+$0x4840]  }
0x269: {  	v20 =	vld [tilespmem:s3+$0x20]  }
0x26a: {  	[tilespmem:s16+$0x12070] =	vst v17;
	v17 =	vld [tilespmem:s16+$0x4C00];
	v13 =	vadd.f32 v21, v13  }
0x26b: {  	s0 =	sadd.s32 $0x1000, s21;
	v21 =	vld [tilespmem:s11+$0x400]  }
0x26c: {  	s6 =	sadd.s32 $0x1000, s20;
	s18 =	sor.u32 s30, s0;
	s24 =	sor.u32 s19, s0;
	v16 =	vadd.f32 v19, v16;
	v19 =	vld [tilespmem:s5+$0x4850];
	[tilespmem:s22+$0x12070] =	vst v13  }
0x26d: {  	s25 =	sor.u32 s19, s6;
	s22 =	sor.u32 s30, s6;
	v13 =	vld [tilespmem:s24+$0x4800]  }
0x26e: {  	[tilespmem:s14+$0x12070] =	vst v16;
	v14 =	vadd.f32 v20, v14;
	v16 =	vld [tilespmem:s25+$0x0]  }
0x26f: {  	v20 =	vld [tilespmem:s17+$0x400]  }
0x270: {  	v17 =	vadd.f32 v21, v17;
	[tilespmem:s5+$0x12020] =	vst v14;
	v14 =	vld [tilespmem:s5+$0x4860]  }
0x271: {  	v21 =	vld [tilespmem:s3+$0x30]  }
0x272: {  	[tilespmem:s16+$0x12400] =	vst v17;
	v17 =	vld [tilespmem:s16+$0x4C10]  }
0x273: {  	v22 =	vld [tilespmem:s11+$0x410];
	v13 =	vadd.f32 v16, v13  }
0x274: {  	v12 =	vadd.f32 v20, v12;
	v16 =	vld [tilespmem:s5+$0x4870]  }
0x275: {  	[tilespmem:s24+$0x12000] =	vst v13;
	v13 =	vld [tilespmem:s24+$0x4810]  }
0x276: {  	[tilespmem:s14+$0x12400] =	vst v12;
	v12 =	vadd.f32 v21, v18;
	v18 =	vld [tilespmem:s25+$0x10]  }
0x277: {  	v20 =	vld [tilespmem:s17+$0x410]  }
0x278: {  	v17 =	vadd.f32 v22, v17;
	[tilespmem:s5+$0x12030] =	vst v12;
	v12 =	vld [tilespmem:s9+$0x4800]  }
0x279: {  	v21 =	vld [tilespmem:s3+$0x40]  }
0x27a: {  	[tilespmem:s16+$0x12410] =	vst v17;
	v17 =	vld [tilespmem:s16+$0x4C20]  }
0x27b: {  	v22 =	vld [tilespmem:s11+$0x420];
	v13 =	vadd.f32 v18, v13  }
0x27c: {  	v11 =	vadd.f32 v20, v11;
	v18 =	vld [tilespmem:s10+$0x0]  }
0x27d: {  	[tilespmem:s24+$0x12010] =	vst v13;
	v13 =	vld [tilespmem:s24+$0x4820]  }
0x27e: {  	[tilespmem:s14+$0x12410] =	vst v11;
	v11 =	vadd.f32 v21, v15;
	v15 =	vld [tilespmem:s25+$0x20]  }
0x27f: {  	v20 =	vld [tilespmem:s17+$0x420]  }
0x280: {  	v17 =	vadd.f32 v22, v17;
	[tilespmem:s5+$0x12040] =	vst v11;
	v11 =	vld [tilespmem:s9+$0x4810]  }
0x281: {  	v21 =	vld [tilespmem:s3+$0x50];
	v12 =	vadd.f32 v18, v12  }
0x282: {  	[tilespmem:s16+$0x12420] =	vst v17;
	v17 =	vld [tilespmem:s16+$0x4C30]  }
0x283: {  	v18 =	vld [tilespmem:s11+$0x430];
	v13 =	vadd.f32 v15, v13;
	[tilespmem:s9+$0x12000] =	vst v12  }
0x284: {  	v10 =	vadd.f32 v20, v10;
	v12 =	vld [tilespmem:s10+$0x10]  }
0x285: {  	[tilespmem:s24+$0x12020] =	vst v13;
	v13 =	vld [tilespmem:s24+$0x4830]  }
0x286: {  	[tilespmem:s14+$0x12420] =	vst v10;
	v10 =	vadd.f32 v21, v19;
	v15 =	vld [tilespmem:s25+$0x30]  }
0x287: {  	v19 =	vld [tilespmem:s17+$0x430]  }
0x288: {  	v17 =	vadd.f32 v18, v17;
	[tilespmem:s5+$0x12050] =	vst v10;
	v10 =	vld [tilespmem:s9+$0x4820]  }
0x289: {  	v18 =	vld [tilespmem:s3+$0x60];
	v11 =	vadd.f32 v12, v11  }
0x28a: {  	[tilespmem:s16+$0x12430] =	vst v17;
	v12 =	vld [tilespmem:s16+$0x4C40]  }
0x28b: {  	v17 =	vld [tilespmem:s11+$0x440];
	v13 =	vadd.f32 v15, v13;
	[tilespmem:s9+$0x12010] =	vst v11  }
0x28c: {  	v9 =	vadd.f32 v19, v9;
	v11 =	vld [tilespmem:s10+$0x20]  }
0x28d: {  	[tilespmem:s24+$0x12030] =	vst v13;
	v13 =	vld [tilespmem:s24+$0x4840]  }
0x28e: {  	[tilespmem:s14+$0x12430] =	vst v9;
	v9 =	vadd.f32 v18, v14;
	v14 =	vld [tilespmem:s25+$0x40]  }
0x28f: {  	v15 =	vld [tilespmem:s17+$0x440]  }
0x290: {  	v12 =	vadd.f32 v17, v12;
	[tilespmem:s5+$0x12060] =	vst v9;
	v9 =	vld [tilespmem:s9+$0x4830]  }
0x291: {  	v17 =	vld [tilespmem:s3+$0x70];
	v10 =	vadd.f32 v11, v10  }
0x292: {  	[tilespmem:s16+$0x12440] =	vst v12;
	v11 =	vld [tilespmem:s16+$0x4C50]  }
0x293: {  	v12 =	vld [tilespmem:s11+$0x450];
	v13 =	vadd.f32 v14, v13;
	[tilespmem:s9+$0x12020] =	vst v10  }
0x294: {  	v8 =	vadd.f32 v15, v8;
	v10 =	vld [tilespmem:s10+$0x30]  }
0x295: {  	[tilespmem:s24+$0x12040] =	vst v13;
	v13 =	vld [tilespmem:s24+$0x4850]  }
0x296: {  	[tilespmem:s14+$0x12440] =	vst v8;
	v8 =	vadd.f32 v17, v16;
	v14 =	vld [tilespmem:s25+$0x50]  }
0x297: {  	v15 =	vld [tilespmem:s17+$0x450]  }
0x298: {  	v11 =	vadd.f32 v12, v11;
	[tilespmem:s5+$0x12070] =	vst v8;
	v8 =	vld [tilespmem:s9+$0x4840]  }
0x299: {  	v12 =	vld [tilespmem:s18+$0x4800];
	v9 =	vadd.f32 v10, v9  }
0x29a: {  	[tilespmem:s16+$0x12450] =	vst v11;
	v10 =	vld [tilespmem:s16+$0x4C60]  }
0x29b: {  	v11 =	vld [tilespmem:s11+$0x460];
	v13 =	vadd.f32 v14, v13;
	[tilespmem:s9+$0x12030] =	vst v9  }
0x29c: {  	v7 =	vadd.f32 v15, v7;
	v9 =	vld [tilespmem:s22+$0x0]  }
0x29d: {  	[tilespmem:s24+$0x12050] =	vst v13;
	v13 =	vld [tilespmem:s24+$0x4860]  }
0x29e: {  	[tilespmem:s14+$0x12450] =	vst v7;
	v7 =	vld [tilespmem:s25+$0x60]  }
0x29f: {  	v14 =	vld [tilespmem:s17+$0x460]  }
0x2a0: {  	v10 =	vadd.f32 v11, v10;
	v11 =	vld [tilespmem:s18+$0x4810]  }
0x2a1: {  	v9 =	vadd.f32 v9, v12;
	v12 =	vld [tilespmem:s18+$0x4820]  }
0x2a2: {  	[tilespmem:s16+$0x12460] =	vst v10;
	v10 =	vld [tilespmem:s16+$0x4C70]  }
0x2a3: {  	v15 =	vld [tilespmem:s11+$0x470];
	[tilespmem:s18+$0x12000] =	vst v9;
	v7 =	vadd.f32 v7, v13  }
0x2a4: {  	v6 =	vadd.f32 v14, v6;
	v9 =	vld [tilespmem:s22+$0x10]  }
0x2a5: {  	[tilespmem:s24+$0x12060] =	vst v7;
	v13 =	vld [tilespmem:s24+$0x4870]  }
0x2a6: {  	[tilespmem:s14+$0x12460] =	vst v6;
	v14 =	vld [tilespmem:s25+$0x70]  }
0x2a7: {  	v16 =	vld [tilespmem:s17+$0x470]  }
0x2a8: {  	v6 =	vadd.f32 v15, v10;
	v10 =	vld [tilespmem:s18+$0x4830]  }
0x2a9: {  	s0 =	sadd.s32 $0x800, s23;
	v9 =	vadd.f32 v9, v11;
	v7 =	vld [tilespmem:s18+$0x4840]  }
0x2aa: {  	s31 =	sor.u32 s12, s0;
	s6 =	sadd.s32 $0x800, s13;
	s3 =	sor.u32 s15, s0;
	[tilespmem:s16+$0x12470] =	vst v6;
	v6 =	vld [tilespmem:s18+$0x4850]  }
0x2ab: {  	s5 =	sor.u32 s12, s6;
	s11 =	sor.u32 s15, s6;
	v11 =	vld [tilespmem:s3+$0x4800];
	[tilespmem:s18+$0x12010] =	vst v9;
	v9 =	vadd.f32 v14, v13  }
0x2ac: {  	s0 =	sadd.s32 $0x1400, s21;
	s21 =	smov.u32 s23;
	v5 =	vadd.f32 v16, v5;
	v13 =	vld [tilespmem:s11+$0x0]  }
0x2ad: {  	s6 =	sadd.s32 $0x1400, s20;
	s25 =	sor.u32 s30, s0;
	v14 =	vld [tilespmem:s22+$0x20];
	[tilespmem:s24+$0x12070] =	vst v9;
	s24 =	sor.u32 s19, s0  }
0x2ae: {  	s20 =	smov.u32 s13;
	s23 =	sor.u32 s19, s6;
	[tilespmem:s14+$0x12470] =	vst v5;
	s14 =	sor.u32 s30, s6;
	v5 =	vld [tilespmem:s24+$0x4800]  }
0x2af: {  	s19 =	smov.u32 s15;
	s30 =	smov.u32 s12;
	v9 =	vld [tilespmem:s23+$0x0]  }
0x2b0: {  	v15 =	vld [tilespmem:s31+$0x4800]  }
0x2b1: {  	v16 =	vld [tilespmem:s5+$0x0];
	v11 =	vadd.f32 v13, v11  }
0x2b2: {  	v13 =	vld [tilespmem:s31+$0x4810];
	v12 =	vadd.f32 v14, v12  }
0x2b3: {  	[tilespmem:s3+$0x12000] =	vst v11;
	v11 =	vld [tilespmem:s3+$0x4810]  }
0x2b4: {  	v14 =	vld [tilespmem:s11+$0x10];
	[tilespmem:s18+$0x12020] =	vst v12;
	v5 =	vadd.f32 v9, v5  }
0x2b5: {  	v12 =	vld [tilespmem:s31+$0x4820]  }
0x2b6: {  	v9 =	vadd.f32 v16, v15;
	[tilespmem:s24+$0x12000] =	vst v5;
	v5 =	vld [tilespmem:s24+$0x4810]  }
0x2b7: {  	v15 =	vld [tilespmem:s23+$0x10]  }
0x2b8: {  	[tilespmem:s31+$0x12000] =	vst v9;
	v16 =	vld [tilespmem:s31+$0x4830]  }
0x2b9: {  	v9 =	vld [tilespmem:s5+$0x10];
	v11 =	vadd.f32 v14, v11  }
0x2ba: {  	v14 =	vld [tilespmem:s31+$0x4840]  }
0x2bb: {  	[tilespmem:s3+$0x12010] =	vst v11;
	v17 =	vld [tilespmem:s3+$0x4820]  }
0x2bc: {  	v18 =	vld [tilespmem:s11+$0x20];
	v5 =	vadd.f32 v15, v5  }
0x2bd: {  	v15 =	vld [tilespmem:s31+$0x4850]  }
0x2be: {  	v9 =	vadd.f32 v9, v13;
	[tilespmem:s24+$0x12010] =	vst v5;
	v5 =	vld [tilespmem:s24+$0x4820]  }
0x2bf: {  	v13 =	vld [tilespmem:s23+$0x20]  }
0x2c0: {  	[tilespmem:s31+$0x12010] =	vst v9;
	v11 =	vld [tilespmem:s31+$0x4860]  }
0x2c1: {  	v19 =	vld [tilespmem:s5+$0x20];
	v17 =	vadd.f32 v18, v17  }
0x2c2: {  	v9 =	vld [tilespmem:s31+$0x4870]  }
0x2c3: {  	[tilespmem:s3+$0x12020] =	vst v17;
	v17 =	vld [tilespmem:s3+$0x4830]  }
0x2c4: {  	v18 =	vld [tilespmem:s11+$0x30];
	v5 =	vadd.f32 v13, v5  }
0x2c5: {  	v13 =	vld [tilespmem:s22+$0x30]  }
0x2c6: {  	v12 =	vadd.f32 v19, v12;
	[tilespmem:s24+$0x12020] =	vst v5;
	v19 =	vld [tilespmem:s24+$0x4830]  }
0x2c7: {  	v20 =	vld [tilespmem:s23+$0x30]  }
0x2c8: {  	[tilespmem:s31+$0x12020] =	vst v12;
	v12 =	vld [tilespmem:s18+$0x4860]  }
0x2c9: {  	v21 =	vld [tilespmem:s5+$0x30];
	v17 =	vadd.f32 v18, v17  }
0x2ca: {  	v10 =	vadd.f32 v13, v10;
	v5 =	vld [tilespmem:s18+$0x4870]  }
0x2cb: {  	[tilespmem:s3+$0x12030] =	vst v17;
	v13 =	vld [tilespmem:s3+$0x4840]  }
0x2cc: {  	v17 =	vld [tilespmem:s11+$0x40];
	[tilespmem:s18+$0x12030] =	vst v10;
	v10 =	vadd.f32 v20, v19  }
0x2cd: {  	v18 =	vld [tilespmem:s22+$0x40]  }
0x2ce: {  	v16 =	vadd.f32 v21, v16;
	[tilespmem:s24+$0x12030] =	vst v10;
	v10 =	vld [tilespmem:s24+$0x4840]  }
0x2cf: {  	v19 =	vld [tilespmem:s23+$0x40]  }
0x2d0: {  	[tilespmem:s31+$0x12030] =	vst v16;
	v16 =	vld [tilespmem:s10+$0x40]  }
0x2d1: {  	v20 =	vld [tilespmem:s5+$0x40];
	v13 =	vadd.f32 v17, v13  }
0x2d2: {  	v7 =	vadd.f32 v18, v7;
	v17 =	vld [tilespmem:s9+$0x4850]  }
0x2d3: {  	[tilespmem:s3+$0x12040] =	vst v13;
	v13 =	vld [tilespmem:s3+$0x4850]  }
0x2d4: {  	v18 =	vld [tilespmem:s11+$0x50];
	[tilespmem:s18+$0x12040] =	vst v7;
	v7 =	vadd.f32 v19, v10  }
0x2d5: {  	v10 =	vld [tilespmem:s22+$0x50];
	v8 =	vadd.f32 v16, v8  }
0x2d6: {  	v14 =	vadd.f32 v20, v14;
	[tilespmem:s24+$0x12040] =	vst v7;
	v16 =	vld [tilespmem:s24+$0x4850]  }
0x2d7: {  	v19 =	vld [tilespmem:s23+$0x50];
	[tilespmem:s9+$0x12040] =	vst v8  }
0x2d8: {  	[tilespmem:s31+$0x12040] =	vst v14;
	v8 =	vld [tilespmem:s10+$0x50]  }
0x2d9: {  	v14 =	vld [tilespmem:s5+$0x50];
	v13 =	vadd.f32 v18, v13  }
0x2da: {  	v6 =	vadd.f32 v10, v6;
	v7 =	vld [tilespmem:s9+$0x4860]  }
0x2db: {  	[tilespmem:s3+$0x12050] =	vst v13;
	v10 =	vld [tilespmem:s3+$0x4860]  }
0x2dc: {  	v13 =	vld [tilespmem:s11+$0x60];
	[tilespmem:s18+$0x12050] =	vst v6;
	v6 =	vadd.f32 v19, v16  }
0x2dd: {  	v16 =	vld [tilespmem:s22+$0x60];
	v8 =	vadd.f32 v8, v17  }
0x2de: {  	v14 =	vadd.f32 v14, v15;
	[tilespmem:s24+$0x12050] =	vst v6;
	v15 =	vld [tilespmem:s24+$0x4860]  }
0x2df: {  	v17 =	vld [tilespmem:s23+$0x60];
	[tilespmem:s9+$0x12050] =	vst v8  }
.Ltmp3:
0x2e0: {  	[tilespmem:s31+$0x12050] =	vst v14;
	v8 =	vld [tilespmem:s10+$0x60];
	(pc) =	sbr.rel @p2 .LBB2_4-.Ltmp3, $4  }
0x2e1: {  	v14 =	vld [tilespmem:s5+$0x60];
	v10 =	vadd.f32 v13, v10  }
0x2e2: {  	v16 =	vadd.f32 v16, v12;
	v6 =	vld [tilespmem:s9+$0x4870]  }
0x2e3: {  	[tilespmem:s3+$0x12060] =	vst v10;
	v13 =	vld [tilespmem:s3+$0x4870]  }
0x2e4: {  	v12 =	vld [tilespmem:s11+$0x70];
	[tilespmem:s18+$0x12060] =	vst v16;
	v10 =	vadd.f32 v17, v15  }
0x2e5: {  	_ = 	snop  }
0x2e6: {  	v11 =	vadd.f32 v14, v11;
	_ =	sdelay $0x1  }
0x2e7: {  	[tilespmem:s31+$0x12060] =	vst v11  }
0x2e8: {  	v11 =	vld [tilespmem:s5+$0x70]  }
0x2e9: {  	v12 =	vadd.f32 v12, v13  }
0x2ea: {  	s2 =	sadd.s32 $0xC00, s21  }
0x2eb: {  	s8 =	sadd.s32 $0xC00, s20;
	s0 =	sor.u32 s19, s2;
	[tilespmem:s3+$0x12070] =	vst v12  }
0x2ec: {  	s11 =	sor.u32 s19, s8;
	v12 =	vld [tilespmem:s0+$0x4800]  }
0x2ed: {  	v34 =	vld [tilespmem:s11+$0x0];
	v9 =	vadd.f32 v11, v9;
	_ =	sdelay $0x1  }
0x2ee: {  	s2 =	sor.u32 s30, s2;
	[tilespmem:s31+$0x12070] =	vst v9  }
0x2ef: {  	s5 =	sor.u32 s30, s8;
	v9 =	vld [tilespmem:s2+$0x4800]  }
0x2f0: {  	v35 =	vld [tilespmem:s5+$0x0]  }
0x2f1: {  	v11 =	vadd.f32 v34, v12;
	_ =	sdelay $0x1  }
0x2f2: {  	v36 =	vld [tilespmem:s0+$0x4810];
	[tilespmem:s0+$0x12000] =	vst v11  }
0x2f3: {  	v37 =	vld [tilespmem:s11+$0x10]  }
0x2f4: {  	v9 =	vadd.f32 v35, v9;
	_ =	sdelay $0x1  }
0x2f5: {  	v38 =	vld [tilespmem:s2+$0x4810];
	[tilespmem:s2+$0x12000] =	vst v9  }
0x2f6: {  	v9 =	vld [tilespmem:s5+$0x10]  }
0x2f7: {  	v11 =	vadd.f32 v37, v36;
	_ =	sdelay $0x1  }
0x2f8: {  	v39 =	vld [tilespmem:s0+$0x4820];
	[tilespmem:s0+$0x12010] =	vst v11  }
0x2f9: {  	v40 =	vld [tilespmem:s11+$0x20]  }
0x2fa: {  	v9 =	vadd.f32 v9, v38;
	_ =	sdelay $0x1  }
0x2fb: {  	v41 =	vld [tilespmem:s2+$0x4820];
	[tilespmem:s2+$0x12010] =	vst v9  }
0x2fc: {  	v9 =	vld [tilespmem:s5+$0x20]  }
0x2fd: {  	v11 =	vadd.f32 v40, v39;
	_ =	sdelay $0x1  }
0x2fe: {  	v42 =	vld [tilespmem:s0+$0x4830];
	[tilespmem:s0+$0x12020] =	vst v11  }
0x2ff: {  	v43 =	vld [tilespmem:s11+$0x30]  }
0x300: {  	v9 =	vadd.f32 v9, v41;
	_ =	sdelay $0x1  }
0x301: {  	v44 =	vld [tilespmem:s2+$0x4830];
	[tilespmem:s2+$0x12020] =	vst v9  }
0x302: {  	v9 =	vld [tilespmem:s5+$0x30]  }
0x303: {  	v11 =	vadd.f32 v43, v42;
	_ =	sdelay $0x1  }
0x304: {  	v45 =	vld [tilespmem:s0+$0x4840];
	[tilespmem:s0+$0x12030] =	vst v11  }
0x305: {  	v46 =	vld [tilespmem:s11+$0x40]  }
0x306: {  	v9 =	vadd.f32 v9, v44;
	_ =	sdelay $0x1  }
0x307: {  	v47 =	vld [tilespmem:s2+$0x4840];
	[tilespmem:s2+$0x12030] =	vst v9  }
0x308: {  	v9 =	vld [tilespmem:s5+$0x40]  }
0x309: {  	v11 =	vadd.f32 v46, v45;
	_ =	sdelay $0x1  }
0x30a: {  	v48 =	vld [tilespmem:s0+$0x4850];
	[tilespmem:s0+$0x12040] =	vst v11  }
0x30b: {  	v49 =	vld [tilespmem:s11+$0x50]  }
0x30c: {  	v9 =	vadd.f32 v9, v47;
	_ =	sdelay $0x1  }
0x30d: {  	v50 =	vld [tilespmem:s2+$0x4850];
	[tilespmem:s2+$0x12040] =	vst v9  }
0x30e: {  	v9 =	vld [tilespmem:s5+$0x50]  }
0x30f: {  	v11 =	vadd.f32 v49, v48;
	_ =	sdelay $0x1  }
0x310: {  	v51 =	vld [tilespmem:s0+$0x4860];
	[tilespmem:s0+$0x12050] =	vst v11  }
0x311: {  	v52 =	vld [tilespmem:s11+$0x60]  }
0x312: {  	v9 =	vadd.f32 v9, v50;
	_ =	sdelay $0x1  }
0x313: {  	v53 =	vld [tilespmem:s2+$0x4860];
	[tilespmem:s2+$0x12050] =	vst v9  }
0x314: {  	v9 =	vld [tilespmem:s5+$0x60]  }
0x315: {  	v11 =	vadd.f32 v52, v51;
	_ =	sdelay $0x1  }
0x316: {  	v54 =	vld [tilespmem:s0+$0x4870];
	[tilespmem:s0+$0x12060] =	vst v11  }
0x317: {  	v55 =	vld [tilespmem:s11+$0x70]  }
0x318: {  	v9 =	vadd.f32 v9, v53;
	_ =	sdelay $0x1  }
0x319: {  	v56 =	vld [tilespmem:s2+$0x4870];
	[tilespmem:s2+$0x12060] =	vst v9  }
0x31a: {  	v9 =	vld [tilespmem:s5+$0x70]  }
0x31b: {  	v11 =	vadd.f32 v55, v54  }
0x31c: {  	s12 =	sadd.s32 $0x1000, s21  }
0x31d: {  	s13 =	sadd.s32 $0x1000, s20;
	s15 =	sor.u32 s19, s12;
	[tilespmem:s0+$0x12070] =	vst v11  }
0x31e: {  	s6 =	sor.u32 s19, s13;
	v11 =	vld [tilespmem:s15+$0x4800]  }
0x31f: {  	v57 =	vld [tilespmem:s6+$0x0];
	v9 =	vadd.f32 v9, v56;
	_ =	sdelay $0x1  }
0x320: {  	s3 =	sor.u32 s30, s12;
	[tilespmem:s2+$0x12070] =	vst v9  }
0x321: {  	s16 =	sor.u32 s30, s13;
	v9 =	vld [tilespmem:s3+$0x4800]  }
0x322: {  	v58 =	vld [tilespmem:s16+$0x0]  }
0x323: {  	v11 =	vadd.f32 v57, v11;
	_ =	sdelay $0x1  }
0x324: {  	v59 =	vld [tilespmem:s15+$0x4810];
	[tilespmem:s15+$0x12000] =	vst v11  }
0x325: {  	v60 =	vld [tilespmem:s6+$0x10]  }
0x326: {  	v9 =	vadd.f32 v58, v9;
	_ =	sdelay $0x1  }
0x327: {  	v61 =	vld [tilespmem:s3+$0x4810];
	[tilespmem:s3+$0x12000] =	vst v9  }
0x328: {  	v9 =	vld [tilespmem:s16+$0x10]  }
0x329: {  	v11 =	vadd.f32 v60, v59;
	_ =	sdelay $0x1  }
0x32a: {  	v62 =	vld [tilespmem:s15+$0x4820];
	[tilespmem:s15+$0x12010] =	vst v11  }
0x32b: {  	v63 =	vld [tilespmem:s6+$0x20]  }
0x32c: {  	v9 =	vadd.f32 v9, v61;
	_ =	sdelay $0x1  }
0x32d: {  	v16 =	vld [tilespmem:s3+$0x4820];
	[tilespmem:s3+$0x12010] =	vst v9  }
0x32e: {  	v9 =	vld [tilespmem:s16+$0x20]  }
0x32f: {  	v11 =	vadd.f32 v63, v62;
	_ =	sdelay $0x1  }
0x330: {  	v17 =	vld [tilespmem:s15+$0x4830];
	[tilespmem:s15+$0x12020] =	vst v11  }
0x331: {  	v18 =	vld [tilespmem:s6+$0x30]  }
0x332: {  	v9 =	vadd.f32 v9, v16;
	_ =	sdelay $0x1  }
0x333: {  	v19 =	vld [tilespmem:s3+$0x4830];
	[tilespmem:s3+$0x12020] =	vst v9  }
0x334: {  	v9 =	vld [tilespmem:s16+$0x30]  }
0x335: {  	v11 =	vadd.f32 v18, v17;
	_ =	sdelay $0x1  }
0x336: {  	v20 =	vld [tilespmem:s15+$0x4840];
	[tilespmem:s15+$0x12030] =	vst v11  }
0x337: {  	v21 =	vld [tilespmem:s6+$0x40]  }
0x338: {  	v9 =	vadd.f32 v9, v19;
	_ =	sdelay $0x1  }
0x339: {  	v22 =	vld [tilespmem:s3+$0x4840];
	[tilespmem:s3+$0x12030] =	vst v9  }
0x33a: {  	v9 =	vld [tilespmem:s16+$0x40]  }
0x33b: {  	v11 =	vadd.f32 v21, v20;
	_ =	sdelay $0x1  }
0x33c: {  	v23 =	vld [tilespmem:s15+$0x4850];
	[tilespmem:s15+$0x12040] =	vst v11  }
0x33d: {  	v24 =	vld [tilespmem:s6+$0x50]  }
0x33e: {  	v9 =	vadd.f32 v9, v22;
	_ =	sdelay $0x1  }
0x33f: {  	v25 =	vld [tilespmem:s3+$0x4850];
	[tilespmem:s3+$0x12040] =	vst v9  }
0x340: {  	v9 =	vld [tilespmem:s16+$0x50]  }
0x341: {  	v11 =	vadd.f32 v24, v23;
	_ =	sdelay $0x1  }
0x342: {  	v26 =	vld [tilespmem:s15+$0x4860];
	[tilespmem:s15+$0x12050] =	vst v11  }
0x343: {  	v27 =	vld [tilespmem:s6+$0x60]  }
0x344: {  	v9 =	vadd.f32 v9, v25;
	_ =	sdelay $0x1  }
0x345: {  	v28 =	vld [tilespmem:s3+$0x4860];
	[tilespmem:s3+$0x12050] =	vst v9  }
0x346: {  	v9 =	vld [tilespmem:s16+$0x60]  }
0x347: {  	v11 =	vadd.f32 v27, v26  }
0x348: {  	v29 =	vld [tilespmem:s22+$0x70]  }
0x349: {  	v30 =	vld [tilespmem:s15+$0x4870];
	[tilespmem:s15+$0x12060] =	vst v11  }
0x34a: {  	v31 =	vld [tilespmem:s6+$0x70]  }
0x34b: {  	v9 =	vadd.f32 v9, v28;
	_ =	sdelay $0x1  }
0x34c: {  	v32 =	vld [tilespmem:s3+$0x4870];
	[tilespmem:s3+$0x12060] =	vst v9  }
0x34d: {  	v5 =	vadd.f32 v29, v5;
	v9 =	vld [tilespmem:s16+$0x70]  }
0x34e: {  	v11 =	vadd.f32 v31, v30  }
0x34f: {  	s17 =	sadd.s32 $0x1400, s21;
	[tilespmem:s18+$0x12070] =	vst v5  }
0x350: {  	s18 =	sadd.s32 $0x1400, s20;
	s20 =	sor.u32 s19, s17;
	v5 =	vld [tilespmem:s25+$0x4800];
	[tilespmem:s15+$0x12070] =	vst v11  }
0x351: {  	s21 =	sor.u32 s19, s18;
	v11 =	vld [tilespmem:s20+$0x4800]  }
0x352: {  	v33 =	vld [tilespmem:s21+$0x0];
	v9 =	vadd.f32 v9, v32  }
0x353: {  	v34 =	vld [tilespmem:s14+$0x0]  }
0x354: {  	s2 =	sor.u32 s30, s17;
	[tilespmem:s3+$0x12070] =	vst v9  }
0x355: {  	s22 =	sor.u32 s30, s18;
	v9 =	vld [tilespmem:s2+$0x4800]  }
0x356: {  	v35 =	vld [tilespmem:s22+$0x0]  }
0x357: {  	v11 =	vadd.f32 v33, v11  }
0x358: {  	v5 =	vadd.f32 v34, v5  }
0x359: {  	v37 =	vld [tilespmem:s20+$0x4810];
	[tilespmem:s20+$0x12000] =	vst v11  }
0x35a: {  	[tilespmem:s25+$0x12000] =	vst v5;
	v5 =	vld [tilespmem:s21+$0x10]  }
0x35b: {  	v36 =	vld [tilespmem:s25+$0x4810];
	v9 =	vadd.f32 v35, v9  }
0x35c: {  	v38 =	vld [tilespmem:s14+$0x10]  }
0x35d: {  	v39 =	vld [tilespmem:s2+$0x4810];
	[tilespmem:s2+$0x12000] =	vst v9  }
0x35e: {  	v9 =	vld [tilespmem:s22+$0x10]  }
0x35f: {  	v5 =	vadd.f32 v5, v37;
	_ =	sdelay $0x1  }
0x360: {  	v12 =	vadd.f32 v38, v36;
	[tilespmem:s20+$0x12010] =	vst v5;
	v5 =	vld [tilespmem:s20+$0x4820]  }
0x361: {  	v41 =	vld [tilespmem:s21+$0x20]  }
0x362: {  	v40 =	vld [tilespmem:s25+$0x4820];
	[tilespmem:s25+$0x12010] =	vst v12;
	v9 =	vadd.f32 v9, v39  }
0x363: {  	v42 =	vld [tilespmem:s14+$0x20]  }
0x364: {  	v43 =	vld [tilespmem:s2+$0x4820];
	[tilespmem:s2+$0x12010] =	vst v9  }
0x365: {  	v9 =	vld [tilespmem:s22+$0x20]  }
0x366: {  	v5 =	vadd.f32 v41, v5;
	_ =	sdelay $0x1  }
0x367: {  	[tilespmem:s20+$0x12020] =	vst v5;
	v5 =	vld [tilespmem:s20+$0x4830]  }
0x368: {  	v11 =	vadd.f32 v42, v40;
	v45 =	vld [tilespmem:s21+$0x30]  }
0x369: {  	v44 =	vld [tilespmem:s25+$0x4830];
	v9 =	vadd.f32 v9, v43  }
0x36a: {  	v47 =	vld [tilespmem:s2+$0x4830];
	[tilespmem:s25+$0x12020] =	vst v11  }
0x36b: {  	v46 =	vld [tilespmem:s14+$0x30];
	[tilespmem:s2+$0x12020] =	vst v9  }
0x36c: {  	v9 =	vld [tilespmem:s22+$0x30]  }
0x36d: {  	v5 =	vadd.f32 v45, v5;
	_ =	sdelay $0x1  }
0x36e: {  	[tilespmem:s20+$0x12030] =	vst v5;
	v5 =	vld [tilespmem:s20+$0x4840]  }
0x36f: {  	v12 =	vadd.f32 v46, v44;
	v49 =	vld [tilespmem:s21+$0x40]  }
0x370: {  	v48 =	vld [tilespmem:s25+$0x4840];
	v9 =	vadd.f32 v9, v47  }
0x371: {  	v51 =	vld [tilespmem:s2+$0x4840];
	[tilespmem:s25+$0x12030] =	vst v12  }
0x372: {  	v50 =	vld [tilespmem:s14+$0x40];
	[tilespmem:s2+$0x12030] =	vst v9  }
0x373: {  	v9 =	vld [tilespmem:s22+$0x40]  }
0x374: {  	v5 =	vadd.f32 v49, v5;
	_ =	sdelay $0x1  }
0x375: {  	[tilespmem:s20+$0x12040] =	vst v5;
	v5 =	vld [tilespmem:s20+$0x4850]  }
0x376: {  	v11 =	vadd.f32 v50, v48;
	v53 =	vld [tilespmem:s21+$0x50]  }
0x377: {  	v52 =	vld [tilespmem:s25+$0x4850];
	v9 =	vadd.f32 v9, v51  }
0x378: {  	v54 =	vld [tilespmem:s2+$0x4850];
	[tilespmem:s25+$0x12040] =	vst v11  }
0x379: {  	v7 =	vadd.f32 v8, v7;
	v11 =	vld [tilespmem:s14+$0x50];
	[tilespmem:s2+$0x12040] =	vst v9  }
0x37a: {  	v9 =	vld [tilespmem:s22+$0x50]  }
0x37b: {  	[tilespmem:s9+$0x12060] =	vst v7;
	v5 =	vadd.f32 v53, v5  }
0x37c: {  	v7 =	vld [tilespmem:s10+$0x70]  }
0x37d: {  	[tilespmem:s20+$0x12050] =	vst v5;
	v5 =	vld [tilespmem:s20+$0x4860]  }
0x37e: {  	v11 =	vadd.f32 v11, v52;
	v57 =	vld [tilespmem:s21+$0x60]  }
0x37f: {  	v56 =	vld [tilespmem:s25+$0x4860];
	v9 =	vadd.f32 v9, v54  }
0x380: {  	v58 =	vld [tilespmem:s2+$0x4860];
	[tilespmem:s25+$0x12050] =	vst v11  }
0x381: {  	v11 =	vld [tilespmem:s14+$0x60];
	[tilespmem:s2+$0x12050] =	vst v9  }
0x382: {  	v9 =	vld [tilespmem:s22+$0x60]  }
0x383: {  	[tilespmem:s24+$0x12060] =	vst v10;
	v55 =	vld [tilespmem:s24+$0x4870];
	v5 =	vadd.f32 v57, v5  }
0x384: {  	v59 =	vld [tilespmem:s23+$0x70]  }
0x385: {  	[tilespmem:s20+$0x12060] =	vst v5;
	v5 =	vld [tilespmem:s20+$0x4870]  }
0x386: {  	v11 =	vadd.f32 v11, v56;
	v61 =	vld [tilespmem:s21+$0x70]  }
0x387: {  	v60 =	vld [tilespmem:s25+$0x4870];
	v8 =	vadd.f32 v9, v58  }
0x388: {  	v63 =	vld [tilespmem:s2+$0x4870];
	[tilespmem:s25+$0x12060] =	vst v11  }
0x389: {  	v6 =	vadd.f32 v7, v6;
	v62 =	vld [tilespmem:s14+$0x70];
	[tilespmem:s2+$0x12060] =	vst v8  }
0x38a: {  	v10 =	vadd.f32 v59, v55;
	v8 =	vld [tilespmem:s22+$0x70]  }
0x38b: {  	[tilespmem:s9+$0x12070] =	vst v6;
	v5 =	vadd.f32 v61, v5  }
0x38c: {  	[tilespmem:s24+$0x12070] =	vst v10  }
0x38d: {  	s3 =	smul.u32 $0x6C000, s1;
	[tilespmem:s20+$0x12070] =	vst v5  }
0x38e: {  	v6 =	vadd.f32 v62, v60;
	s0 =	rddreg [dreg:$0x4]  }
0x38f: {  	s0 =	sadd.s32 s0, s3;
	v5 =	vadd.f32 v8, v63  }
0x390: {  	s30 =	rddreg [dreg:$0x2];
	[tilespmem:s25+$0x12070] =	vst v6;
	s0 =	sshrl.u32 s0, $0x3  }
0x391: {  	s28 =	sadd.s32 $0x5, s28;
	s31 =	sadd.s32 $0x12000, s29;
	s0 =	sadd.s32 s30, s0;
	[tilespmem:s2+$0x12070] =	vst v5  }
0x392: {  	[hbm4b:s0+s4] =	stream.linear.scatter [tilespmem:s31], [sflag:s28], $0x4800, $0x38;
	[tilespmem:$0x1F880] =	vst v63  }
0x393: {  	p2 =	sgt.u32 s1, $0xC;
	s0 =	rddreg [dreg:$0xa]  }
0x394: {  	s0 =	sadd.s32 @!p2 s3, s0  }
0x395: {  	s2 =	rddreg [dreg:$0x5];
	s0 =	sshrl.u32 @!p2 s0, $0x3  }
0x396: {  	s1 =	sadd.s32 $0x1, s1;
	s0 =	sadd.s32 @!p2 s2, s0;
	s2 =	simm.s32 @!p2 $0x0  }
0x397: {  	[tilespmem:s7], [sflag:s26] =	stream.linear.gather @!p2 [hbm4b:s0+s2], $0x4800, $0x38;
	[tilespmem:$0x1F880] =	vst v63  }
0x398: {  	p2 =	sne.s32 s1, $0x10  }
.Ltmp4:
0x399: {  	_ = 	snop;
	(pc) =	sbr.rel @p2 .LBB2_3-.Ltmp4, $1  }
0x39a: {  	_ =	sdelay $0x3  }
0x39b: {  	s0 =	simm.s32 $0x6  }
0x39c: {  	_ =	swait.ge [sflag:s0], $0x4800  }
0x39d: {  	[sflag:s0] =	ssyncset.done $0x0  }
0x39e: {  	s30 =	simm.s32 $0x7;
	[sflag:s0] =	ssyncadd.s32 $0xFFFFB800  }
0x39f: {  	_ =	swait.ge [sflag:s30], $0x4800  }
0x3a0: {  	[sflag:s30] =	ssyncset.done $0x0  }
0x3a1: {  	s31 =	simm.s32 $0x5;
	[sflag:s30] =	ssyncadd.s32 $0xFFFFB800  }
0x3a2: {  	_ =	swait.ge [sflag:s31], $0x4800  }
0x3a3: {  	[sflag:s31] =	ssyncset.done $0x0  }
0x3a4: {  	s1 =	rddreg [dreg:$0x12];
	[sflag:s31] =	ssyncadd.s32 $0xFFFFB800  }
.LBB2_7:
.Ltmp5:
0x3a5: {  	(pc) =	sbr.rel @p1 .LBB2_13-.Ltmp5, $1  }
0x3a6: {  	_ =	sdelay $0x3  }
0x3a7: {  	[tilespmem:$0x1F800] =	vst v0  }
0x3a8: {  	[tilespmem:$0x1F808] =	vst v1  }
0x3a9: {  	v5 =	vld [tilespmem:$0x1F800];
	_ =	sdelay $0x4  }
0x3aa: {  	v6 =	vshrl.u32 v5, $0x3  }
0x3ab: {  	v6 =	vmul.u32 $0x30, v6  }
0x3ac: {  	v5 =	vand.u32 $0x7, v5  }
0x3ad: {  	v5 =	vor.u32 v5, v6  }
0x3ae: {  	v6 =	vperm.xlane v5, v2;
	_ =	sdelay $0x1  }
0x3af: {  	v6 =	vadd.s32 v3, v6;
	_ =	sdelay $0x3  }
0x3b0: {  	s5 =	simm.s32 $0x0;
	s0 =	rddreg [dreg:$0x1];
	v5 =	vperm.xlane v5, v4  }
0x3b1: {  	[tilespmem:s5], [sflag:$0x1] =	stream.indirect_vreg.gather [hbm4b:s0+s5], $0x80, v6, vm0, $0xb8;
	[tilespmem:$0x1F880] =	vst v63  }
0x3b2: {  	s1 =	rddreg [dreg:$0xb];
	s2 =	simm.s32 $0x800;
	v5 =	vadd.s32 v3, v5  }
0x3b3: {  	[tilespmem:s2], [sflag:$0x1] =	stream.indirect_vreg.gather [hbm4b:s1+s5], $0x80, v6, vm0, $0xb8;
	[tilespmem:$0x1F880] =	vst v63  }
0x3b4: {  	s13 =	rddreg [dreg:$0xc];
	s3 =	simm.s32 $0x1000  }
0x3b5: {  	[tilespmem:s3], [sflag:$0x1] =	stream.indirect_vreg.gather [hbm4b:s13+s5], $0x80, v6, vm0, $0xb8;
	[tilespmem:$0x1F880] =	vst v63  }
0x3b6: {  	s14 =	simm.s32 $0x1800  }
0x3b7: {  	[tilespmem:s14], [sflag:$0x1] =	stream.indirect_vreg.gather [hbm4b:s0+s5], $0x80, v5, vm0, $0xb8;
	[tilespmem:$0x1F880] =	vst v63  }
0x3b8: {  	s15 =	simm.s32 $0x2000  }
0x3b9: {  	[tilespmem:s15], [sflag:$0x1] =	stream.indirect_vreg.gather [hbm4b:s1+s5], $0x80, v5, vm0, $0xb8;
	[tilespmem:$0x1F880] =	vst v63  }
0x3ba: {  	s16 =	simm.s32 $0x2800  }
0x3bb: {  	[tilespmem:s16], [sflag:$0x1] =	stream.indirect_vreg.gather [hbm4b:s13+s5], $0x80, v5, vm0, $0xb8;
	[tilespmem:$0x1F880] =	vst v63  }
0x3bc: {  	v5 =	vld.msk [tilespmem:$0x1F810], $0xff;
	_ =	sdelay $0x4  }
0x3bd: {  	v6 =	vshrl.u32 v5, $0x3  }
0x3be: {  	v6 =	vmul.u32 $0x30, v6  }
0x3bf: {  	v5 =	vand.u32 $0x7, v5  }
0x3c0: {  	v5 =	vor.u32 v5, v6  }
0x3c1: {  	v5 =	vperm.xlane v5, v2;
	_ =	sdelay $0x1  }
0x3c2: {  	v5 =	vadd.s32 v3, v5;
	_ =	sdelay $0x3  }
0x3c3: {  	s17 =	simm.s32 $0x3000  }
0x3c4: {  	[tilespmem:s17], [sflag:$0x1] =	stream.indirect_vreg.gather [hbm4b:s0+s5], $0x80, v5, vm0, $0xb8;
	[tilespmem:$0x1F880] =	vst v63  }
0x3c5: {  	s18 =	simm.s32 $0x3800  }
0x3c6: {  	[tilespmem:s18], [sflag:$0x1] =	stream.indirect_vreg.gather [hbm4b:s1+s5], $0x80, v5, vm0, $0xb8;
	[tilespmem:$0x1F880] =	vst v63  }
0x3c7: {  	s19 =	simm.s32 $0x4000  }
0x3c8: {  	[tilespmem:s19], [sflag:$0x1] =	stream.indirect_vreg.gather [hbm4b:s13+s5], $0x80, v5, vm0, $0xb8;
	[tilespmem:$0x1F880] =	vst v63  }
0x3c9: {  	v5 =	vld [tilespmem:$0x1F800];
	_ =	sdelay $0x4  }
0x3ca: {  	v6 =	vshrl.u32 v5, $0x3  }
0x3cb: {  	v6 =	vmul.u32 $0x30, v6  }
0x3cc: {  	v5 =	vand.u32 $0x7, v5  }
0x3cd: {  	v5 =	vor.u32 v5, v6  }
0x3ce: {  	v6 =	vperm.xlane v5, v2;
	_ =	sdelay $0x1  }
0x3cf: {  	v6 =	vadd.s32 v3, v6;
	_ =	sdelay $0x3  }
0x3d0: {  	s20 =	rddreg [dreg:$0x5];
	s21 =	simm.s32 $0x4800;
	v5 =	vperm.xlane v5, v4  }
0x3d1: {  	[tilespmem:s21], [sflag:$0x2] =	stream.indirect_vreg.gather [hbm4b:s20+s5], $0x80, v6, vm0, $0xb8;
	[tilespmem:$0x1F880] =	vst v63  }
0x3d2: {  	s22 =	rddreg [dreg:$0xd];
	s23 =	simm.s32 $0x5000;
	v5 =	vadd.s32 v3, v5  }
0x3d3: {  	[tilespmem:s23], [sflag:$0x2] =	stream.indirect_vreg.gather [hbm4b:s22+s5], $0x80, v6, vm0, $0xb8;
	[tilespmem:$0x1F880] =	vst v63  }
0x3d4: {  	s24 =	rddreg [dreg:$0xe];
	s25 =	simm.s32 $0x5800  }
0x3d5: {  	[tilespmem:s25], [sflag:$0x2] =	stream.indirect_vreg.gather [hbm4b:s24+s5], $0x80, v6, vm0, $0xb8;
	[tilespmem:$0x1F880] =	vst v63  }
0x3d6: {  	s26 =	simm.s32 $0x6000  }
0x3d7: {  	[tilespmem:s26], [sflag:$0x2] =	stream.indirect_vreg.gather [hbm4b:s20+s5], $0x80, v5, vm0, $0xb8;
	[tilespmem:$0x1F880] =	vst v63  }
0x3d8: {  	s28 =	simm.s32 $0x6800  }
0x3d9: {  	[tilespmem:s28], [sflag:$0x2] =	stream.indirect_vreg.gather [hbm4b:s22+s5], $0x80, v5, vm0, $0xb8;
	[tilespmem:$0x1F880] =	vst v63  }
0x3da: {  	s29 =	simm.s32 $0x7000  }
0x3db: {  	[tilespmem:s29], [sflag:$0x2] =	stream.indirect_vreg.gather [hbm4b:s24+s5], $0x80, v5, vm0, $0xb8;
	[tilespmem:$0x1F880] =	vst v63  }
0x3dc: {  	v5 =	vld.msk [tilespmem:$0x1F810], $0xff;
	_ =	sdelay $0x4  }
0x3dd: {  	v6 =	vshrl.u32 v5, $0x3  }
0x3de: {  	v6 =	vmul.u32 $0x30, v6  }
0x3df: {  	v5 =	vand.u32 $0x7, v5  }
0x3e0: {  	v5 =	vor.u32 v5, v6  }
0x3e1: {  	v5 =	vperm.xlane v5, v2;
	_ =	sdelay $0x1  }
0x3e2: {  	v5 =	vadd.s32 v3, v5;
	_ =	sdelay $0x3  }
0x3e3: {  	s30 =	simm.s32 $0x7800  }
0x3e4: {  	[tilespmem:s30], [sflag:$0x2] =	stream.indirect_vreg.gather [hbm4b:s20+s5], $0x80, v5, vm0, $0xb8;
	[tilespmem:$0x1F880] =	vst v63  }
0x3e5: {  	s31 =	simm.s32 $0x8000  }
0x3e6: {  	[tilespmem:s31], [sflag:$0x2] =	stream.indirect_vreg.gather [hbm4b:s22+s5], $0x80, v5, vm0, $0xb8;
	[tilespmem:$0x1F880] =	vst v63  }
0x3e7: {  	s3 =	simm.s32 $0x8800  }
0x3e8: {  	[tilespmem:s3], [sflag:$0x2] =	stream.indirect_vreg.gather [hbm4b:s24+s5], $0x80, v5, vm0, $0xb8;
	[tilespmem:$0x1F880] =	vst v63  }
0x3e9: {  	v5 =	vld [tilespmem:$0x1F800];
	_ =	sdelay $0x4  }
0x3ea: {  	v6 =	vshrl.u32 v5, $0x3  }
0x3eb: {  	v6 =	vmul.u32 $0x30, v6  }
0x3ec: {  	v5 =	vand.u32 $0x7, v5  }
0x3ed: {  	v5 =	vor.u32 v5, v6  }
0x3ee: {  	v6 =	vperm.xlane v5, v2;
	_ =	sdelay $0x1  }
0x3ef: {  	v6 =	vadd.s32 v3, v6;
	_ =	sdelay $0x3  }
0x3f0: {  	s6 =	rddreg [dreg:$0xf];
	s7 =	simm.s32 $0x9000;
	v5 =	vperm.xlane v5, v4  }
0x3f1: {  	[tilespmem:s7], [sflag:$0x3] =	stream.indirect_vreg.gather [hbm4b:s6+s5], $0x80, v6, vm0, $0xb8;
	[tilespmem:$0x1F880] =	vst v63  }
0x3f2: {  	s9 =	simm.s32 $0x9800;
	s8 =	sadd.s32 $0x100, s6;
	v5 =	vadd.s32 v3, v5  }
0x3f3: {  	[tilespmem:s9], [sflag:$0x3] =	stream.indirect_vreg.gather [hbm4b:s8+s5], $0x80, v6, vm0, $0xb8;
	[tilespmem:$0x1F880] =	vst v63  }
0x3f4: {  	s11 =	simm.s32 $0xA000;
	s10 =	sadd.s32 $0x200, s6  }
0x3f5: {  	[tilespmem:s11], [sflag:$0x3] =	stream.indirect_vreg.gather [hbm4b:s10+s5], $0x80, v6, vm0, $0xb8;
	[tilespmem:$0x1F880] =	vst v63  }
0x3f6: {  	s12 =	simm.s32 $0xA800  }
0x3f7: {  	[tilespmem:s12], [sflag:$0x3] =	stream.indirect_vreg.gather [hbm4b:s6+s5], $0x80, v5, vm0, $0xb8;
	[tilespmem:$0x1F880] =	vst v63  }
0x3f8: {  	s13 =	simm.s32 $0xB000  }
0x3f9: {  	[tilespmem:s13], [sflag:$0x3] =	stream.indirect_vreg.gather [hbm4b:s8+s5], $0x80, v5, vm0, $0xb8;
	[tilespmem:$0x1F880] =	vst v63  }
0x3fa: {  	s14 =	simm.s32 $0xB800  }
0x3fb: {  	[tilespmem:s14], [sflag:$0x3] =	stream.indirect_vreg.gather [hbm4b:s10+s5], $0x80, v5, vm0, $0xb8;
	[tilespmem:$0x1F880] =	vst v63  }
0x3fc: {  	v5 =	vld.msk [tilespmem:$0x1F810], $0xff;
	_ =	sdelay $0x4  }
0x3fd: {  	v6 =	vshrl.u32 v5, $0x3  }
0x3fe: {  	v6 =	vmul.u32 $0x30, v6  }
0x3ff: {  	v5 =	vand.u32 $0x7, v5  }
0x400: {  	v5 =	vor.u32 v5, v6  }
0x401: {  	v5 =	vperm.xlane v5, v2;
	_ =	sdelay $0x1  }
0x402: {  	v5 =	vadd.s32 v3, v5;
	_ =	sdelay $0x3  }
0x403: {  	s15 =	simm.s32 $0xC000  }
0x404: {  	[tilespmem:s15], [sflag:$0x3] =	stream.indirect_vreg.gather [hbm4b:s6+s5], $0x80, v5, vm0, $0xb8;
	[tilespmem:$0x1F880] =	vst v63  }
0x405: {  	s16 =	simm.s32 $0xC800  }
0x406: {  	[tilespmem:s16], [sflag:$0x3] =	stream.indirect_vreg.gather [hbm4b:s8+s5], $0x80, v5, vm0, $0xb8;
	[tilespmem:$0x1F880] =	vst v63  }
0x407: {  	s17 =	simm.s32 $0xD000  }
0x408: {  	[tilespmem:s17], [sflag:$0x3] =	stream.indirect_vreg.gather [hbm4b:s10+s5], $0x80, v5, vm0, $0xb8;
	[tilespmem:$0x1F880] =	vst v63  }
0x409: {  	v5 =	vld [tilespmem:$0x1F800];
	_ =	sdelay $0x4  }
0x40a: {  	v6 =	vshrl.u32 v5, $0x3  }
0x40b: {  	v6 =	vmul.u32 $0x30, v6  }
0x40c: {  	v5 =	vand.u32 $0x7, v5  }
0x40d: {  	v5 =	vor.u32 v5, v6  }
0x40e: {  	v6 =	vperm.xlane v5, v2;
	_ =	sdelay $0x1  }
0x40f: {  	v6 =	vadd.s32 v3, v6;
	_ =	sdelay $0x3  }
0x410: {  	s18 =	rddreg [dreg:$0x10];
	s19 =	simm.s32 $0xD800;
	v5 =	vperm.xlane v5, v4  }
0x411: {  	[tilespmem:s19], [sflag:$0x4] =	stream.indirect_vreg.gather [hbm4b:s18+s5], $0x80, v6, vm0, $0xb8;
	[tilespmem:$0x1F880] =	vst v63  }
0x412: {  	s21 =	simm.s32 $0xE000;
	s20 =	sadd.s32 $0x100, s18;
	v5 =	vadd.s32 v3, v5  }
0x413: {  	[tilespmem:s21], [sflag:$0x4] =	stream.indirect_vreg.gather [hbm4b:s20+s5], $0x80, v6, vm0, $0xb8;
	[tilespmem:$0x1F880] =	vst v63  }
0x414: {  	s23 =	simm.s32 $0xE800;
	s22 =	sadd.s32 $0x200, s18  }
0x415: {  	[tilespmem:s23], [sflag:$0x4] =	stream.indirect_vreg.gather [hbm4b:s22+s5], $0x80, v6, vm0, $0xb8;
	[tilespmem:$0x1F880] =	vst v63  }
0x416: {  	s24 =	simm.s32 $0xF000  }
0x417: {  	[tilespmem:s24], [sflag:$0x4] =	stream.indirect_vreg.gather [hbm4b:s18+s5], $0x80, v5, vm0, $0xb8;
	[tilespmem:$0x1F880] =	vst v63  }
0x418: {  	s25 =	simm.s32 $0xF800  }
0x419: {  	[tilespmem:s25], [sflag:$0x4] =	stream.indirect_vreg.gather [hbm4b:s20+s5], $0x80, v5, vm0, $0xb8;
	[tilespmem:$0x1F880] =	vst v63  }
0x41a: {  	s26 =	simm.s32 $0x10000  }
0x41b: {  	[tilespmem:s26], [sflag:$0x4] =	stream.indirect_vreg.gather [hbm4b:s22+s5], $0x80, v5, vm0, $0xb8;
	[tilespmem:$0x1F880] =	vst v63  }
0x41c: {  	v5 =	vld.msk [tilespmem:$0x1F810], $0xff;
	_ =	sdelay $0x4  }
0x41d: {  	v6 =	vshrl.u32 v5, $0x3  }
0x41e: {  	v6 =	vmul.u32 $0x30, v6  }
0x41f: {  	v5 =	vand.u32 $0x7, v5  }
0x420: {  	v5 =	vor.u32 v5, v6  }
0x421: {  	v5 =	vperm.xlane v5, v2;
	_ =	sdelay $0x1  }
0x422: {  	v5 =	vadd.s32 v3, v5;
	_ =	sdelay $0x3  }
0x423: {  	s28 =	simm.s32 $0x10800  }
0x424: {  	[tilespmem:s28], [sflag:$0x4] =	stream.indirect_vreg.gather [hbm4b:s18+s5], $0x80, v5, vm0, $0xb8;
	[tilespmem:$0x1F880] =	vst v63  }
0x425: {  	s29 =	simm.s32 $0x11000  }
0x426: {  	[tilespmem:s29], [sflag:$0x4] =	stream.indirect_vreg.gather [hbm4b:s20+s5], $0x80, v5, vm0, $0xb8;
	[tilespmem:$0x1F880] =	vst v63  }
0x427: {  	s30 =	simm.s32 $0x11800;
	s31 =	simm.s32 $0x1  }
0x428: {  	[tilespmem:s30], [sflag:$0x4] =	stream.indirect_vreg.gather [hbm4b:s22+s5], $0x80, v5, vm0, $0xb8;
	[tilespmem:$0x1F880] =	vst v63  }
0x429: {  	_ =	swait.ge [sflag:s31], $0x4800  }
0x42a: {  	[sflag:s31] =	ssyncset.done $0x0  }
0x42b: {  	s0 =	simm.s32 $0x0;
	[sflag:s31] =	ssyncadd.s32 $0xFFFFB800  }
.LBB2_9:
0x42c: {  	s2 =	smul.u32 $0xAB, s0;
	_ =	sdelay $0x1  }
0x42d: {  	s2 =	sshrl.u32 s2, $0x9  }
0x42e: {  	s2 =	sand.u32 $0x7F, s2  }
0x42f: {  	s2 =	smul.u32 $0x3, s2;
	_ =	sdelay $0x1  }
0x430: {  	s2 =	ssub.s32 s0, s2  }
0x431: {  	s29 =	sand.u32 $0xFF, s2  }
0x432: {  	s26 =	sadd.s32 $0x2, s29  }
0x433: {  	p2 =	slt.u32 s0, $0x3;
	_ =	swait.ge [sflag:s26], $0x4800  }
0x434: {  	s3 =	simm.s32 $0x0;
	s1 =	simm.s32 $0x0;
	[sflag:s26] =	ssyncset.done $0x0  }
0x435: {  	s10 =	smul.u32 $0x1800, s3;
	s2 =	sadd.s32 @!p2 $0x5, s29;
	[sflag:s26] =	ssyncadd.s32 $0xFFFFB800  }
0x436: {  	s7 =	sand.u32 $0x300, s1;
	s28 =	smul.u32 $0x4800, s29;
	_ =	swait.ge @!p2 [sflag:s2], $0x4800  }
0x437: {  	s9 =	sor.u32 $0x80, s7;
	[sflag:s2] =	ssyncset.done @!p2 $0x0  }
0x438: {  	s6 =	sor.u32 s9, s10;
	s18 =	sadd.s32 s28, s10;
	[sflag:s2] =	ssyncadd.s32 @!p2 $0xFFFFB800  }
0x439: {  	s25 =	sor.u32 s9, s18;
	v5 =	vld [tilespmem:s6+$0x0]  }
0x43a: {  	v6 =	vld [tilespmem:s25+$0x4800];
	_ =	sdelay $0x3  }
0x43b: {  	s1 =	sor.u32 s7, s18  }
0x43c: {  	s5 =	sor.u32 s7, s10;
	v7 =	vld [tilespmem:s1+$0x4800];
	v5 =	vadd.f32 v5, v6  }
0x43d: {  	v6 =	vld [tilespmem:s5+$0x0]  }
0x43e: {  	[tilespmem:s25+$0x12000] =	vst v5;
	v5 =	vld [tilespmem:s25+$0x4810]  }
0x43f: {  	v8 =	vld [tilespmem:s6+$0x10];
	_ =	sdelay $0x2  }
0x440: {  	v6 =	vadd.f32 v6, v7;
	_ =	sdelay $0x1  }
0x441: {  	v7 =	vld [tilespmem:s1+$0x4810];
	[tilespmem:s1+$0x12000] =	vst v6;
	v5 =	vadd.f32 v8, v5  }
0x442: {  	v6 =	vld [tilespmem:s5+$0x10]  }
0x443: {  	[tilespmem:s25+$0x12010] =	vst v5;
	v5 =	vld [tilespmem:s25+$0x4820]  }
0x444: {  	v8 =	vld [tilespmem:s6+$0x20];
	_ =	sdelay $0x2  }
0x445: {  	v6 =	vadd.f32 v6, v7;
	_ =	sdelay $0x1  }
0x446: {  	v7 =	vld [tilespmem:s1+$0x4820];
	[tilespmem:s1+$0x12010] =	vst v6;
	v5 =	vadd.f32 v8, v5  }
0x447: {  	v6 =	vld [tilespmem:s5+$0x20]  }
0x448: {  	[tilespmem:s25+$0x12020] =	vst v5;
	v5 =	vld [tilespmem:s25+$0x4830]  }
0x449: {  	v8 =	vld [tilespmem:s6+$0x30];
	_ =	sdelay $0x2  }
0x44a: {  	v6 =	vadd.f32 v6, v7;
	_ =	sdelay $0x1  }
0x44b: {  	v7 =	vld [tilespmem:s1+$0x4830];
	[tilespmem:s1+$0x12020] =	vst v6;
	v5 =	vadd.f32 v8, v5  }
0x44c: {  	v6 =	vld [tilespmem:s5+$0x30]  }
0x44d: {  	[tilespmem:s25+$0x12030] =	vst v5;
	v5 =	vld [tilespmem:s25+$0x4840]  }
0x44e: {  	v8 =	vld [tilespmem:s6+$0x40];
	_ =	sdelay $0x2  }
0x44f: {  	v6 =	vadd.f32 v6, v7;
	_ =	sdelay $0x1  }
0x450: {  	v7 =	vld [tilespmem:s1+$0x4840];
	[tilespmem:s1+$0x12030] =	vst v6;
	v5 =	vadd.f32 v8, v5  }
0x451: {  	v6 =	vld [tilespmem:s5+$0x40]  }
0x452: {  	[tilespmem:s25+$0x12040] =	vst v5;
	v5 =	vld [tilespmem:s25+$0x4850]  }
0x453: {  	v8 =	vld [tilespmem:s6+$0x50];
	_ =	sdelay $0x2  }
0x454: {  	v6 =	vadd.f32 v6, v7;
	_ =	sdelay $0x1  }
0x455: {  	v7 =	vld [tilespmem:s1+$0x4850];
	[tilespmem:s1+$0x12040] =	vst v6;
	v5 =	vadd.f32 v8, v5  }
0x456: {  	v6 =	vld [tilespmem:s5+$0x50]  }
0x457: {  	[tilespmem:s25+$0x12050] =	vst v5;
	v5 =	vld [tilespmem:s25+$0x4860]  }
0x458: {  	v8 =	vld [tilespmem:s6+$0x60];
	_ =	sdelay $0x2  }
0x459: {  	v6 =	vadd.f32 v6, v7;
	_ =	sdelay $0x1  }
0x45a: {  	v7 =	vld [tilespmem:s1+$0x4860];
	[tilespmem:s1+$0x12050] =	vst v6;
	v5 =	vadd.f32 v8, v5  }
0x45b: {  	v6 =	vld [tilespmem:s5+$0x60]  }
0x45c: {  	[tilespmem:s25+$0x12060] =	vst v5;
	v5 =	vld [tilespmem:s25+$0x4870]  }
0x45d: {  	v8 =	vld [tilespmem:s6+$0x70];
	_ =	sdelay $0x2  }
0x45e: {  	v6 =	vadd.f32 v6, v7;
	_ =	sdelay $0x1  }
0x45f: {  	v7 =	vld [tilespmem:s1+$0x4870];
	[tilespmem:s1+$0x12060] =	vst v6;
	v5 =	vadd.f32 v8, v5  }
0x460: {  	v6 =	vld [tilespmem:s5+$0x70]  }
0x461: {  	[tilespmem:s25+$0x12070] =	vst v5;
	v5 =	vld [tilespmem:s25+$0x4C00]  }
0x462: {  	v8 =	vld [tilespmem:s6+$0x400];
	_ =	sdelay $0x2  }
0x463: {  	v6 =	vadd.f32 v6, v7;
	_ =	sdelay $0x1  }
0x464: {  	v7 =	vld [tilespmem:s1+$0x4C00];
	[tilespmem:s1+$0x12070] =	vst v6;
	v5 =	vadd.f32 v8, v5  }
0x465: {  	v6 =	vld [tilespmem:s5+$0x400]  }
0x466: {  	[tilespmem:s25+$0x12400] =	vst v5;
	v5 =	vld [tilespmem:s25+$0x4C10]  }
0x467: {  	v8 =	vld [tilespmem:s6+$0x410];
	_ =	sdelay $0x2  }
0x468: {  	v6 =	vadd.f32 v6, v7;
	_ =	sdelay $0x1  }
0x469: {  	v7 =	vld [tilespmem:s1+$0x4C10];
	[tilespmem:s1+$0x12400] =	vst v6;
	v5 =	vadd.f32 v8, v5  }
0x46a: {  	v6 =	vld [tilespmem:s5+$0x410]  }
0x46b: {  	[tilespmem:s25+$0x12410] =	vst v5;
	v5 =	vld [tilespmem:s25+$0x4C20]  }
0x46c: {  	v8 =	vld [tilespmem:s6+$0x420];
	_ =	sdelay $0x2  }
0x46d: {  	v6 =	vadd.f32 v6, v7;
	_ =	sdelay $0x1  }
0x46e: {  	v7 =	vld [tilespmem:s1+$0x4C20];
	[tilespmem:s1+$0x12410] =	vst v6;
	v5 =	vadd.f32 v8, v5  }
0x46f: {  	v6 =	vld [tilespmem:s5+$0x420]  }
0x470: {  	[tilespmem:s25+$0x12420] =	vst v5;
	v5 =	vld [tilespmem:s25+$0x4C30]  }
0x471: {  	v8 =	vld [tilespmem:s6+$0x430];
	_ =	sdelay $0x2  }
0x472: {  	v6 =	vadd.f32 v6, v7;
	_ =	sdelay $0x1  }
0x473: {  	v7 =	vld [tilespmem:s1+$0x4C30];
	[tilespmem:s1+$0x12420] =	vst v6;
	v5 =	vadd.f32 v8, v5  }
0x474: {  	v6 =	vld [tilespmem:s5+$0x430]  }
0x475: {  	[tilespmem:s25+$0x12430] =	vst v5;
	v5 =	vld [tilespmem:s25+$0x4C40]  }
0x476: {  	v8 =	vld [tilespmem:s6+$0x440];
	_ =	sdelay $0x2  }
0x477: {  	v6 =	vadd.f32 v6, v7;
	_ =	sdelay $0x1  }
0x478: {  	v7 =	vld [tilespmem:s1+$0x4C40];
	[tilespmem:s1+$0x12430] =	vst v6;
	v5 =	vadd.f32 v8, v5  }
0x479: {  	v6 =	vld [tilespmem:s5+$0x440]  }
0x47a: {  	[tilespmem:s25+$0x12440] =	vst v5;
	v5 =	vld [tilespmem:s25+$0x4C50]  }
0x47b: {  	v8 =	vld [tilespmem:s6+$0x450];
	_ =	sdelay $0x2  }
0x47c: {  	v6 =	vadd.f32 v6, v7;
	_ =	sdelay $0x1  }
0x47d: {  	v7 =	vld [tilespmem:s1+$0x4C50];
	[tilespmem:s1+$0x12440] =	vst v6;
	v5 =	vadd.f32 v8, v5  }
0x47e: {  	v6 =	vld [tilespmem:s5+$0x450]  }
0x47f: {  	[tilespmem:s25+$0x12450] =	vst v5;
	v5 =	vld [tilespmem:s25+$0x4C60]  }
0x480: {  	v8 =	vld [tilespmem:s6+$0x460];
	_ =	sdelay $0x2  }
0x481: {  	v6 =	vadd.f32 v6, v7;
	_ =	sdelay $0x1  }
0x482: {  	v7 =	vld [tilespmem:s1+$0x4C60];
	[tilespmem:s1+$0x12450] =	vst v6;
	v5 =	vadd.f32 v8, v5  }
0x483: {  	v6 =	vld [tilespmem:s5+$0x460]  }
0x484: {  	[tilespmem:s25+$0x12460] =	vst v5;
	v5 =	vld [tilespmem:s25+$0x4C70]  }
0x485: {  	v8 =	vld [tilespmem:s6+$0x470];
	_ =	sdelay $0x2  }
0x486: {  	v6 =	vadd.f32 v6, v7;
	_ =	sdelay $0x1  }
0x487: {  	v7 =	vld [tilespmem:s1+$0x4C70];
	[tilespmem:s1+$0x12460] =	vst v6;
	v5 =	vadd.f32 v8, v5  }
0x488: {  	s11 =	sadd.s32 $0x800, s18;
	v6 =	vld [tilespmem:s5+$0x470]  }
0x489: {  	s8 =	sadd.s32 $0x800, s10;
	s12 =	sor.u32 s9, s11;
	[tilespmem:s25+$0x12470] =	vst v5  }
0x48a: {  	s16 =	sor.u32 s9, s8;
	v5 =	vld [tilespmem:s12+$0x4800]  }
0x48b: {  	v8 =	vld [tilespmem:s16+$0x0];
	_ =	sdelay $0x1  }
0x48c: {  	v6 =	vadd.f32 v6, v7;
	_ =	sdelay $0x1  }
0x48d: {  	s13 =	sor.u32 s7, s11;
	[tilespmem:s1+$0x12470] =	vst v6  }
0x48e: {  	s17 =	sor.u32 s7, s8;
	v6 =	vld [tilespmem:s13+$0x4800];
	v5 =	vadd.f32 v8, v5  }
0x48f: {  	v7 =	vld [tilespmem:s17+$0x0]  }
0x490: {  	[tilespmem:s12+$0x12000] =	vst v5;
	v5 =	vld [tilespmem:s12+$0x4810]  }
0x491: {  	v8 =	vld [tilespmem:s16+$0x10];
	_ =	sdelay $0x2  }
0x492: {  	v6 =	vadd.f32 v7, v6;
	_ =	sdelay $0x1  }
0x493: {  	v7 =	vld [tilespmem:s13+$0x4810];
	[tilespmem:s13+$0x12000] =	vst v6;
	v5 =	vadd.f32 v8, v5  }
0x494: {  	v6 =	vld [tilespmem:s17+$0x10]  }
0x495: {  	[tilespmem:s12+$0x12010] =	vst v5;
	v5 =	vld [tilespmem:s12+$0x4820]  }
0x496: {  	v8 =	vld [tilespmem:s16+$0x20];
	_ =	sdelay $0x2  }
0x497: {  	v6 =	vadd.f32 v6, v7;
	_ =	sdelay $0x1  }
0x498: {  	v7 =	vld [tilespmem:s13+$0x4820];
	[tilespmem:s13+$0x12010] =	vst v6;
	v5 =	vadd.f32 v8, v5  }
0x499: {  	v6 =	vld [tilespmem:s17+$0x20]  }
0x49a: {  	[tilespmem:s12+$0x12020] =	vst v5;
	v5 =	vld [tilespmem:s12+$0x4830]  }
0x49b: {  	v8 =	vld [tilespmem:s16+$0x30];
	_ =	sdelay $0x2  }
0x49c: {  	v6 =	vadd.f32 v6, v7;
	_ =	sdelay $0x1  }
0x49d: {  	v7 =	vld [tilespmem:s13+$0x4830];
	[tilespmem:s13+$0x12020] =	vst v6;
	v5 =	vadd.f32 v8, v5  }
0x49e: {  	v6 =	vld [tilespmem:s17+$0x30]  }
0x49f: {  	[tilespmem:s12+$0x12030] =	vst v5;
	v5 =	vld [tilespmem:s12+$0x4840]  }
0x4a0: {  	v8 =	vld [tilespmem:s16+$0x40];
	_ =	sdelay $0x2  }
0x4a1: {  	v6 =	vadd.f32 v6, v7;
	_ =	sdelay $0x1  }
0x4a2: {  	v7 =	vld [tilespmem:s13+$0x4840];
	[tilespmem:s13+$0x12030] =	vst v6;
	v5 =	vadd.f32 v8, v5  }
0x4a3: {  	v6 =	vld [tilespmem:s17+$0x40]  }
0x4a4: {  	[tilespmem:s12+$0x12040] =	vst v5;
	v5 =	vld [tilespmem:s12+$0x4850]  }
0x4a5: {  	v8 =	vld [tilespmem:s16+$0x50];
	_ =	sdelay $0x2  }
0x4a6: {  	v6 =	vadd.f32 v6, v7;
	_ =	sdelay $0x1  }
0x4a7: {  	v7 =	vld [tilespmem:s13+$0x4850];
	[tilespmem:s13+$0x12040] =	vst v6;
	v5 =	vadd.f32 v8, v5  }
0x4a8: {  	v6 =	vld [tilespmem:s17+$0x50]  }
0x4a9: {  	[tilespmem:s12+$0x12050] =	vst v5;
	v5 =	vld [tilespmem:s12+$0x4860]  }
0x4aa: {  	v8 =	vld [tilespmem:s16+$0x60];
	_ =	sdelay $0x2  }
0x4ab: {  	v6 =	vadd.f32 v6, v7;
	_ =	sdelay $0x1  }
0x4ac: {  	v7 =	vld [tilespmem:s13+$0x4860];
	[tilespmem:s13+$0x12050] =	vst v6;
	v5 =	vadd.f32 v8, v5  }
0x4ad: {  	v6 =	vld [tilespmem:s17+$0x60]  }
0x4ae: {  	s19 =	simm.s32 $0x0;
	[tilespmem:s12+$0x12060] =	vst v5;
	v5 =	vld [tilespmem:s12+$0x4870]  }
0x4af: {  	s20 =	simm.s32 $0x100;
	s24 =	smul.u32 $0x1800, s19;
	v8 =	vld [tilespmem:s16+$0x70]  }
0x4b0: {  	s2 =	sand.u32 $0x300, s20  }
0x4b1: {  	s11 =	sor.u32 s2, s24;
	s25 =	sadd.s32 s28, s24  }
0x4b2: {  	s23 =	sor.u32 $0x80, s2;
	v12 =	vld [tilespmem:s11+$0x0];
	s5 =	sor.u32 s2, s25  }
0x4b3: {  	s21 =	sor.u32 s23, s24;
	v11 =	vld [tilespmem:s5+$0x4800];
	v6 =	vadd.f32 v6, v7  }
0x4b4: {  	s22 =	sor.u32 s23, s25;
	v7 =	vld [tilespmem:s21+$0x0];
	v5 =	vadd.f32 v8, v5  }
0x4b5: {  	s14 =	sadd.s32 $0xC00, s18;
	[tilespmem:s13+$0x12060] =	vst v6;
	v6 =	vld [tilespmem:s22+$0x4800]  }
0x4b6: {  	s15 =	sadd.s32 $0xC00, s10;
	s1 =	sor.u32 s9, s14;
	[tilespmem:s12+$0x12070] =	vst v5  }
0x4b7: {  	s12 =	sor.u32 s9, s15;
	v5 =	vld [tilespmem:s1+$0x4800]  }
0x4b8: {  	v11 =	vadd.f32 v12, v11;
	v10 =	vld [tilespmem:s12+$0x0]  }
0x4b9: {  	v13 =	vld [tilespmem:s5+$0x4820]  }
0x4ba: {  	v15 =	vld [tilespmem:s5+$0x4850];
	[tilespmem:s5+$0x12000] =	vst v11;
	v6 =	vadd.f32 v7, v6  }
0x4bb: {  	v14 =	vld [tilespmem:s11+$0x10]  }
0x4bc: {  	[tilespmem:s22+$0x12000] =	vst v6;
	v6 =	vld [tilespmem:s22+$0x4810]  }
0x4bd: {  	v5 =	vadd.f32 v10, v5;
	v10 =	vld [tilespmem:s21+$0x10]  }
0x4be: {  	v7 =	vld [tilespmem:s5+$0x4810]  }
0x4bf: {  	[tilespmem:s1+$0x12000] =	vst v5;
	v5 =	vld [tilespmem:s1+$0x4810]  }
0x4c0: {  	v12 =	vld [tilespmem:s12+$0x10]  }
0x4c1: {  	v17 =	vld [tilespmem:s5+$0x4C00]  }
0x4c2: {  	v9 =	vld [tilespmem:s13+$0x4870];
	v6 =	vadd.f32 v10, v6  }
0x4c3: {  	v8 =	vld [tilespmem:s17+$0x70];
	v7 =	vadd.f32 v14, v7  }
0x4c4: {  	[tilespmem:s22+$0x12010] =	vst v6;
	v6 =	vld [tilespmem:s22+$0x4820]  }
0x4c5: {  	[tilespmem:s5+$0x12010] =	vst v7;
	v5 =	vadd.f32 v12, v5;
	v12 =	vld [tilespmem:s21+$0x20]  }
0x4c6: {  	v16 =	vld [tilespmem:s11+$0x20]  }
0x4c7: {  	[tilespmem:s1+$0x12010] =	vst v5;
	v5 =	vld [tilespmem:s1+$0x4820]  }
0x4c8: {  	v14 =	vld [tilespmem:s12+$0x20]  }
0x4c9: {  	v11 =	vld [tilespmem:s5+$0x4830]  }
0x4ca: {  	v7 =	vld [tilespmem:s5+$0x4860];
	v6 =	vadd.f32 v12, v6  }
0x4cb: {  	v10 =	vld [tilespmem:s5+$0x4840];
	v13 =	vadd.f32 v16, v13  }
0x4cc: {  	v8 =	vadd.f32 v8, v9;
	[tilespmem:s22+$0x12020] =	vst v6;
	v6 =	vld [tilespmem:s22+$0x4830]  }
0x4cd: {  	[tilespmem:s5+$0x12020] =	vst v13;
	v5 =	vadd.f32 v14, v5;
	v14 =	vld [tilespmem:s21+$0x30]  }
0x4ce: {  	[tilespmem:s13+$0x12070] =	vst v8;
	v8 =	vld [tilespmem:s11+$0x30]  }
0x4cf: {  	v13 =	vld [tilespmem:s5+$0x4C10]  }
0x4d0: {  	v12 =	vld [tilespmem:s5+$0x4870]  }
0x4d1: {  	[tilespmem:s1+$0x12020] =	vst v5;
	v5 =	vld [tilespmem:s1+$0x4830]  }
0x4d2: {  	v9 =	vld [tilespmem:s12+$0x30];
	v6 =	vadd.f32 v14, v6  }
0x4d3: {  	v8 =	vadd.f32 v8, v11;
	v14 =	vld [tilespmem:s5+$0x4C20]  }
0x4d4: {  	[tilespmem:s22+$0x12030] =	vst v6;
	v6 =	vld [tilespmem:s22+$0x4840]  }
0x4d5: {  	[tilespmem:s5+$0x12030] =	vst v8;
	v36 =	vld [tilespmem:s21+$0x40]  }
0x4d6: {  	v8 =	vld [tilespmem:s11+$0x40];
	_ =	sdelay $0x3  }
0x4d7: {  	v6 =	vadd.f32 v36, v6  }
0x4d8: {  	v8 =	vadd.f32 v8, v10  }
0x4d9: {  	[tilespmem:s22+$0x12040] =	vst v6;
	v6 =	vld [tilespmem:s22+$0x4850]  }
0x4da: {  	[tilespmem:s5+$0x12040] =	vst v8;
	v11 =	vld [tilespmem:s21+$0x50]  }
0x4db: {  	v8 =	vld [tilespmem:s11+$0x50];
	_ =	sdelay $0x3  }
0x4dc: {  	v6 =	vadd.f32 v11, v6  }
0x4dd: {  	v8 =	vadd.f32 v8, v15  }
0x4de: {  	[tilespmem:s22+$0x12050] =	vst v6;
	v6 =	vld [tilespmem:s22+$0x4860]  }
0x4df: {  	[tilespmem:s5+$0x12050] =	vst v8;
	v10 =	vld [tilespmem:s21+$0x60]  }
0x4e0: {  	v8 =	vld [tilespmem:s11+$0x60];
	_ =	sdelay $0x3  }
0x4e1: {  	v6 =	vadd.f32 v10, v6  }
0x4e2: {  	v7 =	vadd.f32 v8, v7  }
0x4e3: {  	[tilespmem:s22+$0x12060] =	vst v6;
	v6 =	vld [tilespmem:s22+$0x4870]  }
0x4e4: {  	[tilespmem:s5+$0x12060] =	vst v7;
	v10 =	vld [tilespmem:s21+$0x70]  }
0x4e5: {  	v5 =	vadd.f32 v9, v5;
	v7 =	vld [tilespmem:s11+$0x70];
	_ =	sdelay $0x1  }
0x4e6: {  	[tilespmem:s1+$0x12030] =	vst v5;
	v5 =	vld [tilespmem:s1+$0x4840]  }
0x4e7: {  	s15 =	sor.u32 s7, s15;
	v9 =	vld [tilespmem:s12+$0x40]  }
0x4e8: {  	s14 =	sor.u32 s7, s14;
	v11 =	vld [tilespmem:s15+$0x0];
	v6 =	vadd.f32 v10, v6  }
0x4e9: {  	v7 =	vadd.f32 v7, v12;
	v10 =	vld [tilespmem:s14+$0x4800]  }
0x4ea: {  	[tilespmem:s22+$0x12070] =	vst v6;
	v6 =	vld [tilespmem:s22+$0x4C00]  }
0x4eb: {  	[tilespmem:s5+$0x12070] =	vst v7;
	v8 =	vld [tilespmem:s21+$0x400]  }
0x4ec: {  	v5 =	vadd.f32 v9, v5;
	v7 =	vld [tilespmem:s11+$0x400];
	_ =	sdelay $0x1  }
0x4ed: {  	[tilespmem:s1+$0x12040] =	vst v5;
	v5 =	vld [tilespmem:s1+$0x4850];
	v9 =	vadd.f32 v11, v10  }
0x4ee: {  	v10 =	vld [tilespmem:s12+$0x50]  }
0x4ef: {  	v11 =	vld [tilespmem:s14+$0x4810];
	[tilespmem:s14+$0x12000] =	vst v9;
	v6 =	vadd.f32 v8, v6  }
0x4f0: {  	v7 =	vadd.f32 v7, v17;
	v9 =	vld [tilespmem:s15+$0x10]  }
0x4f1: {  	[tilespmem:s22+$0x12400] =	vst v6;
	v6 =	vld [tilespmem:s22+$0x4C10]  }
0x4f2: {  	[tilespmem:s5+$0x12400] =	vst v7;
	v8 =	vld [tilespmem:s21+$0x410]  }
0x4f3: {  	v7 =	vld [tilespmem:s11+$0x410];
	v5 =	vadd.f32 v10, v5;
	_ =	sdelay $0x1  }
0x4f4: {  	[tilespmem:s1+$0x12050] =	vst v5;
	v5 =	vld [tilespmem:s1+$0x4860];
	v9 =	vadd.f32 v9, v11  }
0x4f5: {  	v10 =	vld [tilespmem:s12+$0x60]  }
0x4f6: {  	v11 =	vld [tilespmem:s14+$0x4820];
	[tilespmem:s14+$0x12010] =	vst v9;
	v6 =	vadd.f32 v8, v6  }
0x4f7: {  	v7 =	vadd.f32 v7, v13;
	v9 =	vld [tilespmem:s15+$0x20]  }
0x4f8: {  	[tilespmem:s22+$0x12410] =	vst v6;
	v6 =	vld [tilespmem:s22+$0x4C20]  }
0x4f9: {  	[tilespmem:s5+$0x12410] =	vst v7;
	v8 =	vld [tilespmem:s21+$0x420]  }
0x4fa: {  	v7 =	vld [tilespmem:s11+$0x420];
	v5 =	vadd.f32 v10, v5  }
0x4fb: {  	v12 =	vld [tilespmem:s5+$0x4C30]  }
0x4fc: {  	[tilespmem:s1+$0x12060] =	vst v5;
	v5 =	vld [tilespmem:s1+$0x4870];
	v9 =	vadd.f32 v9, v11  }
0x4fd: {  	v10 =	vld [tilespmem:s12+$0x70]  }
0x4fe: {  	v11 =	vld [tilespmem:s14+$0x4830];
	[tilespmem:s14+$0x12020] =	vst v9;
	v6 =	vadd.f32 v8, v6  }
0x4ff: {  	v7 =	vadd.f32 v7, v14;
	v9 =	vld [tilespmem:s15+$0x30]  }
0x500: {  	[tilespmem:s22+$0x12420] =	vst v6;
	v6 =	vld [tilespmem:s22+$0x4C30]  }
0x501: {  	[tilespmem:s5+$0x12420] =	vst v7;
	v8 =	vld [tilespmem:s21+$0x430]  }
0x502: {  	v7 =	vld [tilespmem:s11+$0x430];
	v5 =	vadd.f32 v10, v5;
	_ =	sdelay $0x1  }
0x503: {  	s17 =	sadd.s32 $0x1000, s18;
	[tilespmem:s1+$0x12070] =	vst v5;
	v5 =	vadd.f32 v9, v11  }
0x504: {  	s12 =	sor.u32 s9, s17;
	v10 =	vld [tilespmem:s14+$0x4840]  }
0x505: {  	v9 =	vld [tilespmem:s12+$0x4800];
	[tilespmem:s14+$0x12030] =	vst v5;
	v6 =	vadd.f32 v8, v6  }
0x506: {  	v5 =	vadd.f32 v7, v12;
	v7 =	vld [tilespmem:s15+$0x40]  }
0x507: {  	s16 =	sadd.s32 $0x1000, s10;
	[tilespmem:s22+$0x12430] =	vst v6;
	v6 =	vld [tilespmem:s22+$0x4C40]  }
0x508: {  	s19 =	sor.u32 s9, s16;
	v8 =	vld [tilespmem:s21+$0x440]  }
0x509: {  	v11 =	vld [tilespmem:s19+$0x0];
	_ =	sdelay $0x2  }
0x50a: {  	v12 =	vld [tilespmem:s5+$0x4C40];
	[tilespmem:s5+$0x12430] =	vst v5;
	v7 =	vadd.f32 v7, v10  }
0x50b: {  	v5 =	vadd.f32 v8, v6;
	v6 =	vld [tilespmem:s11+$0x440]  }
0x50c: {  	[tilespmem:s14+$0x12040] =	vst v7;
	v8 =	vadd.f32 v11, v9;
	v11 =	vld [tilespmem:s14+$0x4850]  }
0x50d: {  	v7 =	vld [tilespmem:s15+$0x50]  }
0x50e: {  	[tilespmem:s22+$0x12440] =	vst v5;
	v5 =	vld [tilespmem:s22+$0x4C50]  }
0x50f: {  	[tilespmem:s12+$0x12000] =	vst v8;
	v8 =	vld [tilespmem:s12+$0x4810]  }
0x510: {  	v9 =	vld [tilespmem:s21+$0x450]  }
0x511: {  	v10 =	vld [tilespmem:s19+$0x10]  }
0x512: {  	v6 =	vadd.f32 v6, v12;
	_ =	sdelay $0x1  }
0x513: {  	v12 =	vld [tilespmem:s5+$0x4C50];
	v7 =	vadd.f32 v7, v11;
	[tilespmem:s5+$0x12440] =	vst v6  }
0x514: {  	v6 =	vld [tilespmem:s11+$0x450]  }
0x515: {  	[tilespmem:s14+$0x12050] =	vst v7;
	v5 =	vadd.f32 v9, v5;
	v8 =	vadd.f32 v10, v8;
	v10 =	vld [tilespmem:s14+$0x4860]  }
0x516: {  	v7 =	vld [tilespmem:s15+$0x60]  }
0x517: {  	[tilespmem:s22+$0x12450] =	vst v5;
	v5 =	vld [tilespmem:s22+$0x4C60]  }
0x518: {  	[tilespmem:s12+$0x12010] =	vst v8;
	v8 =	vld [tilespmem:s12+$0x4820]  }
0x519: {  	v9 =	vld [tilespmem:s21+$0x460]  }
0x51a: {  	v11 =	vld [tilespmem:s19+$0x20]  }
0x51b: {  	v6 =	vadd.f32 v6, v12;
	_ =	sdelay $0x1  }
0x51c: {  	v12 =	vld [tilespmem:s5+$0x4C60];
	v7 =	vadd.f32 v7, v10;
	[tilespmem:s5+$0x12450] =	vst v6  }
0x51d: {  	v6 =	vld [tilespmem:s11+$0x460]  }
0x51e: {  	[tilespmem:s14+$0x12060] =	vst v7;
	v5 =	vadd.f32 v9, v5;
	v8 =	vadd.f32 v11, v8;
	v11 =	vld [tilespmem:s14+$0x4870]  }
0x51f: {  	v7 =	vld [tilespmem:s15+$0x70]  }
0x520: {  	[tilespmem:s22+$0x12460] =	vst v5;
	v5 =	vld [tilespmem:s22+$0x4C70]  }
0x521: {  	v9 =	vld [tilespmem:s21+$0x470];
	_ =	sdelay $0x1  }
0x522: {  	[tilespmem:s12+$0x12020] =	vst v8;
	v8 =	vld [tilespmem:s12+$0x4830];
	v6 =	vadd.f32 v6, v12  }
0x523: {  	v10 =	vld [tilespmem:s19+$0x30];
	v7 =	vadd.f32 v7, v11  }
0x524: {  	v12 =	vld [tilespmem:s5+$0x4C70];
	[tilespmem:s5+$0x12460] =	vst v6  }
0x525: {  	s3 =	sor.u32 s7, s17;
	[tilespmem:s14+$0x12070] =	vst v7;
	v5 =	vadd.f32 v9, v5;
	v6 =	vld [tilespmem:s11+$0x470]  }
0x526: {  	s20 =	sadd.s32 $0x800, s25;
	s1 =	sor.u32 s7, s16;
	v7 =	vld [tilespmem:s3+$0x4800]  }
0x527: {  	s6 =	sor.u32 s23, s20;
	s21 =	sadd.s32 $0x800, s24;
	v11 =	vld [tilespmem:s1+$0x0];
	[tilespmem:s22+$0x12470] =	vst v5  }
0x528: {  	v5 =	vadd.f32 v10, v8;
	s22 =	sor.u32 s23, s21;
	v8 =	vld [tilespmem:s6+$0x4800]  }
0x529: {  	v9 =	vld [tilespmem:s22+$0x0]  }
0x52a: {  	[tilespmem:s12+$0x12030] =	vst v5;
	v5 =	vld [tilespmem:s12+$0x4840];
	v6 =	vadd.f32 v6, v12  }
0x52b: {  	v10 =	vld [tilespmem:s19+$0x40]  }
0x52c: {  	s17 =	sor.u32 s2, s20;
	v7 =	vadd.f32 v11, v7;
	v12 =	vld [tilespmem:s3+$0x4810];
	[tilespmem:s5+$0x12470] =	vst v6  }
0x52d: {  	s15 =	sor.u32 s2, s21;
	v6 =	vld [tilespmem:s17+$0x4800]  }
0x52e: {  	[tilespmem:s3+$0x12000] =	vst v7;
	v8 =	vadd.f32 v9, v8;
	v9 =	vld [tilespmem:s15+$0x0]  }
0x52f: {  	v7 =	vld [tilespmem:s1+$0x10]  }
0x530: {  	v5 =	vadd.f32 v10, v5;
	[tilespmem:s6+$0x12000] =	vst v8;
	v8 =	vld [tilespmem:s6+$0x4810]  }
0x531: {  	v10 =	vld [tilespmem:s22+$0x10]  }
0x532: {  	[tilespmem:s12+$0x12040] =	vst v5;
	v5 =	vld [tilespmem:s12+$0x4850]  }
0x533: {  	v11 =	vld [tilespmem:s19+$0x50]  }
0x534: {  	v6 =	vadd.f32 v9, v6  }
0x535: {  	v9 =	vld [tilespmem:s17+$0x4810]  }
0x536: {  	v7 =	vadd.f32 v7, v12;
	v12 =	vld [tilespmem:s3+$0x4820];
	[tilespmem:s17+$0x12000] =	vst v6;
	v6 =	vadd.f32 v10, v8  }
0x537: {  	v8 =	vld [tilespmem:s15+$0x10]  }
0x538: {  	v5 =	vadd.f32 v11, v5;
	[tilespmem:s6+$0x12010] =	vst v6;
	v6 =	vld [tilespmem:s6+$0x4820]  }
0x539: {  	v10 =	vld [tilespmem:s22+$0x20]  }
0x53a: {  	[tilespmem:s12+$0x12050] =	vst v5;
	v5 =	vld [tilespmem:s12+$0x4860]  }
0x53b: {  	[tilespmem:s3+$0x12010] =	vst v7;
	v11 =	vld [tilespmem:s19+$0x60]  }
0x53c: {  	v7 =	vadd.f32 v8, v9;
	v8 =	vld [tilespmem:s1+$0x20];
	_ =	sdelay $0x1  }
0x53d: {  	v9 =	vld [tilespmem:s17+$0x4820];
	[tilespmem:s17+$0x12010] =	vst v7;
	v6 =	vadd.f32 v10, v6  }
0x53e: {  	v7 =	vld [tilespmem:s15+$0x20]  }
0x53f: {  	v5 =	vadd.f32 v11, v5;
	[tilespmem:s6+$0x12020] =	vst v6;
	v6 =	vld [tilespmem:s6+$0x4830]  }
0x540: {  	v8 =	vadd.f32 v8, v12;
	v10 =	vld [tilespmem:s22+$0x30]  }
0x541: {  	s8 =	simm.s32 $0x200;
	s16 =	simm.s32 $0x0;
	v12 =	vld [tilespmem:s3+$0x4830];
	[tilespmem:s12+$0x12060] =	vst v5  }
0x542: {  	s30 =	sand.u32 $0x300, s8;
	s20 =	smul.u32 $0x1800, s16;
	[tilespmem:s3+$0x12020] =	vst v8;
	v8 =	vld [tilespmem:s17+$0x4830]  }
0x543: {  	v11 =	vld [tilespmem:s19+$0x70];
	v7 =	vadd.f32 v7, v9;
	s19 =	sor.u32 $0x80, s30  }
0x544: {  	v9 =	vld [tilespmem:s1+$0x30];
	s14 =	sor.u32 s19, s20  }
0x545: {  	[tilespmem:s17+$0x12020] =	vst v7;
	v13 =	vld [tilespmem:s14+$0x0];
	v6 =	vadd.f32 v10, v6  }
0x546: {  	v7 =	vld [tilespmem:s15+$0x30]  }
0x547: {  	s21 =	sadd.s32 s28, s20;
	[tilespmem:s6+$0x12030] =	vst v6;
	v6 =	vld [tilespmem:s6+$0x4840]  }
0x548: {  	s5 =	sor.u32 s19, s21;
	v10 =	vld [tilespmem:s22+$0x40]  }
0x549: {  	v9 =	vadd.f32 v9, v12;
	v12 =	vld [tilespmem:s5+$0x4800];
	_ =	sdelay $0x1  }
0x54a: {  	v14 =	vld [tilespmem:s3+$0x4840];
	[tilespmem:s3+$0x12030] =	vst v9;
	v7 =	vadd.f32 v7, v8  }
0x54b: {  	v9 =	vld [tilespmem:s1+$0x40]  }
0x54c: {  	v8 =	vld [tilespmem:s17+$0x4840];
	[tilespmem:s17+$0x12030] =	vst v7;
	v6 =	vadd.f32 v10, v6  }
0x54d: {  	v7 =	vld [tilespmem:s15+$0x40];
	v10 =	vadd.f32 v13, v12  }
0x54e: {  	[tilespmem:s6+$0x12040] =	vst v6;
	v6 =	vld [tilespmem:s6+$0x4850]  }
0x54f: {  	[tilespmem:s5+$0x12000] =	vst v10;
	v10 =	vld [tilespmem:s5+$0x4810]  }
0x550: {  	v9 =	vadd.f32 v9, v14;
	v12 =	vld [tilespmem:s22+$0x50]  }
0x551: {  	v14 =	vld [tilespmem:s3+$0x4850]  }
0x552: {  	v13 =	vld [tilespmem:s14+$0x10];
	[tilespmem:s3+$0x12040] =	vst v9;
	v7 =	vadd.f32 v7, v8  }
0x553: {  	v9 =	vld [tilespmem:s1+$0x50]  }
0x554: {  	v8 =	vld [tilespmem:s17+$0x4850];
	[tilespmem:s17+$0x12040] =	vst v7  }
0x555: {  	v6 =	vadd.f32 v12, v6;
	v7 =	vld [tilespmem:s15+$0x50]  }
0x556: {  	v5 =	vld [tilespmem:s12+$0x4870]  }
0x557: {  	v10 =	vadd.f32 v13, v10;
	[tilespmem:s6+$0x12050] =	vst v6;
	v6 =	vld [tilespmem:s6+$0x4860]  }
0x558: {  	v9 =	vadd.f32 v9, v14;
	v12 =	vld [tilespmem:s22+$0x60]  }
0x559: {  	[tilespmem:s5+$0x12010] =	vst v10;
	v10 =	vld [tilespmem:s5+$0x4820]  }
0x55a: {  	[tilespmem:s3+$0x12050] =	vst v9;
	v7 =	vadd.f32 v7, v8;
	v8 =	vld [tilespmem:s3+$0x4860]  }
0x55b: {  	v9 =	vld [tilespmem:s1+$0x60]  }
0x55c: {  	v5 =	vadd.f32 v11, v5;
	v13 =	vld [tilespmem:s14+$0x20]  }
0x55d: {  	v14 =	vld [tilespmem:s17+$0x4860];
	[tilespmem:s17+$0x12050] =	vst v7;
	v6 =	vadd.f32 v12, v6  }
0x55e: {  	s16 =	sadd.s32 $0x1400, s18;
	[tilespmem:s12+$0x12070] =	vst v5;
	v7 =	vld [tilespmem:s15+$0x60]  }
0x55f: {  	s10 =	sadd.s32 $0x1400, s10;
	s12 =	sor.u32 s9, s16;
	[tilespmem:s6+$0x12060] =	vst v6;
	v6 =	vld [tilespmem:s6+$0x4870]  }
0x560: {  	s11 =	sor.u32 s9, s10;
	v5 =	vadd.f32 v9, v8;
	v8 =	vld [tilespmem:s12+$0x4800]  }
0x561: {  	v10 =	vadd.f32 v13, v10;
	v9 =	vld [tilespmem:s11+$0x0]  }
0x562: {  	v12 =	vld [tilespmem:s22+$0x70]  }
0x563: {  	[tilespmem:s5+$0x12020] =	vst v10;
	v10 =	vld [tilespmem:s5+$0x4830]  }
0x564: {  	v11 =	vld [tilespmem:s14+$0x30];
	[tilespmem:s3+$0x12060] =	vst v5;
	v7 =	vadd.f32 v7, v14  }
0x565: {  	s13 =	sor.u32 s30, s21;
	v5 =	vld [tilespmem:s1+$0x70]  }
0x566: {  	[tilespmem:s17+$0x12060] =	vst v7;
	v8 =	vadd.f32 v9, v8;
	v9 =	vld [tilespmem:s13+$0x4800]  }
0x567: {  	v6 =	vadd.f32 v12, v6;
	v12 =	vld [tilespmem:s15+$0x70];
	s15 =	sor.u32 s30, s20  }
0x568: {  	s18 =	sadd.s32 $0xC00, s25;
	v13 =	vld [tilespmem:s15+$0x0];
	[tilespmem:s12+$0x12000] =	vst v8  }
0x569: {  	s22 =	sadd.s32 $0xC00, s24;
	v8 =	vld [tilespmem:s12+$0x4810];
	[tilespmem:s6+$0x12070] =	vst v6;
	s6 =	sor.u32 s23, s18  }
0x56a: {  	s1 =	sor.u32 s23, s22;
	v6 =	vadd.f32 v11, v10;
	v7 =	vld [tilespmem:s6+$0x4800]  }
0x56b: {  	v11 =	vld [tilespmem:s1+$0x0]  }
0x56c: {  	[tilespmem:s5+$0x12030] =	vst v6;
	v6 =	vld [tilespmem:s5+$0x4840]  }
0x56d: {  	v10 =	vld [tilespmem:s14+$0x40]  }
0x56e: {  	v14 =	vld [tilespmem:s11+$0x10];
	_ =	sdelay $0x1  }
0x56f: {  	v7 =	vadd.f32 v11, v7;
	_ =	sdelay $0x1  }
0x570: {  	v9 =	vadd.f32 v13, v9;
	v13 =	vld [tilespmem:s6+$0x4810];
	v6 =	vadd.f32 v10, v6;
	[tilespmem:s6+$0x12000] =	vst v7  }
0x571: {  	v7 =	vadd.f32 v14, v8;
	v8 =	vld [tilespmem:s1+$0x10]  }
0x572: {  	[tilespmem:s5+$0x12040] =	vst v6;
	v6 =	vld [tilespmem:s5+$0x4850]  }
0x573: {  	[tilespmem:s13+$0x12000] =	vst v9;
	v11 =	vld [tilespmem:s14+$0x50]  }
0x574: {  	v9 =	vld [tilespmem:s15+$0x10]  }
0x575: {  	v10 =	vld [tilespmem:s13+$0x4810];
	_ =	sdelay $0x1  }
0x576: {  	v8 =	vadd.f32 v8, v13  }
0x577: {  	v13 =	vld [tilespmem:s5+$0x4860];
	v6 =	vadd.f32 v11, v6  }
0x578: {  	[tilespmem:s6+$0x12010] =	vst v8;
	v8 =	vld [tilespmem:s6+$0x4820]  }
0x579: {  	[tilespmem:s5+$0x12050] =	vst v6;
	v6 =	vadd.f32 v9, v10;
	v10 =	vld [tilespmem:s1+$0x20]  }
0x57a: {  	v9 =	vld [tilespmem:s14+$0x60]  }
0x57b: {  	v37 =	vld [tilespmem:s17+$0x4870]  }
0x57c: {  	v11 =	vld [tilespmem:s13+$0x4820];
	[tilespmem:s13+$0x12010] =	vst v6  }
0x57d: {  	v15 =	vld [tilespmem:s15+$0x20]  }
0x57e: {  	v8 =	vadd.f32 v10, v8  }
0x57f: {  	v45 =	vld [tilespmem:s13+$0x4C70];
	v9 =	vadd.f32 v9, v13  }
0x580: {  	[tilespmem:s6+$0x12020] =	vst v8;
	v8 =	vld [tilespmem:s6+$0x4830]  }
0x581: {  	v12 =	vadd.f32 v12, v37;
	[tilespmem:s5+$0x12060] =	vst v9;
	v9 =	vld [tilespmem:s5+$0x4870]  }
0x582: {  	v10 =	vadd.f32 v15, v11;
	v15 =	vld [tilespmem:s1+$0x30]  }
0x583: {  	[tilespmem:s17+$0x12070] =	vst v12;
	s17 =	sor.u32 s2, s18;
	v11 =	vld [tilespmem:s14+$0x70]  }
0x584: {  	s9 =	sor.u32 s2, s22;
	v12 =	vld [tilespmem:s17+$0x4800]  }
0x585: {  	v38 =	vld [tilespmem:s9+$0x0]  }
0x586: {  	v13 =	vld [tilespmem:s13+$0x4830];
	[tilespmem:s13+$0x12020] =	vst v10  }
0x587: {  	v10 =	vld [tilespmem:s15+$0x30];
	v8 =	vadd.f32 v15, v8  }
0x588: {  	v39 =	vld [tilespmem:s17+$0x4810];
	v9 =	vadd.f32 v11, v9  }
0x589: {  	[tilespmem:s6+$0x12030] =	vst v8;
	v8 =	vld [tilespmem:s6+$0x4840]  }
0x58a: {  	[tilespmem:s5+$0x12070] =	vst v9;
	v9 =	vld [tilespmem:s5+$0x4C00]  }
0x58b: {  	v15 =	vld [tilespmem:s1+$0x40]  }
0x58c: {  	v10 =	vadd.f32 v10, v13;
	v13 =	vld [tilespmem:s14+$0x400]  }
0x58d: {  	v40 =	vld [tilespmem:s17+$0x4820]  }
0x58e: {  	v41 =	vld [tilespmem:s17+$0x4830];
	[tilespmem:s13+$0x12030] =	vst v10;
	v10 =	vadd.f32 v38, v12  }
0x58f: {  	v11 =	vld [tilespmem:s13+$0x4840]  }
0x590: {  	v12 =	vld [tilespmem:s15+$0x40];
	[tilespmem:s17+$0x12000] =	vst v10;
	v8 =	vadd.f32 v15, v8  }
0x591: {  	v10 =	vld [tilespmem:s9+$0x10];
	v9 =	vadd.f32 v13, v9  }
0x592: {  	[tilespmem:s6+$0x12040] =	vst v8;
	v8 =	vld [tilespmem:s6+$0x4850]  }
0x593: {  	[tilespmem:s5+$0x12400] =	vst v9;
	v9 =	vld [tilespmem:s5+$0x4C10]  }
0x594: {  	v15 =	vld [tilespmem:s1+$0x50]  }
0x595: {  	v11 =	vadd.f32 v12, v11;
	v12 =	vld [tilespmem:s14+$0x410]  }
0x596: {  	v42 =	vld [tilespmem:s17+$0x4840]  }
0x597: {  	v44 =	vld [tilespmem:s17+$0x4860];
	v10 =	vadd.f32 v10, v39  }
0x598: {  	v13 =	vld [tilespmem:s13+$0x4850];
	[tilespmem:s13+$0x12040] =	vst v11  }
0x599: {  	v11 =	vld [tilespmem:s15+$0x50];
	[tilespmem:s17+$0x12010] =	vst v10;
	v8 =	vadd.f32 v15, v8  }
0x59a: {  	v10 =	vld [tilespmem:s9+$0x20];
	v9 =	vadd.f32 v12, v9  }
0x59b: {  	[tilespmem:s6+$0x12050] =	vst v8;
	v8 =	vld [tilespmem:s6+$0x4860]  }
0x59c: {  	[tilespmem:s5+$0x12410] =	vst v9;
	v9 =	vld [tilespmem:s5+$0x4C20]  }
0x59d: {  	v15 =	vld [tilespmem:s1+$0x60]  }
0x59e: {  	v11 =	vadd.f32 v11, v13;
	v13 =	vld [tilespmem:s14+$0x420]  }
0x59f: {  	v46 =	vld [tilespmem:s17+$0x4870]  }
0x5a0: {  	v12 =	vld [tilespmem:s13+$0x4860];
	[tilespmem:s13+$0x12050] =	vst v11;
	v10 =	vadd.f32 v10, v40  }
0x5a1: {  	[tilespmem:s12+$0x12010] =	vst v7;
	v11 =	vld [tilespmem:s15+$0x60]  }
0x5a2: {  	v7 =	vld [tilespmem:s12+$0x4820];
	[tilespmem:s17+$0x12020] =	vst v10;
	v8 =	vadd.f32 v15, v8  }
0x5a3: {  	v10 =	vld [tilespmem:s9+$0x30];
	v9 =	vadd.f32 v13, v9  }
0x5a4: {  	[tilespmem:s6+$0x12060] =	vst v8;
	v8 =	vld [tilespmem:s6+$0x4870]  }
0x5a5: {  	[tilespmem:s5+$0x12420] =	vst v9;
	v9 =	vld [tilespmem:s5+$0x4C30]  }
0x5a6: {  	v11 =	vadd.f32 v11, v12;
	v12 =	vld [tilespmem:s14+$0x430]  }
0x5a7: {  	v15 =	vld [tilespmem:s1+$0x70]  }
0x5a8: {  	v13 =	vld [tilespmem:s13+$0x4870];
	[tilespmem:s13+$0x12060] =	vst v11;
	v10 =	vadd.f32 v10, v41  }
0x5a9: {  	v11 =	vld [tilespmem:s15+$0x70]  }
0x5aa: {  	v14 =	vld [tilespmem:s11+$0x20];
	[tilespmem:s17+$0x12030] =	vst v10  }
0x5ab: {  	v10 =	vld [tilespmem:s9+$0x40];
	v9 =	vadd.f32 v12, v9  }
0x5ac: {  	v8 =	vadd.f32 v15, v8;
	v12 =	vld [tilespmem:s13+$0x4C00]  }
0x5ad: {  	s22 =	sadd.s32 $0x1000, s25;
	[tilespmem:s5+$0x12430] =	vst v9;
	v9 =	vld [tilespmem:s5+$0x4C40]  }
0x5ae: {  	s1 =	sadd.s32 $0x1000, s24;
	[tilespmem:s6+$0x12070] =	vst v8;
	s6 =	sor.u32 s23, s22;
	v11 =	vadd.f32 v11, v13;
	v15 =	vld [tilespmem:s14+$0x440]  }
0x5af: {  	s31 =	sor.u32 s23, s1;
	v8 =	vld [tilespmem:s6+$0x4800]  }
0x5b0: {  	[tilespmem:s13+$0x12070] =	vst v11;
	v11 =	vld [tilespmem:s31+$0x0]  }
0x5b1: {  	v10 =	vadd.f32 v10, v42;
	v43 =	vld [tilespmem:s15+$0x400]  }
0x5b2: {  	v6 =	vld [tilespmem:s12+$0x4830]  }
0x5b3: {  	v13 =	vld [tilespmem:s17+$0x4850];
	[tilespmem:s17+$0x12040] =	vst v10;
	v9 =	vadd.f32 v15, v9  }
0x5b4: {  	v10 =	vld [tilespmem:s9+$0x50]  }
0x5b5: {  	v8 =	vadd.f32 v11, v8;
	[tilespmem:s5+$0x12440] =	vst v9;
	v9 =	vld [tilespmem:s5+$0x4C50]  }
0x5b6: {  	v12 =	vadd.f32 v43, v12;
	v11 =	vld [tilespmem:s14+$0x450]  }
0x5b7: {  	[tilespmem:s6+$0x12000] =	vst v8;
	v8 =	vld [tilespmem:s6+$0x4810]  }
0x5b8: {  	v7 =	vadd.f32 v14, v7;
	[tilespmem:s13+$0x12400] =	vst v12;
	v12 =	vld [tilespmem:s31+$0x10]  }
0x5b9: {  	v15 =	vld [tilespmem:s13+$0x4C10];
	v10 =	vadd.f32 v10, v13  }
0x5ba: {  	[tilespmem:s12+$0x12020] =	vst v7;
	v13 =	vld [tilespmem:s15+$0x410]  }
0x5bb: {  	[tilespmem:s17+$0x12050] =	vst v10;
	v10 =	vld [tilespmem:s11+$0x30]  }
0x5bc: {  	v7 =	vld [tilespmem:s9+$0x60];
	v9 =	vadd.f32 v11, v9  }
0x5bd: {  	v8 =	vadd.f32 v12, v8;
	v12 =	vld [tilespmem:s13+$0x4C20]  }
0x5be: {  	[tilespmem:s5+$0x12450] =	vst v9;
	v9 =	vld [tilespmem:s5+$0x4C60]  }
0x5bf: {  	v13 =	vadd.f32 v13, v15;
	v11 =	vld [tilespmem:s14+$0x460]  }
0x5c0: {  	[tilespmem:s6+$0x12010] =	vst v8;
	v8 =	vld [tilespmem:s6+$0x4820];
	v6 =	vadd.f32 v10, v6  }
0x5c1: {  	v7 =	vadd.f32 v7, v44;
	[tilespmem:s13+$0x12410] =	vst v13;
	v13 =	vld [tilespmem:s31+$0x20]  }
0x5c2: {  	v10 =	vld [tilespmem:s15+$0x420];
	[tilespmem:s12+$0x12030] =	vst v6  }
0x5c3: {  	v6 =	vld [tilespmem:s12+$0x4840];
	[tilespmem:s17+$0x12060] =	vst v7  }
0x5c4: {  	v14 =	vld [tilespmem:s9+$0x70];
	v7 =	vadd.f32 v11, v9  }
0x5c5: {  	v9 =	vld [tilespmem:s11+$0x40]  }
0x5c6: {  	[tilespmem:s5+$0x12460] =	vst v7;
	v7 =	vadd.f32 v13, v8;
	v8 =	vld [tilespmem:s13+$0x4C30]  }
0x5c7: {  	v10 =	vadd.f32 v10, v12;
	v12 =	vld [tilespmem:s3+$0x4870]  }
0x5c8: {  	[tilespmem:s6+$0x12020] =	vst v7;
	v7 =	vld [tilespmem:s6+$0x4830]  }
0x5c9: {  	[tilespmem:s13+$0x12420] =	vst v10;
	v10 =	vld [tilespmem:s31+$0x30]  }
0x5ca: {  	v6 =	vadd.f32 v9, v6;
	v9 =	vld [tilespmem:s15+$0x430]  }
0x5cb: {  	v13 =	vld [tilespmem:s12+$0x4850]  }
0x5cc: {  	v11 =	vld [tilespmem:s14+$0x470];
	[tilespmem:s12+$0x12040] =	vst v6  }
0x5cd: {  	v15 =	vld [tilespmem:s11+$0x50]  }
0x5ce: {  	v6 =	vld [tilespmem:s12+$0x4860];
	v7 =	vadd.f32 v10, v7  }
0x5cf: {  	v10 =	vld [tilespmem:s13+$0x4C40];
	v8 =	vadd.f32 v9, v8  }
0x5d0: {  	v5 =	vadd.f32 v5, v12;
	v9 =	vld [tilespmem:s6+$0x4840];
	[tilespmem:s6+$0x12030] =	vst v7  }
0x5d1: {  	[tilespmem:s13+$0x12430] =	vst v8;
	v8 =	vld [tilespmem:s31+$0x40]  }
0x5d2: {  	s9 =	sor.u32 s7, s16;
	[tilespmem:s3+$0x12070] =	vst v5;
	v5 =	vadd.f32 v15, v13;
	v12 =	vld [tilespmem:s15+$0x440]  }
0x5d3: {  	s10 =	sor.u32 s7, s10;
	v13 =	vld [tilespmem:s9+$0x4800]  }
0x5d4: {  	[tilespmem:s12+$0x12050] =	vst v5;
	v5 =	vld [tilespmem:s10+$0x0]  }
0x5d5: {  	v47 =	vld [tilespmem:s9+$0x4830]  }
0x5d6: {  	v23 =	vld [tilespmem:s9+$0x4840]  }
0x5d7: {  	v15 =	vld [tilespmem:s13+$0x4C50];
	v8 =	vadd.f32 v8, v9  }
0x5d8: {  	v9 =	vld [tilespmem:s9+$0x4810];
	v10 =	vadd.f32 v12, v10  }
0x5d9: {  	[tilespmem:s6+$0x12040] =	vst v8;
	v8 =	vld [tilespmem:s6+$0x4850];
	v5 =	vadd.f32 v5, v13  }
0x5da: {  	[tilespmem:s13+$0x12440] =	vst v10;
	v10 =	vld [tilespmem:s31+$0x50]  }
0x5db: {  	v12 =	vld [tilespmem:s15+$0x450];
	[tilespmem:s9+$0x12000] =	vst v5  }
0x5dc: {  	v5 =	vld [tilespmem:s10+$0x10]  }
0x5dd: {  	v59 =	vld [tilespmem:s9+$0x4850]  }
0x5de: {  	v7 =	vld [tilespmem:s11+$0x60]  }
0x5df: {  	v13 =	vld [tilespmem:s13+$0x4C60];
	v8 =	vadd.f32 v10, v8  }
0x5e0: {  	v10 =	vld [tilespmem:s9+$0x4820];
	v12 =	vadd.f32 v12, v15  }
0x5e1: {  	[tilespmem:s6+$0x12050] =	vst v8;
	v8 =	vld [tilespmem:s6+$0x4860];
	v5 =	vadd.f32 v5, v9  }
0x5e2: {  	[tilespmem:s13+$0x12450] =	vst v12;
	v9 =	vld [tilespmem:s31+$0x60]  }
0x5e3: {  	v12 =	vld [tilespmem:s15+$0x460];
	[tilespmem:s9+$0x12010] =	vst v5;
	v5 =	vadd.f32 v14, v46  }
0x5e4: {  	v14 =	vld [tilespmem:s5+$0x4C70]  }
0x5e5: {  	s18 =	sor.u32 s2, s22;
	v15 =	vld [tilespmem:s10+$0x20];
	[tilespmem:s17+$0x12070] =	vst v5  }
0x5e6: {  	v5 =	vld [tilespmem:s18+$0x4800]  }
0x5e7: {  	v18 =	vld [tilespmem:s18+$0x4840]  }
0x5e8: {  	s22 =	sor.u32 s2, s1;
	v57 =	vld [tilespmem:s18+$0x4860];
	v8 =	vadd.f32 v9, v8  }
0x5e9: {  	v9 =	vld [tilespmem:s22+$0x0];
	v12 =	vadd.f32 v12, v13  }
0x5ea: {  	v11 =	vadd.f32 v11, v14;
	[tilespmem:s6+$0x12060] =	vst v8;
	v8 =	vld [tilespmem:s6+$0x4870]  }
0x5eb: {  	s7 =	sadd.s32 $0x800, s21;
	[tilespmem:s13+$0x12460] =	vst v12;
	v12 =	vld [tilespmem:s31+$0x70]  }
0x5ec: {  	s14 =	sadd.s32 $0x800, s20;
	s3 =	sor.u32 s19, s7;
	v13 =	vld [tilespmem:s15+$0x470];
	[tilespmem:s5+$0x12470] =	vst v11  }
0x5ed: {  	v10 =	vadd.f32 v15, v10;
	s15 =	sor.u32 s19, s14;
	v11 =	vld [tilespmem:s3+$0x4800]  }
0x5ee: {  	v14 =	vld [tilespmem:s15+$0x0];
	v5 =	vadd.f32 v9, v5  }
0x5ef: {  	v15 =	vld [tilespmem:s18+$0x4810];
	[tilespmem:s9+$0x12020] =	vst v10  }
0x5f0: {  	v9 =	vld [tilespmem:s18+$0x4820];
	[tilespmem:s18+$0x12000] =	vst v5;
	v5 =	vadd.f32 v12, v8  }
0x5f1: {  	s25 =	sadd.s32 $0x1400, s25;
	v10 =	vld [tilespmem:s10+$0x30]  }
0x5f2: {  	s1 =	sadd.s32 $0x1400, s24;
	s24 =	sor.u32 s23, s25;
	v8 =	vld [tilespmem:s22+$0x10];
	[tilespmem:s6+$0x12070] =	vst v5  }
0x5f3: {  	s23 =	sor.u32 s23, s1;
	v5 =	vadd.f32 v14, v11;
	v11 =	vld [tilespmem:s24+$0x4800]  }
0x5f4: {  	v14 =	vld [tilespmem:s23+$0x0]  }
0x5f5: {  	v13 =	vadd.f32 v13, v45;
	[tilespmem:s3+$0x12000] =	vst v5;
	v5 =	vld [tilespmem:s3+$0x4810]  }
0x5f6: {  	v48 =	vld [tilespmem:s15+$0x10]  }
0x5f7: {  	s31 =	sor.u32 s30, s7;
	v12 =	vld [tilespmem:s18+$0x4830];
	[tilespmem:s13+$0x12470] =	vst v13  }
0x5f8: {  	s5 =	sor.u32 s30, s14;
	v19 =	vld [tilespmem:s31+$0x4800]  }
0x5f9: {  	v11 =	vadd.f32 v14, v11;
	v14 =	vld [tilespmem:s5+$0x0]  }
0x5fa: {  	v13 =	vld [tilespmem:s18+$0x4850]  }
0x5fb: {  	[tilespmem:s24+$0x12000] =	vst v11;
	v5 =	vadd.f32 v48, v5;
	v11 =	vld [tilespmem:s24+$0x4810]  }
0x5fc: {  	v49 =	vld [tilespmem:s23+$0x10]  }
0x5fd: {  	[tilespmem:s3+$0x12010] =	vst v5;
	v5 =	vadd.f32 v8, v15;
	v8 =	vld [tilespmem:s3+$0x4820]  }
0x5fe: {  	v14 =	vadd.f32 v14, v19;
	v15 =	vld [tilespmem:s15+$0x20]  }
0x5ff: {  	v20 =	vld [tilespmem:s31+$0x4810]  }
0x600: {  	v21 =	vld [tilespmem:s31+$0x4840];
	[tilespmem:s31+$0x12000] =	vst v14  }
0x601: {  	[tilespmem:s18+$0x12010] =	vst v5;
	v11 =	vadd.f32 v49, v11;
	v51 =	vld [tilespmem:s5+$0x10]  }
0x602: {  	v50 =	vld [tilespmem:s22+$0x20]  }
0x603: {  	[tilespmem:s24+$0x12010] =	vst v11;
	v8 =	vadd.f32 v15, v8;
	v15 =	vld [tilespmem:s24+$0x4820]  }
0x604: {  	v22 =	vld [tilespmem:s23+$0x20]  }
0x605: {  	[tilespmem:s3+$0x12020] =	vst v8;
	v8 =	vld [tilespmem:s3+$0x4830]  }
0x606: {  	v11 =	vadd.f32 v51, v20;
	v52 =	vld [tilespmem:s15+$0x30]  }
0x607: {  	v53 =	vld [tilespmem:s31+$0x4850];
	v9 =	vadd.f32 v50, v9  }
0x608: {  	v5 =	vld [tilespmem:s31+$0x4820];
	[tilespmem:s31+$0x12010] =	vst v11  }
0x609: {  	[tilespmem:s18+$0x12020] =	vst v9;
	v15 =	vadd.f32 v22, v15;
	v9 =	vld [tilespmem:s5+$0x20]  }
0x60a: {  	v54 =	vld [tilespmem:s22+$0x30]  }
0x60b: {  	[tilespmem:s24+$0x12020] =	vst v15;
	v8 =	vadd.f32 v52, v8;
	v15 =	vld [tilespmem:s24+$0x4830]  }
0x60c: {  	v55 =	vld [tilespmem:s23+$0x30]  }
0x60d: {  	[tilespmem:s3+$0x12030] =	vst v8;
	v8 =	vld [tilespmem:s3+$0x4840]  }
0x60e: {  	v56 =	vld [tilespmem:s15+$0x40];
	v5 =	vadd.f32 v9, v5  }
0x60f: {  	v58 =	vld [tilespmem:s24+$0x4840];
	v12 =	vadd.f32 v54, v12  }
0x610: {  	v14 =	vld [tilespmem:s31+$0x4830];
	[tilespmem:s31+$0x12020] =	vst v5  }
0x611: {  	[tilespmem:s18+$0x12030] =	vst v12;
	v15 =	vadd.f32 v55, v15;
	v12 =	vld [tilespmem:s5+$0x30]  }
0x612: {  	v11 =	vld [tilespmem:s31+$0x4860]  }
0x613: {  	[tilespmem:s24+$0x12030] =	vst v15;
	v15 =	vld [tilespmem:s22+$0x40];
	v8 =	vadd.f32 v56, v8  }
0x614: {  	v6 =	vadd.f32 v7, v6;
	v9 =	vld [tilespmem:s31+$0x4870]  }
0x615: {  	v7 =	vld [tilespmem:s23+$0x40];
	[tilespmem:s3+$0x12040] =	vst v8;
	v8 =	vadd.f32 v10, v47  }
0x616: {  	[tilespmem:s12+$0x12060] =	vst v6;
	v10 =	vld [tilespmem:s3+$0x4850];
	v6 =	vadd.f32 v12, v14  }
0x617: {  	v12 =	vld [tilespmem:s15+$0x50];
	[tilespmem:s9+$0x12030] =	vst v8  }
0x618: {  	[tilespmem:s31+$0x12030] =	vst v6;
	v6 =	vld [tilespmem:s10+$0x40];
	v8 =	vadd.f32 v15, v18  }
0x619: {  	v15 =	vld [tilespmem:s5+$0x40]  }
0x61a: {  	v5 =	vld [tilespmem:s18+$0x4870];
	v7 =	vadd.f32 v7, v58;
	[tilespmem:s18+$0x12040] =	vst v8  }
0x61b: {  	v8 =	vld [tilespmem:s22+$0x50]  }
0x61c: {  	[tilespmem:s24+$0x12040] =	vst v7;
	v7 =	vadd.f32 v12, v10;
	v10 =	vld [tilespmem:s24+$0x4850]  }
0x61d: {  	v12 =	vld [tilespmem:s23+$0x50];
	v6 =	vadd.f32 v6, v23  }
0x61e: {  	[tilespmem:s3+$0x12050] =	vst v7;
	v7 =	vadd.f32 v15, v21;
	v15 =	vld [tilespmem:s3+$0x4860]  }
0x61f: {  	[tilespmem:s9+$0x12040] =	vst v6;
	v6 =	vld [tilespmem:s15+$0x60]  }
0x620: {  	[tilespmem:s31+$0x12040] =	vst v7;
	v60 =	vld [tilespmem:s10+$0x50]  }
0x621: {  	v61 =	vld [tilespmem:s5+$0x50]  }
0x622: {  	v14 =	vld [tilespmem:s11+$0x70];
	v8 =	vadd.f32 v8, v13  }
0x623: {  	v13 =	vld [tilespmem:s12+$0x4870]  }
0x624: {  	v7 =	vld [tilespmem:s9+$0x4860];
	v10 =	vadd.f32 v12, v10;
	[tilespmem:s18+$0x12050] =	vst v8  }
0x625: {  	v62 =	vld [tilespmem:s22+$0x60];
	v8 =	vadd.f32 v60, v59  }
0x626: {  	[tilespmem:s24+$0x12050] =	vst v10;
	v10 =	vld [tilespmem:s24+$0x4860];
	v6 =	vadd.f32 v6, v15;
	v15 =	vadd.f32 v61, v53  }
0x627: {  	v63 =	vld [tilespmem:s23+$0x60];
	[tilespmem:s9+$0x12050] =	vst v8  }
0x628: {  	[tilespmem:s31+$0x12050] =	vst v15;
	v8 =	vld [tilespmem:s10+$0x60]  }
0x629: {  	[tilespmem:s3+$0x12060] =	vst v6;
	v6 =	vadd.f32 v14, v13;
	v14 =	vld [tilespmem:s5+$0x60]  }
0x62a: {  	v13 =	vld [tilespmem:s3+$0x4870];
	v15 =	vadd.f32 v62, v57  }
0x62b: {  	s25 =	sor.u32 s2, s25;
	v12 =	vld [tilespmem:s15+$0x70];
	[tilespmem:s12+$0x12070] =	vst v6  }
0x62c: {  	s7 =	sadd.s32 $0x4800, s28;
	s14 =	sor.u32 s2, s1;
	s2 =	simm.s32 $0x4;
	v6 =	vld [tilespmem:s9+$0x4870];
	v10 =	vadd.f32 v63, v10;
	[tilespmem:s18+$0x12060] =	vst v15  }
.LBB2_10:
0x62d: {  	s2 =	sadd.s32 $0x2, s2;
	v15 =	vld [tilespmem:s22+$0x70];
	v7 =	vadd.f32 v8, v7  }
0x62e: {  	s8 =	sadd.s32 $0x100, s8;
	s6 =	sshrl.u32 s2, $0x3;
	v8 =	vadd.f32 v14, v11;
	[tilespmem:s24+$0x12060] =	vst v10;
	v10 =	vld [tilespmem:s24+$0x4870]  }
0x62f: {  	s12 =	sand.u32 $0x300, s8;
	s13 =	smul.u32 $0x1800, s6;
	v11 =	vld [tilespmem:s23+$0x70];
	[tilespmem:s9+$0x12060] =	vst v7  }
0x630: {  	s15 =	sor.u32 $0x80, s12;
	[tilespmem:s31+$0x12060] =	vst v8;
	v7 =	vld [tilespmem:s10+$0x70];
	s10 =	smov.u32 s14  }
0x631: {  	s23 =	sadd.s32 s28, s13;
	s17 =	sor.u32 s12, s13;
	s11 =	sor.u32 s15, s13;
	v8 =	vld [tilespmem:s5+$0x70];
	v12 =	vadd.f32 v12, v13  }
0x632: {  	s6 =	sadd.s32 $0xC00, s21;
	s14 =	sor.u32 s12, s23;
	s16 =	sor.u32 s15, s23;
	v13 =	vld [tilespmem:s11+$0x0];
	v5 =	vadd.f32 v15, v5  }
0x633: {  	s1 =	sadd.s32 $0xC00, s20;
	s22 =	sor.u32 s19, s6;
	s5 =	sor.u32 s30, s6;
	v14 =	vld [tilespmem:s16+$0x4800];
	[tilespmem:s3+$0x12070] =	vst v12  }
0x634: {  	p2 =	slt.u32 s2, $0x16;
	s6 =	sor.u32 s19, s1;
	s3 =	sor.u32 s30, s1;
	v12 =	vld [tilespmem:s22+$0x4800];
	[tilespmem:s18+$0x12070] =	vst v5;
	v5 =	vadd.f32 v11, v10  }
0x635: {  	v10 =	vld [tilespmem:s6+$0x0];
	v6 =	vadd.f32 v7, v6  }
0x636: {  	v7 =	vld [tilespmem:s14+$0x4800];
	v8 =	vadd.f32 v8, v9;
	[tilespmem:s24+$0x12070] =	vst v5  }
0x637: {  	v5 =	vld [tilespmem:s17+$0x0];
	[tilespmem:s9+$0x12070] =	vst v6;
	s9 =	smov.u32 s25  }
0x638: {  	v6 =	vld [tilespmem:s14+$0x4810];
	v9 =	vadd.f32 v13, v14;
	[tilespmem:s31+$0x12070] =	vst v8  }
0x639: {  	v8 =	vld [tilespmem:s14+$0x4820]  }
0x63a: {  	[tilespmem:s16+$0x12000] =	vst v9;
	v9 =	vld [tilespmem:s16+$0x4810];
	v10 =	vadd.f32 v10, v12  }
0x63b: {  	v11 =	vld [tilespmem:s11+$0x10]  }
0x63c: {  	v5 =	vadd.f32 v5, v7;
	[tilespmem:s22+$0x12000] =	vst v10;
	v7 =	vld [tilespmem:s22+$0x4810]  }
0x63d: {  	v10 =	vld [tilespmem:s6+$0x10]  }
0x63e: {  	[tilespmem:s14+$0x12000] =	vst v5;
	v5 =	vld [tilespmem:s14+$0x4830]  }
0x63f: {  	v12 =	vld [tilespmem:s17+$0x10]  }
0x640: {  	v13 =	vld [tilespmem:s14+$0x4840];
	v9 =	vadd.f32 v11, v9  }
0x641: {  	v14 =	vld [tilespmem:s14+$0x4850]  }
0x642: {  	[tilespmem:s16+$0x12010] =	vst v9;
	v9 =	vld [tilespmem:s16+$0x4820];
	v7 =	vadd.f32 v10, v7  }
0x643: {  	v10 =	vld [tilespmem:s11+$0x20]  }
0x644: {  	v6 =	vadd.f32 v12, v6;
	[tilespmem:s22+$0x12010] =	vst v7;
	v7 =	vld [tilespmem:s22+$0x4820]  }
0x645: {  	v11 =	vld [tilespmem:s6+$0x20]  }
0x646: {  	[tilespmem:s14+$0x12010] =	vst v6;
	v15 =	vld [tilespmem:s14+$0x4860]  }
0x647: {  	v6 =	vld [tilespmem:s17+$0x20]  }
0x648: {  	v16 =	vld [tilespmem:s14+$0x4870];
	v9 =	vadd.f32 v10, v9  }
0x649: {  	v12 =	vld [tilespmem:s14+$0x4C00]  }
0x64a: {  	[tilespmem:s16+$0x12020] =	vst v9;
	v9 =	vld [tilespmem:s16+$0x4830];
	v7 =	vadd.f32 v11, v7  }
0x64b: {  	v17 =	vld [tilespmem:s11+$0x30]  }
0x64c: {  	v6 =	vadd.f32 v6, v8;
	[tilespmem:s22+$0x12020] =	vst v7;
	v7 =	vld [tilespmem:s22+$0x4830]  }
0x64d: {  	v8 =	vld [tilespmem:s6+$0x30]  }
0x64e: {  	[tilespmem:s14+$0x12020] =	vst v6;
	v11 =	vld [tilespmem:s14+$0x4C10]  }
0x64f: {  	v6 =	vld [tilespmem:s17+$0x30]  }
0x650: {  	v10 =	vld [tilespmem:s14+$0x4C20];
	v17 =	vadd.f32 v17, v9  }
0x651: {  	v9 =	vld [tilespmem:s14+$0x4C30]  }
0x652: {  	[tilespmem:s16+$0x12030] =	vst v17;
	v17 =	vld [tilespmem:s16+$0x4840];
	v7 =	vadd.f32 v8, v7  }
0x653: {  	v18 =	vld [tilespmem:s11+$0x40]  }
0x654: {  	v5 =	vadd.f32 v6, v5;
	[tilespmem:s22+$0x12030] =	vst v7;
	v19 =	vld [tilespmem:s22+$0x4840]  }
0x655: {  	v20 =	vld [tilespmem:s6+$0x40]  }
0x656: {  	[tilespmem:s14+$0x12030] =	vst v5;
	v8 =	vld [tilespmem:s14+$0x4C40]  }
0x657: {  	v5 =	vld [tilespmem:s17+$0x40]  }
0x658: {  	v7 =	vld [tilespmem:s14+$0x4C50];
	v17 =	vadd.f32 v18, v17  }
0x659: {  	v6 =	vld [tilespmem:s14+$0x4C60]  }
0x65a: {  	[tilespmem:s16+$0x12040] =	vst v17;
	v17 =	vld [tilespmem:s16+$0x4850];
	v18 =	vadd.f32 v20, v19  }
0x65b: {  	v19 =	vld [tilespmem:s11+$0x50]  }
0x65c: {  	v5 =	vadd.f32 v5, v13;
	[tilespmem:s22+$0x12040] =	vst v18;
	v13 =	vld [tilespmem:s22+$0x4850]  }
0x65d: {  	v18 =	vld [tilespmem:s6+$0x50]  }
0x65e: {  	[tilespmem:s14+$0x12040] =	vst v5;
	v5 =	vld [tilespmem:s14+$0x4C70]  }
0x65f: {  	v20 =	vld [tilespmem:s17+$0x50]  }
0x660: {  	v17 =	vadd.f32 v19, v17;
	v19 =	vld [tilespmem:s5+$0x4800]  }
0x661: {  	v21 =	vld [tilespmem:s3+$0x0]  }
0x662: {  	[tilespmem:s16+$0x12050] =	vst v17;
	v17 =	vld [tilespmem:s16+$0x4860];
	v13 =	vadd.f32 v18, v13  }
0x663: {  	v18 =	vld [tilespmem:s11+$0x60]  }
0x664: {  	v14 =	vadd.f32 v20, v14;
	[tilespmem:s22+$0x12050] =	vst v13;
	v13 =	vld [tilespmem:s22+$0x4860]  }
0x665: {  	v20 =	vld [tilespmem:s6+$0x60]  }
0x666: {  	[tilespmem:s14+$0x12050] =	vst v14;
	v14 =	vadd.f32 v21, v19;
	v19 =	vld [tilespmem:s5+$0x4810]  }
0x667: {  	v21 =	vld [tilespmem:s17+$0x60]  }
0x668: {  	v17 =	vadd.f32 v18, v17;
	[tilespmem:s5+$0x12000] =	vst v14;
	v14 =	vld [tilespmem:s5+$0x4820]  }
0x669: {  	v18 =	vld [tilespmem:s3+$0x10]  }
0x66a: {  	[tilespmem:s16+$0x12060] =	vst v17;
	v17 =	vld [tilespmem:s16+$0x4870];
	v13 =	vadd.f32 v20, v13  }
0x66b: {  	v20 =	vld [tilespmem:s11+$0x70]  }
0x66c: {  	v15 =	vadd.f32 v21, v15;
	[tilespmem:s22+$0x12060] =	vst v13;
	v13 =	vld [tilespmem:s22+$0x4870]  }
0x66d: {  	v21 =	vld [tilespmem:s6+$0x70]  }
0x66e: {  	[tilespmem:s14+$0x12060] =	vst v15;
	v15 =	vadd.f32 v18, v19;
	v18 =	vld [tilespmem:s5+$0x4830]  }
0x66f: {  	v19 =	vld [tilespmem:s17+$0x70]  }
0x670: {  	v17 =	vadd.f32 v20, v17;
	[tilespmem:s5+$0x12010] =	vst v15;
	v15 =	vld [tilespmem:s5+$0x4840]  }
0x671: {  	v20 =	vld [tilespmem:s3+$0x20]  }
0x672: {  	[tilespmem:s16+$0x12070] =	vst v17;
	v17 =	vld [tilespmem:s16+$0x4C00];
	v13 =	vadd.f32 v21, v13  }
0x673: {  	s1 =	sadd.s32 $0x1000, s21;
	v21 =	vld [tilespmem:s11+$0x400]  }
0x674: {  	s18 =	sor.u32 s30, s1;
	s24 =	sor.u32 s19, s1;
	s6 =	sadd.s32 $0x1000, s20;
	v16 =	vadd.f32 v19, v16;
	v19 =	vld [tilespmem:s5+$0x4850];
	[tilespmem:s22+$0x12070] =	vst v13  }
0x675: {  	s25 =	sor.u32 s19, s6;
	s22 =	sor.u32 s30, s6;
	v13 =	vld [tilespmem:s24+$0x4800]  }
0x676: {  	[tilespmem:s14+$0x12070] =	vst v16;
	v14 =	vadd.f32 v20, v14;
	v16 =	vld [tilespmem:s25+$0x0]  }
0x677: {  	v20 =	vld [tilespmem:s17+$0x400]  }
0x678: {  	v17 =	vadd.f32 v21, v17;
	[tilespmem:s5+$0x12020] =	vst v14;
	v14 =	vld [tilespmem:s5+$0x4860]  }
0x679: {  	v21 =	vld [tilespmem:s3+$0x30]  }
0x67a: {  	[tilespmem:s16+$0x12400] =	vst v17;
	v17 =	vld [tilespmem:s16+$0x4C10]  }
0x67b: {  	v22 =	vld [tilespmem:s11+$0x410];
	v13 =	vadd.f32 v16, v13  }
0x67c: {  	v12 =	vadd.f32 v20, v12;
	v16 =	vld [tilespmem:s5+$0x4870]  }
0x67d: {  	[tilespmem:s24+$0x12000] =	vst v13;
	v13 =	vld [tilespmem:s24+$0x4810]  }
0x67e: {  	[tilespmem:s14+$0x12400] =	vst v12;
	v12 =	vadd.f32 v21, v18;
	v18 =	vld [tilespmem:s25+$0x10]  }
0x67f: {  	v20 =	vld [tilespmem:s17+$0x410]  }
0x680: {  	v17 =	vadd.f32 v22, v17;
	[tilespmem:s5+$0x12030] =	vst v12;
	v12 =	vld [tilespmem:s9+$0x4800]  }
0x681: {  	v21 =	vld [tilespmem:s3+$0x40]  }
0x682: {  	[tilespmem:s16+$0x12410] =	vst v17;
	v17 =	vld [tilespmem:s16+$0x4C20]  }
0x683: {  	v22 =	vld [tilespmem:s11+$0x420];
	v13 =	vadd.f32 v18, v13  }
0x684: {  	v11 =	vadd.f32 v20, v11;
	v18 =	vld [tilespmem:s10+$0x0]  }
0x685: {  	[tilespmem:s24+$0x12010] =	vst v13;
	v13 =	vld [tilespmem:s24+$0x4820]  }
0x686: {  	[tilespmem:s14+$0x12410] =	vst v11;
	v11 =	vadd.f32 v21, v15;
	v15 =	vld [tilespmem:s25+$0x20]  }
0x687: {  	v20 =	vld [tilespmem:s17+$0x420]  }
0x688: {  	v17 =	vadd.f32 v22, v17;
	[tilespmem:s5+$0x12040] =	vst v11;
	v11 =	vld [tilespmem:s9+$0x4810]  }
0x689: {  	v21 =	vld [tilespmem:s3+$0x50];
	v12 =	vadd.f32 v18, v12  }
0x68a: {  	[tilespmem:s16+$0x12420] =	vst v17;
	v17 =	vld [tilespmem:s16+$0x4C30]  }
0x68b: {  	v18 =	vld [tilespmem:s11+$0x430];
	v13 =	vadd.f32 v15, v13;
	[tilespmem:s9+$0x12000] =	vst v12  }
0x68c: {  	v10 =	vadd.f32 v20, v10;
	v12 =	vld [tilespmem:s10+$0x10]  }
0x68d: {  	[tilespmem:s24+$0x12020] =	vst v13;
	v13 =	vld [tilespmem:s24+$0x4830]  }
0x68e: {  	[tilespmem:s14+$0x12420] =	vst v10;
	v10 =	vadd.f32 v21, v19;
	v15 =	vld [tilespmem:s25+$0x30]  }
0x68f: {  	v19 =	vld [tilespmem:s17+$0x430]  }
0x690: {  	v17 =	vadd.f32 v18, v17;
	[tilespmem:s5+$0x12050] =	vst v10;
	v10 =	vld [tilespmem:s9+$0x4820]  }
0x691: {  	v18 =	vld [tilespmem:s3+$0x60];
	v11 =	vadd.f32 v12, v11  }
0x692: {  	[tilespmem:s16+$0x12430] =	vst v17;
	v12 =	vld [tilespmem:s16+$0x4C40]  }
0x693: {  	v17 =	vld [tilespmem:s11+$0x440];
	v13 =	vadd.f32 v15, v13;
	[tilespmem:s9+$0x12010] =	vst v11  }
0x694: {  	v9 =	vadd.f32 v19, v9;
	v11 =	vld [tilespmem:s10+$0x20]  }
0x695: {  	[tilespmem:s24+$0x12030] =	vst v13;
	v13 =	vld [tilespmem:s24+$0x4840]  }
0x696: {  	[tilespmem:s14+$0x12430] =	vst v9;
	v9 =	vadd.f32 v18, v14;
	v14 =	vld [tilespmem:s25+$0x40]  }
0x697: {  	v15 =	vld [tilespmem:s17+$0x440]  }
0x698: {  	v12 =	vadd.f32 v17, v12;
	[tilespmem:s5+$0x12060] =	vst v9;
	v9 =	vld [tilespmem:s9+$0x4830]  }
0x699: {  	v17 =	vld [tilespmem:s3+$0x70];
	v10 =	vadd.f32 v11, v10  }
0x69a: {  	[tilespmem:s16+$0x12440] =	vst v12;
	v11 =	vld [tilespmem:s16+$0x4C50]  }
0x69b: {  	v12 =	vld [tilespmem:s11+$0x450];
	v13 =	vadd.f32 v14, v13;
	[tilespmem:s9+$0x12020] =	vst v10  }
0x69c: {  	v8 =	vadd.f32 v15, v8;
	v10 =	vld [tilespmem:s10+$0x30]  }
0x69d: {  	[tilespmem:s24+$0x12040] =	vst v13;
	v13 =	vld [tilespmem:s24+$0x4850]  }
0x69e: {  	[tilespmem:s14+$0x12440] =	vst v8;
	v8 =	vadd.f32 v17, v16;
	v14 =	vld [tilespmem:s25+$0x50]  }
0x69f: {  	v15 =	vld [tilespmem:s17+$0x450]  }
0x6a0: {  	v11 =	vadd.f32 v12, v11;
	[tilespmem:s5+$0x12070] =	vst v8;
	v8 =	vld [tilespmem:s9+$0x4840]  }
0x6a1: {  	v12 =	vld [tilespmem:s18+$0x4800];
	v9 =	vadd.f32 v10, v9  }
0x6a2: {  	[tilespmem:s16+$0x12450] =	vst v11;
	v10 =	vld [tilespmem:s16+$0x4C60]  }
0x6a3: {  	v11 =	vld [tilespmem:s11+$0x460];
	v13 =	vadd.f32 v14, v13;
	[tilespmem:s9+$0x12030] =	vst v9  }
0x6a4: {  	v7 =	vadd.f32 v15, v7;
	v9 =	vld [tilespmem:s22+$0x0]  }
0x6a5: {  	[tilespmem:s24+$0x12050] =	vst v13;
	v13 =	vld [tilespmem:s24+$0x4860]  }
0x6a6: {  	[tilespmem:s14+$0x12450] =	vst v7;
	v7 =	vld [tilespmem:s25+$0x60]  }
0x6a7: {  	v14 =	vld [tilespmem:s17+$0x460]  }
0x6a8: {  	v10 =	vadd.f32 v11, v10;
	v11 =	vld [tilespmem:s18+$0x4810]  }
0x6a9: {  	v9 =	vadd.f32 v9, v12;
	v12 =	vld [tilespmem:s18+$0x4820]  }
0x6aa: {  	[tilespmem:s16+$0x12460] =	vst v10;
	v10 =	vld [tilespmem:s16+$0x4C70]  }
0x6ab: {  	v15 =	vld [tilespmem:s11+$0x470];
	[tilespmem:s18+$0x12000] =	vst v9;
	v7 =	vadd.f32 v7, v13  }
0x6ac: {  	v6 =	vadd.f32 v14, v6;
	v9 =	vld [tilespmem:s22+$0x10]  }
0x6ad: {  	[tilespmem:s24+$0x12060] =	vst v7;
	v13 =	vld [tilespmem:s24+$0x4870]  }
0x6ae: {  	[tilespmem:s14+$0x12460] =	vst v6;
	v14 =	vld [tilespmem:s25+$0x70]  }
0x6af: {  	v16 =	vld [tilespmem:s17+$0x470]  }
0x6b0: {  	v6 =	vadd.f32 v15, v10;
	v10 =	vld [tilespmem:s18+$0x4830]  }
0x6b1: {  	s1 =	sadd.s32 $0x800, s23;
	v9 =	vadd.f32 v9, v11;
	v7 =	vld [tilespmem:s18+$0x4840]  }
0x6b2: {  	s31 =	sor.u32 s12, s1;
	s6 =	sadd.s32 $0x800, s13;
	s3 =	sor.u32 s15, s1;
	[tilespmem:s16+$0x12470] =	vst v6;
	v6 =	vld [tilespmem:s18+$0x4850]  }
0x6b3: {  	s5 =	sor.u32 s12, s6;
	s11 =	sor.u32 s15, s6;
	v11 =	vld [tilespmem:s3+$0x4800];
	[tilespmem:s18+$0x12010] =	vst v9;
	v9 =	vadd.f32 v14, v13  }
0x6b4: {  	s1 =	sadd.s32 $0x1400, s21;
	s21 =	smov.u32 s23;
	v5 =	vadd.f32 v16, v5;
	v13 =	vld [tilespmem:s11+$0x0]  }
0x6b5: {  	s6 =	sadd.s32 $0x1400, s20;
	s25 =	sor.u32 s30, s1;
	v14 =	vld [tilespmem:s22+$0x20];
	[tilespmem:s24+$0x12070] =	vst v9;
	s24 =	sor.u32 s19, s1  }
0x6b6: {  	s20 =	smov.u32 s13;
	s23 =	sor.u32 s19, s6;
	[tilespmem:s14+$0x12470] =	vst v5;
	s14 =	sor.u32 s30, s6;
	v5 =	vld [tilespmem:s24+$0x4800]  }
0x6b7: {  	s19 =	smov.u32 s15;
	s30 =	smov.u32 s12;
	v9 =	vld [tilespmem:s23+$0x0]  }
0x6b8: {  	v15 =	vld [tilespmem:s31+$0x4800]  }
0x6b9: {  	v16 =	vld [tilespmem:s5+$0x0];
	v11 =	vadd.f32 v13, v11  }
0x6ba: {  	v13 =	vld [tilespmem:s31+$0x4810];
	v12 =	vadd.f32 v14, v12  }
0x6bb: {  	[tilespmem:s3+$0x12000] =	vst v11;
	v11 =	vld [tilespmem:s3+$0x4810]  }
0x6bc: {  	v14 =	vld [tilespmem:s11+$0x10];
	[tilespmem:s18+$0x12020] =	vst v12;
	v5 =	vadd.f32 v9, v5  }
0x6bd: {  	v12 =	vld [tilespmem:s31+$0x4820]  }
0x6be: {  	v9 =	vadd.f32 v16, v15;
	[tilespmem:s24+$0x12000] =	vst v5;
	v5 =	vld [tilespmem:s24+$0x4810]  }
0x6bf: {  	v15 =	vld [tilespmem:s23+$0x10]  }
0x6c0: {  	[tilespmem:s31+$0x12000] =	vst v9;
	v16 =	vld [tilespmem:s31+$0x4830]  }
0x6c1: {  	v9 =	vld [tilespmem:s5+$0x10];
	v11 =	vadd.f32 v14, v11  }
0x6c2: {  	v14 =	vld [tilespmem:s31+$0x4840]  }
0x6c3: {  	[tilespmem:s3+$0x12010] =	vst v11;
	v17 =	vld [tilespmem:s3+$0x4820]  }
0x6c4: {  	v18 =	vld [tilespmem:s11+$0x20];
	v5 =	vadd.f32 v15, v5  }
0x6c5: {  	v15 =	vld [tilespmem:s31+$0x4850]  }
0x6c6: {  	v9 =	vadd.f32 v9, v13;
	[tilespmem:s24+$0x12010] =	vst v5;
	v5 =	vld [tilespmem:s24+$0x4820]  }
0x6c7: {  	v13 =	vld [tilespmem:s23+$0x20]  }
0x6c8: {  	[tilespmem:s31+$0x12010] =	vst v9;
	v11 =	vld [tilespmem:s31+$0x4860]  }
0x6c9: {  	v19 =	vld [tilespmem:s5+$0x20];
	v17 =	vadd.f32 v18, v17  }
0x6ca: {  	v9 =	vld [tilespmem:s31+$0x4870]  }
0x6cb: {  	[tilespmem:s3+$0x12020] =	vst v17;
	v17 =	vld [tilespmem:s3+$0x4830]  }
0x6cc: {  	v18 =	vld [tilespmem:s11+$0x30];
	v5 =	vadd.f32 v13, v5  }
0x6cd: {  	v13 =	vld [tilespmem:s22+$0x30]  }
0x6ce: {  	v12 =	vadd.f32 v19, v12;
	[tilespmem:s24+$0x12020] =	vst v5;
	v19 =	vld [tilespmem:s24+$0x4830]  }
0x6cf: {  	v20 =	vld [tilespmem:s23+$0x30]  }
0x6d0: {  	[tilespmem:s31+$0x12020] =	vst v12;
	v12 =	vld [tilespmem:s18+$0x4860]  }
0x6d1: {  	v21 =	vld [tilespmem:s5+$0x30];
	v17 =	vadd.f32 v18, v17  }
0x6d2: {  	v10 =	vadd.f32 v13, v10;
	v5 =	vld [tilespmem:s18+$0x4870]  }
0x6d3: {  	[tilespmem:s3+$0x12030] =	vst v17;
	v13 =	vld [tilespmem:s3+$0x4840]  }
0x6d4: {  	v17 =	vld [tilespmem:s11+$0x40];
	[tilespmem:s18+$0x12030] =	vst v10;
	v10 =	vadd.f32 v20, v19  }
0x6d5: {  	v18 =	vld [tilespmem:s22+$0x40]  }
0x6d6: {  	v16 =	vadd.f32 v21, v16;
	[tilespmem:s24+$0x12030] =	vst v10;
	v10 =	vld [tilespmem:s24+$0x4840]  }
0x6d7: {  	v19 =	vld [tilespmem:s23+$0x40]  }
0x6d8: {  	[tilespmem:s31+$0x12030] =	vst v16;
	v16 =	vld [tilespmem:s10+$0x40]  }
0x6d9: {  	v20 =	vld [tilespmem:s5+$0x40];
	v13 =	vadd.f32 v17, v13  }
0x6da: {  	v7 =	vadd.f32 v18, v7;
	v17 =	vld [tilespmem:s9+$0x4850]  }
0x6db: {  	[tilespmem:s3+$0x12040] =	vst v13;
	v13 =	vld [tilespmem:s3+$0x4850]  }
0x6dc: {  	v18 =	vld [tilespmem:s11+$0x50];
	[tilespmem:s18+$0x12040] =	vst v7;
	v7 =	vadd.f32 v19, v10  }
0x6dd: {  	v10 =	vld [tilespmem:s22+$0x50];
	v8 =	vadd.f32 v16, v8  }
0x6de: {  	v14 =	vadd.f32 v20, v14;
	[tilespmem:s24+$0x12040] =	vst v7;
	v16 =	vld [tilespmem:s24+$0x4850]  }
0x6df: {  	v19 =	vld [tilespmem:s23+$0x50];
	[tilespmem:s9+$0x12040] =	vst v8  }
0x6e0: {  	[tilespmem:s31+$0x12040] =	vst v14;
	v8 =	vld [tilespmem:s10+$0x50]  }
0x6e1: {  	v14 =	vld [tilespmem:s5+$0x50];
	v13 =	vadd.f32 v18, v13  }
0x6e2: {  	v6 =	vadd.f32 v10, v6;
	v7 =	vld [tilespmem:s9+$0x4860]  }
0x6e3: {  	[tilespmem:s3+$0x12050] =	vst v13;
	v10 =	vld [tilespmem:s3+$0x4860]  }
0x6e4: {  	v13 =	vld [tilespmem:s11+$0x60];
	[tilespmem:s18+$0x12050] =	vst v6;
	v6 =	vadd.f32 v19, v16  }
0x6e5: {  	v16 =	vld [tilespmem:s22+$0x60];
	v8 =	vadd.f32 v8, v17  }
0x6e6: {  	v14 =	vadd.f32 v14, v15;
	[tilespmem:s24+$0x12050] =	vst v6;
	v15 =	vld [tilespmem:s24+$0x4860]  }
0x6e7: {  	v17 =	vld [tilespmem:s23+$0x60];
	[tilespmem:s9+$0x12050] =	vst v8  }
.Ltmp6:
0x6e8: {  	[tilespmem:s31+$0x12050] =	vst v14;
	v8 =	vld [tilespmem:s10+$0x60];
	(pc) =	sbr.rel @p2 .LBB2_10-.Ltmp6, $4  }
0x6e9: {  	v14 =	vld [tilespmem:s5+$0x60];
	v10 =	vadd.f32 v13, v10  }
0x6ea: {  	v16 =	vadd.f32 v16, v12;
	v6 =	vld [tilespmem:s9+$0x4870]  }
0x6eb: {  	[tilespmem:s3+$0x12060] =	vst v10;
	v13 =	vld [tilespmem:s3+$0x4870]  }
0x6ec: {  	v12 =	vld [tilespmem:s11+$0x70];
	[tilespmem:s18+$0x12060] =	vst v16;
	v10 =	vadd.f32 v17, v15  }
0x6ed: {  	_ = 	snop  }
0x6ee: {  	v11 =	vadd.f32 v14, v11;
	_ =	sdelay $0x1  }
0x6ef: {  	[tilespmem:s31+$0x12060] =	vst v11  }
0x6f0: {  	v11 =	vld [tilespmem:s5+$0x70];
	_ =	sdelay $0x2  }
0x6f1: {  	v12 =	vadd.f32 v12, v13  }
0x6f2: {  	s1 =	sadd.s32 $0xC00, s21  }
0x6f3: {  	s16 =	sadd.s32 $0xC00, s20;
	s2 =	sor.u32 s19, s1;
	[tilespmem:s3+$0x12070] =	vst v12;
	v9 =	vadd.f32 v11, v9  }
0x6f4: {  	s6 =	sor.u32 s19, s16;
	v12 =	vld [tilespmem:s2+$0x4800]  }
0x6f5: {  	s17 =	sor.u32 s30, s1;
	v34 =	vld [tilespmem:s6+$0x0];
	[tilespmem:s31+$0x12070] =	vst v9  }
0x6f6: {  	s11 =	sor.u32 s30, s16;
	v9 =	vld [tilespmem:s17+$0x4800]  }
0x6f7: {  	v35 =	vld [tilespmem:s11+$0x0];
	_ =	sdelay $0x2  }
0x6f8: {  	v11 =	vadd.f32 v34, v12;
	_ =	sdelay $0x1  }
0x6f9: {  	v36 =	vld [tilespmem:s2+$0x4810];
	[tilespmem:s2+$0x12000] =	vst v11;
	v9 =	vadd.f32 v35, v9  }
0x6fa: {  	v37 =	vld [tilespmem:s6+$0x10]  }
0x6fb: {  	v38 =	vld [tilespmem:s17+$0x4810];
	[tilespmem:s17+$0x12000] =	vst v9  }
0x6fc: {  	v9 =	vld [tilespmem:s11+$0x10];
	_ =	sdelay $0x2  }
0x6fd: {  	v11 =	vadd.f32 v37, v36;
	_ =	sdelay $0x1  }
0x6fe: {  	v39 =	vld [tilespmem:s2+$0x4820];
	[tilespmem:s2+$0x12010] =	vst v11;
	v9 =	vadd.f32 v9, v38  }
0x6ff: {  	v40 =	vld [tilespmem:s6+$0x20]  }
0x700: {  	v41 =	vld [tilespmem:s17+$0x4820];
	[tilespmem:s17+$0x12010] =	vst v9  }
0x701: {  	v9 =	vld [tilespmem:s11+$0x20];
	_ =	sdelay $0x2  }
0x702: {  	v11 =	vadd.f32 v40, v39;
	_ =	sdelay $0x1  }
0x703: {  	v42 =	vld [tilespmem:s2+$0x4830];
	[tilespmem:s2+$0x12020] =	vst v11;
	v9 =	vadd.f32 v9, v41  }
0x704: {  	v43 =	vld [tilespmem:s6+$0x30]  }
0x705: {  	v44 =	vld [tilespmem:s17+$0x4830];
	[tilespmem:s17+$0x12020] =	vst v9  }
0x706: {  	v9 =	vld [tilespmem:s11+$0x30];
	_ =	sdelay $0x2  }
0x707: {  	v11 =	vadd.f32 v43, v42;
	_ =	sdelay $0x1  }
0x708: {  	v45 =	vld [tilespmem:s2+$0x4840];
	[tilespmem:s2+$0x12030] =	vst v11;
	v9 =	vadd.f32 v9, v44  }
0x709: {  	v46 =	vld [tilespmem:s6+$0x40]  }
0x70a: {  	v47 =	vld [tilespmem:s17+$0x4840];
	[tilespmem:s17+$0x12030] =	vst v9  }
0x70b: {  	v9 =	vld [tilespmem:s11+$0x40];
	_ =	sdelay $0x2  }
0x70c: {  	v11 =	vadd.f32 v46, v45;
	_ =	sdelay $0x1  }
0x70d: {  	v48 =	vld [tilespmem:s2+$0x4850];
	[tilespmem:s2+$0x12040] =	vst v11;
	v9 =	vadd.f32 v9, v47  }
0x70e: {  	v49 =	vld [tilespmem:s6+$0x50]  }
0x70f: {  	v50 =	vld [tilespmem:s17+$0x4850];
	[tilespmem:s17+$0x12040] =	vst v9  }
0x710: {  	v9 =	vld [tilespmem:s11+$0x50];
	_ =	sdelay $0x2  }
0x711: {  	v11 =	vadd.f32 v49, v48;
	_ =	sdelay $0x1  }
0x712: {  	v51 =	vld [tilespmem:s2+$0x4860];
	[tilespmem:s2+$0x12050] =	vst v11;
	v9 =	vadd.f32 v9, v50  }
0x713: {  	v52 =	vld [tilespmem:s6+$0x60]  }
0x714: {  	v53 =	vld [tilespmem:s17+$0x4860];
	[tilespmem:s17+$0x12050] =	vst v9  }
0x715: {  	v9 =	vld [tilespmem:s11+$0x60];
	_ =	sdelay $0x2  }
0x716: {  	v11 =	vadd.f32 v52, v51;
	_ =	sdelay $0x1  }
0x717: {  	v54 =	vld [tilespmem:s2+$0x4870];
	[tilespmem:s2+$0x12060] =	vst v11;
	v9 =	vadd.f32 v9, v53  }
0x718: {  	v55 =	vld [tilespmem:s6+$0x70]  }
0x719: {  	v56 =	vld [tilespmem:s17+$0x4870];
	[tilespmem:s17+$0x12060] =	vst v9  }
0x71a: {  	v9 =	vld [tilespmem:s11+$0x70];
	_ =	sdelay $0x2  }
0x71b: {  	v11 =	vadd.f32 v55, v54  }
0x71c: {  	s12 =	sadd.s32 $0x1000, s21  }
0x71d: {  	s13 =	sadd.s32 $0x1000, s20;
	s15 =	sor.u32 s19, s12;
	[tilespmem:s2+$0x12070] =	vst v11;
	v9 =	vadd.f32 v9, v56  }
0x71e: {  	s8 =	sor.u32 s19, s13;
	v11 =	vld [tilespmem:s15+$0x4800]  }
0x71f: {  	s16 =	sor.u32 s30, s12;
	v57 =	vld [tilespmem:s8+$0x0];
	[tilespmem:s17+$0x12070] =	vst v9  }
0x720: {  	s17 =	sor.u32 s30, s13;
	v9 =	vld [tilespmem:s16+$0x4800]  }
0x721: {  	v58 =	vld [tilespmem:s17+$0x0];
	_ =	sdelay $0x2  }
0x722: {  	v11 =	vadd.f32 v57, v11;
	_ =	sdelay $0x1  }
0x723: {  	v59 =	vld [tilespmem:s15+$0x4810];
	[tilespmem:s15+$0x12000] =	vst v11;
	v9 =	vadd.f32 v58, v9  }
0x724: {  	v60 =	vld [tilespmem:s8+$0x10]  }
0x725: {  	v61 =	vld [tilespmem:s16+$0x4810];
	[tilespmem:s16+$0x12000] =	vst v9  }
0x726: {  	v9 =	vld [tilespmem:s17+$0x10];
	_ =	sdelay $0x2  }
0x727: {  	v11 =	vadd.f32 v60, v59;
	_ =	sdelay $0x1  }
0x728: {  	v62 =	vld [tilespmem:s15+$0x4820];
	[tilespmem:s15+$0x12010] =	vst v11;
	v9 =	vadd.f32 v9, v61  }
0x729: {  	v63 =	vld [tilespmem:s8+$0x20]  }
0x72a: {  	v16 =	vld [tilespmem:s16+$0x4820];
	[tilespmem:s16+$0x12010] =	vst v9  }
0x72b: {  	v9 =	vld [tilespmem:s17+$0x20];
	_ =	sdelay $0x2  }
0x72c: {  	v11 =	vadd.f32 v63, v62;
	_ =	sdelay $0x1  }
0x72d: {  	v17 =	vld [tilespmem:s15+$0x4830];
	[tilespmem:s15+$0x12020] =	vst v11;
	v9 =	vadd.f32 v9, v16  }
0x72e: {  	v18 =	vld [tilespmem:s8+$0x30]  }
0x72f: {  	v19 =	vld [tilespmem:s16+$0x4830];
	[tilespmem:s16+$0x12020] =	vst v9  }
0x730: {  	v9 =	vld [tilespmem:s17+$0x30];
	_ =	sdelay $0x2  }
0x731: {  	v11 =	vadd.f32 v18, v17;
	_ =	sdelay $0x1  }
0x732: {  	v20 =	vld [tilespmem:s15+$0x4840];
	[tilespmem:s15+$0x12030] =	vst v11;
	v9 =	vadd.f32 v9, v19  }
0x733: {  	v21 =	vld [tilespmem:s8+$0x40]  }
0x734: {  	v22 =	vld [tilespmem:s16+$0x4840];
	[tilespmem:s16+$0x12030] =	vst v9  }
0x735: {  	v9 =	vld [tilespmem:s17+$0x40];
	_ =	sdelay $0x2  }
0x736: {  	v11 =	vadd.f32 v21, v20;
	_ =	sdelay $0x1  }
0x737: {  	v23 =	vld [tilespmem:s15+$0x4850];
	[tilespmem:s15+$0x12040] =	vst v11;
	v9 =	vadd.f32 v9, v22  }
0x738: {  	v24 =	vld [tilespmem:s8+$0x50]  }
0x739: {  	v25 =	vld [tilespmem:s16+$0x4850];
	[tilespmem:s16+$0x12040] =	vst v9  }
0x73a: {  	v9 =	vld [tilespmem:s17+$0x50];
	_ =	sdelay $0x2  }
0x73b: {  	v11 =	vadd.f32 v24, v23;
	_ =	sdelay $0x1  }
0x73c: {  	v26 =	vld [tilespmem:s15+$0x4860];
	[tilespmem:s15+$0x12050] =	vst v11;
	v9 =	vadd.f32 v9, v25  }
0x73d: {  	v27 =	vld [tilespmem:s8+$0x60]  }
0x73e: {  	v28 =	vld [tilespmem:s16+$0x4860];
	[tilespmem:s16+$0x12050] =	vst v9  }
0x73f: {  	v9 =	vld [tilespmem:s17+$0x60];
	_ =	sdelay $0x2  }
0x740: {  	v11 =	vadd.f32 v27, v26  }
0x741: {  	v29 =	vld [tilespmem:s22+$0x70]  }
0x742: {  	v30 =	vld [tilespmem:s15+$0x4870];
	[tilespmem:s15+$0x12060] =	vst v11;
	v9 =	vadd.f32 v9, v28  }
0x743: {  	v31 =	vld [tilespmem:s8+$0x70]  }
0x744: {  	v32 =	vld [tilespmem:s16+$0x4870];
	[tilespmem:s16+$0x12060] =	vst v9  }
0x745: {  	v9 =	vld [tilespmem:s17+$0x70]  }
0x746: {  	v5 =	vadd.f32 v29, v5;
	_ =	sdelay $0x1  }
0x747: {  	[tilespmem:s18+$0x12070] =	vst v5;
	v11 =	vadd.f32 v31, v30  }
0x748: {  	s22 =	sadd.s32 $0x1400, s21;
	v5 =	vld [tilespmem:s25+$0x4800]  }
0x749: {  	s3 =	sor.u32 s19, s22;
	s31 =	sadd.s32 $0x1400, s20;
	v34 =	vld [tilespmem:s14+$0x0];
	[tilespmem:s15+$0x12070] =	vst v11;
	v9 =	vadd.f32 v9, v32  }
0x74a: {  	s11 =	sor.u32 s19, s31;
	v11 =	vld [tilespmem:s3+$0x4800]  }
0x74b: {  	s12 =	sor.u32 s30, s22;
	v33 =	vld [tilespmem:s11+$0x0];
	[tilespmem:s16+$0x12070] =	vst v9  }
0x74c: {  	s13 =	sor.u32 s30, s31;
	v9 =	vld [tilespmem:s12+$0x4800]  }
0x74d: {  	v35 =	vld [tilespmem:s13+$0x0]  }
0x74e: {  	v5 =	vadd.f32 v34, v5;
	_ =	sdelay $0x1  }
0x74f: {  	[tilespmem:s25+$0x12000] =	vst v5;
	v36 =	vld [tilespmem:s25+$0x4810];
	v11 =	vadd.f32 v33, v11  }
0x750: {  	v38 =	vld [tilespmem:s14+$0x10]  }
0x751: {  	v37 =	vld [tilespmem:s3+$0x4810];
	[tilespmem:s3+$0x12000] =	vst v11;
	v9 =	vadd.f32 v35, v9  }
0x752: {  	v5 =	vld [tilespmem:s11+$0x10]  }
0x753: {  	v39 =	vld [tilespmem:s12+$0x4810];
	[tilespmem:s12+$0x12000] =	vst v9  }
0x754: {  	v9 =	vld [tilespmem:s13+$0x10]  }
0x755: {  	v12 =	vadd.f32 v38, v36;
	_ =	sdelay $0x1  }
0x756: {  	v40 =	vld [tilespmem:s25+$0x4820];
	[tilespmem:s25+$0x12010] =	vst v12;
	v5 =	vadd.f32 v5, v37  }
0x757: {  	v42 =	vld [tilespmem:s14+$0x20]  }
0x758: {  	[tilespmem:s3+$0x12010] =	vst v5;
	v5 =	vld [tilespmem:s3+$0x4820];
	v9 =	vadd.f32 v9, v39  }
0x759: {  	v41 =	vld [tilespmem:s11+$0x20]  }
0x75a: {  	v43 =	vld [tilespmem:s12+$0x4820];
	[tilespmem:s12+$0x12010] =	vst v9  }
0x75b: {  	v9 =	vld [tilespmem:s13+$0x20];
	_ =	sdelay $0x2  }
0x75c: {  	v44 =	vld [tilespmem:s25+$0x4830];
	v5 =	vadd.f32 v41, v5  }
0x75d: {  	v47 =	vld [tilespmem:s12+$0x4830];
	v11 =	vadd.f32 v42, v40  }
0x75e: {  	[tilespmem:s3+$0x12020] =	vst v5;
	v5 =	vld [tilespmem:s3+$0x4830];
	v9 =	vadd.f32 v9, v43  }
0x75f: {  	[tilespmem:s25+$0x12020] =	vst v11;
	v45 =	vld [tilespmem:s11+$0x30]  }
0x760: {  	v46 =	vld [tilespmem:s14+$0x30];
	[tilespmem:s12+$0x12020] =	vst v9  }
0x761: {  	v9 =	vld [tilespmem:s13+$0x30];
	_ =	sdelay $0x2  }
0x762: {  	v48 =	vld [tilespmem:s25+$0x4840];
	v5 =	vadd.f32 v45, v5  }
0x763: {  	v51 =	vld [tilespmem:s12+$0x4840];
	v12 =	vadd.f32 v46, v44  }
0x764: {  	[tilespmem:s3+$0x12030] =	vst v5;
	v5 =	vld [tilespmem:s3+$0x4840];
	v9 =	vadd.f32 v9, v47  }
0x765: {  	[tilespmem:s25+$0x12030] =	vst v12;
	v49 =	vld [tilespmem:s11+$0x40]  }
0x766: {  	v50 =	vld [tilespmem:s14+$0x40];
	[tilespmem:s12+$0x12030] =	vst v9  }
0x767: {  	v9 =	vld [tilespmem:s13+$0x40];
	_ =	sdelay $0x2  }
0x768: {  	v52 =	vld [tilespmem:s25+$0x4850];
	v5 =	vadd.f32 v49, v5  }
0x769: {  	v54 =	vld [tilespmem:s12+$0x4850];
	v11 =	vadd.f32 v50, v48  }
0x76a: {  	[tilespmem:s3+$0x12040] =	vst v5;
	v5 =	vld [tilespmem:s3+$0x4850];
	v9 =	vadd.f32 v9, v51  }
0x76b: {  	[tilespmem:s25+$0x12040] =	vst v11;
	v53 =	vld [tilespmem:s11+$0x50]  }
0x76c: {  	v7 =	vadd.f32 v8, v7;
	v11 =	vld [tilespmem:s14+$0x50];
	[tilespmem:s12+$0x12040] =	vst v9  }
0x76d: {  	v9 =	vld [tilespmem:s13+$0x50]  }
0x76e: {  	[tilespmem:s9+$0x12060] =	vst v7  }
0x76f: {  	v7 =	vld [tilespmem:s10+$0x70]  }
0x770: {  	v56 =	vld [tilespmem:s25+$0x4860];
	v5 =	vadd.f32 v53, v5  }
0x771: {  	v58 =	vld [tilespmem:s12+$0x4860];
	v11 =	vadd.f32 v11, v52  }
0x772: {  	[tilespmem:s3+$0x12050] =	vst v5;
	v5 =	vld [tilespmem:s3+$0x4860];
	v9 =	vadd.f32 v9, v54  }
0x773: {  	[tilespmem:s25+$0x12050] =	vst v11;
	v57 =	vld [tilespmem:s11+$0x60]  }
0x774: {  	v11 =	vld [tilespmem:s14+$0x60];
	[tilespmem:s12+$0x12050] =	vst v9  }
0x775: {  	v9 =	vld [tilespmem:s13+$0x60]  }
0x776: {  	[tilespmem:s24+$0x12060] =	vst v10;
	v55 =	vld [tilespmem:s24+$0x4870]  }
0x777: {  	v59 =	vld [tilespmem:s23+$0x70]  }
0x778: {  	v60 =	vld [tilespmem:s25+$0x4870];
	v5 =	vadd.f32 v57, v5  }
0x779: {  	v63 =	vld [tilespmem:s12+$0x4870];
	v11 =	vadd.f32 v11, v56  }
0x77a: {  	[tilespmem:s3+$0x12060] =	vst v5;
	v5 =	vld [tilespmem:s3+$0x4870];
	v8 =	vadd.f32 v9, v58  }
0x77b: {  	[tilespmem:s25+$0x12060] =	vst v11;
	v61 =	vld [tilespmem:s11+$0x70]  }
0x77c: {  	v62 =	vld [tilespmem:s14+$0x70];
	[tilespmem:s12+$0x12060] =	vst v8  }
0x77d: {  	v8 =	vld [tilespmem:s13+$0x70]  }
0x77e: {  	v6 =	vadd.f32 v7, v6  }
0x77f: {  	v10 =	vadd.f32 v59, v55  }
0x780: {  	[tilespmem:s9+$0x12070] =	vst v6;
	v5 =	vadd.f32 v61, v5  }
0x781: {  	[tilespmem:s24+$0x12070] =	vst v10;
	v6 =	vadd.f32 v62, v60  }
0x782: {  	[tilespmem:s3+$0x12070] =	vst v5;
	v5 =	vadd.f32 v8, v63  }
0x783: {  	[tilespmem:s25+$0x12070] =	vst v6  }
0x784: {  	[tilespmem:s12+$0x12070] =	vst v5  }
0x785: {  	v5 =	vld [tilespmem:$0x1F800];
	_ =	sdelay $0x4  }
0x786: {  	v6 =	vshrl.u32 v5, $0x3  }
0x787: {  	v6 =	vmul.u32 $0x30, v6  }
0x788: {  	v5 =	vand.u32 $0x7, v5  }
0x789: {  	v5 =	vor.u32 v5, v6  }
0x78a: {  	v6 =	vperm.xlane v5, v2;
	_ =	sdelay $0x1  }
0x78b: {  	v6 =	vadd.s32 v3, v6;
	_ =	sdelay $0x1  }
0x78c: {  	s15 =	smul.u32 $0xD800, s0  }
0x78d: {  	s17 =	rddreg [dreg:$0x2]  }
0x78e: {  	s18 =	sadd.s32 $0x5, s29;
	s1 =	sadd.s32 s17, s15;
	s16 =	sadd.s32 $0x12000, s28;
	v5 =	vperm.xlane v5, v4  }
0x78f: {  	[hbm4b:s1+s4] =	stream.indirect_vreg.scatter [tilespmem:s16], [sflag:s18], $0x80, v6, vm0, $0xb8;
	[tilespmem:$0x1F880] =	vst v63  }
0x790: {  	s19 =	sadd.s32 $0x12800, s28;
	s20 =	sadd.s32 $0x100, s1;
	v5 =	vadd.s32 v3, v5  }
0x791: {  	[hbm4b:s20+s4] =	stream.indirect_vreg.scatter [tilespmem:s19], [sflag:s18], $0x80, v6, vm0, $0xb8;
	[tilespmem:$0x1F880] =	vst v63  }
0x792: {  	s21 =	sadd.s32 $0x13000, s28;
	s22 =	sadd.s32 $0x200, s1  }
0x793: {  	[hbm4b:s22+s4] =	stream.indirect_vreg.scatter [tilespmem:s21], [sflag:s18], $0x80, v6, vm0, $0xb8;
	[tilespmem:$0x1F880] =	vst v63  }
0x794: {  	s23 =	sadd.s32 $0x13800, s28  }
0x795: {  	[hbm4b:s1+s4] =	stream.indirect_vreg.scatter [tilespmem:s23], [sflag:s18], $0x80, v5, vm0, $0xb8;
	[tilespmem:$0x1F880] =	vst v63  }
0x796: {  	s24 =	sadd.s32 $0x14000, s28  }
0x797: {  	[hbm4b:s20+s4] =	stream.indirect_vreg.scatter [tilespmem:s24], [sflag:s18], $0x80, v5, vm0, $0xb8;
	[tilespmem:$0x1F880] =	vst v63  }
0x798: {  	s25 =	sadd.s32 $0x14800, s28  }
0x799: {  	[hbm4b:s22+s4] =	stream.indirect_vreg.scatter [tilespmem:s25], [sflag:s18], $0x80, v5, vm0, $0xb8;
	[tilespmem:$0x1F880] =	vst v63  }
0x79a: {  	v5 =	vld.msk [tilespmem:$0x1F810], $0xff;
	_ =	sdelay $0x4  }
0x79b: {  	v6 =	vshrl.u32 v5, $0x3  }
0x79c: {  	v6 =	vmul.u32 $0x30, v6  }
0x79d: {  	v5 =	vand.u32 $0x7, v5  }
0x79e: {  	v5 =	vor.u32 v5, v6  }
0x79f: {  	v5 =	vperm.xlane v5, v2;
	_ =	sdelay $0x1  }
0x7a0: {  	v5 =	vadd.s32 v3, v5;
	_ =	sdelay $0x3  }
0x7a1: {  	s29 =	sadd.s32 $0x15000, s28  }
0x7a2: {  	[hbm4b:s1+s4] =	stream.indirect_vreg.scatter [tilespmem:s29], [sflag:s18], $0x80, v5, vm0, $0xb8;
	[tilespmem:$0x1F880] =	vst v63  }
0x7a3: {  	s30 =	sadd.s32 $0x15800, s28  }
0x7a4: {  	[hbm4b:s20+s4] =	stream.indirect_vreg.scatter [tilespmem:s30], [sflag:s18], $0x80, v5, vm0, $0xb8;
	[tilespmem:$0x1F880] =	vst v63  }
0x7a5: {  	p2 =	sgt.u32 s0, $0xC;
	s31 =	sadd.s32 $0x16000, s28  }
0x7a6: {  	[hbm4b:s22+s4] =	stream.indirect_vreg.scatter [tilespmem:s31], [sflag:s18], $0x80, v5, vm0, $0xb8;
	[tilespmem:$0x1F880] =	vst v63  }
0x7a7: {  	v5 =	vld @!p2 [tilespmem:$0x1F800];
	_ =	sdelay $0x4  }
0x7a8: {  	v6 =	vshrl.u32 @!p2 v5, $0x3  }
0x7a9: {  	v6 =	vmul.u32 @!p2 $0x30, v6  }
0x7aa: {  	v7 =	vlaneseq.u32 @!p2;
	v5 =	vand.u32 @!p2 $0x7, v5  }
0x7ab: {  	v8 =	vshrl.u32 @!p2 v7, $0x3;
	v5 =	vor.u32 @!p2 v5, v6;
	v6 =	vand.u32 @!p2 $0x7, v7  }
0x7ac: {  	v8 =	vmul.u32 @!p2 $0x8, v8;
	v9 =	vperm.xlane @!p2 v5, v6;
	_ =	sdelay $0x1  }
0x7ad: {  	s1 =	smul.u32 @!p2 $0x6C000, s0;
	v9 =	vadd.s32 @!p2 v8, v9;
	_ =	sdelay $0x1  }
0x7ae: {  	s2 =	rddreg [dreg:$0x5];
	s1 =	sshrl.u32 @!p2 s1, $0x3  }
0x7af: {  	s1 =	sadd.s32 @!p2 s2, s1;
	v7 =	vor.u32 @!p2 $0x8, v7  }
0x7b0: {  	vm1 =	vmmov @!p2 $0xffff;
	s2 =	simm.s32 @!p2 $0x0;
	s1 =	sadd.s32 @!p2 $0x28800, s1;
	v5 =	vperm.xlane @!p2 v5, v7  }
0x7b1: {  	[tilespmem:s7], [sflag:s26] =	stream.indirect_vreg.gather @!p2 [hbm4b:s1+s2], $0x80, v9, vm1, $0xb8;
	[tilespmem:$0x1F880] =	vst v63  }
0x7b2: {  	s5 =	sadd.s32 @!p2 $0x5000, s28;
	s3 =	sadd.s32 @!p2 $0x100, s1;
	v5 =	vadd.s32 @!p2 v8, v5  }
0x7b3: {  	[tilespmem:s5], [sflag:s26] =	stream.indirect_vreg.gather @!p2 [hbm4b:s3+s2], $0x80, v9, vm1, $0xb8;
	[tilespmem:$0x1F880] =	vst v63  }
0x7b4: {  	s6 =	sadd.s32 @!p2 $0x5800, s28;
	s5 =	sadd.s32 @!p2 $0x200, s1  }
0x7b5: {  	[tilespmem:s6], [sflag:s26] =	stream.indirect_vreg.gather @!p2 [hbm4b:s5+s2], $0x80, v9, vm1, $0xb8;
	[tilespmem:$0x1F880] =	vst v63  }
0x7b6: {  	s6 =	sadd.s32 @!p2 $0x6000, s28  }
0x7b7: {  	[tilespmem:s6], [sflag:s26] =	stream.indirect_vreg.gather @!p2 [hbm4b:s1+s2], $0x80, v5, vm1, $0xb8;
	[tilespmem:$0x1F880] =	vst v63  }
0x7b8: {  	s6 =	sadd.s32 @!p2 $0x6800, s28  }
0x7b9: {  	[tilespmem:s6], [sflag:s26] =	stream.indirect_vreg.gather @!p2 [hbm4b:s3+s2], $0x80, v5, vm1, $0xb8;
	[tilespmem:$0x1F880] =	vst v63  }
0x7ba: {  	s6 =	sadd.s32 @!p2 $0x7000, s28  }
0x7bb: {  	[tilespmem:s6], [sflag:s26] =	stream.indirect_vreg.gather @!p2 [hbm4b:s5+s2], $0x80, v5, vm1, $0xb8;
	[tilespmem:$0x1F880] =	vst v63  }
0x7bc: {  	v5 =	vld.msk @!p2 [tilespmem:$0x1F810], $0xff;
	_ =	sdelay $0x4  }
0x7bd: {  	v7 =	vshrl.u32 @!p2 v5, $0x3  }
0x7be: {  	v7 =	vmul.u32 @!p2 $0x30, v7  }
0x7bf: {  	v5 =	vand.u32 @!p2 $0x7, v5  }
0x7c0: {  	v5 =	vor.u32 @!p2 v5, v7  }
0x7c1: {  	v5 =	vperm.xlane @!p2 v5, v6;
	_ =	sdelay $0x1  }
0x7c2: {  	v5 =	vadd.s32 @!p2 v8, v5;
	_ =	sdelay $0x3  }
0x7c3: {  	s6 =	sadd.s32 @!p2 $0x7800, s28  }
0x7c4: {  	[tilespmem:s6], [sflag:s26] =	stream.indirect_vreg.gather @!p2 [hbm4b:s1+s2], $0x80, v5, vm1, $0xb8;
	[tilespmem:$0x1F880] =	vst v63  }
0x7c5: {  	s1 =	sadd.s32 @!p2 $0x8000, s28  }
0x7c6: {  	[tilespmem:s1], [sflag:s26] =	stream.indirect_vreg.gather @!p2 [hbm4b:s3+s2], $0x80, v5, vm1, $0xb8;
	[tilespmem:$0x1F880] =	vst v63  }
0x7c7: {  	s0 =	sadd.s32 $0x1, s0;
	s1 =	sadd.s32 @!p2 $0x8800, s28  }
0x7c8: {  	[tilespmem:s1], [sflag:s26] =	stream.indirect_vreg.gather @!p2 [hbm4b:s5+s2], $0x80, v5, vm1, $0xb8;
	[tilespmem:$0x1F880] =	vst v63  }
0x7c9: {  	p2 =	sne.s32 s0, $0x10  }
.Ltmp7:
0x7ca: {  	_ = 	snop;
	(pc) =	sbr.rel @p2 .LBB2_9-.Ltmp7, $1  }
0x7cb: {  	_ =	sdelay $0x3  }
0x7cc: {  	s0 =	simm.s32 $0x6  }
0x7cd: {  	_ =	swait.ge [sflag:s0], $0x4800  }
0x7ce: {  	[sflag:s0] =	ssyncset.done $0x0  }
0x7cf: {  	s30 =	simm.s32 $0x7;
	[sflag:s0] =	ssyncadd.s32 $0xFFFFB800  }
0x7d0: {  	_ =	swait.ge [sflag:s30], $0x4800  }
.Ltmp8:
0x7d1: {  	[sflag:s30] =	ssyncset.done $0x0;
	(pc) =	sbr.rel .LBB2_13-.Ltmp8, $4  }
0x7d2: {  	s31 =	simm.s32 $0x5;
	[sflag:s30] =	ssyncadd.s32 $0xFFFFB800  }
0x7d3: {  	_ =	swait.ge [sflag:s31], $0x4800  }
0x7d4: {  	[sflag:s31] =	ssyncset.done $0x0  }
0x7d5: {  	s1 =	rddreg [dreg:$0x12];
	[sflag:s31] =	ssyncadd.s32 $0xFFFFB800  }
.LBB2_14:
0x7d6: {  	_ =	sfence.sel $0x180000  }
0x7d7: {  	[bflag:$0x0] =	sbarrier.arrive $0xFFFF  }
0x7d8: {  	_ =	strace $0x90000047  }
0x7d9: {  	s0 =	stileid.u32;
	[bflag:$0x2] =	sbarrier.arrive $0xFFFF  }
0x7da: {  	p0 =	sne.s32 s0, $0x0;
	s0 =	rddreg [dreg:$0x3]  }
0x7db: {  	s0 =	sadd.s32 @!p0 $0x100000, s0  }
0x7dc: {  	[sflag:s0] =	ssyncadd.tile.s32 @!p0 $0x1;
	_ =	shalt  }
.Lfunc_end2:
_tile_overlayer_lowered:
.L_overlay_start_2:
0x7dd: {  	(tag) =	ssettag $0x2  }
0x7de: {  	s0 =	rddreg [dreg:$0x0];
	s2 =	stileid.u32  }
0x7df: {  	s1 =	rddreg [dreg:$0x1];
	p0 =	sne.s32 s2, $0x0  }
0x7e0: {  	s3 =	rddreg [dreg:$0x2];
	[bflag:$0x3] =	sbarrier.arrive $0xFFFF;
	s2 =	simm.s32 @!p0 $0x1C08  }
0x7e1: {  	[timem:s3], [sflag:s2] =	dma.local @!p0 [hbm:s0], s1  }
0x7e2: {  	s0 =	simm.s32 @!p0 $0x8  }
0x7e3: {  	_ =	swait.ge @!p0 [sflag:s0], s1  }
0x7e4: {  	s1 =	ssub.s32 @!p0 $0x0, s1;
	[sflag:s0] =	ssyncset.done @!p0 $0x0  }
0x7e5: {  	[sflag:s0] =	ssyncadd.s32 @!p0 s1  }
0x7e6: {  	[bflag:$0x3] =	sbarrier.arrive $0xFFFF  }
0x7e7: {  	_ =	shalt  }

// kernel: sparse-core-data-format-call.cloned.1.call-start
scs
called_computation_lowered:
.L_overlay_start_0:
0x0: {  	s2 =	sld [smem:$0x3FD9]  }
0x1: {  	s3 =	sld [smem:$0x3FFE];
	_ =	sdelay $0x1  }
0x2: {  	s1 =	srdreg.scid  }
0x3: {  	s0 =	sand.u32 $0x1, s1  }
0x4: {  	s18 =	sshll.u32 s0, $0xA;
	s2 =	sadd.s32 s3, s2  }
0x5: {  	s2 =	sadd.s32 s2, s18  }
0x6: {  	[smem:$0x3FC6] =	sst s2  }
0x7: {  	_ = 	snop  }
0x8: {  	s2 =	sld [smem:$0x3FD0];
	(tm) =	ssettm $0x1  }
0x9: {  	s19 =	sld [smem:$0x3FFB];
	_ =	sdelay $0x3  }
0xa: {  	_ =	strace s19  }
0xb: {  	s3 =	sld [smem:$0x3FFC];
	_ =	sdelay $0x3  }
0xc: {  	_ =	strace s3  }
0xd: {  	s3 =	sld [smem:$0x3FFD];
	_ =	sdelay $0x3  }
0xe: {  	_ =	strace s3  }
0xf: {  	_ =	strace $0x8FFFFFFF  }
0x10: {  	s20 =	sld [smem:$0x3FDB];
	_ =	sdelay $0x1  }
0x11: {  	s4 =	simm.s32 $_scs_section_size  }
0x12: {  	s5 =	simm.s32 $_size__tile_overlayer_lowered;
	s6 =	simm.s32 $_tile_overlayer_lowered  }
0x13: {  	s23 =	simm.s32 $0x1BFF;
	s22 =	sshll.u32 s6, $0x1;
	s3 =	sadd.s32 s4, s20  }
0x14: {  	s7 =	simm.s32 $0x0;
	s21 =	sshll.u32 s5, $0x1;
	s5 =	sadd.s32 s22, s3  }
0x15: {  	[timem:s7], [sflag:s23] =	dma.local [hbm:s5], s21  }
0x16: {  	_ =	swait.ge [sflag:s23], s21  }
0x17: {  	s4 =	ssub.s32 $0x0, s21;
	[sflag:s23] =	ssyncset.done $0x0  }
0x18: {  	[sflag:s23] =	ssyncadd.s32 s4;
	_ =	sdelay $0x1  }
0x19: {  	s24 =	simm.s32 $0x1B8B  }
0x1a: {  	_ =	swait.ge [sflag:s24], $0x1  }
0x1b: {  	[sflag:s24] =	ssyncset.done $0x0  }
0x1c: {  	s26 =	simm.s32 $0x1B8E;
	s25 =	sld [smem:$0x3FFE];
	[sflag:s24] =	ssyncadd.s32 $0xFFFFFFFF  }
0x1d: {  	s27 =	simm.s32 $execute0_lowered;
	[smem:$0x3FD2] =	sst s26  }
0x1e: {  	s5 =	sshll.u32 s27, $0x1;
	_ =	strace $0x80000049;
	[dreg:$0x1] =	wrdreg $0xFFFFFFFF  }
0x1f: {  	s28 =	simm.s32 $_size_execute0_lowered;
	s3 =	sadd.s32 s3, s5;
	[dreg:$0x0] =	wrdreg $0x0  }
0x20: {  	s5 =	sshll.u32 s28, $0x1;
	[dreg:$0x2] =	wrdreg s3  }
0x21: {  	[dreg:$0x3] =	wrdreg s5  }
0x22: {  	[dreg:$0x4] =	wrdreg $0xC0  }
0x23: {  	_ =	task [dreg:s7], $0x5FFFF  }
0x24: {  	[dreg:$0x1] =	wrdreg $0xFFFFFFFF  }
0x25: {  	[dreg:$0x0] =	wrdreg $0x60  }
0x26: {  	[dreg:$0x2] =	wrdreg s25  }
0x27: {  	[dreg:$0x3] =	wrdreg s2  }
0x28: {  	[dreg:$0x4] =	wrdreg $0x9  }
0x29: {  	_ =	task.clear_ibuf [dreg:s7], $0x5FFFF;
	_ =	strace $0x90000049  }
0x2a: {  	s29 =	simm.s32 $0x9;
	_ =	strace $0x8000004B  }
0x2b: {  	_ =	swait.ge [sflag:s29], $0x1  }
0x2c: {  	[sflag:s29] =	ssyncadd.s32 $0xFFFFFFFF  }
0x2d: {  	_ =	strace $0x9000004B  }
0x2e: {  	_ =	sfence  }
0x2f: {  	s30 =	sld [smem:$0x0];
	_ =	sdelay $0x2  }
0x30: {  	s31 =	sshll.u32 s1, $0xD;
	s1 =	sshrl.u32 s1, $0x2  }
0x31: {  	s3 =	sand.u32 $0x4000, s31;
	s1 =	sadd.s32 s1, s30  }
0x32: {  	s0 =	sor.u32 s3, s0;
	s1 =	sshll.u32 s1, $0x11  }
0x33: {  	s0 =	sor.u32 s1, s0  }
0x34: {  	s0 =	sadd.s32 $0x8F2B, s0  }
0x35: {  	[sflag:s0] =	ssyncadd.remote.s32 $0x1  }
0x36: {  	_ =	sfence.sel $0xFFFF  }
0x37: {  	[dreg:$0x0] =	wrdreg $0xFFFFFFFF;
	(pc) =	sbr.abs _section_cstart, $3  }
0x38: {  	[dreg:$0x1] =	wrdreg $0xFFFFFFFF  }
0x39: {  	_ =	task.clear_ibuf [dreg:s7], $0x2FFFF;
	_ =	strace $0x9FFFFFFF  }
0x3a: {  	(tm) =	ssettm $0x7FFFFFFF  }
0x3b: {  	_ =	shalt  }
tec
execute0_lowered:
.L_overlay_start_1:
0x0: {  	(tag) =	ssettag $0x1  }
0x1: {  	s6 =	stileid.u32  }
0x2: {  	s1 =	rddreg [dreg:$0x0];
	_ =	strace $0x8000004A;
	s5 =	srdreg.scid  }
0x3: {  	s31 =	simm.s32 $0x2;
	s18 =	simm.s32 $0x0;
	s9 =	simm.s32 $0xC000  }
0x4: {  	s10 =	simm.s32 $0x0;
	s20 =	simm.s32 $0x0;
	s0 =	sshll.u32 s6, $0x3  }
0x5: {  	s19 =	simm.s32 $0x0;
	s11 =	simm.s32 $0x0;
	s2 =	sand.u32 $0x38, s0  }
0x6: {  	s12 =	simm.s32 $0x0;
	s13 =	simm.s32 $0x0;
	s0 =	ssub.s32 $0x40, s2  }
0x7: {  	s14 =	simm.s32 $0x0;
	s17 =	simm.s32 $0x0;
	s3 =	sand.u32 $0x38, s0  }
0x8: {  	s4 =	sadd.s32 $0x360A00, s1;
	p0 =	sne.s32 s3, $0x0;
	s3 =	simm.s32 $0x1  }
.Ltmp0:
0x9: {  	s0 =	sshrl.u32 s0, $0x6;
	s3 =	simm.s32 @!p0 $0x0;
	(pc) =	sbr.rel .LBB1_1-.Ltmp0, $4  }
0xa: {  	s30 =	sshll.u32 s5, $0x4;
	s5 =	simm.s32 $0x1;
	s0 =	sadd.s32 s3, s0  }
0xb: {  	s1 =	sor.u32 s6, s30;
	[sflag:s5] =	ssyncpa.u1 $0x0;
	s6 =	smul.u32 $0x36, s0  }
0xc: {  	s26 =	simm.s32 $0x0;
	s7 =	sand.u32 $0x18, s1;
	[sflag:s31] =	ssyncpa.u1 $0x0  }
0xd: {  	s16 =	smov.u32 s2;
	s15 =	smov.u32 s7;
	s8 =	sor.u32 $0x1, s6  }
.LBB1_7:
0xe: {  	p0 =	slt.u32 s17, $0x2  }
0xf: {  	s0 =	smov.u32 s20;
	p1 =	sgt.s32 @!p0 s20, $0x237  }
0x10: {  	s3 =	smov.u32 s19;
	s1 =	sshra.s32 @!p0 s20, $0x1F;
	p1 =	por !p1, p0  }
0x11: {  	s1 =	sand.u32 @!p0 s1, s20;
	s0 =	simm.s32 @p1 $0x237;
	p1 =	sgt.s32 @!p0 s19, $0x38  }
0x12: {  	s20 =	sshra.s32 @!p0 s19, $0x1F;
	p1 =	por !p1, p0;
	s0 =	ssub.s32 @!p0 s0, s1  }
0x13: {  	s1 =	sand.u32 @!p0 s20, s19;
	s3 =	simm.s32 @p1 $0x38;
	s19 =	sadd.s32 @!p0 $0xFFFFFDC9, s0  }
0x14: {  	p1 =	sgt.s32 @!p0 s18, $0x200;
	s1 =	ssub.s32 @!p0 s3, s1;
	p2 =	sgt.s32 @!p0 s19, $0x7  }
0x15: {  	p1 =	por !p1, p0;
	s19 =	smov.u32 s18;
	s3 =	sadd.s32 @!p0 $0xFFFFFFC8, s1  }
0x16: {  	s19 =	simm.s32 @p1 $0x200;
	p1 =	sgt.s32 @!p0 s3, $0x7;
	s3 =	sshra.s32 @!p0 s18, $0x1F  }
0x17: {  	s0 =	ssub.s32 @!p0 $0x23F, s0;
	p2 =	por !p2, p0;
	s3 =	sand.u32 @!p0 s3, s18  }
0x18: {  	s1 =	ssub.s32 @!p0 $0x40, s1;
	p1 =	por !p1, p0;
	s3 =	ssub.s32 @!p0 s19, s3  }
0x19: {  	s0 =	simm.s32 @!p2 $0x0;
	s1 =	simm.s32 @!p1 $0x0;
	s18 =	sadd.s32 @!p0 $0xFFFFFE00, s3  }
0x1a: {  	s21 =	smov.u32 s15;
	s0 =	smul.u32 @!p0 s1, s0;
	p1 =	sgt.s32 @!p0 s18, $0xFF  }
0x1b: {  	s1 =	ssub.s32 @!p0 $0x300, s3;
	s3 =	sadd.s32 $0x100, s14;
	p1 =	por !p1, p0  }
0x1c: {  	s18 =	sadd.s32 $0x20, s15;
	s1 =	simm.s32 @!p1 $0x0;
	p1 =	sgt.s32 s3, $0x2FF  }
0x1d: {  	s22 =	smov.u32 s16;
	s21 =	smov.u32 @p1 s18  }
0x1e: {  	s0 =	smul.u32 @!p0 s1, s0;
	s1 =	sadd.s32 $0x40, s16;
	p2 =	sgt.s32 s21, $0x23E  }
0x1f: {  	s10 =	sadd.s32 $0x4000, s10;
	s20 =	smov.u32 s12;
	s22 =	smov.u32 @p2 s1  }
0x20: {  	s12 =	smov.u32 s15;
	s3 =	simm.s32 @p1 $0x0;
	p1 =	sgt.s32 s22, $0x3F  }
0x21: {  	s19 =	smov.u32 s13;
	s22 =	smov.u32 @p1 s2;
	p1 =	sne.s32 s17, s8  }
.Ltmp1:
0x22: {  	s13 =	smov.u32 s16;
	s18 =	smov.u32 s11;
	(pc) =	sbr.rel @!p1 .LBB1_8-.Ltmp1, $4  }
0x23: {  	s11 =	smov.u32 s14;
	s0 =	sand.u32 @!p0 $0x3FFFFFFF, s0;
	s1 =	simm.s32 @!p0 $0x2  }
0x24: {  	s14 =	smov.u32 s3;
	s21 =	smov.u32 @p2 s7;
	_ =	swait.ge @!p0 [sflag:s1], s0  }
0x25: {  	s0 =	ssub.s32 @!p0 $0x0, s0;
	s15 =	smov.u32 s21;
	[sflag:s1] =	ssyncset.done @!p0 $0x0  }
0x26: {  	s17 =	sadd.s32 $0x1, s17;
	[sflag:s1] =	ssyncadd.s32 @!p0 s0;
	s16 =	smov.u32 s22  }
.LBB1_1:
0x27: {  	p0 =	sge.u32 s17, s6  }
0x28: {  	s0 =	sshrl.u32 @!p0 s15, $0x3  }
0x29: {  	s1 =	sshll.u32 @!p0 s14, $0x3;
	s0 =	smul.u32 @!p0 $0x1800, s0  }
0x2a: {  	s3 =	sshll.u32 @!p0 s15, $0x7;
	s1 =	sand.u32 @!p0 $0xFFFFFC00, s1  }
0x2b: {  	s0 =	sadd.s32 @!p0 s0, s1;
	s1 =	sand.u32 @!p0 $0x380, s3  }
0x2c: {  	s0 =	sor.u32 @!p0 s1, s0  }
0x2d: {  	s1 =	sand.u32 @!p0 $0x7F, s14;
	s3 =	smulhi.u32 @!p0 $0xAAAAAAAB, s0  }
0x2e: {  	s0 =	sor.u32 @!p0 s1, s0  }
0x2f: {  	s1 =	smulhi.u32 @!p0 $0xAAAAAAAB, s0;
	s3 =	sshrl.u32 @!p0 s3, $0x9  }
0x30: {  	s21 =	smulhi.u32 @!p0 $0x71C71D, s3;
	_ =	sdelay $0x1  }
0x31: {  	s1 =	sshrl.u32 @!p0 s1, $0x9;
	s21 =	smul.u32 @!p0 $0x240, s21  }
0x32: {  	s31 =	sadd.s32 $0xFFFFFFFF, s17;
	s1 =	smul.u32 @!p0 $0x300, s1  }
0x33: {  	s22 =	sxor.u32 @!p0 $0xFFFFFFFF, s17;
	s3 =	ssub.s32 @!p0 s3, s21;
	s21 =	smul.u32 @!p0 $0xD800, s16  }
0x34: {  	s22 =	sshll.u32 @!p0 s22, $0xE;
	s0 =	ssub.s32 @!p0 s0, s1;
	s1 =	smul.u32 @!p0 $0x60, s3  }
0x35: {  	s3 =	sand.u32 @!p0 $0x4000, s22;
	s22 =	sand.u32 @!p0 $0x7, s0;
	s21 =	sadd.s32 @!p0 s4, s21  }
0x36: {  	s0 =	sshrl.u32 @!p0 s0, $0x3;
	s1 =	sadd.s32 @!p0 s1, s21;
	s21 =	sshll.u32 @!p0 s22, $0x12  }
0x37: {  	s0 =	sadd.s32 @!p0 s0, s1;
	s1 =	sor.u32 @!p0 $0x800, s21;
	s21 =	simm.s32 @!p0 $0x6C000  }
0x38: {  	[tilespmem:s3], [sflag:$0x1] =	stream.strided.gather @!p0 [hbm4b:s0+s1], $0x4000, s21, s1, $0x38;
	[tilespmem:$0x10000] =	vst v63  }
0x39: {  	p0 =	sge.u32 s31, s6  }
.Ltmp2:
0x3a: {  	_ = 	snop;
	(pc) =	sbr.rel @p0 .LBB1_7-.Ltmp2, $1  }
0x3b: {  	_ =	sdelay $0x3  }
0x3c: {  	s0 =	sshll.u32 s10, $0x2;
	_ =	swait.ge [sflag:s5], $0x4000;
	s1 =	sshll.u32 s17, $0xE  }
0x3d: {  	p0 =	por $0x0, $0x0;
	s27 =	simm.s32 $0x0;
	s28 =	simm.s32 $0x0  }
0x3e: {  	s0 =	sand.u32 $0x10000, s0;
	[sflag:s5] =	ssyncset.done $0x0;
	s24 =	sand.u32 $0x4000, s1  }
0x3f: {  	s0 =	sshrl.u32 s0, $0x2;
	[sflag:s5] =	ssyncadd.s32 $0xFFFFC000;
	s21 =	sor.u32 $0x8000, s24  }
0x40: {  	s22 =	sor.u32 $0x40, s0;
	s23 =	sor.u32 $0x8410, s0;
	s25 =	sadd.s32 $0x8400, s0  }
.LBB1_3:
0x41: {  	v1 =	vld [tilespmem:s22+$0xFFFFFFD0]  }
0x42: {  	v2 =	vld [tilespmem:s22+$0x430]  }
0x43: {  	s0 =	sshll.u32 s28, $0xB;
	v4 =	vld [tilespmem:s22+$0xFFFFFFE0]  }
0x44: {  	v7 =	vld [tilespmem:s22+$0xFFFFFFF0];
	v0 =	vmov s0  }
0x45: {  	v8 =	vld [tilespmem:s22+$0x0]  }
0x46: {  	s3 =	sand.u32 $0x300, s26;
	v9 =	vld [tilespmem:s22+$0x10]  }
0x47: {  	s1 =	sand.u32 $0x80, s26;
	v10 =	vld [tilespmem:s22+$0x20];
	s0 =	sadd.s32 s3, s24  }
0x48: {  	v11 =	vld [tilespmem:s22+$0x30];
	s0 =	sadd.s32 s1, s0;
	s1 =	simm.s32 $0x1;
	[tilespmem:s23+$0x60] =	vst v2  }
0x49: {  	s3 =	sshll.u32 s27, $0x2;
	s1 =	simm.s32 @!p0 $0x0;
	[tilespmem:s23+$0xFFFFFC00] =	vst v1;
	v3 =	vld.idx.msk [tilespmem:v0+s0+$0x400 ss:$0x1], $0xffff  }
0x4a: {  	v6 =	vld [tilespmem:s22+$0x3D0];
	s1 =	sshll.u32 s1, $0x9;
	[tilespmem:s23+$0xFFFFFC10] =	vst v4;
	s0 =	sand.u32 $0xFFFFFC00, s3  }
0x4b: {  	v5 =	vld [tilespmem:s22+$0x3E0];
	[tilespmem:s23+$0xFFFFFC20] =	vst v7;
	s0 =	sor.u32 s1, s0  }
0x4c: {  	[tilespmem:s23+$0xFFFFFC30] =	vst v8;
	v4 =	vld [tilespmem:s22+$0x400];
	s0 =	sshrl.u32 s0, $0x2  }
0x4d: {  	[tilespmem:s23+$0xFFFFFC40] =	vst v9;
	v1 =	vld [tilespmem:s22+$0x410];
	s29 =	sadd.s32 s0, s25  }
0x4e: {  	[tilespmem:s29+$0x0] =	vst v3;
	v3 =	vld [tilespmem:s22+$0x3F0]  }
0x4f: {  	s30 =	sadd.s32 $0x80, s22;
	[tilespmem:s23+$0xFFFFFC50] =	vst v10;
	v2 =	vld [tilespmem:s22+$0x420];
	s0 =	simm.s32 $0x80  }
0x50: {  	s31 =	smov.u32 s23;
	v7 =	vld [tilespmem:s22+$0xFFFFFFC0];
	[tilespmem:s23+$0xFFFFFC60] =	vst v11;
	s1 =	simm.s32 $0x100;
	s3 =	sand.u32 $0x300, s0  }
.LBB1_4:
0x51: {  	p1 =	sne.s32 s1, $0x380;
	v8 =	vld [tilespmem:s30+$0xFFFFFFD0];
	s0 =	sand.u32 $0x80, s0;
	s3 =	sadd.s32 s3, s24;
	[tilespmem:s31+$0x0] =	vst v6  }
0x52: {  	s3 =	sadd.s32 s0, s3;
	v6 =	vld [tilespmem:s30+$0x430];
	[tilespmem:s31+$0x10] =	vst v5;
	s0 =	smov.u32 s1  }
0x53: {  	v5 =	vld.idx.msk [tilespmem:v0+s3+$0x400 ss:$0x1], $0xffff;
	[tilespmem:s31+$0x20] =	vst v3  }
0x54: {  	v3 =	vld [tilespmem:s30+$0xFFFFFFE0];
	[tilespmem:s31+$0x30] =	vst v4  }
0x55: {  	v4 =	vld [tilespmem:s30+$0xFFFFFFF0];
	[tilespmem:s31+$0xFFFFFBF0] =	vst v7  }
0x56: {  	v7 =	vld [tilespmem:s30+$0x0];
	[tilespmem:s31+$0x40] =	vst v1  }
0x57: {  	v1 =	vld [tilespmem:s30+$0x10];
	[tilespmem:s31+$0x50] =	vst v2;
	s31 =	sadd.s32 $0x800, s31  }
0x58: {  	s29 =	sadd.s32 $0x800, s29;
	v2 =	vld [tilespmem:s30+$0x20];
	[tilespmem:s31+$0x60] =	vst v6  }
0x59: {  	v9 =	vld [tilespmem:s30+$0x30];
	[tilespmem:s29+$0x0] =	vst v5  }
0x5a: {  	[tilespmem:s31+$0xFFFFFC00] =	vst v8;
	v6 =	vld [tilespmem:s30+$0x3D0]  }
0x5b: {  	[tilespmem:s31+$0xFFFFFC10] =	vst v3;
	v5 =	vld [tilespmem:s30+$0x3E0]  }
.Ltmp3:
0x5c: {  	[tilespmem:s31+$0xFFFFFC20] =	vst v4;
	v3 =	vld [tilespmem:s30+$0x3F0];
	(pc) =	sbr.rel @p1 .LBB1_4-.Ltmp3, $4  }
0x5d: {  	[tilespmem:s31+$0xFFFFFC30] =	vst v7;
	v4 =	vld [tilespmem:s30+$0x400]  }
0x5e: {  	[tilespmem:s31+$0xFFFFFC40] =	vst v1;
	v1 =	vld [tilespmem:s30+$0x410]  }
0x5f: {  	[tilespmem:s31+$0xFFFFFC50] =	vst v2;
	v2 =	vld [tilespmem:s30+$0x420]  }
0x60: {  	s1 =	sadd.s32 $0x80, s1;
	s3 =	sand.u32 $0x300, s0;
	v7 =	vld [tilespmem:s30+$0xFFFFFFC0];
	[tilespmem:s31+$0xFFFFFC60] =	vst v9;
	s30 =	sadd.s32 $0x80, s30  }
0x61: {  	[tilespmem:s31+$0x0] =	vst v6  }
0x62: {  	[tilespmem:s31+$0x10] =	vst v5  }
0x63: {  	v49 =	vld [tilespmem:s30+$0x430];
	[tilespmem:s31+$0x20] =	vst v3  }
0x64: {  	v50 =	vld [tilespmem:s30+$0xFFFFFFD0];
	[tilespmem:s31+$0x30] =	vst v4  }
0x65: {  	v51 =	vld [tilespmem:s30+$0xFFFFFFE0];
	[tilespmem:s31+$0x40] =	vst v1  }
0x66: {  	v52 =	vld [tilespmem:s30+$0xFFFFFFF0];
	[tilespmem:s31+$0x50] =	vst v2  }
0x67: {  	s1 =	sadd.s32 s3, s24;
	s3 =	sadd.s32 $0x800, s31;
	v53 =	vld [tilespmem:s30+$0x0];
	[tilespmem:s31+$0xFFFFFBF0] =	vst v7  }
0x68: {  	v54 =	vld [tilespmem:s30+$0x10];
	[tilespmem:s3+$0x60] =	vst v49  }
0x69: {  	v55 =	vld [tilespmem:s30+$0x20];
	[tilespmem:s3+$0xFFFFFC00] =	vst v50  }
0x6a: {  	v56 =	vld [tilespmem:s30+$0x30];
	[tilespmem:s3+$0xFFFFFC10] =	vst v51  }
0x6b: {  	v57 =	vld [tilespmem:s30+$0x3D0];
	[tilespmem:s3+$0xFFFFFC20] =	vst v52  }
0x6c: {  	v58 =	vld [tilespmem:s30+$0x3E0];
	[tilespmem:s3+$0xFFFFFC30] =	vst v53  }
0x6d: {  	v59 =	vld [tilespmem:s30+$0x3F0];
	[tilespmem:s3+$0xFFFFFC40] =	vst v54  }
0x6e: {  	v60 =	vld [tilespmem:s30+$0x400];
	[tilespmem:s3+$0xFFFFFC50] =	vst v55  }
0x6f: {  	v61 =	vld [tilespmem:s30+$0xFFFFFFC0];
	[tilespmem:s3+$0xFFFFFC60] =	vst v56  }
0x70: {  	s0 =	sand.u32 $0x80, s0;
	v62 =	vld [tilespmem:s30+$0x410];
	[tilespmem:s3+$0x0] =	vst v57  }
0x71: {  	v63 =	vld [tilespmem:s30+$0x420];
	s28 =	sadd.s32 $0x1, s28;
	s0 =	sadd.s32 s0, s1;
	[tilespmem:s3+$0x10] =	vst v58  }
0x72: {  	p1 =	sne.s32 s28, $0x8;
	v0 =	vld.idx.msk [tilespmem:v0+s0+$0x400 ss:$0x1], $0xffff;
	[tilespmem:s3+$0x20] =	vst v59  }
.Ltmp4:
0x73: {  	[tilespmem:s3+$0x30] =	vst v60;
	(pc) =	sbr.rel @p1 .LBB1_3-.Ltmp4, $4  }
0x74: {  	[tilespmem:s3+$0xFFFFFBF0] =	vst v61  }
0x75: {  	[tilespmem:s3+$0x40] =	vst v62  }
0x76: {  	s22 =	sadd.s32 $0x800, s22;
	s31 =	sadd.s32 $0x800, s29;
	[tilespmem:s3+$0x50] =	vst v63  }
0x77: {  	s27 =	sadd.s32 $0x80, s27;
	p0 =	por !p0, !p0;
	s23 =	sadd.s32 $0x80, s23;
	[tilespmem:s31+$0x0] =	vst v0  }
0x78: {  	s0 =	sshrl.u32 s13, $0x3  }
0x79: {  	s1 =	sshll.u32 s11, $0x3;
	s3 =	sshll.u32 s13, $0x7;
	s22 =	sand.u32 $0x7F, s11  }
0x7a: {  	p0 =	sgt.s32 s12, $0x237;
	s29 =	sshra.s32 s12, $0x1F;
	s23 =	sshra.s32 s13, $0x1F  }
0x7b: {  	p1 =	sgt.s32 s11, $0x200;
	s25 =	sshra.s32 s11, $0x1F;
	s0 =	smul.u32 $0x1800, s0  }
0x7c: {  	s1 =	sand.u32 $0xFFFFFC00, s1;
	s28 =	sand.u32 $0x380, s3;
	s3 =	sand.u32 s29, s12  }
0x7d: {  	s23 =	sand.u32 s23, s13;
	s25 =	sand.u32 s25, s11;
	s0 =	sadd.s32 s0, s1  }
0x7e: {  	s29 =	rddreg [dreg:$0x1];
	s1 =	smov.u32 s12;
	s0 =	sor.u32 s28, s0  }
0x7f: {  	s1 =	simm.s32 @!p0 $0x237;
	p0 =	sgt.s32 s13, $0x38;
	s28 =	smul.u32 $0x1800, s12  }
0x80: {  	s22 =	sor.u32 s22, s0;
	s1 =	ssub.s32 s1, s3;
	s3 =	smov.u32 s13  }
0x81: {  	s0 =	smulhi.u32 $0xAAAAAAAB, s0;
	s24 =	sadd.s32 $0xFFFFFDC9, s1;
	s3 =	simm.s32 @!p0 $0x38  }
0x82: {  	s31 =	smulhi.u32 $0xAAAAAAAB, s22;
	s1 =	ssub.s32 $0x23F, s1;
	p0 =	sgt.s32 s24, $0x7  }
0x83: {  	s3 =	ssub.s32 s3, s23;
	s23 =	smov.u32 s11;
	s0 =	sshrl.u32 s0, $0x9  }
0x84: {  	s30 =	sadd.s32 $0xFFFFFFC8, s3;
	s23 =	simm.s32 @!p1 $0x200;
	s1 =	simm.s32 @p0 $0x0  }
0x85: {  	s24 =	sshrl.u32 s31, $0x9;
	s3 =	ssub.s32 $0x40, s3;
	s0 =	sand.u32 $0x3F, s0  }
0x86: {  	p1 =	sgt.s32 s30, $0x7;
	s23 =	ssub.s32 s23, s25;
	s24 =	smul.u32 $0x300, s24  }
0x87: {  	s0 =	smul.u32 $0x60, s0;
	s3 =	simm.s32 @p1 $0x0;
	s27 =	sadd.s32 $0xFFFFFE00, s23  }
0x88: {  	s1 =	smul.u32 s3, s1;
	p0 =	sgt.s32 s27, $0xFF;
	s3 =	ssub.s32 $0x300, s23  }
.Ltmp5:
0x89: {  	s22 =	ssub.s32 s22, s24;
	s3 =	simm.s32 @p0 $0x0;
	(pc) =	sbr.rel .LBB1_7-.Ltmp5, $4  }
0x8a: {  	s30 =	sand.u32 $0x7, s22;
	s1 =	smul.u32 s3, s1;
	s3 =	sadd.s32 s29, s28  }
0x8b: {  	s22 =	sshrl.u32 s22, $0x3;
	s31 =	sshll.u32 s30, $0x12;
	s0 =	sadd.s32 s0, s3  }
0x8c: {  	s3 =	sor.u32 $0x800, s31;
	s1 =	sand.u32 $0x3FFFFFFF, s1;
	s0 =	sadd.s32 s22, s0  }
0x8d: {  	[hbm4b:s0+s3] =	stream.strided.scatter [tilespmem:s21], [sflag:$0x2], s1, s9, s3, $0x38;
	[tilespmem:$0x10000] =	vst v63  }
.LBB1_8:
0x8e: {  	_ =	sfence.sel $0x180000  }
0x8f: {  	s0 =	simm.s32 $0x1;
	[bflag:$0x0] =	sbarrier.arrive $0xFFFF  }
0x90: {  	s30 =	simm.s32 $0x2;
	[sflag:s0] =	ssyncpa.u1 $0x1  }
0x91: {  	[sflag:s30] =	ssyncpa.u1 $0x1  }
0x92: {  	_ =	strace $0x9000004A  }
0x93: {  	s31 =	stileid.u32;
	[bflag:$0x2] =	sbarrier.arrive $0xFFFF  }
0x94: {  	p0 =	sne.s32 s31, $0x0;
	s0 =	rddreg [dreg:$0x2]  }
0x95: {  	s0 =	sadd.s32 @!p0 $0x100000, s0  }
0x96: {  	[sflag:s0] =	ssyncadd.tile.s32 @!p0 $0x1;
	_ =	shalt  }
.Lfunc_end1:
_tile_overlayer_lowered:
.L_overlay_start_2:
0x97: {  	(tag) =	ssettag $0x2  }
0x98: {  	s0 =	rddreg [dreg:$0x0];
	s2 =	stileid.u32  }
0x99: {  	s1 =	rddreg [dreg:$0x1];
	p0 =	sne.s32 s2, $0x0  }
0x9a: {  	s3 =	rddreg [dreg:$0x2];
	[bflag:$0x3] =	sbarrier.arrive $0xFFFF;
	s2 =	simm.s32 @!p0 $0x1C01  }
0x9b: {  	[timem:s3], [sflag:s2] =	dma.local @!p0 [hbm:s0], s1  }
0x9c: {  	s0 =	simm.s32 @!p0 $0x1  }
0x9d: {  	_ =	swait.ge @!p0 [sflag:s0], s1  }
0x9e: {  	s1 =	ssub.s32 @!p0 $0x0, s1;
	[sflag:s0] =	ssyncset.done @!p0 $0x0  }
0x9f: {  	[sflag:s0] =	ssyncadd.s32 @!p0 s1  }
0xa0: {  	[bflag:$0x3] =	sbarrier.arrive $0xFFFF  }
0xa1: {  	_ =	shalt  }

</sc_bundles>
